<compile_context>
chip_gen: v7x
topology: tpu7x:2x2x1
jax: 0.10.2.dev20260603
libtpu: 0.0.44.dev20260713+nightly
codegen_flags: <defaults>
</compile_context>

<pallas_src>
import functools

import jax
import jax.numpy as jnp
from jax import lax
from jax.experimental import pallas as pl
from jax.experimental.pallas import tpu as pltpu
from jax.experimental.pallas import tpu_sc as plsc

_A = (
    ((1.25, 1.625), (2.0, 3.75), (4.125, 2.875)),
    ((1.875, 3.8125), (3.875, 2.8125), (3.6875, 7.4375)),
    ((3.625, 2.8125), (4.875, 6.1875), (11.65625, 10.1875)),
)
_G = (80, 40, 20)
_BOX_W, _OBJ_W, _CLS_W = 0.05, 1.5, 0.15
_Q = 384


def _softplus(x):
    return jnp.maximum(x, 0.0) + jnp.log1p(jnp.exp(-jnp.abs(x)))


def _shift(x, d):
    return pltpu.roll(x, d % _Q, axis=1)


def _assign_body(cls_ref, tx_ref, ty_ref, tw_ref, th_ref,
                 i0_ref, i1_ref, i2_ref, m0_ref, m1_ref, m2_ref):
    cls = cls_ref[...]
    tx, ty = tx_ref[...], ty_ref[...]
    tw, th = tw_ref[...], th_ref[...]
    q = lax.broadcasted_iota(jnp.int32, (1, _Q), 1)
    qm = q % 20
    real = q < 320
    b = jnp.minimum(q // 20, 15)
    cls_s = [_shift(cls, d) for d in range(1, 20)]
    for i, (i_ref, m_ref) in enumerate(((i0_ref, m0_ref), (i1_ref, m1_ref),
                                        (i2_ref, m2_ref))):
        g = _G[i]
        gf = float(g)
        gx = jnp.clip(jnp.floor(tx * gf), 0.0, gf - 1.0)
        gy = jnp.clip(jnp.floor(ty * gf), 0.0, gf - 1.0)
        ious = []
        for (aw, ah) in _A[i]:
            inter = jnp.minimum(tw, aw) * jnp.minimum(th, ah)
            ious.append(inter / (tw * th + (aw * ah) - inter + 1e-6))
        i0_ge_1 = ious[0] >= ious[1]
        i0_ge_2 = ious[0] >= ious[2]
        i1_ge_2 = ious[1] >= ious[2]
        ba = jnp.where(i0_ge_1 & i0_ge_2, 0,
                       jnp.where(i1_ge_2, 1, 2)).astype(jnp.int32)
        best = jnp.maximum(jnp.maximum(ious[0], ious[1]), ious[2])
        valid = best > 0.3
        abw = jnp.where(ba == 0, _A[i][0][0],
                        jnp.where(ba == 1, _A[i][1][0], _A[i][2][0]))
        abh = jnp.where(ba == 0, _A[i][0][1],
                        jnp.where(ba == 1, _A[i][1][1], _A[i][2][1]))
        v0 = tx * gf - gx
        v1 = ty * gf - gy
        v2 = jnp.log(tw / abw + 1e-6)
        v3 = jnp.log(th / abh + 1e-6)
        gxi = gx.astype(jnp.int32)
        gyi = gy.astype(jnp.int32)
        beta = ((b * 75 + 25 * ba) * g + gyi) * g + gxi
        fstride = g * g
        validf = jnp.where(valid & real, 1.0, 0.0)
        prevhit = jnp.zeros((1, _Q), jnp.float32)
        nexthit = jnp.zeros((1, _Q), jnp.float32)
        prevcls = jnp.zeros((1, _Q), jnp.float32)
        for d in range(1, 20):
            okp = jnp.where(qm >= d, validf * _shift(validf, d), 0.0)
            eqp = jnp.where(beta == _shift(beta, d), okp, 0.0)
            prevhit = prevhit + eqp
            prevcls = prevcls + jnp.where(cls == cls_s[d - 1], eqp, 0.0)
            okn = jnp.where(qm < 20 - d, validf * _shift(validf, -d), 0.0)
            nexthit = nexthit + jnp.where(beta == _shift(beta, -d), okn, 0.0)
        fv = validf * jnp.where(prevhit == 0.0, 1.0, 0.0)
        lv = validf * jnp.where(nexthit == 0.0, 1.0, 0.0)
        fcv = validf * jnp.where(prevcls == 0.0, 1.0, 0.0)
        m_ref[...] = jnp.concatenate([v0, v1, v2, v3, fv, lv, fcv, cls],
                                     axis=0)
        f_iota = lax.broadcasted_iota(jnp.int32, (32, _Q), 0)
        f_real = jnp.minimum(f_iota, 24)
        i_ref[...] = jnp.broadcast_to(beta, (32, _Q)) + f_real * fstride


def _assign_call(cls, tx, ty, tw, th):
    return pl.pallas_call(
        _assign_body,
        out_shape=[jax.ShapeDtypeStruct((32, _Q), jnp.int32)] * 3
        + [jax.ShapeDtypeStruct((8, _Q), jnp.float32)] * 3,
    )(cls, tx, ty, tw, th)


def _sc_gather_body(p0, p1, p2, i0, i1, i2, o0, o1, o2, idx_v, val_v, sem):
    wid = lax.axis_index("s") * 2 + lax.axis_index("c")

    @pl.when(wid < 25)
    def _():
        for p, i, o in ((p0, i0, o0), (p1, i1, o1), (p2, i2, o2)):
            pltpu.sync_copy(i.at[wid], idx_v)
            handles = [
                pltpu.async_copy(p.at[idx_v.at[pl.ds(c * 128, 128)]],
                                 val_v.at[pl.ds(c * 128, 128)], sem)
                for c in range(_Q // 128)
            ]
            for h in handles:
                h.wait()
            pltpu.sync_copy(val_v, o.at[wid])


def _sc_gather(p0f, p1f, p2f, f0, f1, f2):
    k = pl.kernel(
        _sc_gather_body,
        out_type=[jax.ShapeDtypeStruct((32, _Q), jnp.float32)] * 3,
        mesh=plsc.VectorSubcoreMesh(core_axis_name="c", subcore_axis_name="s"),
        scratch_types=[
            pltpu.VMEM((_Q,), jnp.int32),
            pltpu.VMEM((_Q,), jnp.float32),
            pltpu.SemaphoreType.DMA,
        ],
    )
    return k(p0f, p1f, p2f, f0, f1, f2)


def _dense_body(p0_ref, p1_ref, p2_ref, g0_ref, g1_ref, g2_ref,
                m0_ref, m1_ref, m2_ref, out_ref, acc_ref):
    a = pl.program_id(0)

    @pl.when(a == 0)
    def _():
        acc_ref[...] = jnp.zeros_like(acc_ref)

    contrib = jnp.zeros((8, 128), jnp.float32)
    row = lax.broadcasted_iota(jnp.int32, (8, 128), 0)
    col = lax.broadcasted_iota(jnp.int32, (8, 128), 1)
    for i, ref in enumerate((p0_ref, p1_ref, p2_ref)):
        x = ref[...]
        xb = x[:, 0:4]
        s_box = jnp.sum(xb * xb)
        s_sp = jnp.sum(_softplus(x[:, 4:5]))
        contrib = contrib + jnp.where((row == i) & (col == 0), s_box, 0.0)
        contrib = contrib + jnp.where((row == i) & (col == 1), s_sp, 0.0)
    acc_ref[...] += contrib

    @pl.when(a == 2)
    def _():
        B = p0_ref.shape[0]
        total = 0.0
        for i, (g_ref, m_ref) in enumerate(((g0_ref, m0_ref),
                                            (g1_ref, m1_ref),
                                            (g2_ref, m2_ref))):
            g = _G[i]
            xg = g_ref[...]
            m = m_ref[...]
            v = m[0:4]
            fv = m[4:5]
            lv = m[5:6]
            fcv = m[6:7]
            cls = m[7:8]
            s_box = acc_ref[i, 0]
            s_sp = acc_ref[i, 1]
            npos = jnp.sum(fv)
            nneg = 3.0 * B * g * g - npos
            x4 = xg[4:5]
            obj_sum = jnp.sum(_softplus(-x4) * fv)
            noobj_sub = jnp.sum(_softplus(x4) * fv)
            xc = xg[5:25]
            c_iota = lax.broadcasted_iota(jnp.int32, xc.shape, 0).astype(
                jnp.float32)
            cls_sum = (jnp.sum(_softplus(xc) * fv)
                       - jnp.sum(jnp.where(c_iota == cls, xc, 0.0) * fcv))
            box_corr = jnp.sum((-2.0 * xg[0:4] * v + v * v) * lv)
            inv_pos = 1.0 / (npos + 1e-6)
            loss = (_BOX_W * (s_box + box_corr) * inv_pos
                    + _OBJ_W * (obj_sum * inv_pos
                                + 0.5 * (s_sp - noobj_sub) / (nneg + 1e-6))
                    + _CLS_W * cls_sum * inv_pos)
            total = total + loss
        out_ref[...] = jnp.full((1, 1), total, jnp.float32)


def _dense_call(p0, p1, p2, g0, g1, g2, m0, m1, m2):
    B = p0.shape[0]
    specs = [pl.BlockSpec((B, 5, g, g), (lambda a: (0, 5 * a, 0, 0)))
             for g in _G]
    specs += [pl.BlockSpec(x.shape, lambda a: (0, 0))
              for x in (g0, g1, g2, m0, m1, m2)]
    return pl.pallas_call(
        _dense_body,
        grid=(3,),
        in_specs=specs,
        out_specs=pl.BlockSpec((1, 1), lambda a: (0, 0)),
        out_shape=jax.ShapeDtypeStruct((1, 1), jnp.float32),
        scratch_shapes=[pltpu.VMEM((8, 128), jnp.float32)],
    )(p0, p1, p2, g0, g1, g2, m0, m1, m2)


def kernel(pred0, pred1, pred2, targets):
    B, T = targets.shape[0], targets.shape[1]
    t2 = jnp.pad(targets.reshape(B * T, 5), ((0, _Q - B * T), (0, 0)))
    cls = t2[:, 0].reshape(1, _Q)
    tx = t2[:, 1].reshape(1, _Q)
    ty = t2[:, 2].reshape(1, _Q)
    tw = t2[:, 3].reshape(1, _Q)
    th = t2[:, 4].reshape(1, _Q)

    i0, i1, i2, m0, m1, m2 = _assign_call(cls, tx, ty, tw, th)
    g0, g1, g2 = _sc_gather(pred0.reshape(-1), pred1.reshape(-1),
                            pred2.reshape(-1), i0, i1, i2)
    out = _dense_call(pred0, pred1, pred2, g0, g1, g2, m0, m1, m2)
    return out[0, 0]

# --- scband reference (transcript-rebuilt; emitter-appended) ---
"""Pipeline reference for scband-yololoss-32212254720459 (READ-ONLY COPY).

The authoritative reference and input builder live on the scoring server;
editing this copy changes nothing except your own understanding.
"""

import jax, jax.numpy as jnp
import numpy as np

ANCHORS = jnp.array([[[10.,13.],[16.,30.],[33.,23.]],[[30.,61.],[62.,45.],[59.,119.]],[[116.,90.],[156.,198.],[373.,326.]]], dtype=jnp.float32)
STRIDES = [8, 16, 32]
NUM_CLASSES = 20
BOX_W, OBJ_W, CLS_W = 0.05, 1.5, 0.15


def _bce_logits(x, y):
    # elementwise BCEWithLogits, reduction='none'
    return jnp.maximum(x, 0.0) - x * y + jnp.log1p(jnp.exp(-jnp.abs(x)))


def setup_inputs(seed: int = 0) -> dict:
    key = jax.random.key(seed)
    k0, k1, k2, k3, k4, k5 = jax.random.split(key, 6)
    B, T = 16, 20
    C = 3 * (5 + NUM_CLASSES)
    pred0 = jax.random.normal(k0, (B, C, 80, 80), dtype=jnp.float32)
    pred1 = jax.random.normal(k1, (B, C, 40, 40), dtype=jnp.float32)
    pred2 = jax.random.normal(k2, (B, C, 20, 20), dtype=jnp.float32)
    cls = jax.random.randint(k3, (B, T, 1), 0, NUM_CLASSES).astype(jnp.float32)
    xy = jax.random.uniform(k4, (B, T, 2), minval=0.05, maxval=0.95, dtype=jnp.float32)
    wh = jax.random.uniform(k5, (B, T, 2), minval=0.3, maxval=0.95, dtype=jnp.float32)
    targets = jnp.concatenate([cls, xy, wh], axis=-1)
    return {"pred0": pred0, "pred1": pred1, "pred2": pred2, "targets": targets}


def _scale_loss(pred, targets, anchors_i, stride):
    B, C, gh, gw = pred.shape
    a = anchors_i / float(stride)  # [3,2] anchors in grid units
    p = jnp.transpose(pred, (0, 2, 3, 1)).reshape(B, gh, gw, 3, -1)
    pred_boxes = p[..., :4]
    pred_obj = p[..., 4]
    pred_cls = p[..., 5:]
    nc = pred_cls.shape[-1]

    cls_id = targets[..., 0].astype(jnp.int32)  # [B,T]
    tx = targets[..., 1]; ty = targets[..., 2]
    tw = targets[..., 3]; th = targets[..., 4]
    gx = jnp.clip(jnp.floor(tx * gw).astype(jnp.int32), 0, gw - 1)
    gy = jnp.clip(jnp.floor(ty * gh).astype(jnp.int32), 0, gh - 1)

    aw = a[:, 0]; ah = a[:, 1]  # [3]
    inter = jnp.minimum(tw[..., None], aw) * jnp.minimum(th[..., None], ah)  # [B,T,3]
    iou = inter / (tw[..., None] * th[..., None] + aw * ah - inter + 1e-6)
    ba = jnp.argmax(iou, axis=-1)  # [B,T] first-max == loop's strict '>' tie rule
    best_iou = jnp.max(iou, axis=-1)
    valid = best_iou > 0.3

    abw = a[ba, 0]; abh = a[ba, 1]
    vals = jnp.stack([
        tx * gw - gx.astype(jnp.float32),
        ty * gh - gy.astype(jnp.float32),
        jnp.log(tw / abw + 1e-6),
        jnp.log(th / abh + 1e-6),
    ], axis=-1)  # [B,T,4]

    bi = jnp.broadcast_to(jnp.arange(B)[:, None], gx.shape)
    gy_s = jnp.where(valid, gy, gh)  # invalid targets routed out-of-bounds -> dropped

    target_boxes = jnp.zeros((B, gh, gw, 3, 4), jnp.float32).at[bi, gy_s, gx, ba].set(vals, mode='drop')
    target_obj = jnp.zeros((B, gh, gw, 3), jnp.float32).at[bi, gy_s, gx, ba].set(1.0, mode='drop')
    target_cls = jnp.zeros((B, gh, gw, 3, nc), jnp.float32).at[bi, gy_s, gx, ba, cls_id].set(1.0, mode='drop')

    obj_mask = (target_obj > 0.5).astype(jnp.float32)
    noobj_mask = 1.0 - obj_mask
    npos = obj_mask.sum()
    nneg = noobj_mask.sum()

    box_loss = ((pred_boxes - target_boxes) ** 2).sum() / (npos + 1e-6)
    bce_obj = _bce_logits(pred_obj, target_obj)
    obj_loss = (bce_obj * obj_mask).sum() / (npos + 1e-6)
    noobj_loss = (bce_obj * noobj_mask).sum() / (nneg + 1e-6)
    cls_loss = (_bce_logits(pred_cls, target_cls) * obj_mask[..., None]).sum() / (npos + 1e-6)

    return BOX_W * box_loss + OBJ_W * (obj_loss + 0.5 * noobj_loss) + CLS_W * cls_loss


def reference(pred0, pred1, pred2, targets):
    preds = [pred0, pred1, pred2]
    total = 0.0
    for i, pred in enumerate(preds):
        total = total + _scale_loss(pred, targets, ANCHORS[i], STRIDES[i])
    return total

if __name__ == "__main__":
    import jax
    _d = setup_inputs()
    print(jax.jit(kernel)(*tuple(_d.values())))

</pallas_src>

<mosaic_0001>
#map = affine_map<(d0, d1) -> (0)>
#map1 = affine_map<(d0, d1) -> (0, 0)>
module attributes {stable_mosaic.version = 14 : i64} {
  func.func @_sc_gather_body(%arg0: i32, %arg1: i32, %arg2: memref<7680000xf32, #tpu.memory_space<hbm>>, %arg3: memref<1920000xf32, #tpu.memory_space<hbm>>, %arg4: memref<480000xf32, #tpu.memory_space<hbm>>, %arg5: memref<32x384xi32, #tpu.memory_space<hbm>>, %arg6: memref<32x384xi32, #tpu.memory_space<hbm>>, %arg7: memref<32x384xi32, #tpu.memory_space<hbm>>, %arg8: memref<32x384xf32, #tpu.memory_space<hbm>>, %arg9: memref<32x384xf32, #tpu.memory_space<hbm>>, %arg10: memref<32x384xf32, #tpu.memory_space<hbm>>, %arg11: memref<384xi32, #tpu.memory_space<vmem>>, %arg12: memref<384xf32, #tpu.memory_space<vmem>>, %arg13: memref<!tpu.dma_semaphore, #tpu.memory_space<semaphore_mem>>) attributes {dimension_semantics = [#tpu.dimension_semantics<core_parallel>, #tpu.dimension_semantics<subcore_parallel>], iteration_bounds = array<i64: 2, 16>, scalar_prefetch = 0 : i64, scratch_operands = 3 : i64, tpu.core_type = #tpu.core_type<sc_vector_subcore>, window_params = [{transform_indices = #map}, {transform_indices = #map}, {transform_indices = #map}, {transform_indices = #map1}, {transform_indices = #map1}, {transform_indices = #map1}, {transform_indices = #map1}, {transform_indices = #map1}, {transform_indices = #map1}]} {
    %mul3A = arith.constant 2 : i32
    %mul3A_0 = arith.muli %arg1, %mul3A : i32
    %add3A = arith.addi %mul3A_0, %arg0 : i32
    %lt3A = arith.constant 25 : i32
    %lt3A_1 = arith.cmpi slt, %add3A, %lt3A : i32
    %convert_element_type3A = arith.extui %lt3A_1 : i1 to i32
    %cond3A = arith.constant 0 : i32
    %cond3A_2 = arith.cmpi ne, %convert_element_type3A, %cond3A : i32
    scf.if %cond3A_2 {
      "tpu.region"() ({
        %run_scoped3A = tpu.sem_alloc : memref<!tpu.dma_semaphore, #tpu.memory_space<semaphore_mem>>
        %dma_start3A_109 = arith.constant 0 : i32
        %dma_start3A_110 = tpu.memref_slice %arg5[%add3A, %dma_start3A_109] : memref<32x384xi32, #tpu.memory_space<hbm>> -> memref<1x384xi32, #tpu.memory_space<hbm>>
        %dma_start3A_111 = tpu.memref_squeeze %dma_start3A_110 : memref<1x384xi32, #tpu.memory_space<hbm>> -> memref<384xi32, #tpu.memory_space<hbm>>
        %dma_start3A_112 = arith.constant 0 : i32
        %dma_start3A_113 = tpu.memref_slice %arg5[%add3A, %dma_start3A_112] : memref<32x384xi32, #tpu.memory_space<hbm>> -> memref<1x384xi32, #tpu.memory_space<hbm>>
        %dma_start3A_114 = tpu.memref_squeeze %dma_start3A_113 : memref<1x384xi32, #tpu.memory_space<hbm>> -> memref<384xi32, #tpu.memory_space<hbm>>
        tpu.enqueue_dma source(%dma_start3A_114 : memref<384xi32, #tpu.memory_space<hbm>>) target(%arg11 : memref<384xi32, #tpu.memory_space<vmem>>) target_semaphore(%run_scoped3A : memref<!tpu.dma_semaphore, #tpu.memory_space<semaphore_mem>>)
        %dma_wait3A_115 = arith.constant 0 : i32
        %dma_wait3A_116 = tpu.memref_slice %arg5[%add3A, %dma_wait3A_115] : memref<32x384xi32, #tpu.memory_space<hbm>> -> memref<1x384xi32, #tpu.memory_space<hbm>>
        %dma_wait3A_117 = tpu.memref_squeeze %dma_wait3A_116 : memref<1x384xi32, #tpu.memory_space<hbm>> -> memref<384xi32, #tpu.memory_space<hbm>>
        %dma_wait3A_118 = arith.constant 0 : i32
        %dma_wait3A_119 = tpu.memref_slice %arg5[%add3A, %dma_wait3A_118] : memref<32x384xi32, #tpu.memory_space<hbm>> -> memref<1x384xi32, #tpu.memory_space<hbm>>
        %dma_wait3A_120 = tpu.memref_squeeze %dma_wait3A_119 : memref<1x384xi32, #tpu.memory_space<hbm>> -> memref<384xi32, #tpu.memory_space<hbm>>
        tpu.wait_dma2 semaphore(%run_scoped3A : memref<!tpu.dma_semaphore, #tpu.memory_space<semaphore_mem>>) src(%dma_wait3A_120 : memref<384xi32, #tpu.memory_space<hbm>>) dst(%arg11 : memref<384xi32, #tpu.memory_space<vmem>>)
        tpu.yield
      }) : () -> ()
      %dma_start3A = arith.constant 0 : i32
      %dma_start3A_3 = tpu.memref_slice %arg12[%dma_start3A] : memref<384xf32, #tpu.memory_space<vmem>> -> memref<128xf32, #tpu.memory_space<vmem>>
      %dma_start3A_4 = arith.constant 0 : i32
      %dma_start3A_5 = tpu.memref_slice %arg11[%dma_start3A_4] : memref<384xi32, #tpu.memory_space<vmem>> -> memref<128xi32, #tpu.memory_space<vmem>>
      %dma_start3A_6 = arith.constant 0 : i32
      %dma_start3A_7 = tpu.memref_slice %arg2[%dma_start3A_6] : memref<7680000xf32, #tpu.memory_space<hbm>> -> memref<7680000xf32, #tpu.memory_space<hbm>>
      tpu.enqueue_indirect_dma source(%dma_start3A_7 : memref<7680000xf32, #tpu.memory_space<hbm>>) target(%dma_start3A_3 : memref<128xf32, #tpu.memory_space<vmem>>) offsets(%dma_start3A_5 : memref<128xi32, #tpu.memory_space<vmem>>) semaphore(%arg13 : memref<!tpu.dma_semaphore, #tpu.memory_space<semaphore_mem>>)
      %dma_start3A_8 = arith.constant 128 : i32
      %dma_start3A_9 = tpu.memref_slice %arg12[%dma_start3A_8] : memref<384xf32, #tpu.memory_space<vmem>> -> memref<128xf32, #tpu.memory_space<vmem>>
      %dma_start3A_10 = arith.constant 128 : i32
      %dma_start3A_11 = tpu.memref_slice %arg11[%dma_start3A_10] : memref<384xi32, #tpu.memory_space<vmem>> -> memref<128xi32, #tpu.memory_space<vmem>>
      %dma_start3A_12 = arith.constant 0 : i32
      %dma_start3A_13 = tpu.memref_slice %arg2[%dma_start3A_12] : memref<7680000xf32, #tpu.memory_space<hbm>> -> memref<7680000xf32, #tpu.memory_space<hbm>>
      tpu.enqueue_indirect_dma source(%dma_start3A_13 : memref<7680000xf32, #tpu.memory_space<hbm>>) target(%dma_start3A_9 : memref<128xf32, #tpu.memory_space<vmem>>) offsets(%dma_start3A_11 : memref<128xi32, #tpu.memory_space<vmem>>) semaphore(%arg13 : memref<!tpu.dma_semaphore, #tpu.memory_space<semaphore_mem>>)
      %dma_start3A_14 = arith.constant 256 : i32
      %dma_start3A_15 = tpu.memref_slice %arg12[%dma_start3A_14] : memref<384xf32, #tpu.memory_space<vmem>> -> memref<128xf32, #tpu.memory_space<vmem>>
      %dma_start3A_16 = arith.constant 256 : i32
      %dma_start3A_17 = tpu.memref_slice %arg11[%dma_start3A_16] : memref<384xi32, #tpu.memory_space<vmem>> -> memref<128xi32, #tpu.memory_space<vmem>>
      %dma_start3A_18 = arith.constant 0 : i32
      %dma_start3A_19 = tpu.memref_slice %arg2[%dma_start3A_18] : memref<7680000xf32, #tpu.memory_space<hbm>> -> memref<7680000xf32, #tpu.memory_space<hbm>>
      tpu.enqueue_indirect_dma source(%dma_start3A_19 : memref<7680000xf32, #tpu.memory_space<hbm>>) target(%dma_start3A_15 : memref<128xf32, #tpu.memory_space<vmem>>) offsets(%dma_start3A_17 : memref<128xi32, #tpu.memory_space<vmem>>) semaphore(%arg13 : memref<!tpu.dma_semaphore, #tpu.memory_space<semaphore_mem>>)
      %dma_wait3A = arith.constant 0 : i32
      %dma_wait3A_20 = tpu.memref_slice %arg12[%dma_wait3A] : memref<384xf32, #tpu.memory_space<vmem>> -> memref<128xf32, #tpu.memory_space<vmem>>
      %dma_wait3A_21 = arith.constant 0 : i32
      %dma_wait3A_22 = tpu.memref_slice %arg11[%dma_wait3A_21] : memref<384xi32, #tpu.memory_space<vmem>> -> memref<128xi32, #tpu.memory_space<vmem>>
      %dma_wait3A_23 = arith.constant 0 : i32
      %dma_wait3A_24 = tpu.memref_slice %arg2[%dma_wait3A_23] : memref<7680000xf32, #tpu.memory_space<hbm>> -> memref<7680000xf32, #tpu.memory_space<hbm>>
      tpu.wait_indirect_dma semaphore(%arg13 : memref<!tpu.dma_semaphore, #tpu.memory_space<semaphore_mem>>) src(%dma_wait3A_24 : memref<7680000xf32, #tpu.memory_space<hbm>>) dst(%dma_wait3A_20 : memref<128xf32, #tpu.memory_space<vmem>>)
      %dma_wait3A_25 = arith.constant 128 : i32
      %dma_wait3A_26 = tpu.memref_slice %arg12[%dma_wait3A_25] : memref<384xf32, #tpu.memory_space<vmem>> -> memref<128xf32, #tpu.memory_space<vmem>>
      %dma_wait3A_27 = arith.constant 128 : i32
      %dma_wait3A_28 = tpu.memref_slice %arg11[%dma_wait3A_27] : memref<384xi32, #tpu.memory_space<vmem>> -> memref<128xi32, #tpu.memory_space<vmem>>
      %dma_wait3A_29 = arith.constant 0 : i32
      %dma_wait3A_30 = tpu.memref_slice %arg2[%dma_wait3A_29] : memref<7680000xf32, #tpu.memory_space<hbm>> -> memref<7680000xf32, #tpu.memory_space<hbm>>
      tpu.wait_indirect_dma semaphore(%arg13 : memref<!tpu.dma_semaphore, #tpu.memory_space<semaphore_mem>>) src(%dma_wait3A_30 : memref<7680000xf32, #tpu.memory_space<hbm>>) dst(%dma_wait3A_26 : memref<128xf32, #tpu.memory_space<vmem>>)
      %dma_wait3A_31 = arith.constant 256 : i32
      %dma_wait3A_32 = tpu.memref_slice %arg12[%dma_wait3A_31] : memref<384xf32, #tpu.memory_space<vmem>> -> memref<128xf32, #tpu.memory_space<vmem>>
      %dma_wait3A_33 = arith.constant 256 : i32
      %dma_wait3A_34 = tpu.memref_slice %arg11[%dma_wait3A_33] : memref<384xi32, #tpu.memory_space<vmem>> -> memref<128xi32, #tpu.memory_space<vmem>>
      %dma_wait3A_35 = arith.constant 0 : i32
      %dma_wait3A_36 = tpu.memref_slice %arg2[%dma_wait3A_35] : memref<7680000xf32, #tpu.memory_space<hbm>> -> memref<7680000xf32, #tpu.memory_space<hbm>>
      tpu.wait_indirect_dma semaphore(%arg13 : memref<!tpu.dma_semaphore, #tpu.memory_space<semaphore_mem>>) src(%dma_wait3A_36 : memref<7680000xf32, #tpu.memory_space<hbm>>) dst(%dma_wait3A_32 : memref<128xf32, #tpu.memory_space<vmem>>)
      "tpu.region"() ({
        %run_scoped3A = tpu.sem_alloc : memref<!tpu.dma_semaphore, #tpu.memory_space<semaphore_mem>>
        %dma_start3A_109 = arith.constant 0 : i32
        %dma_start3A_110 = tpu.memref_slice %arg8[%add3A, %dma_start3A_109] : memref<32x384xf32, #tpu.memory_space<hbm>> -> memref<1x384xf32, #tpu.memory_space<hbm>>
        %dma_start3A_111 = tpu.memref_squeeze %dma_start3A_110 : memref<1x384xf32, #tpu.memory_space<hbm>> -> memref<384xf32, #tpu.memory_space<hbm>>
        %dma_start3A_112 = arith.constant 0 : i32
        %dma_start3A_113 = tpu.memref_slice %arg8[%add3A, %dma_start3A_112] : memref<32x384xf32, #tpu.memory_space<hbm>> -> memref<1x384xf32, #tpu.memory_space<hbm>>
        %dma_start3A_114 = tpu.memref_squeeze %dma_start3A_113 : memref<1x384xf32, #tpu.memory_space<hbm>> -> memref<384xf32, #tpu.memory_space<hbm>>
        tpu.enqueue_dma source(%arg12 : memref<384xf32, #tpu.memory_space<vmem>>) target(%dma_start3A_114 : memref<384xf32, #tpu.memory_space<hbm>>) target_semaphore(%run_scoped3A : memref<!tpu.dma_semaphore, #tpu.memory_space<semaphore_mem>>)
        %dma_wait3A_115 = arith.constant 0 : i32
        %dma_wait3A_116 = tpu.memref_slice %arg8[%add3A, %dma_wait3A_115] : memref<32x384xf32, #tpu.memory_space<hbm>> -> memref<1x384xf32, #tpu.memory_space<hbm>>
        %dma_wait3A_117 = tpu.memref_squeeze %dma_wait3A_116 : memref<1x384xf32, #tpu.memory_space<hbm>> -> memref<384xf32, #tpu.memory_space<hbm>>
        %dma_wait3A_118 = arith.constant 0 : i32
        %dma_wait3A_119 = tpu.memref_slice %arg8[%add3A, %dma_wait3A_118] : memref<32x384xf32, #tpu.memory_space<hbm>> -> memref<1x384xf32, #tpu.memory_space<hbm>>
        %dma_wait3A_120 = tpu.memref_squeeze %dma_wait3A_119 : memref<1x384xf32, #tpu.memory_space<hbm>> -> memref<384xf32, #tpu.memory_space<hbm>>
        tpu.wait_dma2 semaphore(%run_scoped3A : memref<!tpu.dma_semaphore, #tpu.memory_space<semaphore_mem>>) src(%arg12 : memref<384xf32, #tpu.memory_space<vmem>>) dst(%dma_wait3A_120 : memref<384xf32, #tpu.memory_space<hbm>>)
        tpu.yield
      }) : () -> ()
      "tpu.region"() ({
        %run_scoped3A = tpu.sem_alloc : memref<!tpu.dma_semaphore, #tpu.memory_space<semaphore_mem>>
        %dma_start3A_109 = arith.constant 0 : i32
        %dma_start3A_110 = tpu.memref_slice %arg6[%add3A, %dma_start3A_109] : memref<32x384xi32, #tpu.memory_space<hbm>> -> memref<1x384xi32, #tpu.memory_space<hbm>>
        %dma_start3A_111 = tpu.memref_squeeze %dma_start3A_110 : memref<1x384xi32, #tpu.memory_space<hbm>> -> memref<384xi32, #tpu.memory_space<hbm>>
        %dma_start3A_112 = arith.constant 0 : i32
        %dma_start3A_113 = tpu.memref_slice %arg6[%add3A, %dma_start3A_112] : memref<32x384xi32, #tpu.memory_space<hbm>> -> memref<1x384xi32, #tpu.memory_space<hbm>>
        %dma_start3A_114 = tpu.memref_squeeze %dma_start3A_113 : memref<1x384xi32, #tpu.memory_space<hbm>> -> memref<384xi32, #tpu.memory_space<hbm>>
        tpu.enqueue_dma source(%dma_start3A_114 : memref<384xi32, #tpu.memory_space<hbm>>) target(%arg11 : memref<384xi32, #tpu.memory_space<vmem>>) target_semaphore(%run_scoped3A : memref<!tpu.dma_semaphore, #tpu.memory_space<semaphore_mem>>)
        %dma_wait3A_115 = arith.constant 0 : i32
        %dma_wait3A_116 = tpu.memref_slice %arg6[%add3A, %dma_wait3A_115] : memref<32x384xi32, #tpu.memory_space<hbm>> -> memref<1x384xi32, #tpu.memory_space<hbm>>
        %dma_wait3A_117 = tpu.memref_squeeze %dma_wait3A_116 : memref<1x384xi32, #tpu.memory_space<hbm>> -> memref<384xi32, #tpu.memory_space<hbm>>
        %dma_wait3A_118 = arith.constant 0 : i32
        %dma_wait3A_119 = tpu.memref_slice %arg6[%add3A, %dma_wait3A_118] : memref<32x384xi32, #tpu.memory_space<hbm>> -> memref<1x384xi32, #tpu.memory_space<hbm>>
        %dma_wait3A_120 = tpu.memref_squeeze %dma_wait3A_119 : memref<1x384xi32, #tpu.memory_space<hbm>> -> memref<384xi32, #tpu.memory_space<hbm>>
        tpu.wait_dma2 semaphore(%run_scoped3A : memref<!tpu.dma_semaphore, #tpu.memory_space<semaphore_mem>>) src(%dma_wait3A_120 : memref<384xi32, #tpu.memory_space<hbm>>) dst(%arg11 : memref<384xi32, #tpu.memory_space<vmem>>)
        tpu.yield
      }) : () -> ()
      %dma_start3A_37 = arith.constant 0 : i32
      %dma_start3A_38 = tpu.memref_slice %arg12[%dma_start3A_37] : memref<384xf32, #tpu.memory_space<vmem>> -> memref<128xf32, #tpu.memory_space<vmem>>
      %dma_start3A_39 = arith.constant 0 : i32
      %dma_start3A_40 = tpu.memref_slice %arg11[%dma_start3A_39] : memref<384xi32, #tpu.memory_space<vmem>> -> memref<128xi32, #tpu.memory_space<vmem>>
      %dma_start3A_41 = arith.constant 0 : i32
      %dma_start3A_42 = tpu.memref_slice %arg3[%dma_start3A_41] : memref<1920000xf32, #tpu.memory_space<hbm>> -> memref<1920000xf32, #tpu.memory_space<hbm>>
      tpu.enqueue_indirect_dma source(%dma_start3A_42 : memref<1920000xf32, #tpu.memory_space<hbm>>) target(%dma_start3A_38 : memref<128xf32, #tpu.memory_space<vmem>>) offsets(%dma_start3A_40 : memref<128xi32, #tpu.memory_space<vmem>>) semaphore(%arg13 : memref<!tpu.dma_semaphore, #tpu.memory_space<semaphore_mem>>)
      %dma_start3A_43 = arith.constant 128 : i32
      %dma_start3A_44 = tpu.memref_slice %arg12[%dma_start3A_43] : memref<384xf32, #tpu.memory_space<vmem>> -> memref<128xf32, #tpu.memory_space<vmem>>
      %dma_start3A_45 = arith.constant 128 : i32
      %dma_start3A_46 = tpu.memref_slice %arg11[%dma_start3A_45] : memref<384xi32, #tpu.memory_space<vmem>> -> memref<128xi32, #tpu.memory_space<vmem>>
      %dma_start3A_47 = arith.constant 0 : i32
      %dma_start3A_48 = tpu.memref_slice %arg3[%dma_start3A_47] : memref<1920000xf32, #tpu.memory_space<hbm>> -> memref<1920000xf32, #tpu.memory_space<hbm>>
      tpu.enqueue_indirect_dma source(%dma_start3A_48 : memref<1920000xf32, #tpu.memory_space<hbm>>) target(%dma_start3A_44 : memref<128xf32, #tpu.memory_space<vmem>>) offsets(%dma_start3A_46 : memref<128xi32, #tpu.memory_space<vmem>>) semaphore(%arg13 : memref<!tpu.dma_semaphore, #tpu.memory_space<semaphore_mem>>)
      %dma_start3A_49 = arith.constant 256 : i32
      %dma_start3A_50 = tpu.memref_slice %arg12[%dma_start3A_49] : memref<384xf32, #tpu.memory_space<vmem>> -> memref<128xf32, #tpu.memory_space<vmem>>
      %dma_start3A_51 = arith.constant 256 : i32
      %dma_start3A_52 = tpu.memref_slice %arg11[%dma_start3A_51] : memref<384xi32, #tpu.memory_space<vmem>> -> memref<128xi32, #tpu.memory_space<vmem>>
      %dma_start3A_53 = arith.constant 0 : i32
      %dma_start3A_54 = tpu.memref_slice %arg3[%dma_start3A_53] : memref<1920000xf32, #tpu.memory_space<hbm>> -> memref<1920000xf32, #tpu.memory_space<hbm>>
      tpu.enqueue_indirect_dma source(%dma_start3A_54 : memref<1920000xf32, #tpu.memory_space<hbm>>) target(%dma_start3A_50 : memref<128xf32, #tpu.memory_space<vmem>>) offsets(%dma_start3A_52 : memref<128xi32, #tpu.memory_space<vmem>>) semaphore(%arg13 : memref<!tpu.dma_semaphore, #tpu.memory_space<semaphore_mem>>)
      %dma_wait3A_55 = arith.constant 0 : i32
      %dma_wait3A_56 = tpu.memref_slice %arg12[%dma_wait3A_55] : memref<384xf32, #tpu.memory_space<vmem>> -> memref<128xf32, #tpu.memory_space<vmem>>
      %dma_wait3A_57 = arith.constant 0 : i32
      %dma_wait3A_58 = tpu.memref_slice %arg11[%dma_wait3A_57] : memref<384xi32, #tpu.memory_space<vmem>> -> memref<128xi32, #tpu.memory_space<vmem>>
      %dma_wait3A_59 = arith.constant 0 : i32
      %dma_wait3A_60 = tpu.memref_slice %arg3[%dma_wait3A_59] : memref<1920000xf32, #tpu.memory_space<hbm>> -> memref<1920000xf32, #tpu.memory_space<hbm>>
      tpu.wait_indirect_dma semaphore(%arg13 : memref<!tpu.dma_semaphore, #tpu.memory_space<semaphore_mem>>) src(%dma_wait3A_60 : memref<1920000xf32, #tpu.memory_space<hbm>>) dst(%dma_wait3A_56 : memref<128xf32, #tpu.memory_space<vmem>>)
      %dma_wait3A_61 = arith.constant 128 : i32
      %dma_wait3A_62 = tpu.memref_slice %arg12[%dma_wait3A_61] : memref<384xf32, #tpu.memory_space<vmem>> -> memref<128xf32, #tpu.memory_space<vmem>>
      %dma_wait3A_63 = arith.constant 128 : i32
      %dma_wait3A_64 = tpu.memref_slice %arg11[%dma_wait3A_63] : memref<384xi32, #tpu.memory_space<vmem>> -> memref<128xi32, #tpu.memory_space<vmem>>
      %dma_wait3A_65 = arith.constant 0 : i32
      %dma_wait3A_66 = tpu.memref_slice %arg3[%dma_wait3A_65] : memref<1920000xf32, #tpu.memory_space<hbm>> -> memref<1920000xf32, #tpu.memory_space<hbm>>
      tpu.wait_indirect_dma semaphore(%arg13 : memref<!tpu.dma_semaphore, #tpu.memory_space<semaphore_mem>>) src(%dma_wait3A_66 : memref<1920000xf32, #tpu.memory_space<hbm>>) dst(%dma_wait3A_62 : memref<128xf32, #tpu.memory_space<vmem>>)
      %dma_wait3A_67 = arith.constant 256 : i32
      %dma_wait3A_68 = tpu.memref_slice %arg12[%dma_wait3A_67] : memref<384xf32, #tpu.memory_space<vmem>> -> memref<128xf32, #tpu.memory_space<vmem>>
      %dma_wait3A_69 = arith.constant 256 : i32
      %dma_wait3A_70 = tpu.memref_slice %arg11[%dma_wait3A_69] : memref<384xi32, #tpu.memory_space<vmem>> -> memref<128xi32, #tpu.memory_space<vmem>>
      %dma_wait3A_71 = arith.constant 0 : i32
      %dma_wait3A_72 = tpu.memref_slice %arg3[%dma_wait3A_71] : memref<1920000xf32, #tpu.memory_space<hbm>> -> memref<1920000xf32, #tpu.memory_space<hbm>>
      tpu.wait_indirect_dma semaphore(%arg13 : memref<!tpu.dma_semaphore, #tpu.memory_space<semaphore_mem>>) src(%dma_wait3A_72 : memref<1920000xf32, #tpu.memory_space<hbm>>) dst(%dma_wait3A_68 : memref<128xf32, #tpu.memory_space<vmem>>)
      "tpu.region"() ({
        %run_scoped3A = tpu.sem_alloc : memref<!tpu.dma_semaphore, #tpu.memory_space<semaphore_mem>>
        %dma_start3A_109 = arith.constant 0 : i32
        %dma_start3A_110 = tpu.memref_slice %arg9[%add3A, %dma_start3A_109] : memref<32x384xf32, #tpu.memory_space<hbm>> -> memref<1x384xf32, #tpu.memory_space<hbm>>
        %dma_start3A_111 = tpu.memref_squeeze %dma_start3A_110 : memref<1x384xf32, #tpu.memory_space<hbm>> -> memref<384xf32, #tpu.memory_space<hbm>>
        %dma_start3A_112 = arith.constant 0 : i32
        %dma_start3A_113 = tpu.memref_slice %arg9[%add3A, %dma_start3A_112] : memref<32x384xf32, #tpu.memory_space<hbm>> -> memref<1x384xf32, #tpu.memory_space<hbm>>
        %dma_start3A_114 = tpu.memref_squeeze %dma_start3A_113 : memref<1x384xf32, #tpu.memory_space<hbm>> -> memref<384xf32, #tpu.memory_space<hbm>>
        tpu.enqueue_dma source(%arg12 : memref<384xf32, #tpu.memory_space<vmem>>) target(%dma_start3A_114 : memref<384xf32, #tpu.memory_space<hbm>>) target_semaphore(%run_scoped3A : memref<!tpu.dma_semaphore, #tpu.memory_space<semaphore_mem>>)
        %dma_wait3A_115 = arith.constant 0 : i32
        %dma_wait3A_116 = tpu.memref_slice %arg9[%add3A, %dma_wait3A_115] : memref<32x384xf32, #tpu.memory_space<hbm>> -> memref<1x384xf32, #tpu.memory_space<hbm>>
        %dma_wait3A_117 = tpu.memref_squeeze %dma_wait3A_116 : memref<1x384xf32, #tpu.memory_space<hbm>> -> memref<384xf32, #tpu.memory_space<hbm>>
        %dma_wait3A_118 = arith.constant 0 : i32
        %dma_wait3A_119 = tpu.memref_slice %arg9[%add3A, %dma_wait3A_118] : memref<32x384xf32, #tpu.memory_space<hbm>> -> memref<1x384xf32, #tpu.memory_space<hbm>>
        %dma_wait3A_120 = tpu.memref_squeeze %dma_wait3A_119 : memref<1x384xf32, #tpu.memory_space<hbm>> -> memref<384xf32, #tpu.memory_space<hbm>>
        tpu.wait_dma2 semaphore(%run_scoped3A : memref<!tpu.dma_semaphore, #tpu.memory_space<semaphore_mem>>) src(%arg12 : memref<384xf32, #tpu.memory_space<vmem>>) dst(%dma_wait3A_120 : memref<384xf32, #tpu.memory_space<hbm>>)
        tpu.yield
      }) : () -> ()
      "tpu.region"() ({
        %run_scoped3A = tpu.sem_alloc : memref<!tpu.dma_semaphore, #tpu.memory_space<semaphore_mem>>
        %dma_start3A_109 = arith.constant 0 : i32
        %dma_start3A_110 = tpu.memref_slice %arg7[%add3A, %dma_start3A_109] : memref<32x384xi32, #tpu.memory_space<hbm>> -> memref<1x384xi32, #tpu.memory_space<hbm>>
        %dma_start3A_111 = tpu.memref_squeeze %dma_start3A_110 : memref<1x384xi32, #tpu.memory_space<hbm>> -> memref<384xi32, #tpu.memory_space<hbm>>
        %dma_start3A_112 = arith.constant 0 : i32
        %dma_start3A_113 = tpu.memref_slice %arg7[%add3A, %dma_start3A_112] : memref<32x384xi32, #tpu.memory_space<hbm>> -> memref<1x384xi32, #tpu.memory_space<hbm>>
        %dma_start3A_114 = tpu.memref_squeeze %dma_start3A_113 : memref<1x384xi32, #tpu.memory_space<hbm>> -> memref<384xi32, #tpu.memory_space<hbm>>
        tpu.enqueue_dma source(%dma_start3A_114 : memref<384xi32, #tpu.memory_space<hbm>>) target(%arg11 : memref<384xi32, #tpu.memory_space<vmem>>) target_semaphore(%run_scoped3A : memref<!tpu.dma_semaphore, #tpu.memory_space<semaphore_mem>>)
        %dma_wait3A_115 = arith.constant 0 : i32
        %dma_wait3A_116 = tpu.memref_slice %arg7[%add3A, %dma_wait3A_115] : memref<32x384xi32, #tpu.memory_space<hbm>> -> memref<1x384xi32, #tpu.memory_space<hbm>>
        %dma_wait3A_117 = tpu.memref_squeeze %dma_wait3A_116 : memref<1x384xi32, #tpu.memory_space<hbm>> -> memref<384xi32, #tpu.memory_space<hbm>>
        %dma_wait3A_118 = arith.constant 0 : i32
        %dma_wait3A_119 = tpu.memref_slice %arg7[%add3A, %dma_wait3A_118] : memref<32x384xi32, #tpu.memory_space<hbm>> -> memref<1x384xi32, #tpu.memory_space<hbm>>
        %dma_wait3A_120 = tpu.memref_squeeze %dma_wait3A_119 : memref<1x384xi32, #tpu.memory_space<hbm>> -> memref<384xi32, #tpu.memory_space<hbm>>
        tpu.wait_dma2 semaphore(%run_scoped3A : memref<!tpu.dma_semaphore, #tpu.memory_space<semaphore_mem>>) src(%dma_wait3A_120 : memref<384xi32, #tpu.memory_space<hbm>>) dst(%arg11 : memref<384xi32, #tpu.memory_space<vmem>>)
        tpu.yield
      }) : () -> ()
      %dma_start3A_73 = arith.constant 0 : i32
      %dma_start3A_74 = tpu.memref_slice %arg12[%dma_start3A_73] : memref<384xf32, #tpu.memory_space<vmem>> -> memref<128xf32, #tpu.memory_space<vmem>>
      %dma_start3A_75 = arith.constant 0 : i32
      %dma_start3A_76 = tpu.memref_slice %arg11[%dma_start3A_75] : memref<384xi32, #tpu.memory_space<vmem>> -> memref<128xi32, #tpu.memory_space<vmem>>
      %dma_start3A_77 = arith.constant 0 : i32
      %dma_start3A_78 = tpu.memref_slice %arg4[%dma_start3A_77] : memref<480000xf32, #tpu.memory_space<hbm>> -> memref<480000xf32, #tpu.memory_space<hbm>>
      tpu.enqueue_indirect_dma source(%dma_start3A_78 : memref<480000xf32, #tpu.memory_space<hbm>>) target(%dma_start3A_74 : memref<128xf32, #tpu.memory_space<vmem>>) offsets(%dma_start3A_76 : memref<128xi32, #tpu.memory_space<vmem>>) semaphore(%arg13 : memref<!tpu.dma_semaphore, #tpu.memory_space<semaphore_mem>>)
      %dma_start3A_79 = arith.constant 128 : i32
      %dma_start3A_80 = tpu.memref_slice %arg12[%dma_start3A_79] : memref<384xf32, #tpu.memory_space<vmem>> -> memref<128xf32, #tpu.memory_space<vmem>>
      %dma_start3A_81 = arith.constant 128 : i32
      %dma_start3A_82 = tpu.memref_slice %arg11[%dma_start3A_81] : memref<384xi32, #tpu.memory_space<vmem>> -> memref<128xi32, #tpu.memory_space<vmem>>
      %dma_start3A_83 = arith.constant 0 : i32
      %dma_start3A_84 = tpu.memref_slice %arg4[%dma_start3A_83] : memref<480000xf32, #tpu.memory_space<hbm>> -> memref<480000xf32, #tpu.memory_space<hbm>>
      tpu.enqueue_indirect_dma source(%dma_start3A_84 : memref<480000xf32, #tpu.memory_space<hbm>>) target(%dma_start3A_80 : memref<128xf32, #tpu.memory_space<vmem>>) offsets(%dma_start3A_82 : memref<128xi32, #tpu.memory_space<vmem>>) semaphore(%arg13 : memref<!tpu.dma_semaphore, #tpu.memory_space<semaphore_mem>>)
      %dma_start3A_85 = arith.constant 256 : i32
      %dma_start3A_86 = tpu.memref_slice %arg12[%dma_start3A_85] : memref<384xf32, #tpu.memory_space<vmem>> -> memref<128xf32, #tpu.memory_space<vmem>>
      %dma_start3A_87 = arith.constant 256 : i32
      %dma_start3A_88 = tpu.memref_slice %arg11[%dma_start3A_87] : memref<384xi32, #tpu.memory_space<vmem>> -> memref<128xi32, #tpu.memory_space<vmem>>
      %dma_start3A_89 = arith.constant 0 : i32
      %dma_start3A_90 = tpu.memref_slice %arg4[%dma_start3A_89] : memref<480000xf32, #tpu.memory_space<hbm>> -> memref<480000xf32, #tpu.memory_space<hbm>>
      tpu.enqueue_indirect_dma source(%dma_start3A_90 : memref<480000xf32, #tpu.memory_space<hbm>>) target(%dma_start3A_86 : memref<128xf32, #tpu.memory_space<vmem>>) offsets(%dma_start3A_88 : memref<128xi32, #tpu.memory_space<vmem>>) semaphore(%arg13 : memref<!tpu.dma_semaphore, #tpu.memory_space<semaphore_mem>>)
      %dma_wait3A_91 = arith.constant 0 : i32
      %dma_wait3A_92 = tpu.memref_slice %arg12[%dma_wait3A_91] : memref<384xf32, #tpu.memory_space<vmem>> -> memref<128xf32, #tpu.memory_space<vmem>>
      %dma_wait3A_93 = arith.constant 0 : i32
      %dma_wait3A_94 = tpu.memref_slice %arg11[%dma_wait3A_93] : memref<384xi32, #tpu.memory_space<vmem>> -> memref<128xi32, #tpu.memory_space<vmem>>
      %dma_wait3A_95 = arith.constant 0 : i32
      %dma_wait3A_96 = tpu.memref_slice %arg4[%dma_wait3A_95] : memref<480000xf32, #tpu.memory_space<hbm>> -> memref<480000xf32, #tpu.memory_space<hbm>>
      tpu.wait_indirect_dma semaphore(%arg13 : memref<!tpu.dma_semaphore, #tpu.memory_space<semaphore_mem>>) src(%dma_wait3A_96 : memref<480000xf32, #tpu.memory_space<hbm>>) dst(%dma_wait3A_92 : memref<128xf32, #tpu.memory_space<vmem>>)
      %dma_wait3A_97 = arith.constant 128 : i32
      %dma_wait3A_98 = tpu.memref_slice %arg12[%dma_wait3A_97] : memref<384xf32, #tpu.memory_space<vmem>> -> memref<128xf32, #tpu.memory_space<vmem>>
      %dma_wait3A_99 = arith.constant 128 : i32
      %dma_wait3A_100 = tpu.memref_slice %arg11[%dma_wait3A_99] : memref<384xi32, #tpu.memory_space<vmem>> -> memref<128xi32, #tpu.memory_space<vmem>>
      %dma_wait3A_101 = arith.constant 0 : i32
      %dma_wait3A_102 = tpu.memref_slice %arg4[%dma_wait3A_101] : memref<480000xf32, #tpu.memory_space<hbm>> -> memref<480000xf32, #tpu.memory_space<hbm>>
      tpu.wait_indirect_dma semaphore(%arg13 : memref<!tpu.dma_semaphore, #tpu.memory_space<semaphore_mem>>) src(%dma_wait3A_102 : memref<480000xf32, #tpu.memory_space<hbm>>) dst(%dma_wait3A_98 : memref<128xf32, #tpu.memory_space<vmem>>)
      %dma_wait3A_103 = arith.constant 256 : i32
      %dma_wait3A_104 = tpu.memref_slice %arg12[%dma_wait3A_103] : memref<384xf32, #tpu.memory_space<vmem>> -> memref<128xf32, #tpu.memory_space<vmem>>
      %dma_wait3A_105 = arith.constant 256 : i32
      %dma_wait3A_106 = tpu.memref_slice %arg11[%dma_wait3A_105] : memref<384xi32, #tpu.memory_space<vmem>> -> memref<128xi32, #tpu.memory_space<vmem>>
      %dma_wait3A_107 = arith.constant 0 : i32
      %dma_wait3A_108 = tpu.memref_slice %arg4[%dma_wait3A_107] : memref<480000xf32, #tpu.memory_space<hbm>> -> memref<480000xf32, #tpu.memory_space<hbm>>
      tpu.wait_indirect_dma semaphore(%arg13 : memref<!tpu.dma_semaphore, #tpu.memory_space<semaphore_mem>>) src(%dma_wait3A_108 : memref<480000xf32, #tpu.memory_space<hbm>>) dst(%dma_wait3A_104 : memref<128xf32, #tpu.memory_space<vmem>>)
      "tpu.region"() ({
        %run_scoped3A = tpu.sem_alloc : memref<!tpu.dma_semaphore, #tpu.memory_space<semaphore_mem>>
        %dma_start3A_109 = arith.constant 0 : i32
        %dma_start3A_110 = tpu.memref_slice %arg10[%add3A, %dma_start3A_109] : memref<32x384xf32, #tpu.memory_space<hbm>> -> memref<1x384xf32, #tpu.memory_space<hbm>>
        %dma_start3A_111 = tpu.memref_squeeze %dma_start3A_110 : memref<1x384xf32, #tpu.memory_space<hbm>> -> memref<384xf32, #tpu.memory_space<hbm>>
        %dma_start3A_112 = arith.constant 0 : i32
        %dma_start3A_113 = tpu.memref_slice %arg10[%add3A, %dma_start3A_112] : memref<32x384xf32, #tpu.memory_space<hbm>> -> memref<1x384xf32, #tpu.memory_space<hbm>>
        %dma_start3A_114 = tpu.memref_squeeze %dma_start3A_113 : memref<1x384xf32, #tpu.memory_space<hbm>> -> memref<384xf32, #tpu.memory_space<hbm>>
        tpu.enqueue_dma source(%arg12 : memref<384xf32, #tpu.memory_space<vmem>>) target(%dma_start3A_114 : memref<384xf32, #tpu.memory_space<hbm>>) target_semaphore(%run_scoped3A : memref<!tpu.dma_semaphore, #tpu.memory_space<semaphore_mem>>)
        %dma_wait3A_115 = arith.constant 0 : i32
        %dma_wait3A_116 = tpu.memref_slice %arg10[%add3A, %dma_wait3A_115] : memref<32x384xf32, #tpu.memory_space<hbm>> -> memref<1x384xf32, #tpu.memory_space<hbm>>
        %dma_wait3A_117 = tpu.memref_squeeze %dma_wait3A_116 : memref<1x384xf32, #tpu.memory_space<hbm>> -> memref<384xf32, #tpu.memory_space<hbm>>
        %dma_wait3A_118 = arith.constant 0 : i32
        %dma_wait3A_119 = tpu.memref_slice %arg10[%add3A, %dma_wait3A_118] : memref<32x384xf32, #tpu.memory_space<hbm>> -> memref<1x384xf32, #tpu.memory_space<hbm>>
        %dma_wait3A_120 = tpu.memref_squeeze %dma_wait3A_119 : memref<1x384xf32, #tpu.memory_space<hbm>> -> memref<384xf32, #tpu.memory_space<hbm>>
        tpu.wait_dma2 semaphore(%run_scoped3A : memref<!tpu.dma_semaphore, #tpu.memory_space<semaphore_mem>>) src(%arg12 : memref<384xf32, #tpu.memory_space<vmem>>) dst(%dma_wait3A_120 : memref<384xf32, #tpu.memory_space<hbm>>)
        tpu.yield
      }) : () -> ()
    } else {
    }
    return
  }
}

module attributes {stable_mosaic.version = 14 : i64} {
  func.func @_assign_body(%arg0: memref<1x384xf32, #tpu.memory_space<vmem>>, %arg1: memref<1x384xf32, #tpu.memory_space<vmem>>, %arg2: memref<1x384xf32, #tpu.memory_space<vmem>>, %arg3: memref<1x384xf32, #tpu.memory_space<vmem>>, %arg4: memref<1x384xf32, #tpu.memory_space<vmem>>, %arg5: memref<32x384xi32, #tpu.memory_space<vmem>>, %arg6: memref<32x384xi32, #tpu.memory_space<vmem>>, %arg7: memref<32x384xi32, #tpu.memory_space<vmem>>, %arg8: memref<8x384xf32, #tpu.memory_space<vmem>>, %arg9: memref<8x384xf32, #tpu.memory_space<vmem>>, %arg10: memref<8x384xf32, #tpu.memory_space<vmem>>) attributes {dimension_semantics = [], scalar_prefetch = 0 : i64, scratch_operands = 0 : i64, tpu.core_type = #tpu.core_type<tc>} {
    %get3A = arith.constant 0 : index
    %get3A_0 = arith.constant 0 : index
    %get3A_1 = vector.load %arg0[%get3A, %get3A_0] : memref<1x384xf32, #tpu.memory_space<vmem>>, vector<1x384xf32>
    %get3A_2 = arith.constant 0 : index
    %get3A_3 = arith.constant 0 : index
    %get3A_4 = vector.load %arg1[%get3A_2, %get3A_3] : memref<1x384xf32, #tpu.memory_space<vmem>>, vector<1x384xf32>
    %get3A_5 = arith.constant 0 : index
    %get3A_6 = arith.constant 0 : index
    %get3A_7 = vector.load %arg2[%get3A_5, %get3A_6] : memref<1x384xf32, #tpu.memory_space<vmem>>, vector<1x384xf32>
    %get3A_8 = arith.constant 0 : index
    %get3A_9 = arith.constant 0 : index
    %get3A_10 = vector.load %arg3[%get3A_8, %get3A_9] : memref<1x384xf32, #tpu.memory_space<vmem>>, vector<1x384xf32>
    %get3A_11 = arith.constant 0 : index
    %get3A_12 = arith.constant 0 : index
    %get3A_13 = vector.load %arg4[%get3A_11, %get3A_12] : memref<1x384xf32, #tpu.memory_space<vmem>>, vector<1x384xf32>
    %iota3A = tpu.iota {dimensions = array<i32: 1>} : vector<1x384xi32>
    %jit3A = arith.constant 20 : i32
    %eq3A = arith.constant 0 : i32
    %eq3A_14 = arith.cmpi eq, %jit3A, %eq3A : i32
    %jit3A_15 = arith.constant 1 : i32
    %select_n3A = arith.select %eq3A_14, %jit3A_15, %jit3A : i32
    %rem3A = vector.broadcast %select_n3A : i32 to vector<1x384xi32>
    %rem3A_16 = arith.remsi %iota3A, %rem3A : vector<1x384xi32>
    %ne3A = arith.constant 0 : i32
    %ne3A_17 = vector.broadcast %ne3A : i32 to vector<1x384xi32>
    %ne3A_18 = arith.cmpi ne, %rem3A_16, %ne3A_17 : vector<1x384xi32>
    %lt3A = arith.constant 0 : i32
    %lt3A_19 = vector.broadcast %lt3A : i32 to vector<1x384xi32>
    %lt3A_20 = arith.cmpi slt, %rem3A_16, %lt3A_19 : vector<1x384xi32>
    %lt3A_21 = arith.constant 0 : i32
    %lt3A_22 = arith.cmpi slt, %select_n3A, %lt3A_21 : i32
    %ne3A_23 = vector.broadcast %lt3A_22 : i1 to vector<1x384xi1>
    %ne3A_24 = vector.broadcast %ne3A_23 : vector<1x384xi1> to vector<1x384xi1>
    %ne3A_25 = arith.xori %lt3A_20, %ne3A_24 : vector<1x384xi1>
    %and3A = arith.andi %ne3A_25, %ne3A_18 : vector<1x384xi1>
    %add3A = vector.broadcast %select_n3A : i32 to vector<1x384xi32>
    %add3A_26 = arith.addi %rem3A_16, %add3A : vector<1x384xi32>
    %select_n3A_27 = arith.select %and3A, %add3A_26, %rem3A_16 : vector<1x384xi1>, vector<1x384xi32>
    %lt3A_28 = arith.constant 320 : i32
    %lt3A_29 = vector.broadcast %lt3A_28 : i32 to vector<1x384xi32>
    %lt3A_30 = arith.cmpi slt, %iota3A, %lt3A_29 : vector<1x384xi32>
    %jit3A_31 = arith.constant 20 : i32
    %div3A = vector.broadcast %jit3A_31 : i32 to vector<1x384xi32>
    %div3A_32 = arith.divsi %iota3A, %div3A : vector<1x384xi32>
    %sign3A = arith.constant 0 : i32
    %sign3A_33 = vector.broadcast %sign3A : i32 to vector<1x384xi32>
    %sign3A_34 = arith.cmpi sgt, %iota3A, %sign3A_33 : vector<1x384xi32>
    %sign3A_35 = arith.extui %sign3A_34 : vector<1x384xi1> to vector<1x384xi32>
    %sign3A_36 = arith.constant 0 : i32
    %sign3A_37 = vector.broadcast %sign3A_36 : i32 to vector<1x384xi32>
    %sign3A_38 = arith.cmpi slt, %iota3A, %sign3A_37 : vector<1x384xi32>
    %sign3A_39 = arith.extui %sign3A_38 : vector<1x384xi1> to vector<1x384xi32>
    %sign3A_40 = arith.subi %sign3A_35, %sign3A_39 : vector<1x384xi32>
    %sign3A_41 = arith.constant 0 : i32
    %sign3A_42 = arith.cmpi sgt, %jit3A_31, %sign3A_41 : i32
    %sign3A_43 = arith.extui %sign3A_42 : i1 to i32
    %sign3A_44 = arith.constant 0 : i32
    %sign3A_45 = arith.cmpi slt, %jit3A_31, %sign3A_44 : i32
    %sign3A_46 = arith.extui %sign3A_45 : i1 to i32
    %sign3A_47 = arith.subi %sign3A_43, %sign3A_46 : i32
    %ne3A_48 = vector.broadcast %sign3A_47 : i32 to vector<1x384xi32>
    %ne3A_49 = arith.cmpi ne, %sign3A_40, %ne3A_48 : vector<1x384xi32>
    %rem3A_50 = vector.broadcast %jit3A_31 : i32 to vector<1x384xi32>
    %rem3A_51 = arith.remsi %iota3A, %rem3A_50 : vector<1x384xi32>
    %ne3A_52 = arith.constant 0 : i32
    %ne3A_53 = vector.broadcast %ne3A_52 : i32 to vector<1x384xi32>
    %ne3A_54 = arith.cmpi ne, %rem3A_51, %ne3A_53 : vector<1x384xi32>
    %and3A_55 = arith.andi %ne3A_49, %ne3A_54 : vector<1x384xi1>
    %sub3A = arith.constant 1 : i32
    %sub3A_56 = vector.broadcast %sub3A : i32 to vector<1x384xi32>
    %sub3A_57 = arith.subi %div3A_32, %sub3A_56 : vector<1x384xi32>
    %select_n3A_58 = arith.select %and3A_55, %sub3A_57, %div3A_32 : vector<1x384xi1>, vector<1x384xi32>
    %min3A = arith.constant 15 : i32
    %min3A_59 = vector.broadcast %min3A : i32 to vector<1x384xi32>
    %min3A_60 = arith.minsi %select_n3A_58, %min3A_59 : vector<1x384xi32>
    %roll3A = arith.constant 1 : i32
    %roll3A_61 = tpu.dynamic_rotate %get3A_1 by %roll3A dim 1 : vector<1x384xf32>, i32 -> vector<1x384xf32>
    %roll3A_62 = arith.constant 2 : i32
    %roll3A_63 = tpu.dynamic_rotate %get3A_1 by %roll3A_62 dim 1 : vector<1x384xf32>, i32 -> vector<1x384xf32>
    %roll3A_64 = arith.constant 3 : i32
    %roll3A_65 = tpu.dynamic_rotate %get3A_1 by %roll3A_64 dim 1 : vector<1x384xf32>, i32 -> vector<1x384xf32>
    %roll3A_66 = arith.constant 4 : i32
    %roll3A_67 = tpu.dynamic_rotate %get3A_1 by %roll3A_66 dim 1 : vector<1x384xf32>, i32 -> vector<1x384xf32>
    %roll3A_68 = arith.constant 5 : i32
    %roll3A_69 = tpu.dynamic_rotate %get3A_1 by %roll3A_68 dim 1 : vector<1x384xf32>, i32 -> vector<1x384xf32>
    %roll3A_70 = arith.constant 6 : i32
    %roll3A_71 = tpu.dynamic_rotate %get3A_1 by %roll3A_70 dim 1 : vector<1x384xf32>, i32 -> vector<1x384xf32>
    %roll3A_72 = arith.constant 7 : i32
    %roll3A_73 = tpu.dynamic_rotate %get3A_1 by %roll3A_72 dim 1 : vector<1x384xf32>, i32 -> vector<1x384xf32>
    %roll3A_74 = arith.constant 8 : i32
    %roll3A_75 = tpu.dynamic_rotate %get3A_1 by %roll3A_74 dim 1 : vector<1x384xf32>, i32 -> vector<1x384xf32>
    %roll3A_76 = arith.constant 9 : i32
    %roll3A_77 = tpu.dynamic_rotate %get3A_1 by %roll3A_76 dim 1 : vector<1x384xf32>, i32 -> vector<1x384xf32>
    %roll3A_78 = arith.constant 10 : i32
    %roll3A_79 = tpu.dynamic_rotate %get3A_1 by %roll3A_78 dim 1 : vector<1x384xf32>, i32 -> vector<1x384xf32>
    %roll3A_80 = arith.constant 11 : i32
    %roll3A_81 = tpu.dynamic_rotate %get3A_1 by %roll3A_80 dim 1 : vector<1x384xf32>, i32 -> vector<1x384xf32>
    %roll3A_82 = arith.constant 12 : i32
    %roll3A_83 = tpu.dynamic_rotate %get3A_1 by %roll3A_82 dim 1 : vector<1x384xf32>, i32 -> vector<1x384xf32>
    %roll3A_84 = arith.constant 13 : i32
    %roll3A_85 = tpu.dynamic_rotate %get3A_1 by %roll3A_84 dim 1 : vector<1x384xf32>, i32 -> vector<1x384xf32>
    %roll3A_86 = arith.constant 14 : i32
    %roll3A_87 = tpu.dynamic_rotate %get3A_1 by %roll3A_86 dim 1 : vector<1x384xf32>, i32 -> vector<1x384xf32>
    %roll3A_88 = arith.constant 15 : i32
    %roll3A_89 = tpu.dynamic_rotate %get3A_1 by %roll3A_88 dim 1 : vector<1x384xf32>, i32 -> vector<1x384xf32>
    %roll3A_90 = arith.constant 16 : i32
    %roll3A_91 = tpu.dynamic_rotate %get3A_1 by %roll3A_90 dim 1 : vector<1x384xf32>, i32 -> vector<1x384xf32>
    %roll3A_92 = arith.constant 17 : i32
    %roll3A_93 = tpu.dynamic_rotate %get3A_1 by %roll3A_92 dim 1 : vector<1x384xf32>, i32 -> vector<1x384xf32>
    %roll3A_94 = arith.constant 18 : i32
    %roll3A_95 = tpu.dynamic_rotate %get3A_1 by %roll3A_94 dim 1 : vector<1x384xf32>, i32 -> vector<1x384xf32>
    %roll3A_96 = arith.constant 19 : i32
    %roll3A_97 = tpu.dynamic_rotate %get3A_1 by %roll3A_96 dim 1 : vector<1x384xf32>, i32 -> vector<1x384xf32>
    %mul3A = arith.constant 8.000000e+01 : f32
    %mul3A_98 = vector.broadcast %mul3A : f32 to vector<1x384xf32>
    %mul3A_99 = arith.mulf %get3A_4, %mul3A_98 : vector<1x384xf32>
    %floor3A = math.floor %mul3A_99 : vector<1x384xf32>
    %jit3A_100 = arith.constant 0.000000e+00 : f32
    %jit3A_101 = arith.constant 7.900000e+01 : f32
    %max3A = vector.broadcast %jit3A_100 : f32 to vector<1x384xf32>
    %max3A_102 = arith.maximumf %max3A, %floor3A : vector<1x384xf32>
    %min3A_103 = vector.broadcast %jit3A_101 : f32 to vector<1x384xf32>
    %min3A_104 = arith.minimumf %min3A_103, %max3A_102 : vector<1x384xf32>
    %mul3A_105 = arith.constant 8.000000e+01 : f32
    %mul3A_106 = vector.broadcast %mul3A_105 : f32 to vector<1x384xf32>
    %mul3A_107 = arith.mulf %get3A_7, %mul3A_106 : vector<1x384xf32>
    %floor3A_108 = math.floor %mul3A_107 : vector<1x384xf32>
    %jit3A_109 = arith.constant 0.000000e+00 : f32
    %jit3A_110 = arith.constant 7.900000e+01 : f32
    %max3A_111 = vector.broadcast %jit3A_109 : f32 to vector<1x384xf32>
    %max3A_112 = arith.maximumf %max3A_111, %floor3A_108 : vector<1x384xf32>
    %min3A_113 = vector.broadcast %jit3A_110 : f32 to vector<1x384xf32>
    %min3A_114 = arith.minimumf %min3A_113, %max3A_112 : vector<1x384xf32>
    %min3A_115 = arith.constant 1.250000e+00 : f32
    %min3A_116 = vector.broadcast %min3A_115 : f32 to vector<1x384xf32>
    %min3A_117 = arith.minimumf %get3A_10, %min3A_116 : vector<1x384xf32>
    %min3A_118 = arith.constant 1.625000e+00 : f32
    %min3A_119 = vector.broadcast %min3A_118 : f32 to vector<1x384xf32>
    %min3A_120 = arith.minimumf %get3A_13, %min3A_119 : vector<1x384xf32>
    %mul3A_121 = arith.mulf %min3A_117, %min3A_120 : vector<1x384xf32>
    %mul3A_122 = arith.mulf %get3A_10, %get3A_13 : vector<1x384xf32>
    %add3A_123 = arith.constant 2.031250e+00 : f32
    %add3A_124 = vector.broadcast %add3A_123 : f32 to vector<1x384xf32>
    %add3A_125 = arith.addf %mul3A_122, %add3A_124 : vector<1x384xf32>
    %sub3A_126 = arith.subf %add3A_125, %mul3A_121 : vector<1x384xf32>
    %add3A_127 = arith.constant 9.99999997E-7 : f32
    %add3A_128 = vector.broadcast %add3A_127 : f32 to vector<1x384xf32>
    %add3A_129 = arith.addf %sub3A_126, %add3A_128 : vector<1x384xf32>
    %div3A_130 = arith.divf %mul3A_121, %add3A_129 : vector<1x384xf32>
    %min3A_131 = arith.constant 2.000000e+00 : f32
    %min3A_132 = vector.broadcast %min3A_131 : f32 to vector<1x384xf32>
    %min3A_133 = arith.minimumf %get3A_10, %min3A_132 : vector<1x384xf32>
    %min3A_134 = arith.constant 3.750000e+00 : f32
    %min3A_135 = vector.broadcast %min3A_134 : f32 to vector<1x384xf32>
    %min3A_136 = arith.minimumf %get3A_13, %min3A_135 : vector<1x384xf32>
    %mul3A_137 = arith.mulf %min3A_133, %min3A_136 : vector<1x384xf32>
    %mul3A_138 = arith.mulf %get3A_10, %get3A_13 : vector<1x384xf32>
    %add3A_139 = arith.constant 7.500000e+00 : f32
    %add3A_140 = vector.broadcast %add3A_139 : f32 to vector<1x384xf32>
    %add3A_141 = arith.addf %mul3A_138, %add3A_140 : vector<1x384xf32>
    %sub3A_142 = arith.subf %add3A_141, %mul3A_137 : vector<1x384xf32>
    %add3A_143 = arith.constant 9.99999997E-7 : f32
    %add3A_144 = vector.broadcast %add3A_143 : f32 to vector<1x384xf32>
    %add3A_145 = arith.addf %sub3A_142, %add3A_144 : vector<1x384xf32>
    %div3A_146 = arith.divf %mul3A_137, %add3A_145 : vector<1x384xf32>
    %min3A_147 = arith.constant 4.125000e+00 : f32
    %min3A_148 = vector.broadcast %min3A_147 : f32 to vector<1x384xf32>
    %min3A_149 = arith.minimumf %get3A_10, %min3A_148 : vector<1x384xf32>
    %min3A_150 = arith.constant 2.875000e+00 : f32
    %min3A_151 = vector.broadcast %min3A_150 : f32 to vector<1x384xf32>
    %min3A_152 = arith.minimumf %get3A_13, %min3A_151 : vector<1x384xf32>
    %mul3A_153 = arith.mulf %min3A_149, %min3A_152 : vector<1x384xf32>
    %mul3A_154 = arith.mulf %get3A_10, %get3A_13 : vector<1x384xf32>
    %add3A_155 = arith.constant 11.859375 : f32
    %add3A_156 = vector.broadcast %add3A_155 : f32 to vector<1x384xf32>
    %add3A_157 = arith.addf %mul3A_154, %add3A_156 : vector<1x384xf32>
    %sub3A_158 = arith.subf %add3A_157, %mul3A_153 : vector<1x384xf32>
    %add3A_159 = arith.constant 9.99999997E-7 : f32
    %add3A_160 = vector.broadcast %add3A_159 : f32 to vector<1x384xf32>
    %add3A_161 = arith.addf %sub3A_158, %add3A_160 : vector<1x384xf32>
    %div3A_162 = arith.divf %mul3A_153, %add3A_161 : vector<1x384xf32>
    %ge3A = arith.cmpf oge, %div3A_130, %div3A_146 : vector<1x384xf32>
    %ge3A_163 = arith.cmpf oge, %div3A_130, %div3A_162 : vector<1x384xf32>
    %ge3A_164 = arith.cmpf oge, %div3A_146, %div3A_162 : vector<1x384xf32>
    %and3A_165 = arith.andi %ge3A, %ge3A_163 : vector<1x384xi1>
    %jit3A_166 = arith.constant 1 : i32
    %jit3A_167 = arith.constant 2 : i32
    %broadcast_in_dim3A = vector.broadcast %jit3A_166 : i32 to vector<1x384xi32>
    %broadcast_in_dim3A_168 = vector.broadcast %jit3A_167 : i32 to vector<1x384xi32>
    %select_n3A_169 = arith.select %ge3A_164, %broadcast_in_dim3A, %broadcast_in_dim3A_168 : vector<1x384xi1>, vector<1x384xi32>
    %jit3A_170 = arith.constant 0 : i32
    %broadcast_in_dim3A_171 = vector.broadcast %jit3A_170 : i32 to vector<1x384xi32>
    %select_n3A_172 = arith.select %and3A_165, %broadcast_in_dim3A_171, %select_n3A_169 : vector<1x384xi1>, vector<1x384xi32>
    %max3A_173 = arith.maximumf %div3A_130, %div3A_146 : vector<1x384xf32>
    %max3A_174 = arith.maximumf %max3A_173, %div3A_162 : vector<1x384xf32>
    %gt3A = arith.constant 3.000000e-01 : f32
    %gt3A_175 = vector.broadcast %gt3A : f32 to vector<1x384xf32>
    %gt3A_176 = arith.cmpf ogt, %max3A_174, %gt3A_175 : vector<1x384xf32>
    %eq3A_177 = arith.constant 0 : i32
    %eq3A_178 = vector.broadcast %eq3A_177 : i32 to vector<1x384xi32>
    %eq3A_179 = arith.cmpi eq, %select_n3A_172, %eq3A_178 : vector<1x384xi32>
    %eq3A_180 = arith.constant 1 : i32
    %eq3A_181 = vector.broadcast %eq3A_180 : i32 to vector<1x384xi32>
    %eq3A_182 = arith.cmpi eq, %select_n3A_172, %eq3A_181 : vector<1x384xi32>
    %jit3A_183 = arith.constant 2.000000e+00 : f32
    %jit3A_184 = arith.constant 4.125000e+00 : f32
    %broadcast_in_dim3A_185 = vector.broadcast %jit3A_183 : f32 to vector<1x384xf32>
    %broadcast_in_dim3A_186 = vector.broadcast %jit3A_184 : f32 to vector<1x384xf32>
    %select_n3A_187 = arith.select %eq3A_182, %broadcast_in_dim3A_185, %broadcast_in_dim3A_186 : vector<1x384xi1>, vector<1x384xf32>
    %jit3A_188 = arith.constant 1.250000e+00 : f32
    %broadcast_in_dim3A_189 = vector.broadcast %jit3A_188 : f32 to vector<1x384xf32>
    %select_n3A_190 = arith.select %eq3A_179, %broadcast_in_dim3A_189, %select_n3A_187 : vector<1x384xi1>, vector<1x384xf32>
    %eq3A_191 = arith.constant 0 : i32
    %eq3A_192 = vector.broadcast %eq3A_191 : i32 to vector<1x384xi32>
    %eq3A_193 = arith.cmpi eq, %select_n3A_172, %eq3A_192 : vector<1x384xi32>
    %eq3A_194 = arith.constant 1 : i32
    %eq3A_195 = vector.broadcast %eq3A_194 : i32 to vector<1x384xi32>
    %eq3A_196 = arith.cmpi eq, %select_n3A_172, %eq3A_195 : vector<1x384xi32>
    %jit3A_197 = arith.constant 3.750000e+00 : f32
    %jit3A_198 = arith.constant 2.875000e+00 : f32
    %broadcast_in_dim3A_199 = vector.broadcast %jit3A_197 : f32 to vector<1x384xf32>
    %broadcast_in_dim3A_200 = vector.broadcast %jit3A_198 : f32 to vector<1x384xf32>
    %select_n3A_201 = arith.select %eq3A_196, %broadcast_in_dim3A_199, %broadcast_in_dim3A_200 : vector<1x384xi1>, vector<1x384xf32>
    %jit3A_202 = arith.constant 1.625000e+00 : f32
    %broadcast_in_dim3A_203 = vector.broadcast %jit3A_202 : f32 to vector<1x384xf32>
    %select_n3A_204 = arith.select %eq3A_193, %broadcast_in_dim3A_203, %select_n3A_201 : vector<1x384xi1>, vector<1x384xf32>
    %mul3A_205 = arith.constant 8.000000e+01 : f32
    %mul3A_206 = vector.broadcast %mul3A_205 : f32 to vector<1x384xf32>
    %mul3A_207 = arith.mulf %get3A_4, %mul3A_206 : vector<1x384xf32>
    %sub3A_208 = arith.subf %mul3A_207, %min3A_104 : vector<1x384xf32>
    %mul3A_209 = arith.constant 8.000000e+01 : f32
    %mul3A_210 = vector.broadcast %mul3A_209 : f32 to vector<1x384xf32>
    %mul3A_211 = arith.mulf %get3A_7, %mul3A_210 : vector<1x384xf32>
    %sub3A_212 = arith.subf %mul3A_211, %min3A_114 : vector<1x384xf32>
    %div3A_213 = arith.divf %get3A_10, %select_n3A_190 : vector<1x384xf32>
    %add3A_214 = arith.constant 9.99999997E-7 : f32
    %add3A_215 = vector.broadcast %add3A_214 : f32 to vector<1x384xf32>
    %add3A_216 = arith.addf %div3A_213, %add3A_215 : vector<1x384xf32>
    %log3A = math.log %add3A_216 : vector<1x384xf32>
    %div3A_217 = arith.divf %get3A_13, %select_n3A_204 : vector<1x384xf32>
    %add3A_218 = arith.constant 9.99999997E-7 : f32
    %add3A_219 = vector.broadcast %add3A_218 : f32 to vector<1x384xf32>
    %add3A_220 = arith.addf %div3A_217, %add3A_219 : vector<1x384xf32>
    %log3A_221 = math.log %add3A_220 : vector<1x384xf32>
    %convert_element_type3A = arith.fptosi %min3A_104 : vector<1x384xf32> to vector<1x384xi32>
    %convert_element_type3A_222 = arith.fptosi %min3A_114 : vector<1x384xf32> to vector<1x384xi32>
    %mul3A_223 = arith.constant 75 : i32
    %mul3A_224 = vector.broadcast %mul3A_223 : i32 to vector<1x384xi32>
    %mul3A_225 = arith.muli %min3A_60, %mul3A_224 : vector<1x384xi32>
    %mul3A_226 = arith.constant 25 : i32
    %mul3A_227 = vector.broadcast %mul3A_226 : i32 to vector<1x384xi32>
    %mul3A_228 = arith.muli %mul3A_227, %select_n3A_172 : vector<1x384xi32>
    %add3A_229 = arith.addi %mul3A_225, %mul3A_228 : vector<1x384xi32>
    %mul3A_230 = arith.constant 80 : i32
    %mul3A_231 = vector.broadcast %mul3A_230 : i32 to vector<1x384xi32>
    %mul3A_232 = arith.muli %add3A_229, %mul3A_231 : vector<1x384xi32>
    %add3A_233 = arith.addi %mul3A_232, %convert_element_type3A_222 : vector<1x384xi32>
    %mul3A_234 = arith.constant 80 : i32
    %mul3A_235 = vector.broadcast %mul3A_234 : i32 to vector<1x384xi32>
    %mul3A_236 = arith.muli %add3A_233, %mul3A_235 : vector<1x384xi32>
    %add3A_237 = arith.addi %mul3A_236, %convert_element_type3A : vector<1x384xi32>
    %and3A_238 = arith.andi %gt3A_176, %lt3A_30 : vector<1x384xi1>
    %jit3A_239 = arith.constant 1.000000e+00 : f32
    %jit3A_240 = arith.constant 0.000000e+00 : f32
    %broadcast_in_dim3A_241 = vector.broadcast %jit3A_239 : f32 to vector<1x384xf32>
    %broadcast_in_dim3A_242 = vector.broadcast %jit3A_240 : f32 to vector<1x384xf32>
    %select_n3A_243 = arith.select %and3A_238, %broadcast_in_dim3A_241, %broadcast_in_dim3A_242 : vector<1x384xi1>, vector<1x384xf32>
    %broadcast_in_dim3A_244 = arith.constant 0.000000e+00 : f32
    %broadcast_in_dim3A_245 = vector.broadcast %broadcast_in_dim3A_244 : f32 to vector<1x384xf32>
    %broadcast_in_dim3A_246 = arith.constant 0.000000e+00 : f32
    %broadcast_in_dim3A_247 = vector.broadcast %broadcast_in_dim3A_246 : f32 to vector<1x384xf32>
    %broadcast_in_dim3A_248 = arith.constant 0.000000e+00 : f32
    %broadcast_in_dim3A_249 = vector.broadcast %broadcast_in_dim3A_248 : f32 to vector<1x384xf32>
    %ge3A_250 = arith.constant 1 : i32
    %ge3A_251 = vector.broadcast %ge3A_250 : i32 to vector<1x384xi32>
    %ge3A_252 = arith.cmpi sge, %select_n3A_27, %ge3A_251 : vector<1x384xi32>
    %roll3A_253 = arith.constant 1 : i32
    %roll3A_254 = tpu.dynamic_rotate %select_n3A_243 by %roll3A_253 dim 1 : vector<1x384xf32>, i32 -> vector<1x384xf32>
    %mul3A_255 = arith.mulf %select_n3A_243, %roll3A_254 : vector<1x384xf32>
    %jit3A_256 = arith.constant 0.000000e+00 : f32
    %broadcast_in_dim3A_257 = vector.broadcast %jit3A_256 : f32 to vector<1x384xf32>
    %select_n3A_258 = arith.select %ge3A_252, %mul3A_255, %broadcast_in_dim3A_257 : vector<1x384xi1>, vector<1x384xf32>
    %roll3A_259 = arith.constant 1 : i32
    %roll3A_260 = tpu.dynamic_rotate %add3A_237 by %roll3A_259 dim 1 : vector<1x384xi32>, i32 -> vector<1x384xi32>
    %eq3A_261 = arith.cmpi eq, %add3A_237, %roll3A_260 : vector<1x384xi32>
    %jit3A_262 = arith.constant 0.000000e+00 : f32
    %broadcast_in_dim3A_263 = vector.broadcast %jit3A_262 : f32 to vector<1x384xf32>
    %select_n3A_264 = arith.select %eq3A_261, %select_n3A_258, %broadcast_in_dim3A_263 : vector<1x384xi1>, vector<1x384xf32>
    %add3A_265 = arith.addf %broadcast_in_dim3A_245, %select_n3A_264 : vector<1x384xf32>
    %eq3A_266 = arith.cmpf oeq, %get3A_1, %roll3A_61 : vector<1x384xf32>
    %jit3A_267 = arith.constant 0.000000e+00 : f32
    %broadcast_in_dim3A_268 = vector.broadcast %jit3A_267 : f32 to vector<1x384xf32>
    %select_n3A_269 = arith.select %eq3A_266, %select_n3A_264, %broadcast_in_dim3A_268 : vector<1x384xi1>, vector<1x384xf32>
    %add3A_270 = arith.addf %broadcast_in_dim3A_249, %select_n3A_269 : vector<1x384xf32>
    %lt3A_271 = arith.constant 19 : i32
    %lt3A_272 = vector.broadcast %lt3A_271 : i32 to vector<1x384xi32>
    %lt3A_273 = arith.cmpi slt, %select_n3A_27, %lt3A_272 : vector<1x384xi32>
    %roll3A_274 = arith.constant 383 : i32
    %roll3A_275 = tpu.dynamic_rotate %select_n3A_243 by %roll3A_274 dim 1 : vector<1x384xf32>, i32 -> vector<1x384xf32>
    %mul3A_276 = arith.mulf %select_n3A_243, %roll3A_275 : vector<1x384xf32>
    %jit3A_277 = arith.constant 0.000000e+00 : f32
    %broadcast_in_dim3A_278 = vector.broadcast %jit3A_277 : f32 to vector<1x384xf32>
    %select_n3A_279 = arith.select %lt3A_273, %mul3A_276, %broadcast_in_dim3A_278 : vector<1x384xi1>, vector<1x384xf32>
    %roll3A_280 = arith.constant 383 : i32
    %roll3A_281 = tpu.dynamic_rotate %add3A_237 by %roll3A_280 dim 1 : vector<1x384xi32>, i32 -> vector<1x384xi32>
    %eq3A_282 = arith.cmpi eq, %add3A_237, %roll3A_281 : vector<1x384xi32>
    %jit3A_283 = arith.constant 0.000000e+00 : f32
    %broadcast_in_dim3A_284 = vector.broadcast %jit3A_283 : f32 to vector<1x384xf32>
    %select_n3A_285 = arith.select %eq3A_282, %select_n3A_279, %broadcast_in_dim3A_284 : vector<1x384xi1>, vector<1x384xf32>
    %add3A_286 = arith.addf %broadcast_in_dim3A_247, %select_n3A_285 : vector<1x384xf32>
    %ge3A_287 = arith.constant 2 : i32
    %ge3A_288 = vector.broadcast %ge3A_287 : i32 to vector<1x384xi32>
    %ge3A_289 = arith.cmpi sge, %select_n3A_27, %ge3A_288 : vector<1x384xi32>
    %roll3A_290 = arith.constant 2 : i32
    %roll3A_291 = tpu.dynamic_rotate %select_n3A_243 by %roll3A_290 dim 1 : vector<1x384xf32>, i32 -> vector<1x384xf32>
    %mul3A_292 = arith.mulf %select_n3A_243, %roll3A_291 : vector<1x384xf32>
    %jit3A_293 = arith.constant 0.000000e+00 : f32
    %broadcast_in_dim3A_294 = vector.broadcast %jit3A_293 : f32 to vector<1x384xf32>
    %select_n3A_295 = arith.select %ge3A_289, %mul3A_292, %broadcast_in_dim3A_294 : vector<1x384xi1>, vector<1x384xf32>
    %roll3A_296 = arith.constant 2 : i32
    %roll3A_297 = tpu.dynamic_rotate %add3A_237 by %roll3A_296 dim 1 : vector<1x384xi32>, i32 -> vector<1x384xi32>
    %eq3A_298 = arith.cmpi eq, %add3A_237, %roll3A_297 : vector<1x384xi32>
    %jit3A_299 = arith.constant 0.000000e+00 : f32
    %broadcast_in_dim3A_300 = vector.broadcast %jit3A_299 : f32 to vector<1x384xf32>
    %select_n3A_301 = arith.select %eq3A_298, %select_n3A_295, %broadcast_in_dim3A_300 : vector<1x384xi1>, vector<1x384xf32>
    %add3A_302 = arith.addf %add3A_265, %select_n3A_301 : vector<1x384xf32>
    %eq3A_303 = arith.cmpf oeq, %get3A_1, %roll3A_63 : vector<1x384xf32>
    %jit3A_304 = arith.constant 0.000000e+00 : f32
    %broadcast_in_dim3A_305 = vector.broadcast %jit3A_304 : f32 to vector<1x384xf32>
    %select_n3A_306 = arith.select %eq3A_303, %select_n3A_301, %broadcast_in_dim3A_305 : vector<1x384xi1>, vector<1x384xf32>
    %add3A_307 = arith.addf %add3A_270, %select_n3A_306 : vector<1x384xf32>
    %lt3A_308 = arith.constant 18 : i32
    %lt3A_309 = vector.broadcast %lt3A_308 : i32 to vector<1x384xi32>
    %lt3A_310 = arith.cmpi slt, %select_n3A_27, %lt3A_309 : vector<1x384xi32>
    %roll3A_311 = arith.constant 382 : i32
    %roll3A_312 = tpu.dynamic_rotate %select_n3A_243 by %roll3A_311 dim 1 : vector<1x384xf32>, i32 -> vector<1x384xf32>
    %mul3A_313 = arith.mulf %select_n3A_243, %roll3A_312 : vector<1x384xf32>
    %jit3A_314 = arith.constant 0.000000e+00 : f32
    %broadcast_in_dim3A_315 = vector.broadcast %jit3A_314 : f32 to vector<1x384xf32>
    %select_n3A_316 = arith.select %lt3A_310, %mul3A_313, %broadcast_in_dim3A_315 : vector<1x384xi1>, vector<1x384xf32>
    %roll3A_317 = arith.constant 382 : i32
    %roll3A_318 = tpu.dynamic_rotate %add3A_237 by %roll3A_317 dim 1 : vector<1x384xi32>, i32 -> vector<1x384xi32>
    %eq3A_319 = arith.cmpi eq, %add3A_237, %roll3A_318 : vector<1x384xi32>
    %jit3A_320 = arith.constant 0.000000e+00 : f32
    %broadcast_in_dim3A_321 = vector.broadcast %jit3A_320 : f32 to vector<1x384xf32>
    %select_n3A_322 = arith.select %eq3A_319, %select_n3A_316, %broadcast_in_dim3A_321 : vector<1x384xi1>, vector<1x384xf32>
    %add3A_323 = arith.addf %add3A_286, %select_n3A_322 : vector<1x384xf32>
    %ge3A_324 = arith.constant 3 : i32
    %ge3A_325 = vector.broadcast %ge3A_324 : i32 to vector<1x384xi32>
    %ge3A_326 = arith.cmpi sge, %select_n3A_27, %ge3A_325 : vector<1x384xi32>
    %roll3A_327 = arith.constant 3 : i32
    %roll3A_328 = tpu.dynamic_rotate %select_n3A_243 by %roll3A_327 dim 1 : vector<1x384xf32>, i32 -> vector<1x384xf32>
    %mul3A_329 = arith.mulf %select_n3A_243, %roll3A_328 : vector<1x384xf32>
    %jit3A_330 = arith.constant 0.000000e+00 : f32
    %broadcast_in_dim3A_331 = vector.broadcast %jit3A_330 : f32 to vector<1x384xf32>
    %select_n3A_332 = arith.select %ge3A_326, %mul3A_329, %broadcast_in_dim3A_331 : vector<1x384xi1>, vector<1x384xf32>
    %roll3A_333 = arith.constant 3 : i32
    %roll3A_334 = tpu.dynamic_rotate %add3A_237 by %roll3A_333 dim 1 : vector<1x384xi32>, i32 -> vector<1x384xi32>
    %eq3A_335 = arith.cmpi eq, %add3A_237, %roll3A_334 : vector<1x384xi32>
    %jit3A_336 = arith.constant 0.000000e+00 : f32
    %broadcast_in_dim3A_337 = vector.broadcast %jit3A_336 : f32 to vector<1x384xf32>
    %select_n3A_338 = arith.select %eq3A_335, %select_n3A_332, %broadcast_in_dim3A_337 : vector<1x384xi1>, vector<1x384xf32>
    %add3A_339 = arith.addf %add3A_302, %select_n3A_338 : vector<1x384xf32>
    %eq3A_340 = arith.cmpf oeq, %get3A_1, %roll3A_65 : vector<1x384xf32>
    %jit3A_341 = arith.constant 0.000000e+00 : f32
    %broadcast_in_dim3A_342 = vector.broadcast %jit3A_341 : f32 to vector<1x384xf32>
    %select_n3A_343 = arith.select %eq3A_340, %select_n3A_338, %broadcast_in_dim3A_342 : vector<1x384xi1>, vector<1x384xf32>
    %add3A_344 = arith.addf %add3A_307, %select_n3A_343 : vector<1x384xf32>
    %lt3A_345 = arith.constant 17 : i32
    %lt3A_346 = vector.broadcast %lt3A_345 : i32 to vector<1x384xi32>
    %lt3A_347 = arith.cmpi slt, %select_n3A_27, %lt3A_346 : vector<1x384xi32>
    %roll3A_348 = arith.constant 381 : i32
    %roll3A_349 = tpu.dynamic_rotate %select_n3A_243 by %roll3A_348 dim 1 : vector<1x384xf32>, i32 -> vector<1x384xf32>
    %mul3A_350 = arith.mulf %select_n3A_243, %roll3A_349 : vector<1x384xf32>
    %jit3A_351 = arith.constant 0.000000e+00 : f32
    %broadcast_in_dim3A_352 = vector.broadcast %jit3A_351 : f32 to vector<1x384xf32>
    %select_n3A_353 = arith.select %lt3A_347, %mul3A_350, %broadcast_in_dim3A_352 : vector<1x384xi1>, vector<1x384xf32>
    %roll3A_354 = arith.constant 381 : i32
    %roll3A_355 = tpu.dynamic_rotate %add3A_237 by %roll3A_354 dim 1 : vector<1x384xi32>, i32 -> vector<1x384xi32>
    %eq3A_356 = arith.cmpi eq, %add3A_237, %roll3A_355 : vector<1x384xi32>
    %jit3A_357 = arith.constant 0.000000e+00 : f32
    %broadcast_in_dim3A_358 = vector.broadcast %jit3A_357 : f32 to vector<1x384xf32>
    %select_n3A_359 = arith.select %eq3A_356, %select_n3A_353, %broadcast_in_dim3A_358 : vector<1x384xi1>, vector<1x384xf32>
    %add3A_360 = arith.addf %add3A_323, %select_n3A_359 : vector<1x384xf32>
    %ge3A_361 = arith.constant 4 : i32
    %ge3A_362 = vector.broadcast %ge3A_361 : i32 to vector<1x384xi32>
    %ge3A_363 = arith.cmpi sge, %select_n3A_27, %ge3A_362 : vector<1x384xi32>
    %roll3A_364 = arith.constant 4 : i32
    %roll3A_365 = tpu.dynamic_rotate %select_n3A_243 by %roll3A_364 dim 1 : vector<1x384xf32>, i32 -> vector<1x384xf32>
    %mul3A_366 = arith.mulf %select_n3A_243, %roll3A_365 : vector<1x384xf32>
    %jit3A_367 = arith.constant 0.000000e+00 : f32
    %broadcast_in_dim3A_368 = vector.broadcast %jit3A_367 : f32 to vector<1x384xf32>
    %select_n3A_369 = arith.select %ge3A_363, %mul3A_366, %broadcast_in_dim3A_368 : vector<1x384xi1>, vector<1x384xf32>
    %roll3A_370 = arith.constant 4 : i32
    %roll3A_371 = tpu.dynamic_rotate %add3A_237 by %roll3A_370 dim 1 : vector<1x384xi32>, i32 -> vector<1x384xi32>
    %eq3A_372 = arith.cmpi eq, %add3A_237, %roll3A_371 : vector<1x384xi32>
    %jit3A_373 = arith.constant 0.000000e+00 : f32
    %broadcast_in_dim3A_374 = vector.broadcast %jit3A_373 : f32 to vector<1x384xf32>
    %select_n3A_375 = arith.select %eq3A_372, %select_n3A_369, %broadcast_in_dim3A_374 : vector<1x384xi1>, vector<1x384xf32>
    %add3A_376 = arith.addf %add3A_339, %select_n3A_375 : vector<1x384xf32>
    %eq3A_377 = arith.cmpf oeq, %get3A_1, %roll3A_67 : vector<1x384xf32>
    %jit3A_378 = arith.constant 0.000000e+00 : f32
    %broadcast_in_dim3A_379 = vector.broadcast %jit3A_378 : f32 to vector<1x384xf32>
    %select_n3A_380 = arith.select %eq3A_377, %select_n3A_375, %broadcast_in_dim3A_379 : vector<1x384xi1>, vector<1x384xf32>
    %add3A_381 = arith.addf %add3A_344, %select_n3A_380 : vector<1x384xf32>
    %lt3A_382 = arith.constant 16 : i32
    %lt3A_383 = vector.broadcast %lt3A_382 : i32 to vector<1x384xi32>
    %lt3A_384 = arith.cmpi slt, %select_n3A_27, %lt3A_383 : vector<1x384xi32>
    %roll3A_385 = arith.constant 380 : i32
    %roll3A_386 = tpu.dynamic_rotate %select_n3A_243 by %roll3A_385 dim 1 : vector<1x384xf32>, i32 -> vector<1x384xf32>
    %mul3A_387 = arith.mulf %select_n3A_243, %roll3A_386 : vector<1x384xf32>
    %jit3A_388 = arith.constant 0.000000e+00 : f32
    %broadcast_in_dim3A_389 = vector.broadcast %jit3A_388 : f32 to vector<1x384xf32>
    %select_n3A_390 = arith.select %lt3A_384, %mul3A_387, %broadcast_in_dim3A_389 : vector<1x384xi1>, vector<1x384xf32>
    %roll3A_391 = arith.constant 380 : i32
    %roll3A_392 = tpu.dynamic_rotate %add3A_237 by %roll3A_391 dim 1 : vector<1x384xi32>, i32 -> vector<1x384xi32>
    %eq3A_393 = arith.cmpi eq, %add3A_237, %roll3A_392 : vector<1x384xi32>
    %jit3A_394 = arith.constant 0.000000e+00 : f32
    %broadcast_in_dim3A_395 = vector.broadcast %jit3A_394 : f32 to vector<1x384xf32>
    %select_n3A_396 = arith.select %eq3A_393, %select_n3A_390, %broadcast_in_dim3A_395 : vector<1x384xi1>, vector<1x384xf32>
    %add3A_397 = arith.addf %add3A_360, %select_n3A_396 : vector<1x384xf32>
    %ge3A_398 = arith.constant 5 : i32
    %ge3A_399 = vector.broadcast %ge3A_398 : i32 to vector<1x384xi32>
    %ge3A_400 = arith.cmpi sge, %select_n3A_27, %ge3A_399 : vector<1x384xi32>
    %roll3A_401 = arith.constant 5 : i32
    %roll3A_402 = tpu.dynamic_rotate %select_n3A_243 by %roll3A_401 dim 1 : vector<1x384xf32>, i32 -> vector<1x384xf32>
    %mul3A_403 = arith.mulf %select_n3A_243, %roll3A_402 : vector<1x384xf32>
    %jit3A_404 = arith.constant 0.000000e+00 : f32
    %broadcast_in_dim3A_405 = vector.broadcast %jit3A_404 : f32 to vector<1x384xf32>
    %select_n3A_406 = arith.select %ge3A_400, %mul3A_403, %broadcast_in_dim3A_405 : vector<1x384xi1>, vector<1x384xf32>
    %roll3A_407 = arith.constant 5 : i32
    %roll3A_408 = tpu.dynamic_rotate %add3A_237 by %roll3A_407 dim 1 : vector<1x384xi32>, i32 -> vector<1x384xi32>
    %eq3A_409 = arith.cmpi eq, %add3A_237, %roll3A_408 : vector<1x384xi32>
    %jit3A_410 = arith.constant 0.000000e+00 : f32
    %broadcast_in_dim3A_411 = vector.broadcast %jit3A_410 : f32 to vector<1x384xf32>
    %select_n3A_412 = arith.select %eq3A_409, %select_n3A_406, %broadcast_in_dim3A_411 : vector<1x384xi1>, vector<1x384xf32>
    %add3A_413 = arith.addf %add3A_376, %select_n3A_412 : vector<1x384xf32>
    %eq3A_414 = arith.cmpf oeq, %get3A_1, %roll3A_69 : vector<1x384xf32>
    %jit3A_415 = arith.constant 0.000000e+00 : f32
    %broadcast_in_dim3A_416 = vector.broadcast %jit3A_415 : f32 to vector<1x384xf32>
    %select_n3A_417 = arith.select %eq3A_414, %select_n3A_412, %broadcast_in_dim3A_416 : vector<1x384xi1>, vector<1x384xf32>
    %add3A_418 = arith.addf %add3A_381, %select_n3A_417 : vector<1x384xf32>
    %lt3A_419 = arith.constant 15 : i32
    %lt3A_420 = vector.broadcast %lt3A_419 : i32 to vector<1x384xi32>
    %lt3A_421 = arith.cmpi slt, %select_n3A_27, %lt3A_420 : vector<1x384xi32>
    %roll3A_422 = arith.constant 379 : i32
    %roll3A_423 = tpu.dynamic_rotate %select_n3A_243 by %roll3A_422 dim 1 : vector<1x384xf32>, i32 -> vector<1x384xf32>
    %mul3A_424 = arith.mulf %select_n3A_243, %roll3A_423 : vector<1x384xf32>
    %jit3A_425 = arith.constant 0.000000e+00 : f32
    %broadcast_in_dim3A_426 = vector.broadcast %jit3A_425 : f32 to vector<1x384xf32>
    %select_n3A_427 = arith.select %lt3A_421, %mul3A_424, %broadcast_in_dim3A_426 : vector<1x384xi1>, vector<1x384xf32>
    %roll3A_428 = arith.constant 379 : i32
    %roll3A_429 = tpu.dynamic_rotate %add3A_237 by %roll3A_428 dim 1 : vector<1x384xi32>, i32 -> vector<1x384xi32>
    %eq3A_430 = arith.cmpi eq, %add3A_237, %roll3A_429 : vector<1x384xi32>
    %jit3A_431 = arith.constant 0.000000e+00 : f32
    %broadcast_in_dim3A_432 = vector.broadcast %jit3A_431 : f32 to vector<1x384xf32>
    %select_n3A_433 = arith.select %eq3A_430, %select_n3A_427, %broadcast_in_dim3A_432 : vector<1x384xi1>, vector<1x384xf32>
    %add3A_434 = arith.addf %add3A_397, %select_n3A_433 : vector<1x384xf32>
    %ge3A_435 = arith.constant 6 : i32
    %ge3A_436 = vector.broadcast %ge3A_435 : i32 to vector<1x384xi32>
    %ge3A_437 = arith.cmpi sge, %select_n3A_27, %ge3A_436 : vector<1x384xi32>
    %roll3A_438 = arith.constant 6 : i32
    %roll3A_439 = tpu.dynamic_rotate %select_n3A_243 by %roll3A_438 dim 1 : vector<1x384xf32>, i32 -> vector<1x384xf32>
    %mul3A_440 = arith.mulf %select_n3A_243, %roll3A_439 : vector<1x384xf32>
    %jit3A_441 = arith.constant 0.000000e+00 : f32
    %broadcast_in_dim3A_442 = vector.broadcast %jit3A_441 : f32 to vector<1x384xf32>
    %select_n3A_443 = arith.select %ge3A_437, %mul3A_440, %broadcast_in_dim3A_442 : vector<1x384xi1>, vector<1x384xf32>
    %roll3A_444 = arith.constant 6 : i32
    %roll3A_445 = tpu.dynamic_rotate %add3A_237 by %roll3A_444 dim 1 : vector<1x384xi32>, i32 -> vector<1x384xi32>
    %eq3A_446 = arith.cmpi eq, %add3A_237, %roll3A_445 : vector<1x384xi32>
    %jit3A_447 = arith.constant 0.000000e+00 : f32
    %broadcast_in_dim3A_448 = vector.broadcast %jit3A_447 : f32 to vector<1x384xf32>
    %select_n3A_449 = arith.select %eq3A_446, %select_n3A_443, %broadcast_in_dim3A_448 : vector<1x384xi1>, vector<1x384xf32>
    %add3A_450 = arith.addf %add3A_413, %select_n3A_449 : vector<1x384xf32>
    %eq3A_451 = arith.cmpf oeq, %get3A_1, %roll3A_71 : vector<1x384xf32>
    %jit3A_452 = arith.constant 0.000000e+00 : f32
    %broadcast_in_dim3A_453 = vector.broadcast %jit3A_452 : f32 to vector<1x384xf32>
    %select_n3A_454 = arith.select %eq3A_451, %select_n3A_449, %broadcast_in_dim3A_453 : vector<1x384xi1>, vector<1x384xf32>
    %add3A_455 = arith.addf %add3A_418, %select_n3A_454 : vector<1x384xf32>
    %lt3A_456 = arith.constant 14 : i32
    %lt3A_457 = vector.broadcast %lt3A_456 : i32 to vector<1x384xi32>
    %lt3A_458 = arith.cmpi slt, %select_n3A_27, %lt3A_457 : vector<1x384xi32>
    %roll3A_459 = arith.constant 378 : i32
    %roll3A_460 = tpu.dynamic_rotate %select_n3A_243 by %roll3A_459 dim 1 : vector<1x384xf32>, i32 -> vector<1x384xf32>
    %mul3A_461 = arith.mulf %select_n3A_243, %roll3A_460 : vector<1x384xf32>
    %jit3A_462 = arith.constant 0.000000e+00 : f32
    %broadcast_in_dim3A_463 = vector.broadcast %jit3A_462 : f32 to vector<1x384xf32>
    %select_n3A_464 = arith.select %lt3A_458, %mul3A_461, %broadcast_in_dim3A_463 : vector<1x384xi1>, vector<1x384xf32>
    %roll3A_465 = arith.constant 378 : i32
    %roll3A_466 = tpu.dynamic_rotate %add3A_237 by %roll3A_465 dim 1 : vector<1x384xi32>, i32 -> vector<1x384xi32>
    %eq3A_467 = arith.cmpi eq, %add3A_237, %roll3A_466 : vector<1x384xi32>
    %jit3A_468 = arith.constant 0.000000e+00 : f32
    %broadcast_in_dim3A_469 = vector.broadcast %jit3A_468 : f32 to vector<1x384xf32>
    %select_n3A_470 = arith.select %eq3A_467, %select_n3A_464, %broadcast_in_dim3A_469 : vector<1x384xi1>, vector<1x384xf32>
    %add3A_471 = arith.addf %add3A_434, %select_n3A_470 : vector<1x384xf32>
    %ge3A_472 = arith.constant 7 : i32
    %ge3A_473 = vector.broadcast %ge3A_472 : i32 to vector<1x384xi32>
    %ge3A_474 = arith.cmpi sge, %select_n3A_27, %ge3A_473 : vector<1x384xi32>
    %roll3A_475 = arith.constant 7 : i32
    %roll3A_476 = tpu.dynamic_rotate %select_n3A_243 by %roll3A_475 dim 1 : vector<1x384xf32>, i32 -> vector<1x384xf32>
    %mul3A_477 = arith.mulf %select_n3A_243, %roll3A_476 : vector<1x384xf32>
    %jit3A_478 = arith.constant 0.000000e+00 : f32
    %broadcast_in_dim3A_479 = vector.broadcast %jit3A_478 : f32 to vector<1x384xf32>
    %select_n3A_480 = arith.select %ge3A_474, %mul3A_477, %broadcast_in_dim3A_479 : vector<1x384xi1>, vector<1x384xf32>
    %roll3A_481 = arith.constant 7 : i32
    %roll3A_482 = tpu.dynamic_rotate %add3A_237 by %roll3A_481 dim 1 : vector<1x384xi32>, i32 -> vector<1x384xi32>
    %eq3A_483 = arith.cmpi eq, %add3A_237, %roll3A_482 : vector<1x384xi32>
    %jit3A_484 = arith.constant 0.000000e+00 : f32
    %broadcast_in_dim3A_485 = vector.broadcast %jit3A_484 : f32 to vector<1x384xf32>
    %select_n3A_486 = arith.select %eq3A_483, %select_n3A_480, %broadcast_in_dim3A_485 : vector<1x384xi1>, vector<1x384xf32>
    %add3A_487 = arith.addf %add3A_450, %select_n3A_486 : vector<1x384xf32>
    %eq3A_488 = arith.cmpf oeq, %get3A_1, %roll3A_73 : vector<1x384xf32>
    %jit3A_489 = arith.constant 0.000000e+00 : f32
    %broadcast_in_dim3A_490 = vector.broadcast %jit3A_489 : f32 to vector<1x384xf32>
    %select_n3A_491 = arith.select %eq3A_488, %select_n3A_486, %broadcast_in_dim3A_490 : vector<1x384xi1>, vector<1x384xf32>
    %add3A_492 = arith.addf %add3A_455, %select_n3A_491 : vector<1x384xf32>
    %lt3A_493 = arith.constant 13 : i32
    %lt3A_494 = vector.broadcast %lt3A_493 : i32 to vector<1x384xi32>
    %lt3A_495 = arith.cmpi slt, %select_n3A_27, %lt3A_494 : vector<1x384xi32>
    %roll3A_496 = arith.constant 377 : i32
    %roll3A_497 = tpu.dynamic_rotate %select_n3A_243 by %roll3A_496 dim 1 : vector<1x384xf32>, i32 -> vector<1x384xf32>
    %mul3A_498 = arith.mulf %select_n3A_243, %roll3A_497 : vector<1x384xf32>
    %jit3A_499 = arith.constant 0.000000e+00 : f32
    %broadcast_in_dim3A_500 = vector.broadcast %jit3A_499 : f32 to vector<1x384xf32>
    %select_n3A_501 = arith.select %lt3A_495, %mul3A_498, %broadcast_in_dim3A_500 : vector<1x384xi1>, vector<1x384xf32>
    %roll3A_502 = arith.constant 377 : i32
    %roll3A_503 = tpu.dynamic_rotate %add3A_237 by %roll3A_502 dim 1 : vector<1x384xi32>, i32 -> vector<1x384xi32>
    %eq3A_504 = arith.cmpi eq, %add3A_237, %roll3A_503 : vector<1x384xi32>
    %jit3A_505 = arith.constant 0.000000e+00 : f32
    %broadcast_in_dim3A_506 = vector.broadcast %jit3A_505 : f32 to vector<1x384xf32>
    %select_n3A_507 = arith.select %eq3A_504, %select_n3A_501, %broadcast_in_dim3A_506 : vector<1x384xi1>, vector<1x384xf32>
    %add3A_508 = arith.addf %add3A_471, %select_n3A_507 : vector<1x384xf32>
    %ge3A_509 = arith.constant 8 : i32
    %ge3A_510 = vector.broadcast %ge3A_509 : i32 to vector<1x384xi32>
    %ge3A_511 = arith.cmpi sge, %select_n3A_27, %ge3A_510 : vector<1x384xi32>
    %roll3A_512 = arith.constant 8 : i32
    %roll3A_513 = tpu.dynamic_rotate %select_n3A_243 by %roll3A_512 dim 1 : vector<1x384xf32>, i32 -> vector<1x384xf32>
    %mul3A_514 = arith.mulf %select_n3A_243, %roll3A_513 : vector<1x384xf32>
    %jit3A_515 = arith.constant 0.000000e+00 : f32
    %broadcast_in_dim3A_516 = vector.broadcast %jit3A_515 : f32 to vector<1x384xf32>
    %select_n3A_517 = arith.select %ge3A_511, %mul3A_514, %broadcast_in_dim3A_516 : vector<1x384xi1>, vector<1x384xf32>
    %roll3A_518 = arith.constant 8 : i32
    %roll3A_519 = tpu.dynamic_rotate %add3A_237 by %roll3A_518 dim 1 : vector<1x384xi32>, i32 -> vector<1x384xi32>
    %eq3A_520 = arith.cmpi eq, %add3A_237, %roll3A_519 : vector<1x384xi32>
    %jit3A_521 = arith.constant 0.000000e+00 : f32
    %broadcast_in_dim3A_522 = vector.broadcast %jit3A_521 : f32 to vector<1x384xf32>
    %select_n3A_523 = arith.select %eq3A_520, %select_n3A_517, %broadcast_in_dim3A_522 : vector<1x384xi1>, vector<1x384xf32>
    %add3A_524 = arith.addf %add3A_487, %select_n3A_523 : vector<1x384xf32>
    %eq3A_525 = arith.cmpf oeq, %get3A_1, %roll3A_75 : vector<1x384xf32>
    %jit3A_526 = arith.constant 0.000000e+00 : f32
    %broadcast_in_dim3A_527 = vector.broadcast %jit3A_526 : f32 to vector<1x384xf32>
    %select_n3A_528 = arith.select %eq3A_525, %select_n3A_523, %broadcast_in_dim3A_527 : vector<1x384xi1>, vector<1x384xf32>
    %add3A_529 = arith.addf %add3A_492, %select_n3A_528 : vector<1x384xf32>
    %lt3A_530 = arith.constant 12 : i32
    %lt3A_531 = vector.broadcast %lt3A_530 : i32 to vector<1x384xi32>
    %lt3A_532 = arith.cmpi slt, %select_n3A_27, %lt3A_531 : vector<1x384xi32>
    %roll3A_533 = arith.constant 376 : i32
    %roll3A_534 = tpu.dynamic_rotate %select_n3A_243 by %roll3A_533 dim 1 : vector<1x384xf32>, i32 -> vector<1x384xf32>
    %mul3A_535 = arith.mulf %select_n3A_243, %roll3A_534 : vector<1x384xf32>
    %jit3A_536 = arith.constant 0.000000e+00 : f32
    %broadcast_in_dim3A_537 = vector.broadcast %jit3A_536 : f32 to vector<1x384xf32>
    %select_n3A_538 = arith.select %lt3A_532, %mul3A_535, %broadcast_in_dim3A_537 : vector<1x384xi1>, vector<1x384xf32>
    %roll3A_539 = arith.constant 376 : i32
    %roll3A_540 = tpu.dynamic_rotate %add3A_237 by %roll3A_539 dim 1 : vector<1x384xi32>, i32 -> vector<1x384xi32>
    %eq3A_541 = arith.cmpi eq, %add3A_237, %roll3A_540 : vector<1x384xi32>
    %jit3A_542 = arith.constant 0.000000e+00 : f32
    %broadcast_in_dim3A_543 = vector.broadcast %jit3A_542 : f32 to vector<1x384xf32>
    %select_n3A_544 = arith.select %eq3A_541, %select_n3A_538, %broadcast_in_dim3A_543 : vector<1x384xi1>, vector<1x384xf32>
    %add3A_545 = arith.addf %add3A_508, %select_n3A_544 : vector<1x384xf32>
    %ge3A_546 = arith.constant 9 : i32
    %ge3A_547 = vector.broadcast %ge3A_546 : i32 to vector<1x384xi32>
    %ge3A_548 = arith.cmpi sge, %select_n3A_27, %ge3A_547 : vector<1x384xi32>
    %roll3A_549 = arith.constant 9 : i32
    %roll3A_550 = tpu.dynamic_rotate %select_n3A_243 by %roll3A_549 dim 1 : vector<1x384xf32>, i32 -> vector<1x384xf32>
    %mul3A_551 = arith.mulf %select_n3A_243, %roll3A_550 : vector<1x384xf32>
    %jit3A_552 = arith.constant 0.000000e+00 : f32
    %broadcast_in_dim3A_553 = vector.broadcast %jit3A_552 : f32 to vector<1x384xf32>
    %select_n3A_554 = arith.select %ge3A_548, %mul3A_551, %broadcast_in_dim3A_553 : vector<1x384xi1>, vector<1x384xf32>
    %roll3A_555 = arith.constant 9 : i32
    %roll3A_556 = tpu.dynamic_rotate %add3A_237 by %roll3A_555 dim 1 : vector<1x384xi32>, i32 -> vector<1x384xi32>
    %eq3A_557 = arith.cmpi eq, %add3A_237, %roll3A_556 : vector<1x384xi32>
    %jit3A_558 = arith.constant 0.000000e+00 : f32
    %broadcast_in_dim3A_559 = vector.broadcast %jit3A_558 : f32 to vector<1x384xf32>
    %select_n3A_560 = arith.select %eq3A_557, %select_n3A_554, %broadcast_in_dim3A_559 : vector<1x384xi1>, vector<1x384xf32>
    %add3A_561 = arith.addf %add3A_524, %select_n3A_560 : vector<1x384xf32>
    %eq3A_562 = arith.cmpf oeq, %get3A_1, %roll3A_77 : vector<1x384xf32>
    %jit3A_563 = arith.constant 0.000000e+00 : f32
    %broadcast_in_dim3A_564 = vector.broadcast %jit3A_563 : f32 to vector<1x384xf32>
    %select_n3A_565 = arith.select %eq3A_562, %select_n3A_560, %broadcast_in_dim3A_564 : vector<1x384xi1>, vector<1x384xf32>
    %add3A_566 = arith.addf %add3A_529, %select_n3A_565 : vector<1x384xf32>
    %lt3A_567 = arith.constant 11 : i32
    %lt3A_568 = vector.broadcast %lt3A_567 : i32 to vector<1x384xi32>
    %lt3A_569 = arith.cmpi slt, %select_n3A_27, %lt3A_568 : vector<1x384xi32>
    %roll3A_570 = arith.constant 375 : i32
    %roll3A_571 = tpu.dynamic_rotate %select_n3A_243 by %roll3A_570 dim 1 : vector<1x384xf32>, i32 -> vector<1x384xf32>
    %mul3A_572 = arith.mulf %select_n3A_243, %roll3A_571 : vector<1x384xf32>
    %jit3A_573 = arith.constant 0.000000e+00 : f32
    %broadcast_in_dim3A_574 = vector.broadcast %jit3A_573 : f32 to vector<1x384xf32>
    %select_n3A_575 = arith.select %lt3A_569, %mul3A_572, %broadcast_in_dim3A_574 : vector<1x384xi1>, vector<1x384xf32>
    %roll3A_576 = arith.constant 375 : i32
    %roll3A_577 = tpu.dynamic_rotate %add3A_237 by %roll3A_576 dim 1 : vector<1x384xi32>, i32 -> vector<1x384xi32>
    %eq3A_578 = arith.cmpi eq, %add3A_237, %roll3A_577 : vector<1x384xi32>
    %jit3A_579 = arith.constant 0.000000e+00 : f32
    %broadcast_in_dim3A_580 = vector.broadcast %jit3A_579 : f32 to vector<1x384xf32>
    %select_n3A_581 = arith.select %eq3A_578, %select_n3A_575, %broadcast_in_dim3A_580 : vector<1x384xi1>, vector<1x384xf32>
    %add3A_582 = arith.addf %add3A_545, %select_n3A_581 : vector<1x384xf32>
    %ge3A_583 = arith.constant 10 : i32
    %ge3A_584 = vector.broadcast %ge3A_583 : i32 to vector<1x384xi32>
    %ge3A_585 = arith.cmpi sge, %select_n3A_27, %ge3A_584 : vector<1x384xi32>
    %roll3A_586 = arith.constant 10 : i32
    %roll3A_587 = tpu.dynamic_rotate %select_n3A_243 by %roll3A_586 dim 1 : vector<1x384xf32>, i32 -> vector<1x384xf32>
    %mul3A_588 = arith.mulf %select_n3A_243, %roll3A_587 : vector<1x384xf32>
    %jit3A_589 = arith.constant 0.000000e+00 : f32
    %broadcast_in_dim3A_590 = vector.broadcast %jit3A_589 : f32 to vector<1x384xf32>
    %select_n3A_591 = arith.select %ge3A_585, %mul3A_588, %broadcast_in_dim3A_590 : vector<1x384xi1>, vector<1x384xf32>
    %roll3A_592 = arith.constant 10 : i32
    %roll3A_593 = tpu.dynamic_rotate %add3A_237 by %roll3A_592 dim 1 : vector<1x384xi32>, i32 -> vector<1x384xi32>
    %eq3A_594 = arith.cmpi eq, %add3A_237, %roll3A_593 : vector<1x384xi32>
    %jit3A_595 = arith.constant 0.000000e+00 : f32
    %broadcast_in_dim3A_596 = vector.broadcast %jit3A_595 : f32 to vector<1x384xf32>
    %select_n3A_597 = arith.select %eq3A_594, %select_n3A_591, %broadcast_in_dim3A_596 : vector<1x384xi1>, vector<1x384xf32>
    %add3A_598 = arith.addf %add3A_561, %select_n3A_597 : vector<1x384xf32>
    %eq3A_599 = arith.cmpf oeq, %get3A_1, %roll3A_79 : vector<1x384xf32>
    %jit3A_600 = arith.constant 0.000000e+00 : f32
    %broadcast_in_dim3A_601 = vector.broadcast %jit3A_600 : f32 to vector<1x384xf32>
    %select_n3A_602 = arith.select %eq3A_599, %select_n3A_597, %broadcast_in_dim3A_601 : vector<1x384xi1>, vector<1x384xf32>
    %add3A_603 = arith.addf %add3A_566, %select_n3A_602 : vector<1x384xf32>
    %lt3A_604 = arith.constant 10 : i32
    %lt3A_605 = vector.broadcast %lt3A_604 : i32 to vector<1x384xi32>
    %lt3A_606 = arith.cmpi slt, %select_n3A_27, %lt3A_605 : vector<1x384xi32>
    %roll3A_607 = arith.constant 374 : i32
    %roll3A_608 = tpu.dynamic_rotate %select_n3A_243 by %roll3A_607 dim 1 : vector<1x384xf32>, i32 -> vector<1x384xf32>
    %mul3A_609 = arith.mulf %select_n3A_243, %roll3A_608 : vector<1x384xf32>
    %jit3A_610 = arith.constant 0.000000e+00 : f32
    %broadcast_in_dim3A_611 = vector.broadcast %jit3A_610 : f32 to vector<1x384xf32>
    %select_n3A_612 = arith.select %lt3A_606, %mul3A_609, %broadcast_in_dim3A_611 : vector<1x384xi1>, vector<1x384xf32>
    %roll3A_613 = arith.constant 374 : i32
    %roll3A_614 = tpu.dynamic_rotate %add3A_237 by %roll3A_613 dim 1 : vector<1x384xi32>, i32 -> vector<1x384xi32>
    %eq3A_615 = arith.cmpi eq, %add3A_237, %roll3A_614 : vector<1x384xi32>
    %jit3A_616 = arith.constant 0.000000e+00 : f32
    %broadcast_in_dim3A_617 = vector.broadcast %jit3A_616 : f32 to vector<1x384xf32>
    %select_n3A_618 = arith.select %eq3A_615, %select_n3A_612, %broadcast_in_dim3A_617 : vector<1x384xi1>, vector<1x384xf32>
    %add3A_619 = arith.addf %add3A_582, %select_n3A_618 : vector<1x384xf32>
    %ge3A_620 = arith.constant 11 : i32
    %ge3A_621 = vector.broadcast %ge3A_620 : i32 to vector<1x384xi32>
    %ge3A_622 = arith.cmpi sge, %select_n3A_27, %ge3A_621 : vector<1x384xi32>
    %roll3A_623 = arith.constant 11 : i32
    %roll3A_624 = tpu.dynamic_rotate %select_n3A_243 by %roll3A_623 dim 1 : vector<1x384xf32>, i32 -> vector<1x384xf32>
    %mul3A_625 = arith.mulf %select_n3A_243, %roll3A_624 : vector<1x384xf32>
    %jit3A_626 = arith.constant 0.000000e+00 : f32
    %broadcast_in_dim3A_627 = vector.broadcast %jit3A_626 : f32 to vector<1x384xf32>
    %select_n3A_628 = arith.select %ge3A_622, %mul3A_625, %broadcast_in_dim3A_627 : vector<1x384xi1>, vector<1x384xf32>
    %roll3A_629 = arith.constant 11 : i32
    %roll3A_630 = tpu.dynamic_rotate %add3A_237 by %roll3A_629 dim 1 : vector<1x384xi32>, i32 -> vector<1x384xi32>
    %eq3A_631 = arith.cmpi eq, %add3A_237, %roll3A_630 : vector<1x384xi32>
    %jit3A_632 = arith.constant 0.000000e+00 : f32
    %broadcast_in_dim3A_633 = vector.broadcast %jit3A_632 : f32 to vector<1x384xf32>
    %select_n3A_634 = arith.select %eq3A_631, %select_n3A_628, %broadcast_in_dim3A_633 : vector<1x384xi1>, vector<1x384xf32>
    %add3A_635 = arith.addf %add3A_598, %select_n3A_634 : vector<1x384xf32>
    %eq3A_636 = arith.cmpf oeq, %get3A_1, %roll3A_81 : vector<1x384xf32>
    %jit3A_637 = arith.constant 0.000000e+00 : f32
    %broadcast_in_dim3A_638 = vector.broadcast %jit3A_637 : f32 to vector<1x384xf32>
    %select_n3A_639 = arith.select %eq3A_636, %select_n3A_634, %broadcast_in_dim3A_638 : vector<1x384xi1>, vector<1x384xf32>
    %add3A_640 = arith.addf %add3A_603, %select_n3A_639 : vector<1x384xf32>
    %lt3A_641 = arith.constant 9 : i32
    %lt3A_642 = vector.broadcast %lt3A_641 : i32 to vector<1x384xi32>
    %lt3A_643 = arith.cmpi slt, %select_n3A_27, %lt3A_642 : vector<1x384xi32>
    %roll3A_644 = arith.constant 373 : i32
    %roll3A_645 = tpu.dynamic_rotate %select_n3A_243 by %roll3A_644 dim 1 : vector<1x384xf32>, i32 -> vector<1x384xf32>
    %mul3A_646 = arith.mulf %select_n3A_243, %roll3A_645 : vector<1x384xf32>
    %jit3A_647 = arith.constant 0.000000e+00 : f32
    %broadcast_in_dim3A_648 = vector.broadcast %jit3A_647 : f32 to vector<1x384xf32>
    %select_n3A_649 = arith.select %lt3A_643, %mul3A_646, %broadcast_in_dim3A_648 : vector<1x384xi1>, vector<1x384xf32>
    %roll3A_650 = arith.constant 373 : i32
    %roll3A_651 = tpu.dynamic_rotate %add3A_237 by %roll3A_650 dim 1 : vector<1x384xi32>, i32 -> vector<1x384xi32>
    %eq3A_652 = arith.cmpi eq, %add3A_237, %roll3A_651 : vector<1x384xi32>
    %jit3A_653 = arith.constant 0.000000e+00 : f32
    %broadcast_in_dim3A_654 = vector.broadcast %jit3A_653 : f32 to vector<1x384xf32>
    %select_n3A_655 = arith.select %eq3A_652, %select_n3A_649, %broadcast_in_dim3A_654 : vector<1x384xi1>, vector<1x384xf32>
    %add3A_656 = arith.addf %add3A_619, %select_n3A_655 : vector<1x384xf32>
    %ge3A_657 = arith.constant 12 : i32
    %ge3A_658 = vector.broadcast %ge3A_657 : i32 to vector<1x384xi32>
    %ge3A_659 = arith.cmpi sge, %select_n3A_27, %ge3A_658 : vector<1x384xi32>
    %roll3A_660 = arith.constant 12 : i32
    %roll3A_661 = tpu.dynamic_rotate %select_n3A_243 by %roll3A_660 dim 1 : vector<1x384xf32>, i32 -> vector<1x384xf32>
    %mul3A_662 = arith.mulf %select_n3A_243, %roll3A_661 : vector<1x384xf32>
    %jit3A_663 = arith.constant 0.000000e+00 : f32
    %broadcast_in_dim3A_664 = vector.broadcast %jit3A_663 : f32 to vector<1x384xf32>
    %select_n3A_665 = arith.select %ge3A_659, %mul3A_662, %broadcast_in_dim3A_664 : vector<1x384xi1>, vector<1x384xf32>
    %roll3A_666 = arith.constant 12 : i32
    %roll3A_667 = tpu.dynamic_rotate %add3A_237 by %roll3A_666 dim 1 : vector<1x384xi32>, i32 -> vector<1x384xi32>
    %eq3A_668 = arith.cmpi eq, %add3A_237, %roll3A_667 : vector<1x384xi32>
    %jit3A_669 = arith.constant 0.000000e+00 : f32
    %broadcast_in_dim3A_670 = vector.broadcast %jit3A_669 : f32 to vector<1x384xf32>
    %select_n3A_671 = arith.select %eq3A_668, %select_n3A_665, %broadcast_in_dim3A_670 : vector<1x384xi1>, vector<1x384xf32>
    %add3A_672 = arith.addf %add3A_635, %select_n3A_671 : vector<1x384xf32>
    %eq3A_673 = arith.cmpf oeq, %get3A_1, %roll3A_83 : vector<1x384xf32>
    %jit3A_674 = arith.constant 0.000000e+00 : f32
    %broadcast_in_dim3A_675 = vector.broadcast %jit3A_674 : f32 to vector<1x384xf32>
    %select_n3A_676 = arith.select %eq3A_673, %select_n3A_671, %broadcast_in_dim3A_675 : vector<1x384xi1>, vector<1x384xf32>
    %add3A_677 = arith.addf %add3A_640, %select_n3A_676 : vector<1x384xf32>
    %lt3A_678 = arith.constant 8 : i32
    %lt3A_679 = vector.broadcast %lt3A_678 : i32 to vector<1x384xi32>
    %lt3A_680 = arith.cmpi slt, %select_n3A_27, %lt3A_679 : vector<1x384xi32>
    %roll3A_681 = arith.constant 372 : i32
    %roll3A_682 = tpu.dynamic_rotate %select_n3A_243 by %roll3A_681 dim 1 : vector<1x384xf32>, i32 -> vector<1x384xf32>
    %mul3A_683 = arith.mulf %select_n3A_243, %roll3A_682 : vector<1x384xf32>
    %jit3A_684 = arith.constant 0.000000e+00 : f32
    %broadcast_in_dim3A_685 = vector.broadcast %jit3A_684 : f32 to vector<1x384xf32>
    %select_n3A_686 = arith.select %lt3A_680, %mul3A_683, %broadcast_in_dim3A_685 : vector<1x384xi1>, vector<1x384xf32>
    %roll3A_687 = arith.constant 372 : i32
    %roll3A_688 = tpu.dynamic_rotate %add3A_237 by %roll3A_687 dim 1 : vector<1x384xi32>, i32 -> vector<1x384xi32>
    %eq3A_689 = arith.cmpi eq, %add3A_237, %roll3A_688 : vector<1x384xi32>
    %jit3A_690 = arith.constant 0.000000e+00 : f32
    %broadcast_in_dim3A_691 = vector.broadcast %jit3A_690 : f32 to vector<1x384xf32>
    %select_n3A_692 = arith.select %eq3A_689, %select_n3A_686, %broadcast_in_dim3A_691 : vector<1x384xi1>, vector<1x384xf32>
    %add3A_693 = arith.addf %add3A_656, %select_n3A_692 : vector<1x384xf32>
    %ge3A_694 = arith.constant 13 : i32
    %ge3A_695 = vector.broadcast %ge3A_694 : i32 to vector<1x384xi32>
    %ge3A_696 = arith.cmpi sge, %select_n3A_27, %ge3A_695 : vector<1x384xi32>
    %roll3A_697 = arith.constant 13 : i32
    %roll3A_698 = tpu.dynamic_rotate %select_n3A_243 by %roll3A_697 dim 1 : vector<1x384xf32>, i32 -> vector<1x384xf32>
    %mul3A_699 = arith.mulf %select_n3A_243, %roll3A_698 : vector<1x384xf32>
    %jit3A_700 = arith.constant 0.000000e+00 : f32
    %broadcast_in_dim3A_701 = vector.broadcast %jit3A_700 : f32 to vector<1x384xf32>
    %select_n3A_702 = arith.select %ge3A_696, %mul3A_699, %broadcast_in_dim3A_701 : vector<1x384xi1>, vector<1x384xf32>
    %roll3A_703 = arith.constant 13 : i32
    %roll3A_704 = tpu.dynamic_rotate %add3A_237 by %roll3A_703 dim 1 : vector<1x384xi32>, i32 -> vector<1x384xi32>
    %eq3A_705 = arith.cmpi eq, %add3A_237, %roll3A_704 : vector<1x384xi32>
    %jit3A_706 = arith.constant 0.000000e+00 : f32
    %broadcast_in_dim3A_707 = vector.broadcast %jit3A_706 : f32 to vector<1x384xf32>
    %select_n3A_708 = arith.select %eq3A_705, %select_n3A_702, %broadcast_in_dim3A_707 : vector<1x384xi1>, vector<1x384xf32>
    %add3A_709 = arith.addf %add3A_672, %select_n3A_708 : vector<1x384xf32>
    %eq3A_710 = arith.cmpf oeq, %get3A_1, %roll3A_85 : vector<1x384xf32>
    %jit3A_711 = arith.constant 0.000000e+00 : f32
    %broadcast_in_dim3A_712 = vector.broadcast %jit3A_711 : f32 to vector<1x384xf32>
    %select_n3A_713 = arith.select %eq3A_710, %select_n3A_708, %broadcast_in_dim3A_712 : vector<1x384xi1>, vector<1x384xf32>
    %add3A_714 = arith.addf %add3A_677, %select_n3A_713 : vector<1x384xf32>
    %lt3A_715 = arith.constant 7 : i32
    %lt3A_716 = vector.broadcast %lt3A_715 : i32 to vector<1x384xi32>
    %lt3A_717 = arith.cmpi slt, %select_n3A_27, %lt3A_716 : vector<1x384xi32>
    %roll3A_718 = arith.constant 371 : i32
    %roll3A_719 = tpu.dynamic_rotate %select_n3A_243 by %roll3A_718 dim 1 : vector<1x384xf32>, i32 -> vector<1x384xf32>
    %mul3A_720 = arith.mulf %select_n3A_243, %roll3A_719 : vector<1x384xf32>
    %jit3A_721 = arith.constant 0.000000e+00 : f32
    %broadcast_in_dim3A_722 = vector.broadcast %jit3A_721 : f32 to vector<1x384xf32>
    %select_n3A_723 = arith.select %lt3A_717, %mul3A_720, %broadcast_in_dim3A_722 : vector<1x384xi1>, vector<1x384xf32>
    %roll3A_724 = arith.constant 371 : i32
    %roll3A_725 = tpu.dynamic_rotate %add3A_237 by %roll3A_724 dim 1 : vector<1x384xi32>, i32 -> vector<1x384xi32>
    %eq3A_726 = arith.cmpi eq, %add3A_237, %roll3A_725 : vector<1x384xi32>
    %jit3A_727 = arith.constant 0.000000e+00 : f32
    %broadcast_in_dim3A_728 = vector.broadcast %jit3A_727 : f32 to vector<1x384xf32>
    %select_n3A_729 = arith.select %eq3A_726, %select_n3A_723, %broadcast_in_dim3A_728 : vector<1x384xi1>, vector<1x384xf32>
    %add3A_730 = arith.addf %add3A_693, %select_n3A_729 : vector<1x384xf32>
    %ge3A_731 = arith.constant 14 : i32
    %ge3A_732 = vector.broadcast %ge3A_731 : i32 to vector<1x384xi32>
    %ge3A_733 = arith.cmpi sge, %select_n3A_27, %ge3A_732 : vector<1x384xi32>
    %roll3A_734 = arith.constant 14 : i32
    %roll3A_735 = tpu.dynamic_rotate %select_n3A_243 by %roll3A_734 dim 1 : vector<1x384xf32>, i32 -> vector<1x384xf32>
    %mul3A_736 = arith.mulf %select_n3A_243, %roll3A_735 : vector<1x384xf32>
    %jit3A_737 = arith.constant 0.000000e+00 : f32
    %broadcast_in_dim3A_738 = vector.broadcast %jit3A_737 : f32 to vector<1x384xf32>
    %select_n3A_739 = arith.select %ge3A_733, %mul3A_736, %broadcast_in_dim3A_738 : vector<1x384xi1>, vector<1x384xf32>
    %roll3A_740 = arith.constant 14 : i32
    %roll3A_741 = tpu.dynamic_rotate %add3A_237 by %roll3A_740 dim 1 : vector<1x384xi32>, i32 -> vector<1x384xi32>
    %eq3A_742 = arith.cmpi eq, %add3A_237, %roll3A_741 : vector<1x384xi32>
    %jit3A_743 = arith.constant 0.000000e+00 : f32
    %broadcast_in_dim3A_744 = vector.broadcast %jit3A_743 : f32 to vector<1x384xf32>
    %select_n3A_745 = arith.select %eq3A_742, %select_n3A_739, %broadcast_in_dim3A_744 : vector<1x384xi1>, vector<1x384xf32>
    %add3A_746 = arith.addf %add3A_709, %select_n3A_745 : vector<1x384xf32>
    %eq3A_747 = arith.cmpf oeq, %get3A_1, %roll3A_87 : vector<1x384xf32>
    %jit3A_748 = arith.constant 0.000000e+00 : f32
    %broadcast_in_dim3A_749 = vector.broadcast %jit3A_748 : f32 to vector<1x384xf32>
    %select_n3A_750 = arith.select %eq3A_747, %select_n3A_745, %broadcast_in_dim3A_749 : vector<1x384xi1>, vector<1x384xf32>
    %add3A_751 = arith.addf %add3A_714, %select_n3A_750 : vector<1x384xf32>
    %lt3A_752 = arith.constant 6 : i32
    %lt3A_753 = vector.broadcast %lt3A_752 : i32 to vector<1x384xi32>
    %lt3A_754 = arith.cmpi slt, %select_n3A_27, %lt3A_753 : vector<1x384xi32>
    %roll3A_755 = arith.constant 370 : i32
    %roll3A_756 = tpu.dynamic_rotate %select_n3A_243 by %roll3A_755 dim 1 : vector<1x384xf32>, i32 -> vector<1x384xf32>
    %mul3A_757 = arith.mulf %select_n3A_243, %roll3A_756 : vector<1x384xf32>
    %jit3A_758 = arith.constant 0.000000e+00 : f32
    %broadcast_in_dim3A_759 = vector.broadcast %jit3A_758 : f32 to vector<1x384xf32>
    %select_n3A_760 = arith.select %lt3A_754, %mul3A_757, %broadcast_in_dim3A_759 : vector<1x384xi1>, vector<1x384xf32>
    %roll3A_761 = arith.constant 370 : i32
    %roll3A_762 = tpu.dynamic_rotate %add3A_237 by %roll3A_761 dim 1 : vector<1x384xi32>, i32 -> vector<1x384xi32>
    %eq3A_763 = arith.cmpi eq, %add3A_237, %roll3A_762 : vector<1x384xi32>
    %jit3A_764 = arith.constant 0.000000e+00 : f32
    %broadcast_in_dim3A_765 = vector.broadcast %jit3A_764 : f32 to vector<1x384xf32>
    %select_n3A_766 = arith.select %eq3A_763, %select_n3A_760, %broadcast_in_dim3A_765 : vector<1x384xi1>, vector<1x384xf32>
    %add3A_767 = arith.addf %add3A_730, %select_n3A_766 : vector<1x384xf32>
    %ge3A_768 = arith.constant 15 : i32
    %ge3A_769 = vector.broadcast %ge3A_768 : i32 to vector<1x384xi32>
    %ge3A_770 = arith.cmpi sge, %select_n3A_27, %ge3A_769 : vector<1x384xi32>
    %roll3A_771 = arith.constant 15 : i32
    %roll3A_772 = tpu.dynamic_rotate %select_n3A_243 by %roll3A_771 dim 1 : vector<1x384xf32>, i32 -> vector<1x384xf32>
    %mul3A_773 = arith.mulf %select_n3A_243, %roll3A_772 : vector<1x384xf32>
    %jit3A_774 = arith.constant 0.000000e+00 : f32
    %broadcast_in_dim3A_775 = vector.broadcast %jit3A_774 : f32 to vector<1x384xf32>
    %select_n3A_776 = arith.select %ge3A_770, %mul3A_773, %broadcast_in_dim3A_775 : vector<1x384xi1>, vector<1x384xf32>
    %roll3A_777 = arith.constant 15 : i32
    %roll3A_778 = tpu.dynamic_rotate %add3A_237 by %roll3A_777 dim 1 : vector<1x384xi32>, i32 -> vector<1x384xi32>
    %eq3A_779 = arith.cmpi eq, %add3A_237, %roll3A_778 : vector<1x384xi32>
    %jit3A_780 = arith.constant 0.000000e+00 : f32
    %broadcast_in_dim3A_781 = vector.broadcast %jit3A_780 : f32 to vector<1x384xf32>
    %select_n3A_782 = arith.select %eq3A_779, %select_n3A_776, %broadcast_in_dim3A_781 : vector<1x384xi1>, vector<1x384xf32>
    %add3A_783 = arith.addf %add3A_746, %select_n3A_782 : vector<1x384xf32>
    %eq3A_784 = arith.cmpf oeq, %get3A_1, %roll3A_89 : vector<1x384xf32>
    %jit3A_785 = arith.constant 0.000000e+00 : f32
    %broadcast_in_dim3A_786 = vector.broadcast %jit3A_785 : f32 to vector<1x384xf32>
    %select_n3A_787 = arith.select %eq3A_784, %select_n3A_782, %broadcast_in_dim3A_786 : vector<1x384xi1>, vector<1x384xf32>
    %add3A_788 = arith.addf %add3A_751, %select_n3A_787 : vector<1x384xf32>
    %lt3A_789 = arith.constant 5 : i32
    %lt3A_790 = vector.broadcast %lt3A_789 : i32 to vector<1x384xi32>
    %lt3A_791 = arith.cmpi slt, %select_n3A_27, %lt3A_790 : vector<1x384xi32>
    %roll3A_792 = arith.constant 369 : i32
    %roll3A_793 = tpu.dynamic_rotate %select_n3A_243 by %roll3A_792 dim 1 : vector<1x384xf32>, i32 -> vector<1x384xf32>
    %mul3A_794 = arith.mulf %select_n3A_243, %roll3A_793 : vector<1x384xf32>
    %jit3A_795 = arith.constant 0.000000e+00 : f32
    %broadcast_in_dim3A_796 = vector.broadcast %jit3A_795 : f32 to vector<1x384xf32>
    %select_n3A_797 = arith.select %lt3A_791, %mul3A_794, %broadcast_in_dim3A_796 : vector<1x384xi1>, vector<1x384xf32>
    %roll3A_798 = arith.constant 369 : i32
    %roll3A_799 = tpu.dynamic_rotate %add3A_237 by %roll3A_798 dim 1 : vector<1x384xi32>, i32 -> vector<1x384xi32>
    %eq3A_800 = arith.cmpi eq, %add3A_237, %roll3A_799 : vector<1x384xi32>
    %jit3A_801 = arith.constant 0.000000e+00 : f32
    %broadcast_in_dim3A_802 = vector.broadcast %jit3A_801 : f32 to vector<1x384xf32>
    %select_n3A_803 = arith.select %eq3A_800, %select_n3A_797, %broadcast_in_dim3A_802 : vector<1x384xi1>, vector<1x384xf32>
    %add3A_804 = arith.addf %add3A_767, %select_n3A_803 : vector<1x384xf32>
    %ge3A_805 = arith.constant 16 : i32
    %ge3A_806 = vector.broadcast %ge3A_805 : i32 to vector<1x384xi32>
    %ge3A_807 = arith.cmpi sge, %select_n3A_27, %ge3A_806 : vector<1x384xi32>
    %roll3A_808 = arith.constant 16 : i32
    %roll3A_809 = tpu.dynamic_rotate %select_n3A_243 by %roll3A_808 dim 1 : vector<1x384xf32>, i32 -> vector<1x384xf32>
    %mul3A_810 = arith.mulf %select_n3A_243, %roll3A_809 : vector<1x384xf32>
    %jit3A_811 = arith.constant 0.000000e+00 : f32
    %broadcast_in_dim3A_812 = vector.broadcast %jit3A_811 : f32 to vector<1x384xf32>
    %select_n3A_813 = arith.select %ge3A_807, %mul3A_810, %broadcast_in_dim3A_812 : vector<1x384xi1>, vector<1x384xf32>
    %roll3A_814 = arith.constant 16 : i32
    %roll3A_815 = tpu.dynamic_rotate %add3A_237 by %roll3A_814 dim 1 : vector<1x384xi32>, i32 -> vector<1x384xi32>
    %eq3A_816 = arith.cmpi eq, %add3A_237, %roll3A_815 : vector<1x384xi32>
    %jit3A_817 = arith.constant 0.000000e+00 : f32
    %broadcast_in_dim3A_818 = vector.broadcast %jit3A_817 : f32 to vector<1x384xf32>
    %select_n3A_819 = arith.select %eq3A_816, %select_n3A_813, %broadcast_in_dim3A_818 : vector<1x384xi1>, vector<1x384xf32>
    %add3A_820 = arith.addf %add3A_783, %select_n3A_819 : vector<1x384xf32>
    %eq3A_821 = arith.cmpf oeq, %get3A_1, %roll3A_91 : vector<1x384xf32>
    %jit3A_822 = arith.constant 0.000000e+00 : f32
    %broadcast_in_dim3A_823 = vector.broadcast %jit3A_822 : f32 to vector<1x384xf32>
    %select_n3A_824 = arith.select %eq3A_821, %select_n3A_819, %broadcast_in_dim3A_823 : vector<1x384xi1>, vector<1x384xf32>
    %add3A_825 = arith.addf %add3A_788, %select_n3A_824 : vector<1x384xf32>
    %lt3A_826 = arith.constant 4 : i32
    %lt3A_827 = vector.broadcast %lt3A_826 : i32 to vector<1x384xi32>
    %lt3A_828 = arith.cmpi slt, %select_n3A_27, %lt3A_827 : vector<1x384xi32>
    %roll3A_829 = arith.constant 368 : i32
    %roll3A_830 = tpu.dynamic_rotate %select_n3A_243 by %roll3A_829 dim 1 : vector<1x384xf32>, i32 -> vector<1x384xf32>
    %mul3A_831 = arith.mulf %select_n3A_243, %roll3A_830 : vector<1x384xf32>
    %jit3A_832 = arith.constant 0.000000e+00 : f32
    %broadcast_in_dim3A_833 = vector.broadcast %jit3A_832 : f32 to vector<1x384xf32>
    %select_n3A_834 = arith.select %lt3A_828, %mul3A_831, %broadcast_in_dim3A_833 : vector<1x384xi1>, vector<1x384xf32>
    %roll3A_835 = arith.constant 368 : i32
    %roll3A_836 = tpu.dynamic_rotate %add3A_237 by %roll3A_835 dim 1 : vector<1x384xi32>, i32 -> vector<1x384xi32>
    %eq3A_837 = arith.cmpi eq, %add3A_237, %roll3A_836 : vector<1x384xi32>
    %jit3A_838 = arith.constant 0.000000e+00 : f32
    %broadcast_in_dim3A_839 = vector.broadcast %jit3A_838 : f32 to vector<1x384xf32>
    %select_n3A_840 = arith.select %eq3A_837, %select_n3A_834, %broadcast_in_dim3A_839 : vector<1x384xi1>, vector<1x384xf32>
    %add3A_841 = arith.addf %add3A_804, %select_n3A_840 : vector<1x384xf32>
    %ge3A_842 = arith.constant 17 : i32
    %ge3A_843 = vector.broadcast %ge3A_842 : i32 to vector<1x384xi32>
    %ge3A_844 = arith.cmpi sge, %select_n3A_27, %ge3A_843 : vector<1x384xi32>
    %roll3A_845 = arith.constant 17 : i32
    %roll3A_846 = tpu.dynamic_rotate %select_n3A_243 by %roll3A_845 dim 1 : vector<1x384xf32>, i32 -> vector<1x384xf32>
    %mul3A_847 = arith.mulf %select_n3A_243, %roll3A_846 : vector<1x384xf32>
    %jit3A_848 = arith.constant 0.000000e+00 : f32
    %broadcast_in_dim3A_849 = vector.broadcast %jit3A_848 : f32 to vector<1x384xf32>
    %select_n3A_850 = arith.select %ge3A_844, %mul3A_847, %broadcast_in_dim3A_849 : vector<1x384xi1>, vector<1x384xf32>
    %roll3A_851 = arith.constant 17 : i32
    %roll3A_852 = tpu.dynamic_rotate %add3A_237 by %roll3A_851 dim 1 : vector<1x384xi32>, i32 -> vector<1x384xi32>
    %eq3A_853 = arith.cmpi eq, %add3A_237, %roll3A_852 : vector<1x384xi32>
    %jit3A_854 = arith.constant 0.000000e+00 : f32
    %broadcast_in_dim3A_855 = vector.broadcast %jit3A_854 : f32 to vector<1x384xf32>
    %select_n3A_856 = arith.select %eq3A_853, %select_n3A_850, %broadcast_in_dim3A_855 : vector<1x384xi1>, vector<1x384xf32>
    %add3A_857 = arith.addf %add3A_820, %select_n3A_856 : vector<1x384xf32>
    %eq3A_858 = arith.cmpf oeq, %get3A_1, %roll3A_93 : vector<1x384xf32>
    %jit3A_859 = arith.constant 0.000000e+00 : f32
    %broadcast_in_dim3A_860 = vector.broadcast %jit3A_859 : f32 to vector<1x384xf32>
    %select_n3A_861 = arith.select %eq3A_858, %select_n3A_856, %broadcast_in_dim3A_860 : vector<1x384xi1>, vector<1x384xf32>
    %add3A_862 = arith.addf %add3A_825, %select_n3A_861 : vector<1x384xf32>
    %lt3A_863 = arith.constant 3 : i32
    %lt3A_864 = vector.broadcast %lt3A_863 : i32 to vector<1x384xi32>
    %lt3A_865 = arith.cmpi slt, %select_n3A_27, %lt3A_864 : vector<1x384xi32>
    %roll3A_866 = arith.constant 367 : i32
    %roll3A_867 = tpu.dynamic_rotate %select_n3A_243 by %roll3A_866 dim 1 : vector<1x384xf32>, i32 -> vector<1x384xf32>
    %mul3A_868 = arith.mulf %select_n3A_243, %roll3A_867 : vector<1x384xf32>
    %jit3A_869 = arith.constant 0.000000e+00 : f32
    %broadcast_in_dim3A_870 = vector.broadcast %jit3A_869 : f32 to vector<1x384xf32>
    %select_n3A_871 = arith.select %lt3A_865, %mul3A_868, %broadcast_in_dim3A_870 : vector<1x384xi1>, vector<1x384xf32>
    %roll3A_872 = arith.constant 367 : i32
    %roll3A_873 = tpu.dynamic_rotate %add3A_237 by %roll3A_872 dim 1 : vector<1x384xi32>, i32 -> vector<1x384xi32>
    %eq3A_874 = arith.cmpi eq, %add3A_237, %roll3A_873 : vector<1x384xi32>
    %jit3A_875 = arith.constant 0.000000e+00 : f32
    %broadcast_in_dim3A_876 = vector.broadcast %jit3A_875 : f32 to vector<1x384xf32>
    %select_n3A_877 = arith.select %eq3A_874, %select_n3A_871, %broadcast_in_dim3A_876 : vector<1x384xi1>, vector<1x384xf32>
    %add3A_878 = arith.addf %add3A_841, %select_n3A_877 : vector<1x384xf32>
    %ge3A_879 = arith.constant 18 : i32
    %ge3A_880 = vector.broadcast %ge3A_879 : i32 to vector<1x384xi32>
    %ge3A_881 = arith.cmpi sge, %select_n3A_27, %ge3A_880 : vector<1x384xi32>
    %roll3A_882 = arith.constant 18 : i32
    %roll3A_883 = tpu.dynamic_rotate %select_n3A_243 by %roll3A_882 dim 1 : vector<1x384xf32>, i32 -> vector<1x384xf32>
    %mul3A_884 = arith.mulf %select_n3A_243, %roll3A_883 : vector<1x384xf32>
    %jit3A_885 = arith.constant 0.000000e+00 : f32
    %broadcast_in_dim3A_886 = vector.broadcast %jit3A_885 : f32 to vector<1x384xf32>
    %select_n3A_887 = arith.select %ge3A_881, %mul3A_884, %broadcast_in_dim3A_886 : vector<1x384xi1>, vector<1x384xf32>
    %roll3A_888 = arith.constant 18 : i32
    %roll3A_889 = tpu.dynamic_rotate %add3A_237 by %roll3A_888 dim 1 : vector<1x384xi32>, i32 -> vector<1x384xi32>
    %eq3A_890 = arith.cmpi eq, %add3A_237, %roll3A_889 : vector<1x384xi32>
    %jit3A_891 = arith.constant 0.000000e+00 : f32
    %broadcast_in_dim3A_892 = vector.broadcast %jit3A_891 : f32 to vector<1x384xf32>
    %select_n3A_893 = arith.select %eq3A_890, %select_n3A_887, %broadcast_in_dim3A_892 : vector<1x384xi1>, vector<1x384xf32>
    %add3A_894 = arith.addf %add3A_857, %select_n3A_893 : vector<1x384xf32>
    %eq3A_895 = arith.cmpf oeq, %get3A_1, %roll3A_95 : vector<1x384xf32>
    %jit3A_896 = arith.constant 0.000000e+00 : f32
    %broadcast_in_dim3A_897 = vector.broadcast %jit3A_896 : f32 to vector<1x384xf32>
    %select_n3A_898 = arith.select %eq3A_895, %select_n3A_893, %broadcast_in_dim3A_897 : vector<1x384xi1>, vector<1x384xf32>
    %add3A_899 = arith.addf %add3A_862, %select_n3A_898 : vector<1x384xf32>
    %lt3A_900 = arith.constant 2 : i32
    %lt3A_901 = vector.broadcast %lt3A_900 : i32 to vector<1x384xi32>
    %lt3A_902 = arith.cmpi slt, %select_n3A_27, %lt3A_901 : vector<1x384xi32>
    %roll3A_903 = arith.constant 366 : i32
    %roll3A_904 = tpu.dynamic_rotate %select_n3A_243 by %roll3A_903 dim 1 : vector<1x384xf32>, i32 -> vector<1x384xf32>
    %mul3A_905 = arith.mulf %select_n3A_243, %roll3A_904 : vector<1x384xf32>
    %jit3A_906 = arith.constant 0.000000e+00 : f32
    %broadcast_in_dim3A_907 = vector.broadcast %jit3A_906 : f32 to vector<1x384xf32>
    %select_n3A_908 = arith.select %lt3A_902, %mul3A_905, %broadcast_in_dim3A_907 : vector<1x384xi1>, vector<1x384xf32>
    %roll3A_909 = arith.constant 366 : i32
    %roll3A_910 = tpu.dynamic_rotate %add3A_237 by %roll3A_909 dim 1 : vector<1x384xi32>, i32 -> vector<1x384xi32>
    %eq3A_911 = arith.cmpi eq, %add3A_237, %roll3A_910 : vector<1x384xi32>
    %jit3A_912 = arith.constant 0.000000e+00 : f32
    %broadcast_in_dim3A_913 = vector.broadcast %jit3A_912 : f32 to vector<1x384xf32>
    %select_n3A_914 = arith.select %eq3A_911, %select_n3A_908, %broadcast_in_dim3A_913 : vector<1x384xi1>, vector<1x384xf32>
    %add3A_915 = arith.addf %add3A_878, %select_n3A_914 : vector<1x384xf32>
    %ge3A_916 = arith.constant 19 : i32
    %ge3A_917 = vector.broadcast %ge3A_916 : i32 to vector<1x384xi32>
    %ge3A_918 = arith.cmpi sge, %select_n3A_27, %ge3A_917 : vector<1x384xi32>
    %roll3A_919 = arith.constant 19 : i32
    %roll3A_920 = tpu.dynamic_rotate %select_n3A_243 by %roll3A_919 dim 1 : vector<1x384xf32>, i32 -> vector<1x384xf32>
    %mul3A_921 = arith.mulf %select_n3A_243, %roll3A_920 : vector<1x384xf32>
    %jit3A_922 = arith.constant 0.000000e+00 : f32
    %broadcast_in_dim3A_923 = vector.broadcast %jit3A_922 : f32 to vector<1x384xf32>
    %select_n3A_924 = arith.select %ge3A_918, %mul3A_921, %broadcast_in_dim3A_923 : vector<1x384xi1>, vector<1x384xf32>
    %roll3A_925 = arith.constant 19 : i32
    %roll3A_926 = tpu.dynamic_rotate %add3A_237 by %roll3A_925 dim 1 : vector<1x384xi32>, i32 -> vector<1x384xi32>
    %eq3A_927 = arith.cmpi eq, %add3A_237, %roll3A_926 : vector<1x384xi32>
    %jit3A_928 = arith.constant 0.000000e+00 : f32
    %broadcast_in_dim3A_929 = vector.broadcast %jit3A_928 : f32 to vector<1x384xf32>
    %select_n3A_930 = arith.select %eq3A_927, %select_n3A_924, %broadcast_in_dim3A_929 : vector<1x384xi1>, vector<1x384xf32>
    %add3A_931 = arith.addf %add3A_894, %select_n3A_930 : vector<1x384xf32>
    %eq3A_932 = arith.cmpf oeq, %get3A_1, %roll3A_97 : vector<1x384xf32>
    %jit3A_933 = arith.constant 0.000000e+00 : f32
    %broadcast_in_dim3A_934 = vector.broadcast %jit3A_933 : f32 to vector<1x384xf32>
    %select_n3A_935 = arith.select %eq3A_932, %select_n3A_930, %broadcast_in_dim3A_934 : vector<1x384xi1>, vector<1x384xf32>
    %add3A_936 = arith.addf %add3A_899, %select_n3A_935 : vector<1x384xf32>
    %lt3A_937 = arith.constant 1 : i32
    %lt3A_938 = vector.broadcast %lt3A_937 : i32 to vector<1x384xi32>
    %lt3A_939 = arith.cmpi slt, %select_n3A_27, %lt3A_938 : vector<1x384xi32>
    %roll3A_940 = arith.constant 365 : i32
    %roll3A_941 = tpu.dynamic_rotate %select_n3A_243 by %roll3A_940 dim 1 : vector<1x384xf32>, i32 -> vector<1x384xf32>
    %mul3A_942 = arith.mulf %select_n3A_243, %roll3A_941 : vector<1x384xf32>
    %jit3A_943 = arith.constant 0.000000e+00 : f32
    %broadcast_in_dim3A_944 = vector.broadcast %jit3A_943 : f32 to vector<1x384xf32>
    %select_n3A_945 = arith.select %lt3A_939, %mul3A_942, %broadcast_in_dim3A_944 : vector<1x384xi1>, vector<1x384xf32>
    %roll3A_946 = arith.constant 365 : i32
    %roll3A_947 = tpu.dynamic_rotate %add3A_237 by %roll3A_946 dim 1 : vector<1x384xi32>, i32 -> vector<1x384xi32>
    %eq3A_948 = arith.cmpi eq, %add3A_237, %roll3A_947 : vector<1x384xi32>
    %jit3A_949 = arith.constant 0.000000e+00 : f32
    %broadcast_in_dim3A_950 = vector.broadcast %jit3A_949 : f32 to vector<1x384xf32>
    %select_n3A_951 = arith.select %eq3A_948, %select_n3A_945, %broadcast_in_dim3A_950 : vector<1x384xi1>, vector<1x384xf32>
    %add3A_952 = arith.addf %add3A_915, %select_n3A_951 : vector<1x384xf32>
    %eq3A_953 = arith.constant 0.000000e+00 : f32
    %eq3A_954 = vector.broadcast %eq3A_953 : f32 to vector<1x384xf32>
    %eq3A_955 = arith.cmpf oeq, %add3A_931, %eq3A_954 : vector<1x384xf32>
    %jit3A_956 = arith.constant 1.000000e+00 : f32
    %jit3A_957 = arith.constant 0.000000e+00 : f32
    %broadcast_in_dim3A_958 = vector.broadcast %jit3A_956 : f32 to vector<1x384xf32>
    %broadcast_in_dim3A_959 = vector.broadcast %jit3A_957 : f32 to vector<1x384xf32>
    %select_n3A_960 = arith.select %eq3A_955, %broadcast_in_dim3A_958, %broadcast_in_dim3A_959 : vector<1x384xi1>, vector<1x384xf32>
    %mul3A_961 = arith.mulf %select_n3A_243, %select_n3A_960 : vector<1x384xf32>
    %eq3A_962 = arith.constant 0.000000e+00 : f32
    %eq3A_963 = vector.broadcast %eq3A_962 : f32 to vector<1x384xf32>
    %eq3A_964 = arith.cmpf oeq, %add3A_952, %eq3A_963 : vector<1x384xf32>
    %jit3A_965 = arith.constant 1.000000e+00 : f32
    %jit3A_966 = arith.constant 0.000000e+00 : f32
    %broadcast_in_dim3A_967 = vector.broadcast %jit3A_965 : f32 to vector<1x384xf32>
    %broadcast_in_dim3A_968 = vector.broadcast %jit3A_966 : f32 to vector<1x384xf32>
    %select_n3A_969 = arith.select %eq3A_964, %broadcast_in_dim3A_967, %broadcast_in_dim3A_968 : vector<1x384xi1>, vector<1x384xf32>
    %mul3A_970 = arith.mulf %select_n3A_243, %select_n3A_969 : vector<1x384xf32>
    %eq3A_971 = arith.constant 0.000000e+00 : f32
    %eq3A_972 = vector.broadcast %eq3A_971 : f32 to vector<1x384xf32>
    %eq3A_973 = arith.cmpf oeq, %add3A_936, %eq3A_972 : vector<1x384xf32>
    %jit3A_974 = arith.constant 1.000000e+00 : f32
    %jit3A_975 = arith.constant 0.000000e+00 : f32
    %broadcast_in_dim3A_976 = vector.broadcast %jit3A_974 : f32 to vector<1x384xf32>
    %broadcast_in_dim3A_977 = vector.broadcast %jit3A_975 : f32 to vector<1x384xf32>
    %select_n3A_978 = arith.select %eq3A_973, %broadcast_in_dim3A_976, %broadcast_in_dim3A_977 : vector<1x384xi1>, vector<1x384xf32>
    %mul3A_979 = arith.mulf %select_n3A_243, %select_n3A_978 : vector<1x384xf32>
    %concatenate3A = tpu.concatenate %sub3A_208, %sub3A_212, %log3A, %log3A_221, %mul3A_961, %mul3A_970, %mul3A_979, %get3A_1 in 0 : vector<1x384xf32>, vector<1x384xf32>, vector<1x384xf32>, vector<1x384xf32>, vector<1x384xf32>, vector<1x384xf32>, vector<1x384xf32>, vector<1x384xf32> -> vector<8x384xf32>
    %swap3A = arith.constant 0 : index
    %swap3A_980 = arith.constant 0 : index
    %swap3A_981 = vector.load %arg8[%swap3A, %swap3A_980] : memref<8x384xf32, #tpu.memory_space<vmem>>, vector<8x384xf32>
    tpu.vector_store %arg8[%swap3A, %swap3A_980], %concatenate3A {strides = array<i32>} : memref<8x384xf32, #tpu.memory_space<vmem>>, vector<8x384xf32>,
    %iota3A_982 = tpu.iota {dimensions = array<i32: 0>} : vector<32x384xi32>
    %min3A_983 = arith.constant 24 : i32
    %min3A_984 = vector.broadcast %min3A_983 : i32 to vector<32x384xi32>
    %min3A_985 = arith.minsi %iota3A_982, %min3A_984 : vector<32x384xi32>
    %broadcast_in_dim3A_986 = vector.shape_cast %add3A_237 : vector<1x384xi32> to vector<1x384xi32>
    %broadcast_in_dim3A_987 = vector.broadcast %broadcast_in_dim3A_986 : vector<1x384xi32> to vector<32x384xi32>
    %mul3A_988 = arith.constant 6400 : i32
    %mul3A_989 = vector.broadcast %mul3A_988 : i32 to vector<32x384xi32>
    %mul3A_990 = arith.muli %min3A_985, %mul3A_989 : vector<32x384xi32>
    %add3A_991 = arith.addi %broadcast_in_dim3A_987, %mul3A_990 : vector<32x384xi32>
    %swap3A_992 = arith.constant 0 : index
    %swap3A_993 = arith.constant 0 : index
    %swap3A_994 = vector.load %arg5[%swap3A_992, %swap3A_993] : memref<32x384xi32, #tpu.memory_space<vmem>>, vector<32x384xi32>
    tpu.vector_store %arg5[%swap3A_992, %swap3A_993], %add3A_991 {strides = array<i32>} : memref<32x384xi32, #tpu.memory_space<vmem>>, vector<32x384xi32>,
    %mul3A_995 = arith.constant 4.000000e+01 : f32
    %mul3A_996 = vector.broadcast %mul3A_995 : f32 to vector<1x384xf32>
    %mul3A_997 = arith.mulf %get3A_4, %mul3A_996 : vector<1x384xf32>
    %floor3A_998 = math.floor %mul3A_997 : vector<1x384xf32>
    %jit3A_999 = arith.constant 0.000000e+00 : f32
    %jit3A_1000 = arith.constant 3.900000e+01 : f32
    %max3A_1001 = vector.broadcast %jit3A_999 : f32 to vector<1x384xf32>
    %max3A_1002 = arith.maximumf %max3A_1001, %floor3A_998 : vector<1x384xf32>
    %min3A_1003 = vector.broadcast %jit3A_1000 : f32 to vector<1x384xf32>
    %min3A_1004 = arith.minimumf %min3A_1003, %max3A_1002 : vector<1x384xf32>
    %mul3A_1005 = arith.constant 4.000000e+01 : f32
    %mul3A_1006 = vector.broadcast %mul3A_1005 : f32 to vector<1x384xf32>
    %mul3A_1007 = arith.mulf %get3A_7, %mul3A_1006 : vector<1x384xf32>
    %floor3A_1008 = math.floor %mul3A_1007 : vector<1x384xf32>
    %jit3A_1009 = arith.constant 0.000000e+00 : f32
    %jit3A_1010 = arith.constant 3.900000e+01 : f32
    %max3A_1011 = vector.broadcast %jit3A_1009 : f32 to vector<1x384xf32>
    %max3A_1012 = arith.maximumf %max3A_1011, %floor3A_1008 : vector<1x384xf32>
    %min3A_1013 = vector.broadcast %jit3A_1010 : f32 to vector<1x384xf32>
    %min3A_1014 = arith.minimumf %min3A_1013, %max3A_1012 : vector<1x384xf32>
    %min3A_1015 = arith.constant 1.875000e+00 : f32
    %min3A_1016 = vector.broadcast %min3A_1015 : f32 to vector<1x384xf32>
    %min3A_1017 = arith.minimumf %get3A_10, %min3A_1016 : vector<1x384xf32>
    %min3A_1018 = arith.constant 3.812500e+00 : f32
    %min3A_1019 = vector.broadcast %min3A_1018 : f32 to vector<1x384xf32>
    %min3A_1020 = arith.minimumf %get3A_13, %min3A_1019 : vector<1x384xf32>
    %mul3A_1021 = arith.mulf %min3A_1017, %min3A_1020 : vector<1x384xf32>
    %mul3A_1022 = arith.mulf %get3A_10, %get3A_13 : vector<1x384xf32>
    %add3A_1023 = arith.constant 7.1484375 : f32
    %add3A_1024 = vector.broadcast %add3A_1023 : f32 to vector<1x384xf32>
    %add3A_1025 = arith.addf %mul3A_1022, %add3A_1024 : vector<1x384xf32>
    %sub3A_1026 = arith.subf %add3A_1025, %mul3A_1021 : vector<1x384xf32>
    %add3A_1027 = arith.constant 9.99999997E-7 : f32
    %add3A_1028 = vector.broadcast %add3A_1027 : f32 to vector<1x384xf32>
    %add3A_1029 = arith.addf %sub3A_1026, %add3A_1028 : vector<1x384xf32>
    %div3A_1030 = arith.divf %mul3A_1021, %add3A_1029 : vector<1x384xf32>
    %min3A_1031 = arith.constant 3.875000e+00 : f32
    %min3A_1032 = vector.broadcast %min3A_1031 : f32 to vector<1x384xf32>
    %min3A_1033 = arith.minimumf %get3A_10, %min3A_1032 : vector<1x384xf32>
    %min3A_1034 = arith.constant 2.812500e+00 : f32
    %min3A_1035 = vector.broadcast %min3A_1034 : f32 to vector<1x384xf32>
    %min3A_1036 = arith.minimumf %get3A_13, %min3A_1035 : vector<1x384xf32>
    %mul3A_1037 = arith.mulf %min3A_1033, %min3A_1036 : vector<1x384xf32>
    %mul3A_1038 = arith.mulf %get3A_10, %get3A_13 : vector<1x384xf32>
    %add3A_1039 = arith.constant 10.8984375 : f32
    %add3A_1040 = vector.broadcast %add3A_1039 : f32 to vector<1x384xf32>
    %add3A_1041 = arith.addf %mul3A_1038, %add3A_1040 : vector<1x384xf32>
    %sub3A_1042 = arith.subf %add3A_1041, %mul3A_1037 : vector<1x384xf32>
    %add3A_1043 = arith.constant 9.99999997E-7 : f32
    %add3A_1044 = vector.broadcast %add3A_1043 : f32 to vector<1x384xf32>
    %add3A_1045 = arith.addf %sub3A_1042, %add3A_1044 : vector<1x384xf32>
    %div3A_1046 = arith.divf %mul3A_1037, %add3A_1045 : vector<1x384xf32>
    %min3A_1047 = arith.constant 3.687500e+00 : f32
    %min3A_1048 = vector.broadcast %min3A_1047 : f32 to vector<1x384xf32>
    %min3A_1049 = arith.minimumf %get3A_10, %min3A_1048 : vector<1x384xf32>
    %min3A_1050 = arith.constant 7.437500e+00 : f32
    %min3A_1051 = vector.broadcast %min3A_1050 : f32 to vector<1x384xf32>
    %min3A_1052 = arith.minimumf %get3A_13, %min3A_1051 : vector<1x384xf32>
    %mul3A_1053 = arith.mulf %min3A_1049, %min3A_1052 : vector<1x384xf32>
    %mul3A_1054 = arith.mulf %get3A_10, %get3A_13 : vector<1x384xf32>
    %add3A_1055 = arith.constant 27.4257813 : f32
    %add3A_1056 = vector.broadcast %add3A_1055 : f32 to vector<1x384xf32>
    %add3A_1057 = arith.addf %mul3A_1054, %add3A_1056 : vector<1x384xf32>
    %sub3A_1058 = arith.subf %add3A_1057, %mul3A_1053 : vector<1x384xf32>
    %add3A_1059 = arith.constant 9.99999997E-7 : f32
    %add3A_1060 = vector.broadcast %add3A_1059 : f32 to vector<1x384xf32>
    %add3A_1061 = arith.addf %sub3A_1058, %add3A_1060 : vector<1x384xf32>
    %div3A_1062 = arith.divf %mul3A_1053, %add3A_1061 : vector<1x384xf32>
    %ge3A_1063 = arith.cmpf oge, %div3A_1030, %div3A_1046 : vector<1x384xf32>
    %ge3A_1064 = arith.cmpf oge, %div3A_1030, %div3A_1062 : vector<1x384xf32>
    %ge3A_1065 = arith.cmpf oge, %div3A_1046, %div3A_1062 : vector<1x384xf32>
    %and3A_1066 = arith.andi %ge3A_1063, %ge3A_1064 : vector<1x384xi1>
    %jit3A_1067 = arith.constant 1 : i32
    %jit3A_1068 = arith.constant 2 : i32
    %broadcast_in_dim3A_1069 = vector.broadcast %jit3A_1067 : i32 to vector<1x384xi32>
    %broadcast_in_dim3A_1070 = vector.broadcast %jit3A_1068 : i32 to vector<1x384xi32>
    %select_n3A_1071 = arith.select %ge3A_1065, %broadcast_in_dim3A_1069, %broadcast_in_dim3A_1070 : vector<1x384xi1>, vector<1x384xi32>
    %jit3A_1072 = arith.constant 0 : i32
    %broadcast_in_dim3A_1073 = vector.broadcast %jit3A_1072 : i32 to vector<1x384xi32>
    %select_n3A_1074 = arith.select %and3A_1066, %broadcast_in_dim3A_1073, %select_n3A_1071 : vector<1x384xi1>, vector<1x384xi32>
    %max3A_1075 = arith.maximumf %div3A_1030, %div3A_1046 : vector<1x384xf32>
    %max3A_1076 = arith.maximumf %max3A_1075, %div3A_1062 : vector<1x384xf32>
    %gt3A_1077 = arith.constant 3.000000e-01 : f32
    %gt3A_1078 = vector.broadcast %gt3A_1077 : f32 to vector<1x384xf32>
    %gt3A_1079 = arith.cmpf ogt, %max3A_1076, %gt3A_1078 : vector<1x384xf32>
    %eq3A_1080 = arith.constant 0 : i32
    %eq3A_1081 = vector.broadcast %eq3A_1080 : i32 to vector<1x384xi32>
    %eq3A_1082 = arith.cmpi eq, %select_n3A_1074, %eq3A_1081 : vector<1x384xi32>
    %eq3A_1083 = arith.constant 1 : i32
    %eq3A_1084 = vector.broadcast %eq3A_1083 : i32 to vector<1x384xi32>
    %eq3A_1085 = arith.cmpi eq, %select_n3A_1074, %eq3A_1084 : vector<1x384xi32>
    %jit3A_1086 = arith.constant 3.875000e+00 : f32
    %jit3A_1087 = arith.constant 3.687500e+00 : f32
    %broadcast_in_dim3A_1088 = vector.broadcast %jit3A_1086 : f32 to vector<1x384xf32>
    %broadcast_in_dim3A_1089 = vector.broadcast %jit3A_1087 : f32 to vector<1x384xf32>
    %select_n3A_1090 = arith.select %eq3A_1085, %broadcast_in_dim3A_1088, %broadcast_in_dim3A_1089 : vector<1x384xi1>, vector<1x384xf32>
    %jit3A_1091 = arith.constant 1.875000e+00 : f32
    %broadcast_in_dim3A_1092 = vector.broadcast %jit3A_1091 : f32 to vector<1x384xf32>
    %select_n3A_1093 = arith.select %eq3A_1082, %broadcast_in_dim3A_1092, %select_n3A_1090 : vector<1x384xi1>, vector<1x384xf32>
    %eq3A_1094 = arith.constant 0 : i32
    %eq3A_1095 = vector.broadcast %eq3A_1094 : i32 to vector<1x384xi32>
    %eq3A_1096 = arith.cmpi eq, %select_n3A_1074, %eq3A_1095 : vector<1x384xi32>
    %eq3A_1097 = arith.constant 1 : i32
    %eq3A_1098 = vector.broadcast %eq3A_1097 : i32 to vector<1x384xi32>
    %eq3A_1099 = arith.cmpi eq, %select_n3A_1074, %eq3A_1098 : vector<1x384xi32>
    %jit3A_1100 = arith.constant 2.812500e+00 : f32
    %jit3A_1101 = arith.constant 7.437500e+00 : f32
    %broadcast_in_dim3A_1102 = vector.broadcast %jit3A_1100 : f32 to vector<1x384xf32>
    %broadcast_in_dim3A_1103 = vector.broadcast %jit3A_1101 : f32 to vector<1x384xf32>
    %select_n3A_1104 = arith.select %eq3A_1099, %broadcast_in_dim3A_1102, %broadcast_in_dim3A_1103 : vector<1x384xi1>, vector<1x384xf32>
    %jit3A_1105 = arith.constant 3.812500e+00 : f32
    %broadcast_in_dim3A_1106 = vector.broadcast %jit3A_1105 : f32 to vector<1x384xf32>
    %select_n3A_1107 = arith.select %eq3A_1096, %broadcast_in_dim3A_1106, %select_n3A_1104 : vector<1x384xi1>, vector<1x384xf32>
    %mul3A_1108 = arith.constant 4.000000e+01 : f32
    %mul3A_1109 = vector.broadcast %mul3A_1108 : f32 to vector<1x384xf32>
    %mul3A_1110 = arith.mulf %get3A_4, %mul3A_1109 : vector<1x384xf32>
    %sub3A_1111 = arith.subf %mul3A_1110, %min3A_1004 : vector<1x384xf32>
    %mul3A_1112 = arith.constant 4.000000e+01 : f32
    %mul3A_1113 = vector.broadcast %mul3A_1112 : f32 to vector<1x384xf32>
    %mul3A_1114 = arith.mulf %get3A_7, %mul3A_1113 : vector<1x384xf32>
    %sub3A_1115 = arith.subf %mul3A_1114, %min3A_1014 : vector<1x384xf32>
    %div3A_1116 = arith.divf %get3A_10, %select_n3A_1093 : vector<1x384xf32>
    %add3A_1117 = arith.constant 9.99999997E-7 : f32
    %add3A_1118 = vector.broadcast %add3A_1117 : f32 to vector<1x384xf32>
    %add3A_1119 = arith.addf %div3A_1116, %add3A_1118 : vector<1x384xf32>
    %log3A_1120 = math.log %add3A_1119 : vector<1x384xf32>
    %div3A_1121 = arith.divf %get3A_13, %select_n3A_1107 : vector<1x384xf32>
    %add3A_1122 = arith.constant 9.99999997E-7 : f32
    %add3A_1123 = vector.broadcast %add3A_1122 : f32 to vector<1x384xf32>
    %add3A_1124 = arith.addf %div3A_1121, %add3A_1123 : vector<1x384xf32>
    %log3A_1125 = math.log %add3A_1124 : vector<1x384xf32>
    %convert_element_type3A_1126 = arith.fptosi %min3A_1004 : vector<1x384xf32> to vector<1x384xi32>
    %convert_element_type3A_1127 = arith.fptosi %min3A_1014 : vector<1x384xf32> to vector<1x384xi32>
    %mul3A_1128 = arith.constant 75 : i32
    %mul3A_1129 = vector.broadcast %mul3A_1128 : i32 to vector<1x384xi32>
    %mul3A_1130 = arith.muli %min3A_60, %mul3A_1129 : vector<1x384xi32>
    %mul3A_1131 = arith.constant 25 : i32
    %mul3A_1132 = vector.broadcast %mul3A_1131 : i32 to vector<1x384xi32>
    %mul3A_1133 = arith.muli %mul3A_1132, %select_n3A_1074 : vector<1x384xi32>
    %add3A_1134 = arith.addi %mul3A_1130, %mul3A_1133 : vector<1x384xi32>
    %mul3A_1135 = arith.constant 40 : i32
    %mul3A_1136 = vector.broadcast %mul3A_1135 : i32 to vector<1x384xi32>
    %mul3A_1137 = arith.muli %add3A_1134, %mul3A_1136 : vector<1x384xi32>
    %add3A_1138 = arith.addi %mul3A_1137, %convert_element_type3A_1127 : vector<1x384xi32>
    %mul3A_1139 = arith.constant 40 : i32
    %mul3A_1140 = vector.broadcast %mul3A_1139 : i32 to vector<1x384xi32>
    %mul3A_1141 = arith.muli %add3A_1138, %mul3A_1140 : vector<1x384xi32>
    %add3A_1142 = arith.addi %mul3A_1141, %convert_element_type3A_1126 : vector<1x384xi32>
    %and3A_1143 = arith.andi %gt3A_1079, %lt3A_30 : vector<1x384xi1>
    %jit3A_1144 = arith.constant 1.000000e+00 : f32
    %jit3A_1145 = arith.constant 0.000000e+00 : f32
    %broadcast_in_dim3A_1146 = vector.broadcast %jit3A_1144 : f32 to vector<1x384xf32>
    %broadcast_in_dim3A_1147 = vector.broadcast %jit3A_1145 : f32 to vector<1x384xf32>
    %select_n3A_1148 = arith.select %and3A_1143, %broadcast_in_dim3A_1146, %broadcast_in_dim3A_1147 : vector<1x384xi1>, vector<1x384xf32>
    %broadcast_in_dim3A_1149 = arith.constant 0.000000e+00 : f32
    %broadcast_in_dim3A_1150 = vector.broadcast %broadcast_in_dim3A_1149 : f32 to vector<1x384xf32>
    %broadcast_in_dim3A_1151 = arith.constant 0.000000e+00 : f32
    %broadcast_in_dim3A_1152 = vector.broadcast %broadcast_in_dim3A_1151 : f32 to vector<1x384xf32>
    %broadcast_in_dim3A_1153 = arith.constant 0.000000e+00 : f32
    %broadcast_in_dim3A_1154 = vector.broadcast %broadcast_in_dim3A_1153 : f32 to vector<1x384xf32>
    %ge3A_1155 = arith.constant 1 : i32
    %ge3A_1156 = vector.broadcast %ge3A_1155 : i32 to vector<1x384xi32>
    %ge3A_1157 = arith.cmpi sge, %select_n3A_27, %ge3A_1156 : vector<1x384xi32>
    %roll3A_1158 = arith.constant 1 : i32
    %roll3A_1159 = tpu.dynamic_rotate %select_n3A_1148 by %roll3A_1158 dim 1 : vector<1x384xf32>, i32 -> vector<1x384xf32>
    %mul3A_1160 = arith.mulf %select_n3A_1148, %roll3A_1159 : vector<1x384xf32>
    %jit3A_1161 = arith.constant 0.000000e+00 : f32
    %broadcast_in_dim3A_1162 = vector.broadcast %jit3A_1161 : f32 to vector<1x384xf32>
    %select_n3A_1163 = arith.select %ge3A_1157, %mul3A_1160, %broadcast_in_dim3A_1162 : vector<1x384xi1>, vector<1x384xf32>
    %roll3A_1164 = arith.constant 1 : i32
    %roll3A_1165 = tpu.dynamic_rotate %add3A_1142 by %roll3A_1164 dim 1 : vector<1x384xi32>, i32 -> vector<1x384xi32>
    %eq3A_1166 = arith.cmpi eq, %add3A_1142, %roll3A_1165 : vector<1x384xi32>
    %jit3A_1167 = arith.constant 0.000000e+00 : f32
    %broadcast_in_dim3A_1168 = vector.broadcast %jit3A_1167 : f32 to vector<1x384xf32>
    %select_n3A_1169 = arith.select %eq3A_1166, %select_n3A_1163, %broadcast_in_dim3A_1168 : vector<1x384xi1>, vector<1x384xf32>
    %add3A_1170 = arith.addf %broadcast_in_dim3A_1150, %select_n3A_1169 : vector<1x384xf32>
    %eq3A_1171 = arith.cmpf oeq, %get3A_1, %roll3A_61 : vector<1x384xf32>
    %jit3A_1172 = arith.constant 0.000000e+00 : f32
    %broadcast_in_dim3A_1173 = vector.broadcast %jit3A_1172 : f32 to vector<1x384xf32>
    %select_n3A_1174 = arith.select %eq3A_1171, %select_n3A_1169, %broadcast_in_dim3A_1173 : vector<1x384xi1>, vector<1x384xf32>
    %add3A_1175 = arith.addf %broadcast_in_dim3A_1154, %select_n3A_1174 : vector<1x384xf32>
    %lt3A_1176 = arith.constant 19 : i32
    %lt3A_1177 = vector.broadcast %lt3A_1176 : i32 to vector<1x384xi32>
    %lt3A_1178 = arith.cmpi slt, %select_n3A_27, %lt3A_1177 : vector<1x384xi32>
    %roll3A_1179 = arith.constant 383 : i32
    %roll3A_1180 = tpu.dynamic_rotate %select_n3A_1148 by %roll3A_1179 dim 1 : vector<1x384xf32>, i32 -> vector<1x384xf32>
    %mul3A_1181 = arith.mulf %select_n3A_1148, %roll3A_1180 : vector<1x384xf32>
    %jit3A_1182 = arith.constant 0.000000e+00 : f32
    %broadcast_in_dim3A_1183 = vector.broadcast %jit3A_1182 : f32 to vector<1x384xf32>
    %select_n3A_1184 = arith.select %lt3A_1178, %mul3A_1181, %broadcast_in_dim3A_1183 : vector<1x384xi1>, vector<1x384xf32>
    %roll3A_1185 = arith.constant 383 : i32
    %roll3A_1186 = tpu.dynamic_rotate %add3A_1142 by %roll3A_1185 dim 1 : vector<1x384xi32>, i32 -> vector<1x384xi32>
    %eq3A_1187 = arith.cmpi eq, %add3A_1142, %roll3A_1186 : vector<1x384xi32>
    %jit3A_1188 = arith.constant 0.000000e+00 : f32
    %broadcast_in_dim3A_1189 = vector.broadcast %jit3A_1188 : f32 to vector<1x384xf32>
    %select_n3A_1190 = arith.select %eq3A_1187, %select_n3A_1184, %broadcast_in_dim3A_1189 : vector<1x384xi1>, vector<1x384xf32>
    %add3A_1191 = arith.addf %broadcast_in_dim3A_1152, %select_n3A_1190 : vector<1x384xf32>
    %ge3A_1192 = arith.constant 2 : i32
    %ge3A_1193 = vector.broadcast %ge3A_1192 : i32 to vector<1x384xi32>
    %ge3A_1194 = arith.cmpi sge, %select_n3A_27, %ge3A_1193 : vector<1x384xi32>
    %roll3A_1195 = arith.constant 2 : i32
    %roll3A_1196 = tpu.dynamic_rotate %select_n3A_1148 by %roll3A_1195 dim 1 : vector<1x384xf32>, i32 -> vector<1x384xf32>
    %mul3A_1197 = arith.mulf %select_n3A_1148, %roll3A_1196 : vector<1x384xf32>
    %jit3A_1198 = arith.constant 0.000000e+00 : f32
    %broadcast_in_dim3A_1199 = vector.broadcast %jit3A_1198 : f32 to vector<1x384xf32>
    %select_n3A_1200 = arith.select %ge3A_1194, %mul3A_1197, %broadcast_in_dim3A_1199 : vector<1x384xi1>, vector<1x384xf32>
    %roll3A_1201 = arith.constant 2 : i32
    %roll3A_1202 = tpu.dynamic_rotate %add3A_1142 by %roll3A_1201 dim 1 : vector<1x384xi32>, i32 -> vector<1x384xi32>
    %eq3A_1203 = arith.cmpi eq, %add3A_1142, %roll3A_1202 : vector<1x384xi32>
    %jit3A_1204 = arith.constant 0.000000e+00 : f32
    %broadcast_in_dim3A_1205 = vector.broadcast %jit3A_1204 : f32 to vector<1x384xf32>
    %select_n3A_1206 = arith.select %eq3A_1203, %select_n3A_1200, %broadcast_in_dim3A_1205 : vector<1x384xi1>, vector<1x384xf32>
    %add3A_1207 = arith.addf %add3A_1170, %select_n3A_1206 : vector<1x384xf32>
    %eq3A_1208 = arith.cmpf oeq, %get3A_1, %roll3A_63 : vector<1x384xf32>
    %jit3A_1209 = arith.constant 0.000000e+00 : f32
    %broadcast_in_dim3A_1210 = vector.broadcast %jit3A_1209 : f32 to vector<1x384xf32>
    %select_n3A_1211 = arith.select %eq3A_1208, %select_n3A_1206, %broadcast_in_dim3A_1210 : vector<1x384xi1>, vector<1x384xf32>
    %add3A_1212 = arith.addf %add3A_1175, %select_n3A_1211 : vector<1x384xf32>
    %lt3A_1213 = arith.constant 18 : i32
    %lt3A_1214 = vector.broadcast %lt3A_1213 : i32 to vector<1x384xi32>
    %lt3A_1215 = arith.cmpi slt, %select_n3A_27, %lt3A_1214 : vector<1x384xi32>
    %roll3A_1216 = arith.constant 382 : i32
    %roll3A_1217 = tpu.dynamic_rotate %select_n3A_1148 by %roll3A_1216 dim 1 : vector<1x384xf32>, i32 -> vector<1x384xf32>
    %mul3A_1218 = arith.mulf %select_n3A_1148, %roll3A_1217 : vector<1x384xf32>
    %jit3A_1219 = arith.constant 0.000000e+00 : f32
    %broadcast_in_dim3A_1220 = vector.broadcast %jit3A_1219 : f32 to vector<1x384xf32>
    %select_n3A_1221 = arith.select %lt3A_1215, %mul3A_1218, %broadcast_in_dim3A_1220 : vector<1x384xi1>, vector<1x384xf32>
    %roll3A_1222 = arith.constant 382 : i32
    %roll3A_1223 = tpu.dynamic_rotate %add3A_1142 by %roll3A_1222 dim 1 : vector<1x384xi32>, i32 -> vector<1x384xi32>
    %eq3A_1224 = arith.cmpi eq, %add3A_1142, %roll3A_1223 : vector<1x384xi32>
    %jit3A_1225 = arith.constant 0.000000e+00 : f32
    %broadcast_in_dim3A_1226 = vector.broadcast %jit3A_1225 : f32 to vector<1x384xf32>
    %select_n3A_1227 = arith.select %eq3A_1224, %select_n3A_1221, %broadcast_in_dim3A_1226 : vector<1x384xi1>, vector<1x384xf32>
    %add3A_1228 = arith.addf %add3A_1191, %select_n3A_1227 : vector<1x384xf32>
    %ge3A_1229 = arith.constant 3 : i32
    %ge3A_1230 = vector.broadcast %ge3A_1229 : i32 to vector<1x384xi32>
    %ge3A_1231 = arith.cmpi sge, %select_n3A_27, %ge3A_1230 : vector<1x384xi32>
    %roll3A_1232 = arith.constant 3 : i32
    %roll3A_1233 = tpu.dynamic_rotate %select_n3A_1148 by %roll3A_1232 dim 1 : vector<1x384xf32>, i32 -> vector<1x384xf32>
    %mul3A_1234 = arith.mulf %select_n3A_1148, %roll3A_1233 : vector<1x384xf32>
    %jit3A_1235 = arith.constant 0.000000e+00 : f32
    %broadcast_in_dim3A_1236 = vector.broadcast %jit3A_1235 : f32 to vector<1x384xf32>
    %select_n3A_1237 = arith.select %ge3A_1231, %mul3A_1234, %broadcast_in_dim3A_1236 : vector<1x384xi1>, vector<1x384xf32>
    %roll3A_1238 = arith.constant 3 : i32
    %roll3A_1239 = tpu.dynamic_rotate %add3A_1142 by %roll3A_1238 dim 1 : vector<1x384xi32>, i32 -> vector<1x384xi32>
    %eq3A_1240 = arith.cmpi eq, %add3A_1142, %roll3A_1239 : vector<1x384xi32>
    %jit3A_1241 = arith.constant 0.000000e+00 : f32
    %broadcast_in_dim3A_1242 = vector.broadcast %jit3A_1241 : f32 to vector<1x384xf32>
    %select_n3A_1243 = arith.select %eq3A_1240, %select_n3A_1237, %broadcast_in_dim3A_1242 : vector<1x384xi1>, vector<1x384xf32>
    %add3A_1244 = arith.addf %add3A_1207, %select_n3A_1243 : vector<1x384xf32>
    %eq3A_1245 = arith.cmpf oeq, %get3A_1, %roll3A_65 : vector<1x384xf32>
    %jit3A_1246 = arith.constant 0.000000e+00 : f32
    %broadcast_in_dim3A_1247 = vector.broadcast %jit3A_1246 : f32 to vector<1x384xf32>
    %select_n3A_1248 = arith.select %eq3A_1245, %select_n3A_1243, %broadcast_in_dim3A_1247 : vector<1x384xi1>, vector<1x384xf32>
    %add3A_1249 = arith.addf %add3A_1212, %select_n3A_1248 : vector<1x384xf32>
    %lt3A_1250 = arith.constant 17 : i32
    %lt3A_1251 = vector.broadcast %lt3A_1250 : i32 to vector<1x384xi32>
    %lt3A_1252 = arith.cmpi slt, %select_n3A_27, %lt3A_1251 : vector<1x384xi32>
    %roll3A_1253 = arith.constant 381 : i32
    %roll3A_1254 = tpu.dynamic_rotate %select_n3A_1148 by %roll3A_1253 dim 1 : vector<1x384xf32>, i32 -> vector<1x384xf32>
    %mul3A_1255 = arith.mulf %select_n3A_1148, %roll3A_1254 : vector<1x384xf32>
    %jit3A_1256 = arith.constant 0.000000e+00 : f32
    %broadcast_in_dim3A_1257 = vector.broadcast %jit3A_1256 : f32 to vector<1x384xf32>
    %select_n3A_1258 = arith.select %lt3A_1252, %mul3A_1255, %broadcast_in_dim3A_1257 : vector<1x384xi1>, vector<1x384xf32>
    %roll3A_1259 = arith.constant 381 : i32
    %roll3A_1260 = tpu.dynamic_rotate %add3A_1142 by %roll3A_1259 dim 1 : vector<1x384xi32>, i32 -> vector<1x384xi32>
    %eq3A_1261 = arith.cmpi eq, %add3A_1142, %roll3A_1260 : vector<1x384xi32>
    %jit3A_1262 = arith.constant 0.000000e+00 : f32
    %broadcast_in_dim3A_1263 = vector.broadcast %jit3A_1262 : f32 to vector<1x384xf32>
    %select_n3A_1264 = arith.select %eq3A_1261, %select_n3A_1258, %broadcast_in_dim3A_1263 : vector<1x384xi1>, vector<1x384xf32>
    %add3A_1265 = arith.addf %add3A_1228, %select_n3A_1264 : vector<1x384xf32>
    %ge3A_1266 = arith.constant 4 : i32
    %ge3A_1267 = vector.broadcast %ge3A_1266 : i32 to vector<1x384xi32>
    %ge3A_1268 = arith.cmpi sge, %select_n3A_27, %ge3A_1267 : vector<1x384xi32>
    %roll3A_1269 = arith.constant 4 : i32
    %roll3A_1270 = tpu.dynamic_rotate %select_n3A_1148 by %roll3A_1269 dim 1 : vector<1x384xf32>, i32 -> vector<1x384xf32>
    %mul3A_1271 = arith.mulf %select_n3A_1148, %roll3A_1270 : vector<1x384xf32>
    %jit3A_1272 = arith.constant 0.000000e+00 : f32
    %broadcast_in_dim3A_1273 = vector.broadcast %jit3A_1272 : f32 to vector<1x384xf32>
    %select_n3A_1274 = arith.select %ge3A_1268, %mul3A_1271, %broadcast_in_dim3A_1273 : vector<1x384xi1>, vector<1x384xf32>
    %roll3A_1275 = arith.constant 4 : i32
    %roll3A_1276 = tpu.dynamic_rotate %add3A_1142 by %roll3A_1275 dim 1 : vector<1x384xi32>, i32 -> vector<1x384xi32>
    %eq3A_1277 = arith.cmpi eq, %add3A_1142, %roll3A_1276 : vector<1x384xi32>
    %jit3A_1278 = arith.constant 0.000000e+00 : f32
    %broadcast_in_dim3A_1279 = vector.broadcast %jit3A_1278 : f32 to vector<1x384xf32>
    %select_n3A_1280 = arith.select %eq3A_1277, %select_n3A_1274, %broadcast_in_dim3A_1279 : vector<1x384xi1>, vector<1x384xf32>
    %add3A_1281 = arith.addf %add3A_1244, %select_n3A_1280 : vector<1x384xf32>
    %eq3A_1282 = arith.cmpf oeq, %get3A_1, %roll3A_67 : vector<1x384xf32>
    %jit3A_1283 = arith.constant 0.000000e+00 : f32
    %broadcast_in_dim3A_1284 = vector.broadcast %jit3A_1283 : f32 to vector<1x384xf32>
    %select_n3A_1285 = arith.select %eq3A_1282, %select_n3A_1280, %broadcast_in_dim3A_1284 : vector<1x384xi1>, vector<1x384xf32>
    %add3A_1286 = arith.addf %add3A_1249, %select_n3A_1285 : vector<1x384xf32>
    %lt3A_1287 = arith.constant 16 : i32
    %lt3A_1288 = vector.broadcast %lt3A_1287 : i32 to vector<1x384xi32>
    %lt3A_1289 = arith.cmpi slt, %select_n3A_27, %lt3A_1288 : vector<1x384xi32>
    %roll3A_1290 = arith.constant 380 : i32
    %roll3A_1291 = tpu.dynamic_rotate %select_n3A_1148 by %roll3A_1290 dim 1 : vector<1x384xf32>, i32 -> vector<1x384xf32>
    %mul3A_1292 = arith.mulf %select_n3A_1148, %roll3A_1291 : vector<1x384xf32>
    %jit3A_1293 = arith.constant 0.000000e+00 : f32
    %broadcast_in_dim3A_1294 = vector.broadcast %jit3A_1293 : f32 to vector<1x384xf32>
    %select_n3A_1295 = arith.select %lt3A_1289, %mul3A_1292, %broadcast_in_dim3A_1294 : vector<1x384xi1>, vector<1x384xf32>
    %roll3A_1296 = arith.constant 380 : i32
    %roll3A_1297 = tpu.dynamic_rotate %add3A_1142 by %roll3A_1296 dim 1 : vector<1x384xi32>, i32 -> vector<1x384xi32>
    %eq3A_1298 = arith.cmpi eq, %add3A_1142, %roll3A_1297 : vector<1x384xi32>
    %jit3A_1299 = arith.constant 0.000000e+00 : f32
    %broadcast_in_dim3A_1300 = vector.broadcast %jit3A_1299 : f32 to vector<1x384xf32>
    %select_n3A_1301 = arith.select %eq3A_1298, %select_n3A_1295, %broadcast_in_dim3A_1300 : vector<1x384xi1>, vector<1x384xf32>
    %add3A_1302 = arith.addf %add3A_1265, %select_n3A_1301 : vector<1x384xf32>
    %ge3A_1303 = arith.constant 5 : i32
    %ge3A_1304 = vector.broadcast %ge3A_1303 : i32 to vector<1x384xi32>
    %ge3A_1305 = arith.cmpi sge, %select_n3A_27, %ge3A_1304 : vector<1x384xi32>
    %roll3A_1306 = arith.constant 5 : i32
    %roll3A_1307 = tpu.dynamic_rotate %select_n3A_1148 by %roll3A_1306 dim 1 : vector<1x384xf32>, i32 -> vector<1x384xf32>
    %mul3A_1308 = arith.mulf %select_n3A_1148, %roll3A_1307 : vector<1x384xf32>
    %jit3A_1309 = arith.constant 0.000000e+00 : f32
    %broadcast_in_dim3A_1310 = vector.broadcast %jit3A_1309 : f32 to vector<1x384xf32>
    %select_n3A_1311 = arith.select %ge3A_1305, %mul3A_1308, %broadcast_in_dim3A_1310 : vector<1x384xi1>, vector<1x384xf32>
    %roll3A_1312 = arith.constant 5 : i32
    %roll3A_1313 = tpu.dynamic_rotate %add3A_1142 by %roll3A_1312 dim 1 : vector<1x384xi32>, i32 -> vector<1x384xi32>
    %eq3A_1314 = arith.cmpi eq, %add3A_1142, %roll3A_1313 : vector<1x384xi32>
    %jit3A_1315 = arith.constant 0.000000e+00 : f32
    %broadcast_in_dim3A_1316 = vector.broadcast %jit3A_1315 : f32 to vector<1x384xf32>
    %select_n3A_1317 = arith.select %eq3A_1314, %select_n3A_1311, %broadcast_in_dim3A_1316 : vector<1x384xi1>, vector<1x384xf32>
    %add3A_1318 = arith.addf %add3A_1281, %select_n3A_1317 : vector<1x384xf32>
    %eq3A_1319 = arith.cmpf oeq, %get3A_1, %roll3A_69 : vector<1x384xf32>
    %jit3A_1320 = arith.constant 0.000000e+00 : f32
    %broadcast_in_dim3A_1321 = vector.broadcast %jit3A_1320 : f32 to vector<1x384xf32>
    %select_n3A_1322 = arith.select %eq3A_1319, %select_n3A_1317, %broadcast_in_dim3A_1321 : vector<1x384xi1>, vector<1x384xf32>
    %add3A_1323 = arith.addf %add3A_1286, %select_n3A_1322 : vector<1x384xf32>
    %lt3A_1324 = arith.constant 15 : i32
    %lt3A_1325 = vector.broadcast %lt3A_1324 : i32 to vector<1x384xi32>
    %lt3A_1326 = arith.cmpi slt, %select_n3A_27, %lt3A_1325 : vector<1x384xi32>
    %roll3A_1327 = arith.constant 379 : i32
    %roll3A_1328 = tpu.dynamic_rotate %select_n3A_1148 by %roll3A_1327 dim 1 : vector<1x384xf32>, i32 -> vector<1x384xf32>
    %mul3A_1329 = arith.mulf %select_n3A_1148, %roll3A_1328 : vector<1x384xf32>
    %jit3A_1330 = arith.constant 0.000000e+00 : f32
    %broadcast_in_dim3A_1331 = vector.broadcast %jit3A_1330 : f32 to vector<1x384xf32>
    %select_n3A_1332 = arith.select %lt3A_1326, %mul3A_1329, %broadcast_in_dim3A_1331 : vector<1x384xi1>, vector<1x384xf32>
    %roll3A_1333 = arith.constant 379 : i32
    %roll3A_1334 = tpu.dynamic_rotate %add3A_1142 by %roll3A_1333 dim 1 : vector<1x384xi32>, i32 -> vector<1x384xi32>
    %eq3A_1335 = arith.cmpi eq, %add3A_1142, %roll3A_1334 : vector<1x384xi32>
    %jit3A_1336 = arith.constant 0.000000e+00 : f32
    %broadcast_in_dim3A_1337 = vector.broadcast %jit3A_1336 : f32 to vector<1x384xf32>
    %select_n3A_1338 = arith.select %eq3A_1335, %select_n3A_1332, %broadcast_in_dim3A_1337 : vector<1x384xi1>, vector<1x384xf32>
    %add3A_1339 = arith.addf %add3A_1302, %select_n3A_1338 : vector<1x384xf32>
    %ge3A_1340 = arith.constant 6 : i32
    %ge3A_1341 = vector.broadcast %ge3A_1340 : i32 to vector<1x384xi32>
    %ge3A_1342 = arith.cmpi sge, %select_n3A_27, %ge3A_1341 : vector<1x384xi32>
    %roll3A_1343 = arith.constant 6 : i32
    %roll3A_1344 = tpu.dynamic_rotate %select_n3A_1148 by %roll3A_1343 dim 1 : vector<1x384xf32>, i32 -> vector<1x384xf32>
    %mul3A_1345 = arith.mulf %select_n3A_1148, %roll3A_1344 : vector<1x384xf32>
    %jit3A_1346 = arith.constant 0.000000e+00 : f32
    %broadcast_in_dim3A_1347 = vector.broadcast %jit3A_1346 : f32 to vector<1x384xf32>
    %select_n3A_1348 = arith.select %ge3A_1342, %mul3A_1345, %broadcast_in_dim3A_1347 : vector<1x384xi1>, vector<1x384xf32>
    %roll3A_1349 = arith.constant 6 : i32
    %roll3A_1350 = tpu.dynamic_rotate %add3A_1142 by %roll3A_1349 dim 1 : vector<1x384xi32>, i32 -> vector<1x384xi32>
    %eq3A_1351 = arith.cmpi eq, %add3A_1142, %roll3A_1350 : vector<1x384xi32>
    %jit3A_1352 = arith.constant 0.000000e+00 : f32
    %broadcast_in_dim3A_1353 = vector.broadcast %jit3A_1352 : f32 to vector<1x384xf32>
    %select_n3A_1354 = arith.select %eq3A_1351, %select_n3A_1348, %broadcast_in_dim3A_1353 : vector<1x384xi1>, vector<1x384xf32>
    %add3A_1355 = arith.addf %add3A_1318, %select_n3A_1354 : vector<1x384xf32>
    %eq3A_1356 = arith.cmpf oeq, %get3A_1, %roll3A_71 : vector<1x384xf32>
    %jit3A_1357 = arith.constant 0.000000e+00 : f32
    %broadcast_in_dim3A_1358 = vector.broadcast %jit3A_1357 : f32 to vector<1x384xf32>
    %select_n3A_1359 = arith.select %eq3A_1356, %select_n3A_1354, %broadcast_in_dim3A_1358 : vector<1x384xi1>, vector<1x384xf32>
    %add3A_1360 = arith.addf %add3A_1323, %select_n3A_1359 : vector<1x384xf32>
    %lt3A_1361 = arith.constant 14 : i32
    %lt3A_1362 = vector.broadcast %lt3A_1361 : i32 to vector<1x384xi32>
    %lt3A_1363 = arith.cmpi slt, %select_n3A_27, %lt3A_1362 : vector<1x384xi32>
    %roll3A_1364 = arith.constant 378 : i32
    %roll3A_1365 = tpu.dynamic_rotate %select_n3A_1148 by %roll3A_1364 dim 1 : vector<1x384xf32>, i32 -> vector<1x384xf32>
    %mul3A_1366 = arith.mulf %select_n3A_1148, %roll3A_1365 : vector<1x384xf32>
    %jit3A_1367 = arith.constant 0.000000e+00 : f32
    %broadcast_in_dim3A_1368 = vector.broadcast %jit3A_1367 : f32 to vector<1x384xf32>
    %select_n3A_1369 = arith.select %lt3A_1363, %mul3A_1366, %broadcast_in_dim3A_1368 : vector<1x384xi1>, vector<1x384xf32>
    %roll3A_1370 = arith.constant 378 : i32
    %roll3A_1371 = tpu.dynamic_rotate %add3A_1142 by %roll3A_1370 dim 1 : vector<1x384xi32>, i32 -> vector<1x384xi32>
    %eq3A_1372 = arith.cmpi eq, %add3A_1142, %roll3A_1371 : vector<1x384xi32>
    %jit3A_1373 = arith.constant 0.000000e+00 : f32
    %broadcast_in_dim3A_1374 = vector.broadcast %jit3A_1373 : f32 to vector<1x384xf32>
    %select_n3A_1375 = arith.select %eq3A_1372, %select_n3A_1369, %broadcast_in_dim3A_1374 : vector<1x384xi1>, vector<1x384xf32>
    %add3A_1376 = arith.addf %add3A_1339, %select_n3A_1375 : vector<1x384xf32>
    %ge3A_1377 = arith.constant 7 : i32
    %ge3A_1378 = vector.broadcast %ge3A_1377 : i32 to vector<1x384xi32>
    %ge3A_1379 = arith.cmpi sge, %select_n3A_27, %ge3A_1378 : vector<1x384xi32>
    %roll3A_1380 = arith.constant 7 : i32
    %roll3A_1381 = tpu.dynamic_rotate %select_n3A_1148 by %roll3A_1380 dim 1 : vector<1x384xf32>, i32 -> vector<1x384xf32>
    %mul3A_1382 = arith.mulf %select_n3A_1148, %roll3A_1381 : vector<1x384xf32>
    %jit3A_1383 = arith.constant 0.000000e+00 : f32
    %broadcast_in_dim3A_1384 = vector.broadcast %jit3A_1383 : f32 to vector<1x384xf32>
    %select_n3A_1385 = arith.select %ge3A_1379, %mul3A_1382, %broadcast_in_dim3A_1384 : vector<1x384xi1>, vector<1x384xf32>
    %roll3A_1386 = arith.constant 7 : i32
    %roll3A_1387 = tpu.dynamic_rotate %add3A_1142 by %roll3A_1386 dim 1 : vector<1x384xi32>, i32 -> vector<1x384xi32>
    %eq3A_1388 = arith.cmpi eq, %add3A_1142, %roll3A_1387 : vector<1x384xi32>
    %jit3A_1389 = arith.constant 0.000000e+00 : f32
    %broadcast_in_dim3A_1390 = vector.broadcast %jit3A_1389 : f32 to vector<1x384xf32>
    %select_n3A_1391 = arith.select %eq3A_1388, %select_n3A_1385, %broadcast_in_dim3A_1390 : vector<1x384xi1>, vector<1x384xf32>
    %add3A_1392 = arith.addf %add3A_1355, %select_n3A_1391 : vector<1x384xf32>
    %eq3A_1393 = arith.cmpf oeq, %get3A_1, %roll3A_73 : vector<1x384xf32>
    %jit3A_1394 = arith.constant 0.000000e+00 : f32
    %broadcast_in_dim3A_1395 = vector.broadcast %jit3A_1394 : f32 to vector<1x384xf32>
    %select_n3A_1396 = arith.select %eq3A_1393, %select_n3A_1391, %broadcast_in_dim3A_1395 : vector<1x384xi1>, vector<1x384xf32>
    %add3A_1397 = arith.addf %add3A_1360, %select_n3A_1396 : vector<1x384xf32>
    %lt3A_1398 = arith.constant 13 : i32
    %lt3A_1399 = vector.broadcast %lt3A_1398 : i32 to vector<1x384xi32>
    %lt3A_1400 = arith.cmpi slt, %select_n3A_27, %lt3A_1399 : vector<1x384xi32>
    %roll3A_1401 = arith.constant 377 : i32
    %roll3A_1402 = tpu.dynamic_rotate %select_n3A_1148 by %roll3A_1401 dim 1 : vector<1x384xf32>, i32 -> vector<1x384xf32>
    %mul3A_1403 = arith.mulf %select_n3A_1148, %roll3A_1402 : vector<1x384xf32>
    %jit3A_1404 = arith.constant 0.000000e+00 : f32
    %broadcast_in_dim3A_1405 = vector.broadcast %jit3A_1404 : f32 to vector<1x384xf32>
    %select_n3A_1406 = arith.select %lt3A_1400, %mul3A_1403, %broadcast_in_dim3A_1405 : vector<1x384xi1>, vector<1x384xf32>
    %roll3A_1407 = arith.constant 377 : i32
    %roll3A_1408 = tpu.dynamic_rotate %add3A_1142 by %roll3A_1407 dim 1 : vector<1x384xi32>, i32 -> vector<1x384xi32>
    %eq3A_1409 = arith.cmpi eq, %add3A_1142, %roll3A_1408 : vector<1x384xi32>
    %jit3A_1410 = arith.constant 0.000000e+00 : f32
    %broadcast_in_dim3A_1411 = vector.broadcast %jit3A_1410 : f32 to vector<1x384xf32>
    %select_n3A_1412 = arith.select %eq3A_1409, %select_n3A_1406, %broadcast_in_dim3A_1411 : vector<1x384xi1>, vector<1x384xf32>
    %add3A_1413 = arith.addf %add3A_1376, %select_n3A_1412 : vector<1x384xf32>
    %ge3A_1414 = arith.constant 8 : i32
    %ge3A_1415 = vector.broadcast %ge3A_1414 : i32 to vector<1x384xi32>
    %ge3A_1416 = arith.cmpi sge, %select_n3A_27, %ge3A_1415 : vector<1x384xi32>
    %roll3A_1417 = arith.constant 8 : i32
    %roll3A_1418 = tpu.dynamic_rotate %select_n3A_1148 by %roll3A_1417 dim 1 : vector<1x384xf32>, i32 -> vector<1x384xf32>
    %mul3A_1419 = arith.mulf %select_n3A_1148, %roll3A_1418 : vector<1x384xf32>
    %jit3A_1420 = arith.constant 0.000000e+00 : f32
    %broadcast_in_dim3A_1421 = vector.broadcast %jit3A_1420 : f32 to vector<1x384xf32>
    %select_n3A_1422 = arith.select %ge3A_1416, %mul3A_1419, %broadcast_in_dim3A_1421 : vector<1x384xi1>, vector<1x384xf32>
    %roll3A_1423 = arith.constant 8 : i32
    %roll3A_1424 = tpu.dynamic_rotate %add3A_1142 by %roll3A_1423 dim 1 : vector<1x384xi32>, i32 -> vector<1x384xi32>
    %eq3A_1425 = arith.cmpi eq, %add3A_1142, %roll3A_1424 : vector<1x384xi32>
    %jit3A_1426 = arith.constant 0.000000e+00 : f32
    %broadcast_in_dim3A_1427 = vector.broadcast %jit3A_1426 : f32 to vector<1x384xf32>
    %select_n3A_1428 = arith.select %eq3A_1425, %select_n3A_1422, %broadcast_in_dim3A_1427 : vector<1x384xi1>, vector<1x384xf32>
    %add3A_1429 = arith.addf %add3A_1392, %select_n3A_1428 : vector<1x384xf32>
    %eq3A_1430 = arith.cmpf oeq, %get3A_1, %roll3A_75 : vector<1x384xf32>
    %jit3A_1431 = arith.constant 0.000000e+00 : f32
    %broadcast_in_dim3A_1432 = vector.broadcast %jit3A_1431 : f32 to vector<1x384xf32>
    %select_n3A_1433 = arith.select %eq3A_1430, %select_n3A_1428, %broadcast_in_dim3A_1432 : vector<1x384xi1>, vector<1x384xf32>
    %add3A_1434 = arith.addf %add3A_1397, %select_n3A_1433 : vector<1x384xf32>
    %lt3A_1435 = arith.constant 12 : i32
    %lt3A_1436 = vector.broadcast %lt3A_1435 : i32 to vector<1x384xi32>
    %lt3A_1437 = arith.cmpi slt, %select_n3A_27, %lt3A_1436 : vector<1x384xi32>
    %roll3A_1438 = arith.constant 376 : i32
    %roll3A_1439 = tpu.dynamic_rotate %select_n3A_1148 by %roll3A_1438 dim 1 : vector<1x384xf32>, i32 -> vector<1x384xf32>
    %mul3A_1440 = arith.mulf %select_n3A_1148, %roll3A_1439 : vector<1x384xf32>
    %jit3A_1441 = arith.constant 0.000000e+00 : f32
    %broadcast_in_dim3A_1442 = vector.broadcast %jit3A_1441 : f32 to vector<1x384xf32>
    %select_n3A_1443 = arith.select %lt3A_1437, %mul3A_1440, %broadcast_in_dim3A_1442 : vector<1x384xi1>, vector<1x384xf32>
    %roll3A_1444 = arith.constant 376 : i32
    %roll3A_1445 = tpu.dynamic_rotate %add3A_1142 by %roll3A_1444 dim 1 : vector<1x384xi32>, i32 -> vector<1x384xi32>
    %eq3A_1446 = arith.cmpi eq, %add3A_1142, %roll3A_1445 : vector<1x384xi32>
    %jit3A_1447 = arith.constant 0.000000e+00 : f32
    %broadcast_in_dim3A_1448 = vector.broadcast %jit3A_1447 : f32 to vector<1x384xf32>
    %select_n3A_1449 = arith.select %eq3A_1446, %select_n3A_1443, %broadcast_in_dim3A_1448 : vector<1x384xi1>, vector<1x384xf32>
    %add3A_1450 = arith.addf %add3A_1413, %select_n3A_1449 : vector<1x384xf32>
    %ge3A_1451 = arith.constant 9 : i32
    %ge3A_1452 = vector.broadcast %ge3A_1451 : i32 to vector<1x384xi32>
    %ge3A_1453 = arith.cmpi sge, %select_n3A_27, %ge3A_1452 : vector<1x384xi32>
    %roll3A_1454 = arith.constant 9 : i32
    %roll3A_1455 = tpu.dynamic_rotate %select_n3A_1148 by %roll3A_1454 dim 1 : vector<1x384xf32>, i32 -> vector<1x384xf32>
    %mul3A_1456 = arith.mulf %select_n3A_1148, %roll3A_1455 : vector<1x384xf32>
    %jit3A_1457 = arith.constant 0.000000e+00 : f32
    %broadcast_in_dim3A_1458 = vector.broadcast %jit3A_1457 : f32 to vector<1x384xf32>
    %select_n3A_1459 = arith.select %ge3A_1453, %mul3A_1456, %broadcast_in_dim3A_1458 : vector<1x384xi1>, vector<1x384xf32>
    %roll3A_1460 = arith.constant 9 : i32
    %roll3A_1461 = tpu.dynamic_rotate %add3A_1142 by %roll3A_1460 dim 1 : vector<1x384xi32>, i32 -> vector<1x384xi32>
    %eq3A_1462 = arith.cmpi eq, %add3A_1142, %roll3A_1461 : vector<1x384xi32>
    %jit3A_1463 = arith.constant 0.000000e+00 : f32
    %broadcast_in_dim3A_1464 = vector.broadcast %jit3A_1463 : f32 to vector<1x384xf32>
    %select_n3A_1465 = arith.select %eq3A_1462, %select_n3A_1459, %broadcast_in_dim3A_1464 : vector<1x384xi1>, vector<1x384xf32>
    %add3A_1466 = arith.addf %add3A_1429, %select_n3A_1465 : vector<1x384xf32>
    %eq3A_1467 = arith.cmpf oeq, %get3A_1, %roll3A_77 : vector<1x384xf32>
    %jit3A_1468 = arith.constant 0.000000e+00 : f32
    %broadcast_in_dim3A_1469 = vector.broadcast %jit3A_1468 : f32 to vector<1x384xf32>
    %select_n3A_1470 = arith.select %eq3A_1467, %select_n3A_1465, %broadcast_in_dim3A_1469 : vector<1x384xi1>, vector<1x384xf32>
    %add3A_1471 = arith.addf %add3A_1434, %select_n3A_1470 : vector<1x384xf32>
    %lt3A_1472 = arith.constant 11 : i32
    %lt3A_1473 = vector.broadcast %lt3A_1472 : i32 to vector<1x384xi32>
    %lt3A_1474 = arith.cmpi slt, %select_n3A_27, %lt3A_1473 : vector<1x384xi32>
    %roll3A_1475 = arith.constant 375 : i32
    %roll3A_1476 = tpu.dynamic_rotate %select_n3A_1148 by %roll3A_1475 dim 1 : vector<1x384xf32>, i32 -> vector<1x384xf32>
    %mul3A_1477 = arith.mulf %select_n3A_1148, %roll3A_1476 : vector<1x384xf32>
    %jit3A_1478 = arith.constant 0.000000e+00 : f32
    %broadcast_in_dim3A_1479 = vector.broadcast %jit3A_1478 : f32 to vector<1x384xf32>
    %select_n3A_1480 = arith.select %lt3A_1474, %mul3A_1477, %broadcast_in_dim3A_1479 : vector<1x384xi1>, vector<1x384xf32>
    %roll3A_1481 = arith.constant 375 : i32
    %roll3A_1482 = tpu.dynamic_rotate %add3A_1142 by %roll3A_1481 dim 1 : vector<1x384xi32>, i32 -> vector<1x384xi32>
    %eq3A_1483 = arith.cmpi eq, %add3A_1142, %roll3A_1482 : vector<1x384xi32>
    %jit3A_1484 = arith.constant 0.000000e+00 : f32
    %broadcast_in_dim3A_1485 = vector.broadcast %jit3A_1484 : f32 to vector<1x384xf32>
    %select_n3A_1486 = arith.select %eq3A_1483, %select_n3A_1480, %broadcast_in_dim3A_1485 : vector<1x384xi1>, vector<1x384xf32>
    %add3A_1487 = arith.addf %add3A_1450, %select_n3A_1486 : vector<1x384xf32>
    %ge3A_1488 = arith.constant 10 : i32
    %ge3A_1489 = vector.broadcast %ge3A_1488 : i32 to vector<1x384xi32>
    %ge3A_1490 = arith.cmpi sge, %select_n3A_27, %ge3A_1489 : vector<1x384xi32>
    %roll3A_1491 = arith.constant 10 : i32
    %roll3A_1492 = tpu.dynamic_rotate %select_n3A_1148 by %roll3A_1491 dim 1 : vector<1x384xf32>, i32 -> vector<1x384xf32>
    %mul3A_1493 = arith.mulf %select_n3A_1148, %roll3A_1492 : vector<1x384xf32>
    %jit3A_1494 = arith.constant 0.000000e+00 : f32
    %broadcast_in_dim3A_1495 = vector.broadcast %jit3A_1494 : f32 to vector<1x384xf32>
    %select_n3A_1496 = arith.select %ge3A_1490, %mul3A_1493, %broadcast_in_dim3A_1495 : vector<1x384xi1>, vector<1x384xf32>
    %roll3A_1497 = arith.constant 10 : i32
    %roll3A_1498 = tpu.dynamic_rotate %add3A_1142 by %roll3A_1497 dim 1 : vector<1x384xi32>, i32 -> vector<1x384xi32>
    %eq3A_1499 = arith.cmpi eq, %add3A_1142, %roll3A_1498 : vector<1x384xi32>
    %jit3A_1500 = arith.constant 0.000000e+00 : f32
    %broadcast_in_dim3A_1501 = vector.broadcast %jit3A_1500 : f32 to vector<1x384xf32>
    %select_n3A_1502 = arith.select %eq3A_1499, %select_n3A_1496, %broadcast_in_dim3A_1501 : vector<1x384xi1>, vector<1x384xf32>
    %add3A_1503 = arith.addf %add3A_1466, %select_n3A_1502 : vector<1x384xf32>
    %eq3A_1504 = arith.cmpf oeq, %get3A_1, %roll3A_79 : vector<1x384xf32>
    %jit3A_1505 = arith.constant 0.000000e+00 : f32
    %broadcast_in_dim3A_1506 = vector.broadcast %jit3A_1505 : f32 to vector<1x384xf32>
    %select_n3A_1507 = arith.select %eq3A_1504, %select_n3A_1502, %broadcast_in_dim3A_1506 : vector<1x384xi1>, vector<1x384xf32>
    %add3A_1508 = arith.addf %add3A_1471, %select_n3A_1507 : vector<1x384xf32>
    %lt3A_1509 = arith.constant 10 : i32
    %lt3A_1510 = vector.broadcast %lt3A_1509 : i32 to vector<1x384xi32>
    %lt3A_1511 = arith.cmpi slt, %select_n3A_27, %lt3A_1510 : vector<1x384xi32>
    %roll3A_1512 = arith.constant 374 : i32
    %roll3A_1513 = tpu.dynamic_rotate %select_n3A_1148 by %roll3A_1512 dim 1 : vector<1x384xf32>, i32 -> vector<1x384xf32>
    %mul3A_1514 = arith.mulf %select_n3A_1148, %roll3A_1513 : vector<1x384xf32>
    %jit3A_1515 = arith.constant 0.000000e+00 : f32
    %broadcast_in_dim3A_1516 = vector.broadcast %jit3A_1515 : f32 to vector<1x384xf32>
    %select_n3A_1517 = arith.select %lt3A_1511, %mul3A_1514, %broadcast_in_dim3A_1516 : vector<1x384xi1>, vector<1x384xf32>
    %roll3A_1518 = arith.constant 374 : i32
    %roll3A_1519 = tpu.dynamic_rotate %add3A_1142 by %roll3A_1518 dim 1 : vector<1x384xi32>, i32 -> vector<1x384xi32>
    %eq3A_1520 = arith.cmpi eq, %add3A_1142, %roll3A_1519 : vector<1x384xi32>
    %jit3A_1521 = arith.constant 0.000000e+00 : f32
    %broadcast_in_dim3A_1522 = vector.broadcast %jit3A_1521 : f32 to vector<1x384xf32>
    %select_n3A_1523 = arith.select %eq3A_1520, %select_n3A_1517, %broadcast_in_dim3A_1522 : vector<1x384xi1>, vector<1x384xf32>
    %add3A_1524 = arith.addf %add3A_1487, %select_n3A_1523 : vector<1x384xf32>
    %ge3A_1525 = arith.constant 11 : i32
    %ge3A_1526 = vector.broadcast %ge3A_1525 : i32 to vector<1x384xi32>
    %ge3A_1527 = arith.cmpi sge, %select_n3A_27, %ge3A_1526 : vector<1x384xi32>
    %roll3A_1528 = arith.constant 11 : i32
    %roll3A_1529 = tpu.dynamic_rotate %select_n3A_1148 by %roll3A_1528 dim 1 : vector<1x384xf32>, i32 -> vector<1x384xf32>
    %mul3A_1530 = arith.mulf %select_n3A_1148, %roll3A_1529 : vector<1x384xf32>
    %jit3A_1531 = arith.constant 0.000000e+00 : f32
    %broadcast_in_dim3A_1532 = vector.broadcast %jit3A_1531 : f32 to vector<1x384xf32>
    %select_n3A_1533 = arith.select %ge3A_1527, %mul3A_1530, %broadcast_in_dim3A_1532 : vector<1x384xi1>, vector<1x384xf32>
    %roll3A_1534 = arith.constant 11 : i32
    %roll3A_1535 = tpu.dynamic_rotate %add3A_1142 by %roll3A_1534 dim 1 : vector<1x384xi32>, i32 -> vector<1x384xi32>
    %eq3A_1536 = arith.cmpi eq, %add3A_1142, %roll3A_1535 : vector<1x384xi32>
    %jit3A_1537 = arith.constant 0.000000e+00 : f32
    %broadcast_in_dim3A_1538 = vector.broadcast %jit3A_1537 : f32 to vector<1x384xf32>
    %select_n3A_1539 = arith.select %eq3A_1536, %select_n3A_1533, %broadcast_in_dim3A_1538 : vector<1x384xi1>, vector<1x384xf32>
    %add3A_1540 = arith.addf %add3A_1503, %select_n3A_1539 : vector<1x384xf32>
    %eq3A_1541 = arith.cmpf oeq, %get3A_1, %roll3A_81 : vector<1x384xf32>
    %jit3A_1542 = arith.constant 0.000000e+00 : f32
    %broadcast_in_dim3A_1543 = vector.broadcast %jit3A_1542 : f32 to vector<1x384xf32>
    %select_n3A_1544 = arith.select %eq3A_1541, %select_n3A_1539, %broadcast_in_dim3A_1543 : vector<1x384xi1>, vector<1x384xf32>
    %add3A_1545 = arith.addf %add3A_1508, %select_n3A_1544 : vector<1x384xf32>
    %lt3A_1546 = arith.constant 9 : i32
    %lt3A_1547 = vector.broadcast %lt3A_1546 : i32 to vector<1x384xi32>
    %lt3A_1548 = arith.cmpi slt, %select_n3A_27, %lt3A_1547 : vector<1x384xi32>
    %roll3A_1549 = arith.constant 373 : i32
    %roll3A_1550 = tpu.dynamic_rotate %select_n3A_1148 by %roll3A_1549 dim 1 : vector<1x384xf32>, i32 -> vector<1x384xf32>
    %mul3A_1551 = arith.mulf %select_n3A_1148, %roll3A_1550 : vector<1x384xf32>
    %jit3A_1552 = arith.constant 0.000000e+00 : f32
    %broadcast_in_dim3A_1553 = vector.broadcast %jit3A_1552 : f32 to vector<1x384xf32>
    %select_n3A_1554 = arith.select %lt3A_1548, %mul3A_1551, %broadcast_in_dim3A_1553 : vector<1x384xi1>, vector<1x384xf32>
    %roll3A_1555 = arith.constant 373 : i32
    %roll3A_1556 = tpu.dynamic_rotate %add3A_1142 by %roll3A_1555 dim 1 : vector<1x384xi32>, i32 -> vector<1x384xi32>
    %eq3A_1557 = arith.cmpi eq, %add3A_1142, %roll3A_1556 : vector<1x384xi32>
    %jit3A_1558 = arith.constant 0.000000e+00 : f32
    %broadcast_in_dim3A_1559 = vector.broadcast %jit3A_1558 : f32 to vector<1x384xf32>
    %select_n3A_1560 = arith.select %eq3A_1557, %select_n3A_1554, %broadcast_in_dim3A_1559 : vector<1x384xi1>, vector<1x384xf32>
    %add3A_1561 = arith.addf %add3A_1524, %select_n3A_1560 : vector<1x384xf32>
    %ge3A_1562 = arith.constant 12 : i32
    %ge3A_1563 = vector.broadcast %ge3A_1562 : i32 to vector<1x384xi32>
    %ge3A_1564 = arith.cmpi sge, %select_n3A_27, %ge3A_1563 : vector<1x384xi32>
    %roll3A_1565 = arith.constant 12 : i32
    %roll3A_1566 = tpu.dynamic_rotate %select_n3A_1148 by %roll3A_1565 dim 1 : vector<1x384xf32>, i32 -> vector<1x384xf32>
    %mul3A_1567 = arith.mulf %select_n3A_1148, %roll3A_1566 : vector<1x384xf32>
    %jit3A_1568 = arith.constant 0.000000e+00 : f32
    %broadcast_in_dim3A_1569 = vector.broadcast %jit3A_1568 : f32 to vector<1x384xf32>
    %select_n3A_1570 = arith.select %ge3A_1564, %mul3A_1567, %broadcast_in_dim3A_1569 : vector<1x384xi1>, vector<1x384xf32>
    %roll3A_1571 = arith.constant 12 : i32
    %roll3A_1572 = tpu.dynamic_rotate %add3A_1142 by %roll3A_1571 dim 1 : vector<1x384xi32>, i32 -> vector<1x384xi32>
    %eq3A_1573 = arith.cmpi eq, %add3A_1142, %roll3A_1572 : vector<1x384xi32>
    %jit3A_1574 = arith.constant 0.000000e+00 : f32
    %broadcast_in_dim3A_1575 = vector.broadcast %jit3A_1574 : f32 to vector<1x384xf32>
    %select_n3A_1576 = arith.select %eq3A_1573, %select_n3A_1570, %broadcast_in_dim3A_1575 : vector<1x384xi1>, vector<1x384xf32>
    %add3A_1577 = arith.addf %add3A_1540, %select_n3A_1576 : vector<1x384xf32>
    %eq3A_1578 = arith.cmpf oeq, %get3A_1, %roll3A_83 : vector<1x384xf32>
    %jit3A_1579 = arith.constant 0.000000e+00 : f32
    %broadcast_in_dim3A_1580 = vector.broadcast %jit3A_1579 : f32 to vector<1x384xf32>
    %select_n3A_1581 = arith.select %eq3A_1578, %select_n3A_1576, %broadcast_in_dim3A_1580 : vector<1x384xi1>, vector<1x384xf32>
    %add3A_1582 = arith.addf %add3A_1545, %select_n3A_1581 : vector<1x384xf32>
    %lt3A_1583 = arith.constant 8 : i32
    %lt3A_1584 = vector.broadcast %lt3A_1583 : i32 to vector<1x384xi32>
    %lt3A_1585 = arith.cmpi slt, %select_n3A_27, %lt3A_1584 : vector<1x384xi32>
    %roll3A_1586 = arith.constant 372 : i32
    %roll3A_1587 = tpu.dynamic_rotate %select_n3A_1148 by %roll3A_1586 dim 1 : vector<1x384xf32>, i32 -> vector<1x384xf32>
    %mul3A_1588 = arith.mulf %select_n3A_1148, %roll3A_1587 : vector<1x384xf32>
    %jit3A_1589 = arith.constant 0.000000e+00 : f32
    %broadcast_in_dim3A_1590 = vector.broadcast %jit3A_1589 : f32 to vector<1x384xf32>
    %select_n3A_1591 = arith.select %lt3A_1585, %mul3A_1588, %broadcast_in_dim3A_1590 : vector<1x384xi1>, vector<1x384xf32>
    %roll3A_1592 = arith.constant 372 : i32
    %roll3A_1593 = tpu.dynamic_rotate %add3A_1142 by %roll3A_1592 dim 1 : vector<1x384xi32>, i32 -> vector<1x384xi32>
    %eq3A_1594 = arith.cmpi eq, %add3A_1142, %roll3A_1593 : vector<1x384xi32>
    %jit3A_1595 = arith.constant 0.000000e+00 : f32
    %broadcast_in_dim3A_1596 = vector.broadcast %jit3A_1595 : f32 to vector<1x384xf32>
    %select_n3A_1597 = arith.select %eq3A_1594, %select_n3A_1591, %broadcast_in_dim3A_1596 : vector<1x384xi1>, vector<1x384xf32>
    %add3A_1598 = arith.addf %add3A_1561, %select_n3A_1597 : vector<1x384xf32>
    %ge3A_1599 = arith.constant 13 : i32
    %ge3A_1600 = vector.broadcast %ge3A_1599 : i32 to vector<1x384xi32>
    %ge3A_1601 = arith.cmpi sge, %select_n3A_27, %ge3A_1600 : vector<1x384xi32>
    %roll3A_1602 = arith.constant 13 : i32
    %roll3A_1603 = tpu.dynamic_rotate %select_n3A_1148 by %roll3A_1602 dim 1 : vector<1x384xf32>, i32 -> vector<1x384xf32>
    %mul3A_1604 = arith.mulf %select_n3A_1148, %roll3A_1603 : vector<1x384xf32>
    %jit3A_1605 = arith.constant 0.000000e+00 : f32
    %broadcast_in_dim3A_1606 = vector.broadcast %jit3A_1605 : f32 to vector<1x384xf32>
    %select_n3A_1607 = arith.select %ge3A_1601, %mul3A_1604, %broadcast_in_dim3A_1606 : vector<1x384xi1>, vector<1x384xf32>
    %roll3A_1608 = arith.constant 13 : i32
    %roll3A_1609 = tpu.dynamic_rotate %add3A_1142 by %roll3A_1608 dim 1 : vector<1x384xi32>, i32 -> vector<1x384xi32>
    %eq3A_1610 = arith.cmpi eq, %add3A_1142, %roll3A_1609 : vector<1x384xi32>
    %jit3A_1611 = arith.constant 0.000000e+00 : f32
    %broadcast_in_dim3A_1612 = vector.broadcast %jit3A_1611 : f32 to vector<1x384xf32>
    %select_n3A_1613 = arith.select %eq3A_1610, %select_n3A_1607, %broadcast_in_dim3A_1612 : vector<1x384xi1>, vector<1x384xf32>
    %add3A_1614 = arith.addf %add3A_1577, %select_n3A_1613 : vector<1x384xf32>
    %eq3A_1615 = arith.cmpf oeq, %get3A_1, %roll3A_85 : vector<1x384xf32>
    %jit3A_1616 = arith.constant 0.000000e+00 : f32
    %broadcast_in_dim3A_1617 = vector.broadcast %jit3A_1616 : f32 to vector<1x384xf32>
    %select_n3A_1618 = arith.select %eq3A_1615, %select_n3A_1613, %broadcast_in_dim3A_1617 : vector<1x384xi1>, vector<1x384xf32>
    %add3A_1619 = arith.addf %add3A_1582, %select_n3A_1618 : vector<1x384xf32>
    %lt3A_1620 = arith.constant 7 : i32
    %lt3A_1621 = vector.broadcast %lt3A_1620 : i32 to vector<1x384xi32>
    %lt3A_1622 = arith.cmpi slt, %select_n3A_27, %lt3A_1621 : vector<1x384xi32>
    %roll3A_1623 = arith.constant 371 : i32
    %roll3A_1624 = tpu.dynamic_rotate %select_n3A_1148 by %roll3A_1623 dim 1 : vector<1x384xf32>, i32 -> vector<1x384xf32>
    %mul3A_1625 = arith.mulf %select_n3A_1148, %roll3A_1624 : vector<1x384xf32>
    %jit3A_1626 = arith.constant 0.000000e+00 : f32
    %broadcast_in_dim3A_1627 = vector.broadcast %jit3A_1626 : f32 to vector<1x384xf32>
    %select_n3A_1628 = arith.select %lt3A_1622, %mul3A_1625, %broadcast_in_dim3A_1627 : vector<1x384xi1>, vector<1x384xf32>
    %roll3A_1629 = arith.constant 371 : i32
    %roll3A_1630 = tpu.dynamic_rotate %add3A_1142 by %roll3A_1629 dim 1 : vector<1x384xi32>, i32 -> vector<1x384xi32>
    %eq3A_1631 = arith.cmpi eq, %add3A_1142, %roll3A_1630 : vector<1x384xi32>
    %jit3A_1632 = arith.constant 0.000000e+00 : f32
    %broadcast_in_dim3A_1633 = vector.broadcast %jit3A_1632 : f32 to vector<1x384xf32>
    %select_n3A_1634 = arith.select %eq3A_1631, %select_n3A_1628, %broadcast_in_dim3A_1633 : vector<1x384xi1>, vector<1x384xf32>
    %add3A_1635 = arith.addf %add3A_1598, %select_n3A_1634 : vector<1x384xf32>
    %ge3A_1636 = arith.constant 14 : i32
    %ge3A_1637 = vector.broadcast %ge3A_1636 : i32 to vector<1x384xi32>
    %ge3A_1638 = arith.cmpi sge, %select_n3A_27, %ge3A_1637 : vector<1x384xi32>
    %roll3A_1639 = arith.constant 14 : i32
    %roll3A_1640 = tpu.dynamic_rotate %select_n3A_1148 by %roll3A_1639 dim 1 : vector<1x384xf32>, i32 -> vector<1x384xf32>
    %mul3A_1641 = arith.mulf %select_n3A_1148, %roll3A_1640 : vector<1x384xf32>
    %jit3A_1642 = arith.constant 0.000000e+00 : f32
    %broadcast_in_dim3A_1643 = vector.broadcast %jit3A_1642 : f32 to vector<1x384xf32>
    %select_n3A_1644 = arith.select %ge3A_1638, %mul3A_1641, %broadcast_in_dim3A_1643 : vector<1x384xi1>, vector<1x384xf32>
    %roll3A_1645 = arith.constant 14 : i32
    %roll3A_1646 = tpu.dynamic_rotate %add3A_1142 by %roll3A_1645 dim 1 : vector<1x384xi32>, i32 -> vector<1x384xi32>
    %eq3A_1647 = arith.cmpi eq, %add3A_1142, %roll3A_1646 : vector<1x384xi32>
    %jit3A_1648 = arith.constant 0.000000e+00 : f32
    %broadcast_in_dim3A_1649 = vector.broadcast %jit3A_1648 : f32 to vector<1x384xf32>
    %select_n3A_1650 = arith.select %eq3A_1647, %select_n3A_1644, %broadcast_in_dim3A_1649 : vector<1x384xi1>, vector<1x384xf32>
    %add3A_1651 = arith.addf %add3A_1614, %select_n3A_1650 : vector<1x384xf32>
    %eq3A_1652 = arith.cmpf oeq, %get3A_1, %roll3A_87 : vector<1x384xf32>
    %jit3A_1653 = arith.constant 0.000000e+00 : f32
    %broadcast_in_dim3A_1654 = vector.broadcast %jit3A_1653 : f32 to vector<1x384xf32>
    %select_n3A_1655 = arith.select %eq3A_1652, %select_n3A_1650, %broadcast_in_dim3A_1654 : vector<1x384xi1>, vector<1x384xf32>
    %add3A_1656 = arith.addf %add3A_1619, %select_n3A_1655 : vector<1x384xf32>
    %lt3A_1657 = arith.constant 6 : i32
    %lt3A_1658 = vector.broadcast %lt3A_1657 : i32 to vector<1x384xi32>
    %lt3A_1659 = arith.cmpi slt, %select_n3A_27, %lt3A_1658 : vector<1x384xi32>
    %roll3A_1660 = arith.constant 370 : i32
    %roll3A_1661 = tpu.dynamic_rotate %select_n3A_1148 by %roll3A_1660 dim 1 : vector<1x384xf32>, i32 -> vector<1x384xf32>
    %mul3A_1662 = arith.mulf %select_n3A_1148, %roll3A_1661 : vector<1x384xf32>
    %jit3A_1663 = arith.constant 0.000000e+00 : f32
    %broadcast_in_dim3A_1664 = vector.broadcast %jit3A_1663 : f32 to vector<1x384xf32>
    %select_n3A_1665 = arith.select %lt3A_1659, %mul3A_1662, %broadcast_in_dim3A_1664 : vector<1x384xi1>, vector<1x384xf32>
    %roll3A_1666 = arith.constant 370 : i32
    %roll3A_1667 = tpu.dynamic_rotate %add3A_1142 by %roll3A_1666 dim 1 : vector<1x384xi32>, i32 -> vector<1x384xi32>
    %eq3A_1668 = arith.cmpi eq, %add3A_1142, %roll3A_1667 : vector<1x384xi32>
    %jit3A_1669 = arith.constant 0.000000e+00 : f32
    %broadcast_in_dim3A_1670 = vector.broadcast %jit3A_1669 : f32 to vector<1x384xf32>
    %select_n3A_1671 = arith.select %eq3A_1668, %select_n3A_1665, %broadcast_in_dim3A_1670 : vector<1x384xi1>, vector<1x384xf32>
    %add3A_1672 = arith.addf %add3A_1635, %select_n3A_1671 : vector<1x384xf32>
    %ge3A_1673 = arith.constant 15 : i32
    %ge3A_1674 = vector.broadcast %ge3A_1673 : i32 to vector<1x384xi32>
    %ge3A_1675 = arith.cmpi sge, %select_n3A_27, %ge3A_1674 : vector<1x384xi32>
    %roll3A_1676 = arith.constant 15 : i32
    %roll3A_1677 = tpu.dynamic_rotate %select_n3A_1148 by %roll3A_1676 dim 1 : vector<1x384xf32>, i32 -> vector<1x384xf32>
    %mul3A_1678 = arith.mulf %select_n3A_1148, %roll3A_1677 : vector<1x384xf32>
    %jit3A_1679 = arith.constant 0.000000e+00 : f32
    %broadcast_in_dim3A_1680 = vector.broadcast %jit3A_1679 : f32 to vector<1x384xf32>
    %select_n3A_1681 = arith.select %ge3A_1675, %mul3A_1678, %broadcast_in_dim3A_1680 : vector<1x384xi1>, vector<1x384xf32>
    %roll3A_1682 = arith.constant 15 : i32
    %roll3A_1683 = tpu.dynamic_rotate %add3A_1142 by %roll3A_1682 dim 1 : vector<1x384xi32>, i32 -> vector<1x384xi32>
    %eq3A_1684 = arith.cmpi eq, %add3A_1142, %roll3A_1683 : vector<1x384xi32>
    %jit3A_1685 = arith.constant 0.000000e+00 : f32
    %broadcast_in_dim3A_1686 = vector.broadcast %jit3A_1685 : f32 to vector<1x384xf32>
    %select_n3A_1687 = arith.select %eq3A_1684, %select_n3A_1681, %broadcast_in_dim3A_1686 : vector<1x384xi1>, vector<1x384xf32>
    %add3A_1688 = arith.addf %add3A_1651, %select_n3A_1687 : vector<1x384xf32>
    %eq3A_1689 = arith.cmpf oeq, %get3A_1, %roll3A_89 : vector<1x384xf32>
    %jit3A_1690 = arith.constant 0.000000e+00 : f32
    %broadcast_in_dim3A_1691 = vector.broadcast %jit3A_1690 : f32 to vector<1x384xf32>
    %select_n3A_1692 = arith.select %eq3A_1689, %select_n3A_1687, %broadcast_in_dim3A_1691 : vector<1x384xi1>, vector<1x384xf32>
    %add3A_1693 = arith.addf %add3A_1656, %select_n3A_1692 : vector<1x384xf32>
    %lt3A_1694 = arith.constant 5 : i32
    %lt3A_1695 = vector.broadcast %lt3A_1694 : i32 to vector<1x384xi32>
    %lt3A_1696 = arith.cmpi slt, %select_n3A_27, %lt3A_1695 : vector<1x384xi32>
    %roll3A_1697 = arith.constant 369 : i32
    %roll3A_1698 = tpu.dynamic_rotate %select_n3A_1148 by %roll3A_1697 dim 1 : vector<1x384xf32>, i32 -> vector<1x384xf32>
    %mul3A_1699 = arith.mulf %select_n3A_1148, %roll3A_1698 : vector<1x384xf32>
    %jit3A_1700 = arith.constant 0.000000e+00 : f32
    %broadcast_in_dim3A_1701 = vector.broadcast %jit3A_1700 : f32 to vector<1x384xf32>
    %select_n3A_1702 = arith.select %lt3A_1696, %mul3A_1699, %broadcast_in_dim3A_1701 : vector<1x384xi1>, vector<1x384xf32>
    %roll3A_1703 = arith.constant 369 : i32
    %roll3A_1704 = tpu.dynamic_rotate %add3A_1142 by %roll3A_1703 dim 1 : vector<1x384xi32>, i32 -> vector<1x384xi32>
    %eq3A_1705 = arith.cmpi eq, %add3A_1142, %roll3A_1704 : vector<1x384xi32>
    %jit3A_1706 = arith.constant 0.000000e+00 : f32
    %broadcast_in_dim3A_1707 = vector.broadcast %jit3A_1706 : f32 to vector<1x384xf32>
    %select_n3A_1708 = arith.select %eq3A_1705, %select_n3A_1702, %broadcast_in_dim3A_1707 : vector<1x384xi1>, vector<1x384xf32>
    %add3A_1709 = arith.addf %add3A_1672, %select_n3A_1708 : vector<1x384xf32>
    %ge3A_1710 = arith.constant 16 : i32
    %ge3A_1711 = vector.broadcast %ge3A_1710 : i32 to vector<1x384xi32>
    %ge3A_1712 = arith.cmpi sge, %select_n3A_27, %ge3A_1711 : vector<1x384xi32>
    %roll3A_1713 = arith.constant 16 : i32
    %roll3A_1714 = tpu.dynamic_rotate %select_n3A_1148 by %roll3A_1713 dim 1 : vector<1x384xf32>, i32 -> vector<1x384xf32>
    %mul3A_1715 = arith.mulf %select_n3A_1148, %roll3A_1714 : vector<1x384xf32>
    %jit3A_1716 = arith.constant 0.000000e+00 : f32
    %broadcast_in_dim3A_1717 = vector.broadcast %jit3A_1716 : f32 to vector<1x384xf32>
    %select_n3A_1718 = arith.select %ge3A_1712, %mul3A_1715, %broadcast_in_dim3A_1717 : vector<1x384xi1>, vector<1x384xf32>
    %roll3A_1719 = arith.constant 16 : i32
    %roll3A_1720 = tpu.dynamic_rotate %add3A_1142 by %roll3A_1719 dim 1 : vector<1x384xi32>, i32 -> vector<1x384xi32>
    %eq3A_1721 = arith.cmpi eq, %add3A_1142, %roll3A_1720 : vector<1x384xi32>
    %jit3A_1722 = arith.constant 0.000000e+00 : f32
    %broadcast_in_dim3A_1723 = vector.broadcast %jit3A_1722 : f32 to vector<1x384xf32>
    %select_n3A_1724 = arith.select %eq3A_1721, %select_n3A_1718, %broadcast_in_dim3A_1723 : vector<1x384xi1>, vector<1x384xf32>
    %add3A_1725 = arith.addf %add3A_1688, %select_n3A_1724 : vector<1x384xf32>
    %eq3A_1726 = arith.cmpf oeq, %get3A_1, %roll3A_91 : vector<1x384xf32>
    %jit3A_1727 = arith.constant 0.000000e+00 : f32
    %broadcast_in_dim3A_1728 = vector.broadcast %jit3A_1727 : f32 to vector<1x384xf32>
    %select_n3A_1729 = arith.select %eq3A_1726, %select_n3A_1724, %broadcast_in_dim3A_1728 : vector<1x384xi1>, vector<1x384xf32>
    %add3A_1730 = arith.addf %add3A_1693, %select_n3A_1729 : vector<1x384xf32>
    %lt3A_1731 = arith.constant 4 : i32
    %lt3A_1732 = vector.broadcast %lt3A_1731 : i32 to vector<1x384xi32>
    %lt3A_1733 = arith.cmpi slt, %select_n3A_27, %lt3A_1732 : vector<1x384xi32>
    %roll3A_1734 = arith.constant 368 : i32
    %roll3A_1735 = tpu.dynamic_rotate %select_n3A_1148 by %roll3A_1734 dim 1 : vector<1x384xf32>, i32 -> vector<1x384xf32>
    %mul3A_1736 = arith.mulf %select_n3A_1148, %roll3A_1735 : vector<1x384xf32>
    %jit3A_1737 = arith.constant 0.000000e+00 : f32
    %broadcast_in_dim3A_1738 = vector.broadcast %jit3A_1737 : f32 to vector<1x384xf32>
    %select_n3A_1739 = arith.select %lt3A_1733, %mul3A_1736, %broadcast_in_dim3A_1738 : vector<1x384xi1>, vector<1x384xf32>
    %roll3A_1740 = arith.constant 368 : i32
    %roll3A_1741 = tpu.dynamic_rotate %add3A_1142 by %roll3A_1740 dim 1 : vector<1x384xi32>, i32 -> vector<1x384xi32>
    %eq3A_1742 = arith.cmpi eq, %add3A_1142, %roll3A_1741 : vector<1x384xi32>
    %jit3A_1743 = arith.constant 0.000000e+00 : f32
    %broadcast_in_dim3A_1744 = vector.broadcast %jit3A_1743 : f32 to vector<1x384xf32>
    %select_n3A_1745 = arith.select %eq3A_1742, %select_n3A_1739, %broadcast_in_dim3A_1744 : vector<1x384xi1>, vector<1x384xf32>
    %add3A_1746 = arith.addf %add3A_1709, %select_n3A_1745 : vector<1x384xf32>
    %ge3A_1747 = arith.constant 17 : i32
    %ge3A_1748 = vector.broadcast %ge3A_1747 : i32 to vector<1x384xi32>
    %ge3A_1749 = arith.cmpi sge, %select_n3A_27, %ge3A_1748 : vector<1x384xi32>
    %roll3A_1750 = arith.constant 17 : i32
    %roll3A_1751 = tpu.dynamic_rotate %select_n3A_1148 by %roll3A_1750 dim 1 : vector<1x384xf32>, i32 -> vector<1x384xf32>
    %mul3A_1752 = arith.mulf %select_n3A_1148, %roll3A_1751 : vector<1x384xf32>
    %jit3A_1753 = arith.constant 0.000000e+00 : f32
    %broadcast_in_dim3A_1754 = vector.broadcast %jit3A_1753 : f32 to vector<1x384xf32>
    %select_n3A_1755 = arith.select %ge3A_1749, %mul3A_1752, %broadcast_in_dim3A_1754 : vector<1x384xi1>, vector<1x384xf32>
    %roll3A_1756 = arith.constant 17 : i32
    %roll3A_1757 = tpu.dynamic_rotate %add3A_1142 by %roll3A_1756 dim 1 : vector<1x384xi32>, i32 -> vector<1x384xi32>
    %eq3A_1758 = arith.cmpi eq, %add3A_1142, %roll3A_1757 : vector<1x384xi32>
    %jit3A_1759 = arith.constant 0.000000e+00 : f32
    %broadcast_in_dim3A_1760 = vector.broadcast %jit3A_1759 : f32 to vector<1x384xf32>
    %select_n3A_1761 = arith.select %eq3A_1758, %select_n3A_1755, %broadcast_in_dim3A_1760 : vector<1x384xi1>, vector<1x384xf32>
    %add3A_1762 = arith.addf %add3A_1725, %select_n3A_1761 : vector<1x384xf32>
    %eq3A_1763 = arith.cmpf oeq, %get3A_1, %roll3A_93 : vector<1x384xf32>
    %jit3A_1764 = arith.constant 0.000000e+00 : f32
    %broadcast_in_dim3A_1765 = vector.broadcast %jit3A_1764 : f32 to vector<1x384xf32>
    %select_n3A_1766 = arith.select %eq3A_1763, %select_n3A_1761, %broadcast_in_dim3A_1765 : vector<1x384xi1>, vector<1x384xf32>
    %add3A_1767 = arith.addf %add3A_1730, %select_n3A_1766 : vector<1x384xf32>
    %lt3A_1768 = arith.constant 3 : i32
    %lt3A_1769 = vector.broadcast %lt3A_1768 : i32 to vector<1x384xi32>
    %lt3A_1770 = arith.cmpi slt, %select_n3A_27, %lt3A_1769 : vector<1x384xi32>
    %roll3A_1771 = arith.constant 367 : i32
    %roll3A_1772 = tpu.dynamic_rotate %select_n3A_1148 by %roll3A_1771 dim 1 : vector<1x384xf32>, i32 -> vector<1x384xf32>
    %mul3A_1773 = arith.mulf %select_n3A_1148, %roll3A_1772 : vector<1x384xf32>
    %jit3A_1774 = arith.constant 0.000000e+00 : f32
    %broadcast_in_dim3A_1775 = vector.broadcast %jit3A_1774 : f32 to vector<1x384xf32>
    %select_n3A_1776 = arith.select %lt3A_1770, %mul3A_1773, %broadcast_in_dim3A_1775 : vector<1x384xi1>, vector<1x384xf32>
    %roll3A_1777 = arith.constant 367 : i32
    %roll3A_1778 = tpu.dynamic_rotate %add3A_1142 by %roll3A_1777 dim 1 : vector<1x384xi32>, i32 -> vector<1x384xi32>
    %eq3A_1779 = arith.cmpi eq, %add3A_1142, %roll3A_1778 : vector<1x384xi32>
    %jit3A_1780 = arith.constant 0.000000e+00 : f32
    %broadcast_in_dim3A_1781 = vector.broadcast %jit3A_1780 : f32 to vector<1x384xf32>
    %select_n3A_1782 = arith.select %eq3A_1779, %select_n3A_1776, %broadcast_in_dim3A_1781 : vector<1x384xi1>, vector<1x384xf32>
    %add3A_1783 = arith.addf %add3A_1746, %select_n3A_1782 : vector<1x384xf32>
    %ge3A_1784 = arith.constant 18 : i32
    %ge3A_1785 = vector.broadcast %ge3A_1784 : i32 to vector<1x384xi32>
    %ge3A_1786 = arith.cmpi sge, %select_n3A_27, %ge3A_1785 : vector<1x384xi32>
    %roll3A_1787 = arith.constant 18 : i32
    %roll3A_1788 = tpu.dynamic_rotate %select_n3A_1148 by %roll3A_1787 dim 1 : vector<1x384xf32>, i32 -> vector<1x384xf32>
    %mul3A_1789 = arith.mulf %select_n3A_1148, %roll3A_1788 : vector<1x384xf32>
    %jit3A_1790 = arith.constant 0.000000e+00 : f32
    %broadcast_in_dim3A_1791 = vector.broadcast %jit3A_1790 : f32 to vector<1x384xf32>
    %select_n3A_1792 = arith.select %ge3A_1786, %mul3A_1789, %broadcast_in_dim3A_1791 : vector<1x384xi1>, vector<1x384xf32>
    %roll3A_1793 = arith.constant 18 : i32
    %roll3A_1794 = tpu.dynamic_rotate %add3A_1142 by %roll3A_1793 dim 1 : vector<1x384xi32>, i32 -> vector<1x384xi32>
    %eq3A_1795 = arith.cmpi eq, %add3A_1142, %roll3A_1794 : vector<1x384xi32>
    %jit3A_1796 = arith.constant 0.000000e+00 : f32
    %broadcast_in_dim3A_1797 = vector.broadcast %jit3A_1796 : f32 to vector<1x384xf32>
    %select_n3A_1798 = arith.select %eq3A_1795, %select_n3A_1792, %broadcast_in_dim3A_1797 : vector<1x384xi1>, vector<1x384xf32>
    %add3A_1799 = arith.addf %add3A_1762, %select_n3A_1798 : vector<1x384xf32>
    %eq3A_1800 = arith.cmpf oeq, %get3A_1, %roll3A_95 : vector<1x384xf32>
    %jit3A_1801 = arith.constant 0.000000e+00 : f32
    %broadcast_in_dim3A_1802 = vector.broadcast %jit3A_1801 : f32 to vector<1x384xf32>
    %select_n3A_1803 = arith.select %eq3A_1800, %select_n3A_1798, %broadcast_in_dim3A_1802 : vector<1x384xi1>, vector<1x384xf32>
    %add3A_1804 = arith.addf %add3A_1767, %select_n3A_1803 : vector<1x384xf32>
    %lt3A_1805 = arith.constant 2 : i32
    %lt3A_1806 = vector.broadcast %lt3A_1805 : i32 to vector<1x384xi32>
    %lt3A_1807 = arith.cmpi slt, %select_n3A_27, %lt3A_1806 : vector<1x384xi32>
    %roll3A_1808 = arith.constant 366 : i32
    %roll3A_1809 = tpu.dynamic_rotate %select_n3A_1148 by %roll3A_1808 dim 1 : vector<1x384xf32>, i32 -> vector<1x384xf32>
    %mul3A_1810 = arith.mulf %select_n3A_1148, %roll3A_1809 : vector<1x384xf32>
    %jit3A_1811 = arith.constant 0.000000e+00 : f32
    %broadcast_in_dim3A_1812 = vector.broadcast %jit3A_1811 : f32 to vector<1x384xf32>
    %select_n3A_1813 = arith.select %lt3A_1807, %mul3A_1810, %broadcast_in_dim3A_1812 : vector<1x384xi1>, vector<1x384xf32>
    %roll3A_1814 = arith.constant 366 : i32
    %roll3A_1815 = tpu.dynamic_rotate %add3A_1142 by %roll3A_1814 dim 1 : vector<1x384xi32>, i32 -> vector<1x384xi32>
    %eq3A_1816 = arith.cmpi eq, %add3A_1142, %roll3A_1815 : vector<1x384xi32>
    %jit3A_1817 = arith.constant 0.000000e+00 : f32
    %broadcast_in_dim3A_1818 = vector.broadcast %jit3A_1817 : f32 to vector<1x384xf32>
    %select_n3A_1819 = arith.select %eq3A_1816, %select_n3A_1813, %broadcast_in_dim3A_1818 : vector<1x384xi1>, vector<1x384xf32>
    %add3A_1820 = arith.addf %add3A_1783, %select_n3A_1819 : vector<1x384xf32>
    %ge3A_1821 = arith.constant 19 : i32
    %ge3A_1822 = vector.broadcast %ge3A_1821 : i32 to vector<1x384xi32>
    %ge3A_1823 = arith.cmpi sge, %select_n3A_27, %ge3A_1822 : vector<1x384xi32>
    %roll3A_1824 = arith.constant 19 : i32
    %roll3A_1825 = tpu.dynamic_rotate %select_n3A_1148 by %roll3A_1824 dim 1 : vector<1x384xf32>, i32 -> vector<1x384xf32>
    %mul3A_1826 = arith.mulf %select_n3A_1148, %roll3A_1825 : vector<1x384xf32>
    %jit3A_1827 = arith.constant 0.000000e+00 : f32
    %broadcast_in_dim3A_1828 = vector.broadcast %jit3A_1827 : f32 to vector<1x384xf32>
    %select_n3A_1829 = arith.select %ge3A_1823, %mul3A_1826, %broadcast_in_dim3A_1828 : vector<1x384xi1>, vector<1x384xf32>
    %roll3A_1830 = arith.constant 19 : i32
    %roll3A_1831 = tpu.dynamic_rotate %add3A_1142 by %roll3A_1830 dim 1 : vector<1x384xi32>, i32 -> vector<1x384xi32>
    %eq3A_1832 = arith.cmpi eq, %add3A_1142, %roll3A_1831 : vector<1x384xi32>
    %jit3A_1833 = arith.constant 0.000000e+00 : f32
    %broadcast_in_dim3A_1834 = vector.broadcast %jit3A_1833 : f32 to vector<1x384xf32>
    %select_n3A_1835 = arith.select %eq3A_1832, %select_n3A_1829, %broadcast_in_dim3A_1834 : vector<1x384xi1>, vector<1x384xf32>
    %add3A_1836 = arith.addf %add3A_1799, %select_n3A_1835 : vector<1x384xf32>
    %eq3A_1837 = arith.cmpf oeq, %get3A_1, %roll3A_97 : vector<1x384xf32>
    %jit3A_1838 = arith.constant 0.000000e+00 : f32
    %broadcast_in_dim3A_1839 = vector.broadcast %jit3A_1838 : f32 to vector<1x384xf32>
    %select_n3A_1840 = arith.select %eq3A_1837, %select_n3A_1835, %broadcast_in_dim3A_1839 : vector<1x384xi1>, vector<1x384xf32>
    %add3A_1841 = arith.addf %add3A_1804, %select_n3A_1840 : vector<1x384xf32>
    %lt3A_1842 = arith.constant 1 : i32
    %lt3A_1843 = vector.broadcast %lt3A_1842 : i32 to vector<1x384xi32>
    %lt3A_1844 = arith.cmpi slt, %select_n3A_27, %lt3A_1843 : vector<1x384xi32>
    %roll3A_1845 = arith.constant 365 : i32
    %roll3A_1846 = tpu.dynamic_rotate %select_n3A_1148 by %roll3A_1845 dim 1 : vector<1x384xf32>, i32 -> vector<1x384xf32>
    %mul3A_1847 = arith.mulf %select_n3A_1148, %roll3A_1846 : vector<1x384xf32>
    %jit3A_1848 = arith.constant 0.000000e+00 : f32
    %broadcast_in_dim3A_1849 = vector.broadcast %jit3A_1848 : f32 to vector<1x384xf32>
    %select_n3A_1850 = arith.select %lt3A_1844, %mul3A_1847, %broadcast_in_dim3A_1849 : vector<1x384xi1>, vector<1x384xf32>
    %roll3A_1851 = arith.constant 365 : i32
    %roll3A_1852 = tpu.dynamic_rotate %add3A_1142 by %roll3A_1851 dim 1 : vector<1x384xi32>, i32 -> vector<1x384xi32>
    %eq3A_1853 = arith.cmpi eq, %add3A_1142, %roll3A_1852 : vector<1x384xi32>
    %jit3A_1854 = arith.constant 0.000000e+00 : f32
    %broadcast_in_dim3A_1855 = vector.broadcast %jit3A_1854 : f32 to vector<1x384xf32>
    %select_n3A_1856 = arith.select %eq3A_1853, %select_n3A_1850, %broadcast_in_dim3A_1855 : vector<1x384xi1>, vector<1x384xf32>
    %add3A_1857 = arith.addf %add3A_1820, %select_n3A_1856 : vector<1x384xf32>
    %eq3A_1858 = arith.constant 0.000000e+00 : f32
    %eq3A_1859 = vector.broadcast %eq3A_1858 : f32 to vector<1x384xf32>
    %eq3A_1860 = arith.cmpf oeq, %add3A_1836, %eq3A_1859 : vector<1x384xf32>
    %jit3A_1861 = arith.constant 1.000000e+00 : f32
    %jit3A_1862 = arith.constant 0.000000e+00 : f32
    %broadcast_in_dim3A_1863 = vector.broadcast %jit3A_1861 : f32 to vector<1x384xf32>
    %broadcast_in_dim3A_1864 = vector.broadcast %jit3A_1862 : f32 to vector<1x384xf32>
    %select_n3A_1865 = arith.select %eq3A_1860, %broadcast_in_dim3A_1863, %broadcast_in_dim3A_1864 : vector<1x384xi1>, vector<1x384xf32>
    %mul3A_1866 = arith.mulf %select_n3A_1148, %select_n3A_1865 : vector<1x384xf32>
    %eq3A_1867 = arith.constant 0.000000e+00 : f32
    %eq3A_1868 = vector.broadcast %eq3A_1867 : f32 to vector<1x384xf32>
    %eq3A_1869 = arith.cmpf oeq, %add3A_1857, %eq3A_1868 : vector<1x384xf32>
    %jit3A_1870 = arith.constant 1.000000e+00 : f32
    %jit3A_1871 = arith.constant 0.000000e+00 : f32
    %broadcast_in_dim3A_1872 = vector.broadcast %jit3A_1870 : f32 to vector<1x384xf32>
    %broadcast_in_dim3A_1873 = vector.broadcast %jit3A_1871 : f32 to vector<1x384xf32>
    %select_n3A_1874 = arith.select %eq3A_1869, %broadcast_in_dim3A_1872, %broadcast_in_dim3A_1873 : vector<1x384xi1>, vector<1x384xf32>
    %mul3A_1875 = arith.mulf %select_n3A_1148, %select_n3A_1874 : vector<1x384xf32>
    %eq3A_1876 = arith.constant 0.000000e+00 : f32
    %eq3A_1877 = vector.broadcast %eq3A_1876 : f32 to vector<1x384xf32>
    %eq3A_1878 = arith.cmpf oeq, %add3A_1841, %eq3A_1877 : vector<1x384xf32>
    %jit3A_1879 = arith.constant 1.000000e+00 : f32
    %jit3A_1880 = arith.constant 0.000000e+00 : f32
    %broadcast_in_dim3A_1881 = vector.broadcast %jit3A_1879 : f32 to vector<1x384xf32>
    %broadcast_in_dim3A_1882 = vector.broadcast %jit3A_1880 : f32 to vector<1x384xf32>
    %select_n3A_1883 = arith.select %eq3A_1878, %broadcast_in_dim3A_1881, %broadcast_in_dim3A_1882 : vector<1x384xi1>, vector<1x384xf32>
    %mul3A_1884 = arith.mulf %select_n3A_1148, %select_n3A_1883 : vector<1x384xf32>
    %concatenate3A_1885 = tpu.concatenate %sub3A_1111, %sub3A_1115, %log3A_1120, %log3A_1125, %mul3A_1866, %mul3A_1875, %mul3A_1884, %get3A_1 in 0 : vector<1x384xf32>, vector<1x384xf32>, vector<1x384xf32>, vector<1x384xf32>, vector<1x384xf32>, vector<1x384xf32>, vector<1x384xf32>, vector<1x384xf32> -> vector<8x384xf32>
    %swap3A_1886 = arith.constant 0 : index
    %swap3A_1887 = arith.constant 0 : index
    %swap3A_1888 = vector.load %arg9[%swap3A_1886, %swap3A_1887] : memref<8x384xf32, #tpu.memory_space<vmem>>, vector<8x384xf32>
    tpu.vector_store %arg9[%swap3A_1886, %swap3A_1887], %concatenate3A_1885 {strides = array<i32>} : memref<8x384xf32, #tpu.memory_space<vmem>>, vector<8x384xf32>,
    %iota3A_1889 = tpu.iota {dimensions = array<i32: 0>} : vector<32x384xi32>
    %min3A_1890 = arith.constant 24 : i32
    %min3A_1891 = vector.broadcast %min3A_1890 : i32 to vector<32x384xi32>
    %min3A_1892 = arith.minsi %iota3A_1889, %min3A_1891 : vector<32x384xi32>
    %broadcast_in_dim3A_1893 = vector.shape_cast %add3A_1142 : vector<1x384xi32> to vector<1x384xi32>
    %broadcast_in_dim3A_1894 = vector.broadcast %broadcast_in_dim3A_1893 : vector<1x384xi32> to vector<32x384xi32>
    %mul3A_1895 = arith.constant 1600 : i32
    %mul3A_1896 = vector.broadcast %mul3A_1895 : i32 to vector<32x384xi32>
    %mul3A_1897 = arith.muli %min3A_1892, %mul3A_1896 : vector<32x384xi32>
    %add3A_1898 = arith.addi %broadcast_in_dim3A_1894, %mul3A_1897 : vector<32x384xi32>
    %swap3A_1899 = arith.constant 0 : index
    %swap3A_1900 = arith.constant 0 : index
    %swap3A_1901 = vector.load %arg6[%swap3A_1899, %swap3A_1900] : memref<32x384xi32, #tpu.memory_space<vmem>>, vector<32x384xi32>
    tpu.vector_store %arg6[%swap3A_1899, %swap3A_1900], %add3A_1898 {strides = array<i32>} : memref<32x384xi32, #tpu.memory_space<vmem>>, vector<32x384xi32>,
    %mul3A_1902 = arith.constant 2.000000e+01 : f32
    %mul3A_1903 = vector.broadcast %mul3A_1902 : f32 to vector<1x384xf32>
    %mul3A_1904 = arith.mulf %get3A_4, %mul3A_1903 : vector<1x384xf32>
    %floor3A_1905 = math.floor %mul3A_1904 : vector<1x384xf32>
    %jit3A_1906 = arith.constant 0.000000e+00 : f32
    %jit3A_1907 = arith.constant 1.900000e+01 : f32
    %max3A_1908 = vector.broadcast %jit3A_1906 : f32 to vector<1x384xf32>
    %max3A_1909 = arith.maximumf %max3A_1908, %floor3A_1905 : vector<1x384xf32>
    %min3A_1910 = vector.broadcast %jit3A_1907 : f32 to vector<1x384xf32>
    %min3A_1911 = arith.minimumf %min3A_1910, %max3A_1909 : vector<1x384xf32>
    %mul3A_1912 = arith.constant 2.000000e+01 : f32
    %mul3A_1913 = vector.broadcast %mul3A_1912 : f32 to vector<1x384xf32>
    %mul3A_1914 = arith.mulf %get3A_7, %mul3A_1913 : vector<1x384xf32>
    %floor3A_1915 = math.floor %mul3A_1914 : vector<1x384xf32>
    %jit3A_1916 = arith.constant 0.000000e+00 : f32
    %jit3A_1917 = arith.constant 1.900000e+01 : f32
    %max3A_1918 = vector.broadcast %jit3A_1916 : f32 to vector<1x384xf32>
    %max3A_1919 = arith.maximumf %max3A_1918, %floor3A_1915 : vector<1x384xf32>
    %min3A_1920 = vector.broadcast %jit3A_1917 : f32 to vector<1x384xf32>
    %min3A_1921 = arith.minimumf %min3A_1920, %max3A_1919 : vector<1x384xf32>
    %min3A_1922 = arith.constant 3.625000e+00 : f32
    %min3A_1923 = vector.broadcast %min3A_1922 : f32 to vector<1x384xf32>
    %min3A_1924 = arith.minimumf %get3A_10, %min3A_1923 : vector<1x384xf32>
    %min3A_1925 = arith.constant 2.812500e+00 : f32
    %min3A_1926 = vector.broadcast %min3A_1925 : f32 to vector<1x384xf32>
    %min3A_1927 = arith.minimumf %get3A_13, %min3A_1926 : vector<1x384xf32>
    %mul3A_1928 = arith.mulf %min3A_1924, %min3A_1927 : vector<1x384xf32>
    %mul3A_1929 = arith.mulf %get3A_10, %get3A_13 : vector<1x384xf32>
    %add3A_1930 = arith.constant 10.1953125 : f32
    %add3A_1931 = vector.broadcast %add3A_1930 : f32 to vector<1x384xf32>
    %add3A_1932 = arith.addf %mul3A_1929, %add3A_1931 : vector<1x384xf32>
    %sub3A_1933 = arith.subf %add3A_1932, %mul3A_1928 : vector<1x384xf32>
    %add3A_1934 = arith.constant 9.99999997E-7 : f32
    %add3A_1935 = vector.broadcast %add3A_1934 : f32 to vector<1x384xf32>
    %add3A_1936 = arith.addf %sub3A_1933, %add3A_1935 : vector<1x384xf32>
    %div3A_1937 = arith.divf %mul3A_1928, %add3A_1936 : vector<1x384xf32>
    %min3A_1938 = arith.constant 4.875000e+00 : f32
    %min3A_1939 = vector.broadcast %min3A_1938 : f32 to vector<1x384xf32>
    %min3A_1940 = arith.minimumf %get3A_10, %min3A_1939 : vector<1x384xf32>
    %min3A_1941 = arith.constant 6.187500e+00 : f32
    %min3A_1942 = vector.broadcast %min3A_1941 : f32 to vector<1x384xf32>
    %min3A_1943 = arith.minimumf %get3A_13, %min3A_1942 : vector<1x384xf32>
    %mul3A_1944 = arith.mulf %min3A_1940, %min3A_1943 : vector<1x384xf32>
    %mul3A_1945 = arith.mulf %get3A_10, %get3A_13 : vector<1x384xf32>
    %add3A_1946 = arith.constant 30.1640625 : f32
    %add3A_1947 = vector.broadcast %add3A_1946 : f32 to vector<1x384xf32>
    %add3A_1948 = arith.addf %mul3A_1945, %add3A_1947 : vector<1x384xf32>
    %sub3A_1949 = arith.subf %add3A_1948, %mul3A_1944 : vector<1x384xf32>
    %add3A_1950 = arith.constant 9.99999997E-7 : f32
    %add3A_1951 = vector.broadcast %add3A_1950 : f32 to vector<1x384xf32>
    %add3A_1952 = arith.addf %sub3A_1949, %add3A_1951 : vector<1x384xf32>
    %div3A_1953 = arith.divf %mul3A_1944, %add3A_1952 : vector<1x384xf32>
    %min3A_1954 = arith.constant 11.65625 : f32
    %min3A_1955 = vector.broadcast %min3A_1954 : f32 to vector<1x384xf32>
    %min3A_1956 = arith.minimumf %get3A_10, %min3A_1955 : vector<1x384xf32>
    %min3A_1957 = arith.constant 1.018750e+01 : f32
    %min3A_1958 = vector.broadcast %min3A_1957 : f32 to vector<1x384xf32>
    %min3A_1959 = arith.minimumf %get3A_13, %min3A_1958 : vector<1x384xf32>
    %mul3A_1960 = arith.mulf %min3A_1956, %min3A_1959 : vector<1x384xf32>
    %mul3A_1961 = arith.mulf %get3A_10, %get3A_13 : vector<1x384xf32>
    %add3A_1962 = arith.constant 118.748047 : f32
    %add3A_1963 = vector.broadcast %add3A_1962 : f32 to vector<1x384xf32>
    %add3A_1964 = arith.addf %mul3A_1961, %add3A_1963 : vector<1x384xf32>
    %sub3A_1965 = arith.subf %add3A_1964, %mul3A_1960 : vector<1x384xf32>
    %add3A_1966 = arith.constant 9.99999997E-7 : f32
    %add3A_1967 = vector.broadcast %add3A_1966 : f32 to vector<1x384xf32>
    %add3A_1968 = arith.addf %sub3A_1965, %add3A_1967 : vector<1x384xf32>
    %div3A_1969 = arith.divf %mul3A_1960, %add3A_1968 : vector<1x384xf32>
    %ge3A_1970 = arith.cmpf oge, %div3A_1937, %div3A_1953 : vector<1x384xf32>
    %ge3A_1971 = arith.cmpf oge, %div3A_1937, %div3A_1969 : vector<1x384xf32>
    %ge3A_1972 = arith.cmpf oge, %div3A_1953, %div3A_1969 : vector<1x384xf32>
    %and3A_1973 = arith.andi %ge3A_1970, %ge3A_1971 : vector<1x384xi1>
    %jit3A_1974 = arith.constant 1 : i32
    %jit3A_1975 = arith.constant 2 : i32
    %broadcast_in_dim3A_1976 = vector.broadcast %jit3A_1974 : i32 to vector<1x384xi32>
    %broadcast_in_dim3A_1977 = vector.broadcast %jit3A_1975 : i32 to vector<1x384xi32>
    %select_n3A_1978 = arith.select %ge3A_1972, %broadcast_in_dim3A_1976, %broadcast_in_dim3A_1977 : vector<1x384xi1>, vector<1x384xi32>
    %jit3A_1979 = arith.constant 0 : i32
    %broadcast_in_dim3A_1980 = vector.broadcast %jit3A_1979 : i32 to vector<1x384xi32>
    %select_n3A_1981 = arith.select %and3A_1973, %broadcast_in_dim3A_1980, %select_n3A_1978 : vector<1x384xi1>, vector<1x384xi32>
    %max3A_1982 = arith.maximumf %div3A_1937, %div3A_1953 : vector<1x384xf32>
    %max3A_1983 = arith.maximumf %max3A_1982, %div3A_1969 : vector<1x384xf32>
    %gt3A_1984 = arith.constant 3.000000e-01 : f32
    %gt3A_1985 = vector.broadcast %gt3A_1984 : f32 to vector<1x384xf32>
    %gt3A_1986 = arith.cmpf ogt, %max3A_1983, %gt3A_1985 : vector<1x384xf32>
    %eq3A_1987 = arith.constant 0 : i32
    %eq3A_1988 = vector.broadcast %eq3A_1987 : i32 to vector<1x384xi32>
    %eq3A_1989 = arith.cmpi eq, %select_n3A_1981, %eq3A_1988 : vector<1x384xi32>
    %eq3A_1990 = arith.constant 1 : i32
    %eq3A_1991 = vector.broadcast %eq3A_1990 : i32 to vector<1x384xi32>
    %eq3A_1992 = arith.cmpi eq, %select_n3A_1981, %eq3A_1991 : vector<1x384xi32>
    %jit3A_1993 = arith.constant 4.875000e+00 : f32
    %jit3A_1994 = arith.constant 11.65625 : f32
    %broadcast_in_dim3A_1995 = vector.broadcast %jit3A_1993 : f32 to vector<1x384xf32>
    %broadcast_in_dim3A_1996 = vector.broadcast %jit3A_1994 : f32 to vector<1x384xf32>
    %select_n3A_1997 = arith.select %eq3A_1992, %broadcast_in_dim3A_1995, %broadcast_in_dim3A_1996 : vector<1x384xi1>, vector<1x384xf32>
    %jit3A_1998 = arith.constant 3.625000e+00 : f32
    %broadcast_in_dim3A_1999 = vector.broadcast %jit3A_1998 : f32 to vector<1x384xf32>
    %select_n3A_2000 = arith.select %eq3A_1989, %broadcast_in_dim3A_1999, %select_n3A_1997 : vector<1x384xi1>, vector<1x384xf32>
    %eq3A_2001 = arith.constant 0 : i32
    %eq3A_2002 = vector.broadcast %eq3A_2001 : i32 to vector<1x384xi32>
    %eq3A_2003 = arith.cmpi eq, %select_n3A_1981, %eq3A_2002 : vector<1x384xi32>
    %eq3A_2004 = arith.constant 1 : i32
    %eq3A_2005 = vector.broadcast %eq3A_2004 : i32 to vector<1x384xi32>
    %eq3A_2006 = arith.cmpi eq, %select_n3A_1981, %eq3A_2005 : vector<1x384xi32>
    %jit3A_2007 = arith.constant 6.187500e+00 : f32
    %jit3A_2008 = arith.constant 1.018750e+01 : f32
    %broadcast_in_dim3A_2009 = vector.broadcast %jit3A_2007 : f32 to vector<1x384xf32>
    %broadcast_in_dim3A_2010 = vector.broadcast %jit3A_2008 : f32 to vector<1x384xf32>
    %select_n3A_2011 = arith.select %eq3A_2006, %broadcast_in_dim3A_2009, %broadcast_in_dim3A_2010 : vector<1x384xi1>, vector<1x384xf32>
    %jit3A_2012 = arith.constant 2.812500e+00 : f32
    %broadcast_in_dim3A_2013 = vector.broadcast %jit3A_2012 : f32 to vector<1x384xf32>
    %select_n3A_2014 = arith.select %eq3A_2003, %broadcast_in_dim3A_2013, %select_n3A_2011 : vector<1x384xi1>, vector<1x384xf32>
    %mul3A_2015 = arith.constant 2.000000e+01 : f32
    %mul3A_2016 = vector.broadcast %mul3A_2015 : f32 to vector<1x384xf32>
    %mul3A_2017 = arith.mulf %get3A_4, %mul3A_2016 : vector<1x384xf32>
    %sub3A_2018 = arith.subf %mul3A_2017, %min3A_1911 : vector<1x384xf32>
    %mul3A_2019 = arith.constant 2.000000e+01 : f32
    %mul3A_2020 = vector.broadcast %mul3A_2019 : f32 to vector<1x384xf32>
    %mul3A_2021 = arith.mulf %get3A_7, %mul3A_2020 : vector<1x384xf32>
    %sub3A_2022 = arith.subf %mul3A_2021, %min3A_1921 : vector<1x384xf32>
    %div3A_2023 = arith.divf %get3A_10, %select_n3A_2000 : vector<1x384xf32>
    %add3A_2024 = arith.constant 9.99999997E-7 : f32
    %add3A_2025 = vector.broadcast %add3A_2024 : f32 to vector<1x384xf32>
    %add3A_2026 = arith.addf %div3A_2023, %add3A_2025 : vector<1x384xf32>
    %log3A_2027 = math.log %add3A_2026 : vector<1x384xf32>
    %div3A_2028 = arith.divf %get3A_13, %select_n3A_2014 : vector<1x384xf32>
    %add3A_2029 = arith.constant 9.99999997E-7 : f32
    %add3A_2030 = vector.broadcast %add3A_2029 : f32 to vector<1x384xf32>
    %add3A_2031 = arith.addf %div3A_2028, %add3A_2030 : vector<1x384xf32>
    %log3A_2032 = math.log %add3A_2031 : vector<1x384xf32>
    %convert_element_type3A_2033 = arith.fptosi %min3A_1911 : vector<1x384xf32> to vector<1x384xi32>
    %convert_element_type3A_2034 = arith.fptosi %min3A_1921 : vector<1x384xf32> to vector<1x384xi32>
    %mul3A_2035 = arith.constant 75 : i32
    %mul3A_2036 = vector.broadcast %mul3A_2035 : i32 to vector<1x384xi32>
    %mul3A_2037 = arith.muli %min3A_60, %mul3A_2036 : vector<1x384xi32>
    %mul3A_2038 = arith.constant 25 : i32
    %mul3A_2039 = vector.broadcast %mul3A_2038 : i32 to vector<1x384xi32>
    %mul3A_2040 = arith.muli %mul3A_2039, %select_n3A_1981 : vector<1x384xi32>
    %add3A_2041 = arith.addi %mul3A_2037, %mul3A_2040 : vector<1x384xi32>
    %mul3A_2042 = arith.constant 20 : i32
    %mul3A_2043 = vector.broadcast %mul3A_2042 : i32 to vector<1x384xi32>
    %mul3A_2044 = arith.muli %add3A_2041, %mul3A_2043 : vector<1x384xi32>
    %add3A_2045 = arith.addi %mul3A_2044, %convert_element_type3A_2034 : vector<1x384xi32>
    %mul3A_2046 = arith.constant 20 : i32
    %mul3A_2047 = vector.broadcast %mul3A_2046 : i32 to vector<1x384xi32>
    %mul3A_2048 = arith.muli %add3A_2045, %mul3A_2047 : vector<1x384xi32>
    %add3A_2049 = arith.addi %mul3A_2048, %convert_element_type3A_2033 : vector<1x384xi32>
    %and3A_2050 = arith.andi %gt3A_1986, %lt3A_30 : vector<1x384xi1>
    %jit3A_2051 = arith.constant 1.000000e+00 : f32
    %jit3A_2052 = arith.constant 0.000000e+00 : f32
    %broadcast_in_dim3A_2053 = vector.broadcast %jit3A_2051 : f32 to vector<1x384xf32>
    %broadcast_in_dim3A_2054 = vector.broadcast %jit3A_2052 : f32 to vector<1x384xf32>
    %select_n3A_2055 = arith.select %and3A_2050, %broadcast_in_dim3A_2053, %broadcast_in_dim3A_2054 : vector<1x384xi1>, vector<1x384xf32>
    %broadcast_in_dim3A_2056 = arith.constant 0.000000e+00 : f32
    %broadcast_in_dim3A_2057 = vector.broadcast %broadcast_in_dim3A_2056 : f32 to vector<1x384xf32>
    %broadcast_in_dim3A_2058 = arith.constant 0.000000e+00 : f32
    %broadcast_in_dim3A_2059 = vector.broadcast %broadcast_in_dim3A_2058 : f32 to vector<1x384xf32>
    %broadcast_in_dim3A_2060 = arith.constant 0.000000e+00 : f32
    %broadcast_in_dim3A_2061 = vector.broadcast %broadcast_in_dim3A_2060 : f32 to vector<1x384xf32>
    %ge3A_2062 = arith.constant 1 : i32
    %ge3A_2063 = vector.broadcast %ge3A_2062 : i32 to vector<1x384xi32>
    %ge3A_2064 = arith.cmpi sge, %select_n3A_27, %ge3A_2063 : vector<1x384xi32>
    %roll3A_2065 = arith.constant 1 : i32
    %roll3A_2066 = tpu.dynamic_rotate %select_n3A_2055 by %roll3A_2065 dim 1 : vector<1x384xf32>, i32 -> vector<1x384xf32>
    %mul3A_2067 = arith.mulf %select_n3A_2055, %roll3A_2066 : vector<1x384xf32>
    %jit3A_2068 = arith.constant 0.000000e+00 : f32
    %broadcast_in_dim3A_2069 = vector.broadcast %jit3A_2068 : f32 to vector<1x384xf32>
    %select_n3A_2070 = arith.select %ge3A_2064, %mul3A_2067, %broadcast_in_dim3A_2069 : vector<1x384xi1>, vector<1x384xf32>
    %roll3A_2071 = arith.constant 1 : i32
    %roll3A_2072 = tpu.dynamic_rotate %add3A_2049 by %roll3A_2071 dim 1 : vector<1x384xi32>, i32 -> vector<1x384xi32>
    %eq3A_2073 = arith.cmpi eq, %add3A_2049, %roll3A_2072 : vector<1x384xi32>
    %jit3A_2074 = arith.constant 0.000000e+00 : f32
    %broadcast_in_dim3A_2075 = vector.broadcast %jit3A_2074 : f32 to vector<1x384xf32>
    %select_n3A_2076 = arith.select %eq3A_2073, %select_n3A_2070, %broadcast_in_dim3A_2075 : vector<1x384xi1>, vector<1x384xf32>
    %add3A_2077 = arith.addf %broadcast_in_dim3A_2057, %select_n3A_2076 : vector<1x384xf32>
    %eq3A_2078 = arith.cmpf oeq, %get3A_1, %roll3A_61 : vector<1x384xf32>
    %jit3A_2079 = arith.constant 0.000000e+00 : f32
    %broadcast_in_dim3A_2080 = vector.broadcast %jit3A_2079 : f32 to vector<1x384xf32>
    %select_n3A_2081 = arith.select %eq3A_2078, %select_n3A_2076, %broadcast_in_dim3A_2080 : vector<1x384xi1>, vector<1x384xf32>
    %add3A_2082 = arith.addf %broadcast_in_dim3A_2061, %select_n3A_2081 : vector<1x384xf32>
    %lt3A_2083 = arith.constant 19 : i32
    %lt3A_2084 = vector.broadcast %lt3A_2083 : i32 to vector<1x384xi32>
    %lt3A_2085 = arith.cmpi slt, %select_n3A_27, %lt3A_2084 : vector<1x384xi32>
    %roll3A_2086 = arith.constant 383 : i32
    %roll3A_2087 = tpu.dynamic_rotate %select_n3A_2055 by %roll3A_2086 dim 1 : vector<1x384xf32>, i32 -> vector<1x384xf32>
    %mul3A_2088 = arith.mulf %select_n3A_2055, %roll3A_2087 : vector<1x384xf32>
    %jit3A_2089 = arith.constant 0.000000e+00 : f32
    %broadcast_in_dim3A_2090 = vector.broadcast %jit3A_2089 : f32 to vector<1x384xf32>
    %select_n3A_2091 = arith.select %lt3A_2085, %mul3A_2088, %broadcast_in_dim3A_2090 : vector<1x384xi1>, vector<1x384xf32>
    %roll3A_2092 = arith.constant 383 : i32
    %roll3A_2093 = tpu.dynamic_rotate %add3A_2049 by %roll3A_2092 dim 1 : vector<1x384xi32>, i32 -> vector<1x384xi32>
    %eq3A_2094 = arith.cmpi eq, %add3A_2049, %roll3A_2093 : vector<1x384xi32>
    %jit3A_2095 = arith.constant 0.000000e+00 : f32
    %broadcast_in_dim3A_2096 = vector.broadcast %jit3A_2095 : f32 to vector<1x384xf32>
    %select_n3A_2097 = arith.select %eq3A_2094, %select_n3A_2091, %broadcast_in_dim3A_2096 : vector<1x384xi1>, vector<1x384xf32>
    %add3A_2098 = arith.addf %broadcast_in_dim3A_2059, %select_n3A_2097 : vector<1x384xf32>
    %ge3A_2099 = arith.constant 2 : i32
    %ge3A_2100 = vector.broadcast %ge3A_2099 : i32 to vector<1x384xi32>
    %ge3A_2101 = arith.cmpi sge, %select_n3A_27, %ge3A_2100 : vector<1x384xi32>
    %roll3A_2102 = arith.constant 2 : i32
    %roll3A_2103 = tpu.dynamic_rotate %select_n3A_2055 by %roll3A_2102 dim 1 : vector<1x384xf32>, i32 -> vector<1x384xf32>
    %mul3A_2104 = arith.mulf %select_n3A_2055, %roll3A_2103 : vector<1x384xf32>
    %jit3A_2105 = arith.constant 0.000000e+00 : f32
    %broadcast_in_dim3A_2106 = vector.broadcast %jit3A_2105 : f32 to vector<1x384xf32>
    %select_n3A_2107 = arith.select %ge3A_2101, %mul3A_2104, %broadcast_in_dim3A_2106 : vector<1x384xi1>, vector<1x384xf32>
    %roll3A_2108 = arith.constant 2 : i32
    %roll3A_2109 = tpu.dynamic_rotate %add3A_2049 by %roll3A_2108 dim 1 : vector<1x384xi32>, i32 -> vector<1x384xi32>
    %eq3A_2110 = arith.cmpi eq, %add3A_2049, %roll3A_2109 : vector<1x384xi32>
    %jit3A_2111 = arith.constant 0.000000e+00 : f32
    %broadcast_in_dim3A_2112 = vector.broadcast %jit3A_2111 : f32 to vector<1x384xf32>
    %select_n3A_2113 = arith.select %eq3A_2110, %select_n3A_2107, %broadcast_in_dim3A_2112 : vector<1x384xi1>, vector<1x384xf32>
    %add3A_2114 = arith.addf %add3A_2077, %select_n3A_2113 : vector<1x384xf32>
    %eq3A_2115 = arith.cmpf oeq, %get3A_1, %roll3A_63 : vector<1x384xf32>
    %jit3A_2116 = arith.constant 0.000000e+00 : f32
    %broadcast_in_dim3A_2117 = vector.broadcast %jit3A_2116 : f32 to vector<1x384xf32>
    %select_n3A_2118 = arith.select %eq3A_2115, %select_n3A_2113, %broadcast_in_dim3A_2117 : vector<1x384xi1>, vector<1x384xf32>
    %add3A_2119 = arith.addf %add3A_2082, %select_n3A_2118 : vector<1x384xf32>
    %lt3A_2120 = arith.constant 18 : i32
    %lt3A_2121 = vector.broadcast %lt3A_2120 : i32 to vector<1x384xi32>
    %lt3A_2122 = arith.cmpi slt, %select_n3A_27, %lt3A_2121 : vector<1x384xi32>
    %roll3A_2123 = arith.constant 382 : i32
    %roll3A_2124 = tpu.dynamic_rotate %select_n3A_2055 by %roll3A_2123 dim 1 : vector<1x384xf32>, i32 -> vector<1x384xf32>
    %mul3A_2125 = arith.mulf %select_n3A_2055, %roll3A_2124 : vector<1x384xf32>
    %jit3A_2126 = arith.constant 0.000000e+00 : f32
    %broadcast_in_dim3A_2127 = vector.broadcast %jit3A_2126 : f32 to vector<1x384xf32>
    %select_n3A_2128 = arith.select %lt3A_2122, %mul3A_2125, %broadcast_in_dim3A_2127 : vector<1x384xi1>, vector<1x384xf32>
    %roll3A_2129 = arith.constant 382 : i32
    %roll3A_2130 = tpu.dynamic_rotate %add3A_2049 by %roll3A_2129 dim 1 : vector<1x384xi32>, i32 -> vector<1x384xi32>
    %eq3A_2131 = arith.cmpi eq, %add3A_2049, %roll3A_2130 : vector<1x384xi32>
    %jit3A_2132 = arith.constant 0.000000e+00 : f32
    %broadcast_in_dim3A_2133 = vector.broadcast %jit3A_2132 : f32 to vector<1x384xf32>
    %select_n3A_2134 = arith.select %eq3A_2131, %select_n3A_2128, %broadcast_in_dim3A_2133 : vector<1x384xi1>, vector<1x384xf32>
    %add3A_2135 = arith.addf %add3A_2098, %select_n3A_2134 : vector<1x384xf32>
    %ge3A_2136 = arith.constant 3 : i32
    %ge3A_2137 = vector.broadcast %ge3A_2136 : i32 to vector<1x384xi32>
    %ge3A_2138 = arith.cmpi sge, %select_n3A_27, %ge3A_2137 : vector<1x384xi32>
    %roll3A_2139 = arith.constant 3 : i32
    %roll3A_2140 = tpu.dynamic_rotate %select_n3A_2055 by %roll3A_2139 dim 1 : vector<1x384xf32>, i32 -> vector<1x384xf32>
    %mul3A_2141 = arith.mulf %select_n3A_2055, %roll3A_2140 : vector<1x384xf32>
    %jit3A_2142 = arith.constant 0.000000e+00 : f32
    %broadcast_in_dim3A_2143 = vector.broadcast %jit3A_2142 : f32 to vector<1x384xf32>
    %select_n3A_2144 = arith.select %ge3A_2138, %mul3A_2141, %broadcast_in_dim3A_2143 : vector<1x384xi1>, vector<1x384xf32>
    %roll3A_2145 = arith.constant 3 : i32
    %roll3A_2146 = tpu.dynamic_rotate %add3A_2049 by %roll3A_2145 dim 1 : vector<1x384xi32>, i32 -> vector<1x384xi32>
    %eq3A_2147 = arith.cmpi eq, %add3A_2049, %roll3A_2146 : vector<1x384xi32>
    %jit3A_2148 = arith.constant 0.000000e+00 : f32
    %broadcast_in_dim3A_2149 = vector.broadcast %jit3A_2148 : f32 to vector<1x384xf32>
    %select_n3A_2150 = arith.select %eq3A_2147, %select_n3A_2144, %broadcast_in_dim3A_2149 : vector<1x384xi1>, vector<1x384xf32>
    %add3A_2151 = arith.addf %add3A_2114, %select_n3A_2150 : vector<1x384xf32>
    %eq3A_2152 = arith.cmpf oeq, %get3A_1, %roll3A_65 : vector<1x384xf32>
    %jit3A_2153 = arith.constant 0.000000e+00 : f32
    %broadcast_in_dim3A_2154 = vector.broadcast %jit3A_2153 : f32 to vector<1x384xf32>
    %select_n3A_2155 = arith.select %eq3A_2152, %select_n3A_2150, %broadcast_in_dim3A_2154 : vector<1x384xi1>, vector<1x384xf32>
    %add3A_2156 = arith.addf %add3A_2119, %select_n3A_2155 : vector<1x384xf32>
    %lt3A_2157 = arith.constant 17 : i32
    %lt3A_2158 = vector.broadcast %lt3A_2157 : i32 to vector<1x384xi32>
    %lt3A_2159 = arith.cmpi slt, %select_n3A_27, %lt3A_2158 : vector<1x384xi32>
    %roll3A_2160 = arith.constant 381 : i32
    %roll3A_2161 = tpu.dynamic_rotate %select_n3A_2055 by %roll3A_2160 dim 1 : vector<1x384xf32>, i32 -> vector<1x384xf32>
    %mul3A_2162 = arith.mulf %select_n3A_2055, %roll3A_2161 : vector<1x384xf32>
    %jit3A_2163 = arith.constant 0.000000e+00 : f32
    %broadcast_in_dim3A_2164 = vector.broadcast %jit3A_2163 : f32 to vector<1x384xf32>
    %select_n3A_2165 = arith.select %lt3A_2159, %mul3A_2162, %broadcast_in_dim3A_2164 : vector<1x384xi1>, vector<1x384xf32>
    %roll3A_2166 = arith.constant 381 : i32
    %roll3A_2167 = tpu.dynamic_rotate %add3A_2049 by %roll3A_2166 dim 1 : vector<1x384xi32>, i32 -> vector<1x384xi32>
    %eq3A_2168 = arith.cmpi eq, %add3A_2049, %roll3A_2167 : vector<1x384xi32>
    %jit3A_2169 = arith.constant 0.000000e+00 : f32
    %broadcast_in_dim3A_2170 = vector.broadcast %jit3A_2169 : f32 to vector<1x384xf32>
    %select_n3A_2171 = arith.select %eq3A_2168, %select_n3A_2165, %broadcast_in_dim3A_2170 : vector<1x384xi1>, vector<1x384xf32>
    %add3A_2172 = arith.addf %add3A_2135, %select_n3A_2171 : vector<1x384xf32>
    %ge3A_2173 = arith.constant 4 : i32
    %ge3A_2174 = vector.broadcast %ge3A_2173 : i32 to vector<1x384xi32>
    %ge3A_2175 = arith.cmpi sge, %select_n3A_27, %ge3A_2174 : vector<1x384xi32>
    %roll3A_2176 = arith.constant 4 : i32
    %roll3A_2177 = tpu.dynamic_rotate %select_n3A_2055 by %roll3A_2176 dim 1 : vector<1x384xf32>, i32 -> vector<1x384xf32>
    %mul3A_2178 = arith.mulf %select_n3A_2055, %roll3A_2177 : vector<1x384xf32>
    %jit3A_2179 = arith.constant 0.000000e+00 : f32
    %broadcast_in_dim3A_2180 = vector.broadcast %jit3A_2179 : f32 to vector<1x384xf32>
    %select_n3A_2181 = arith.select %ge3A_2175, %mul3A_2178, %broadcast_in_dim3A_2180 : vector<1x384xi1>, vector<1x384xf32>
    %roll3A_2182 = arith.constant 4 : i32
    %roll3A_2183 = tpu.dynamic_rotate %add3A_2049 by %roll3A_2182 dim 1 : vector<1x384xi32>, i32 -> vector<1x384xi32>
    %eq3A_2184 = arith.cmpi eq, %add3A_2049, %roll3A_2183 : vector<1x384xi32>
    %jit3A_2185 = arith.constant 0.000000e+00 : f32
    %broadcast_in_dim3A_2186 = vector.broadcast %jit3A_2185 : f32 to vector<1x384xf32>
    %select_n3A_2187 = arith.select %eq3A_2184, %select_n3A_2181, %broadcast_in_dim3A_2186 : vector<1x384xi1>, vector<1x384xf32>
    %add3A_2188 = arith.addf %add3A_2151, %select_n3A_2187 : vector<1x384xf32>
    %eq3A_2189 = arith.cmpf oeq, %get3A_1, %roll3A_67 : vector<1x384xf32>
    %jit3A_2190 = arith.constant 0.000000e+00 : f32
    %broadcast_in_dim3A_2191 = vector.broadcast %jit3A_2190 : f32 to vector<1x384xf32>
    %select_n3A_2192 = arith.select %eq3A_2189, %select_n3A_2187, %broadcast_in_dim3A_2191 : vector<1x384xi1>, vector<1x384xf32>
    %add3A_2193 = arith.addf %add3A_2156, %select_n3A_2192 : vector<1x384xf32>
    %lt3A_2194 = arith.constant 16 : i32
    %lt3A_2195 = vector.broadcast %lt3A_2194 : i32 to vector<1x384xi32>
    %lt3A_2196 = arith.cmpi slt, %select_n3A_27, %lt3A_2195 : vector<1x384xi32>
    %roll3A_2197 = arith.constant 380 : i32
    %roll3A_2198 = tpu.dynamic_rotate %select_n3A_2055 by %roll3A_2197 dim 1 : vector<1x384xf32>, i32 -> vector<1x384xf32>
    %mul3A_2199 = arith.mulf %select_n3A_2055, %roll3A_2198 : vector<1x384xf32>
    %jit3A_2200 = arith.constant 0.000000e+00 : f32
    %broadcast_in_dim3A_2201 = vector.broadcast %jit3A_2200 : f32 to vector<1x384xf32>
    %select_n3A_2202 = arith.select %lt3A_2196, %mul3A_2199, %broadcast_in_dim3A_2201 : vector<1x384xi1>, vector<1x384xf32>
    %roll3A_2203 = arith.constant 380 : i32
    %roll3A_2204 = tpu.dynamic_rotate %add3A_2049 by %roll3A_2203 dim 1 : vector<1x384xi32>, i32 -> vector<1x384xi32>
    %eq3A_2205 = arith.cmpi eq, %add3A_2049, %roll3A_2204 : vector<1x384xi32>
    %jit3A_2206 = arith.constant 0.000000e+00 : f32
    %broadcast_in_dim3A_2207 = vector.broadcast %jit3A_2206 : f32 to vector<1x384xf32>
    %select_n3A_2208 = arith.select %eq3A_2205, %select_n3A_2202, %broadcast_in_dim3A_2207 : vector<1x384xi1>, vector<1x384xf32>
    %add3A_2209 = arith.addf %add3A_2172, %select_n3A_2208 : vector<1x384xf32>
    %ge3A_2210 = arith.constant 5 : i32
    %ge3A_2211 = vector.broadcast %ge3A_2210 : i32 to vector<1x384xi32>
    %ge3A_2212 = arith.cmpi sge, %select_n3A_27, %ge3A_2211 : vector<1x384xi32>
    %roll3A_2213 = arith.constant 5 : i32
    %roll3A_2214 = tpu.dynamic_rotate %select_n3A_2055 by %roll3A_2213 dim 1 : vector<1x384xf32>, i32 -> vector<1x384xf32>
    %mul3A_2215 = arith.mulf %select_n3A_2055, %roll3A_2214 : vector<1x384xf32>
    %jit3A_2216 = arith.constant 0.000000e+00 : f32
    %broadcast_in_dim3A_2217 = vector.broadcast %jit3A_2216 : f32 to vector<1x384xf32>
    %select_n3A_2218 = arith.select %ge3A_2212, %mul3A_2215, %broadcast_in_dim3A_2217 : vector<1x384xi1>, vector<1x384xf32>
    %roll3A_2219 = arith.constant 5 : i32
    %roll3A_2220 = tpu.dynamic_rotate %add3A_2049 by %roll3A_2219 dim 1 : vector<1x384xi32>, i32 -> vector<1x384xi32>
    %eq3A_2221 = arith.cmpi eq, %add3A_2049, %roll3A_2220 : vector<1x384xi32>
    %jit3A_2222 = arith.constant 0.000000e+00 : f32
    %broadcast_in_dim3A_2223 = vector.broadcast %jit3A_2222 : f32 to vector<1x384xf32>
    %select_n3A_2224 = arith.select %eq3A_2221, %select_n3A_2218, %broadcast_in_dim3A_2223 : vector<1x384xi1>, vector<1x384xf32>
    %add3A_2225 = arith.addf %add3A_2188, %select_n3A_2224 : vector<1x384xf32>
    %eq3A_2226 = arith.cmpf oeq, %get3A_1, %roll3A_69 : vector<1x384xf32>
    %jit3A_2227 = arith.constant 0.000000e+00 : f32
    %broadcast_in_dim3A_2228 = vector.broadcast %jit3A_2227 : f32 to vector<1x384xf32>
    %select_n3A_2229 = arith.select %eq3A_2226, %select_n3A_2224, %broadcast_in_dim3A_2228 : vector<1x384xi1>, vector<1x384xf32>
    %add3A_2230 = arith.addf %add3A_2193, %select_n3A_2229 : vector<1x384xf32>
    %lt3A_2231 = arith.constant 15 : i32
    %lt3A_2232 = vector.broadcast %lt3A_2231 : i32 to vector<1x384xi32>
    %lt3A_2233 = arith.cmpi slt, %select_n3A_27, %lt3A_2232 : vector<1x384xi32>
    %roll3A_2234 = arith.constant 379 : i32
    %roll3A_2235 = tpu.dynamic_rotate %select_n3A_2055 by %roll3A_2234 dim 1 : vector<1x384xf32>, i32 -> vector<1x384xf32>
    %mul3A_2236 = arith.mulf %select_n3A_2055, %roll3A_2235 : vector<1x384xf32>
    %jit3A_2237 = arith.constant 0.000000e+00 : f32
    %broadcast_in_dim3A_2238 = vector.broadcast %jit3A_2237 : f32 to vector<1x384xf32>
    %select_n3A_2239 = arith.select %lt3A_2233, %mul3A_2236, %broadcast_in_dim3A_2238 : vector<1x384xi1>, vector<1x384xf32>
    %roll3A_2240 = arith.constant 379 : i32
    %roll3A_2241 = tpu.dynamic_rotate %add3A_2049 by %roll3A_2240 dim 1 : vector<1x384xi32>, i32 -> vector<1x384xi32>
    %eq3A_2242 = arith.cmpi eq, %add3A_2049, %roll3A_2241 : vector<1x384xi32>
    %jit3A_2243 = arith.constant 0.000000e+00 : f32
    %broadcast_in_dim3A_2244 = vector.broadcast %jit3A_2243 : f32 to vector<1x384xf32>
    %select_n3A_2245 = arith.select %eq3A_2242, %select_n3A_2239, %broadcast_in_dim3A_2244 : vector<1x384xi1>, vector<1x384xf32>
    %add3A_2246 = arith.addf %add3A_2209, %select_n3A_2245 : vector<1x384xf32>
    %ge3A_2247 = arith.constant 6 : i32
    %ge3A_2248 = vector.broadcast %ge3A_2247 : i32 to vector<1x384xi32>
    %ge3A_2249 = arith.cmpi sge, %select_n3A_27, %ge3A_2248 : vector<1x384xi32>
    %roll3A_2250 = arith.constant 6 : i32
    %roll3A_2251 = tpu.dynamic_rotate %select_n3A_2055 by %roll3A_2250 dim 1 : vector<1x384xf32>, i32 -> vector<1x384xf32>
    %mul3A_2252 = arith.mulf %select_n3A_2055, %roll3A_2251 : vector<1x384xf32>
    %jit3A_2253 = arith.constant 0.000000e+00 : f32
    %broadcast_in_dim3A_2254 = vector.broadcast %jit3A_2253 : f32 to vector<1x384xf32>
    %select_n3A_2255 = arith.select %ge3A_2249, %mul3A_2252, %broadcast_in_dim3A_2254 : vector<1x384xi1>, vector<1x384xf32>
    %roll3A_2256 = arith.constant 6 : i32
    %roll3A_2257 = tpu.dynamic_rotate %add3A_2049 by %roll3A_2256 dim 1 : vector<1x384xi32>, i32 -> vector<1x384xi32>
    %eq3A_2258 = arith.cmpi eq, %add3A_2049, %roll3A_2257 : vector<1x384xi32>
    %jit3A_2259 = arith.constant 0.000000e+00 : f32
    %broadcast_in_dim3A_2260 = vector.broadcast %jit3A_2259 : f32 to vector<1x384xf32>
    %select_n3A_2261 = arith.select %eq3A_2258, %select_n3A_2255, %broadcast_in_dim3A_2260 : vector<1x384xi1>, vector<1x384xf32>
    %add3A_2262 = arith.addf %add3A_2225, %select_n3A_2261 : vector<1x384xf32>
    %eq3A_2263 = arith.cmpf oeq, %get3A_1, %roll3A_71 : vector<1x384xf32>
    %jit3A_2264 = arith.constant 0.000000e+00 : f32
    %broadcast_in_dim3A_2265 = vector.broadcast %jit3A_2264 : f32 to vector<1x384xf32>
    %select_n3A_2266 = arith.select %eq3A_2263, %select_n3A_2261, %broadcast_in_dim3A_2265 : vector<1x384xi1>, vector<1x384xf32>
    %add3A_2267 = arith.addf %add3A_2230, %select_n3A_2266 : vector<1x384xf32>
    %lt3A_2268 = arith.constant 14 : i32
    %lt3A_2269 = vector.broadcast %lt3A_2268 : i32 to vector<1x384xi32>
    %lt3A_2270 = arith.cmpi slt, %select_n3A_27, %lt3A_2269 : vector<1x384xi32>
    %roll3A_2271 = arith.constant 378 : i32
    %roll3A_2272 = tpu.dynamic_rotate %select_n3A_2055 by %roll3A_2271 dim 1 : vector<1x384xf32>, i32 -> vector<1x384xf32>
    %mul3A_2273 = arith.mulf %select_n3A_2055, %roll3A_2272 : vector<1x384xf32>
    %jit3A_2274 = arith.constant 0.000000e+00 : f32
    %broadcast_in_dim3A_2275 = vector.broadcast %jit3A_2274 : f32 to vector<1x384xf32>
    %select_n3A_2276 = arith.select %lt3A_2270, %mul3A_2273, %broadcast_in_dim3A_2275 : vector<1x384xi1>, vector<1x384xf32>
    %roll3A_2277 = arith.constant 378 : i32
    %roll3A_2278 = tpu.dynamic_rotate %add3A_2049 by %roll3A_2277 dim 1 : vector<1x384xi32>, i32 -> vector<1x384xi32>
    %eq3A_2279 = arith.cmpi eq, %add3A_2049, %roll3A_2278 : vector<1x384xi32>
    %jit3A_2280 = arith.constant 0.000000e+00 : f32
    %broadcast_in_dim3A_2281 = vector.broadcast %jit3A_2280 : f32 to vector<1x384xf32>
    %select_n3A_2282 = arith.select %eq3A_2279, %select_n3A_2276, %broadcast_in_dim3A_2281 : vector<1x384xi1>, vector<1x384xf32>
    %add3A_2283 = arith.addf %add3A_2246, %select_n3A_2282 : vector<1x384xf32>
    %ge3A_2284 = arith.constant 7 : i32
    %ge3A_2285 = vector.broadcast %ge3A_2284 : i32 to vector<1x384xi32>
    %ge3A_2286 = arith.cmpi sge, %select_n3A_27, %ge3A_2285 : vector<1x384xi32>
    %roll3A_2287 = arith.constant 7 : i32
    %roll3A_2288 = tpu.dynamic_rotate %select_n3A_2055 by %roll3A_2287 dim 1 : vector<1x384xf32>, i32 -> vector<1x384xf32>
    %mul3A_2289 = arith.mulf %select_n3A_2055, %roll3A_2288 : vector<1x384xf32>
    %jit3A_2290 = arith.constant 0.000000e+00 : f32
    %broadcast_in_dim3A_2291 = vector.broadcast %jit3A_2290 : f32 to vector<1x384xf32>
    %select_n3A_2292 = arith.select %ge3A_2286, %mul3A_2289, %broadcast_in_dim3A_2291 : vector<1x384xi1>, vector<1x384xf32>
    %roll3A_2293 = arith.constant 7 : i32
    %roll3A_2294 = tpu.dynamic_rotate %add3A_2049 by %roll3A_2293 dim 1 : vector<1x384xi32>, i32 -> vector<1x384xi32>
    %eq3A_2295 = arith.cmpi eq, %add3A_2049, %roll3A_2294 : vector<1x384xi32>
    %jit3A_2296 = arith.constant 0.000000e+00 : f32
    %broadcast_in_dim3A_2297 = vector.broadcast %jit3A_2296 : f32 to vector<1x384xf32>
    %select_n3A_2298 = arith.select %eq3A_2295, %select_n3A_2292, %broadcast_in_dim3A_2297 : vector<1x384xi1>, vector<1x384xf32>
    %add3A_2299 = arith.addf %add3A_2262, %select_n3A_2298 : vector<1x384xf32>
    %eq3A_2300 = arith.cmpf oeq, %get3A_1, %roll3A_73 : vector<1x384xf32>
    %jit3A_2301 = arith.constant 0.000000e+00 : f32
    %broadcast_in_dim3A_2302 = vector.broadcast %jit3A_2301 : f32 to vector<1x384xf32>
    %select_n3A_2303 = arith.select %eq3A_2300, %select_n3A_2298, %broadcast_in_dim3A_2302 : vector<1x384xi1>, vector<1x384xf32>
    %add3A_2304 = arith.addf %add3A_2267, %select_n3A_2303 : vector<1x384xf32>
    %lt3A_2305 = arith.constant 13 : i32
    %lt3A_2306 = vector.broadcast %lt3A_2305 : i32 to vector<1x384xi32>
    %lt3A_2307 = arith.cmpi slt, %select_n3A_27, %lt3A_2306 : vector<1x384xi32>
    %roll3A_2308 = arith.constant 377 : i32
    %roll3A_2309 = tpu.dynamic_rotate %select_n3A_2055 by %roll3A_2308 dim 1 : vector<1x384xf32>, i32 -> vector<1x384xf32>
    %mul3A_2310 = arith.mulf %select_n3A_2055, %roll3A_2309 : vector<1x384xf32>
    %jit3A_2311 = arith.constant 0.000000e+00 : f32
    %broadcast_in_dim3A_2312 = vector.broadcast %jit3A_2311 : f32 to vector<1x384xf32>
    %select_n3A_2313 = arith.select %lt3A_2307, %mul3A_2310, %broadcast_in_dim3A_2312 : vector<1x384xi1>, vector<1x384xf32>
    %roll3A_2314 = arith.constant 377 : i32
    %roll3A_2315 = tpu.dynamic_rotate %add3A_2049 by %roll3A_2314 dim 1 : vector<1x384xi32>, i32 -> vector<1x384xi32>
    %eq3A_2316 = arith.cmpi eq, %add3A_2049, %roll3A_2315 : vector<1x384xi32>
    %jit3A_2317 = arith.constant 0.000000e+00 : f32
    %broadcast_in_dim3A_2318 = vector.broadcast %jit3A_2317 : f32 to vector<1x384xf32>
    %select_n3A_2319 = arith.select %eq3A_2316, %select_n3A_2313, %broadcast_in_dim3A_2318 : vector<1x384xi1>, vector<1x384xf32>
    %add3A_2320 = arith.addf %add3A_2283, %select_n3A_2319 : vector<1x384xf32>
    %ge3A_2321 = arith.constant 8 : i32
    %ge3A_2322 = vector.broadcast %ge3A_2321 : i32 to vector<1x384xi32>
    %ge3A_2323 = arith.cmpi sge, %select_n3A_27, %ge3A_2322 : vector<1x384xi32>
    %roll3A_2324 = arith.constant 8 : i32
    %roll3A_2325 = tpu.dynamic_rotate %select_n3A_2055 by %roll3A_2324 dim 1 : vector<1x384xf32>, i32 -> vector<1x384xf32>
    %mul3A_2326 = arith.mulf %select_n3A_2055, %roll3A_2325 : vector<1x384xf32>
    %jit3A_2327 = arith.constant 0.000000e+00 : f32
    %broadcast_in_dim3A_2328 = vector.broadcast %jit3A_2327 : f32 to vector<1x384xf32>
    %select_n3A_2329 = arith.select %ge3A_2323, %mul3A_2326, %broadcast_in_dim3A_2328 : vector<1x384xi1>, vector<1x384xf32>
    %roll3A_2330 = arith.constant 8 : i32
    %roll3A_2331 = tpu.dynamic_rotate %add3A_2049 by %roll3A_2330 dim 1 : vector<1x384xi32>, i32 -> vector<1x384xi32>
    %eq3A_2332 = arith.cmpi eq, %add3A_2049, %roll3A_2331 : vector<1x384xi32>
    %jit3A_2333 = arith.constant 0.000000e+00 : f32
    %broadcast_in_dim3A_2334 = vector.broadcast %jit3A_2333 : f32 to vector<1x384xf32>
    %select_n3A_2335 = arith.select %eq3A_2332, %select_n3A_2329, %broadcast_in_dim3A_2334 : vector<1x384xi1>, vector<1x384xf32>
    %add3A_2336 = arith.addf %add3A_2299, %select_n3A_2335 : vector<1x384xf32>
    %eq3A_2337 = arith.cmpf oeq, %get3A_1, %roll3A_75 : vector<1x384xf32>
    %jit3A_2338 = arith.constant 0.000000e+00 : f32
    %broadcast_in_dim3A_2339 = vector.broadcast %jit3A_2338 : f32 to vector<1x384xf32>
    %select_n3A_2340 = arith.select %eq3A_2337, %select_n3A_2335, %broadcast_in_dim3A_2339 : vector<1x384xi1>, vector<1x384xf32>
    %add3A_2341 = arith.addf %add3A_2304, %select_n3A_2340 : vector<1x384xf32>
    %lt3A_2342 = arith.constant 12 : i32
    %lt3A_2343 = vector.broadcast %lt3A_2342 : i32 to vector<1x384xi32>
    %lt3A_2344 = arith.cmpi slt, %select_n3A_27, %lt3A_2343 : vector<1x384xi32>
    %roll3A_2345 = arith.constant 376 : i32
    %roll3A_2346 = tpu.dynamic_rotate %select_n3A_2055 by %roll3A_2345 dim 1 : vector<1x384xf32>, i32 -> vector<1x384xf32>
    %mul3A_2347 = arith.mulf %select_n3A_2055, %roll3A_2346 : vector<1x384xf32>
    %jit3A_2348 = arith.constant 0.000000e+00 : f32
    %broadcast_in_dim3A_2349 = vector.broadcast %jit3A_2348 : f32 to vector<1x384xf32>
    %select_n3A_2350 = arith.select %lt3A_2344, %mul3A_2347, %broadcast_in_dim3A_2349 : vector<1x384xi1>, vector<1x384xf32>
    %roll3A_2351 = arith.constant 376 : i32
    %roll3A_2352 = tpu.dynamic_rotate %add3A_2049 by %roll3A_2351 dim 1 : vector<1x384xi32>, i32 -> vector<1x384xi32>
    %eq3A_2353 = arith.cmpi eq, %add3A_2049, %roll3A_2352 : vector<1x384xi32>
    %jit3A_2354 = arith.constant 0.000000e+00 : f32
    %broadcast_in_dim3A_2355 = vector.broadcast %jit3A_2354 : f32 to vector<1x384xf32>
    %select_n3A_2356 = arith.select %eq3A_2353, %select_n3A_2350, %broadcast_in_dim3A_2355 : vector<1x384xi1>, vector<1x384xf32>
    %add3A_2357 = arith.addf %add3A_2320, %select_n3A_2356 : vector<1x384xf32>
    %ge3A_2358 = arith.constant 9 : i32
    %ge3A_2359 = vector.broadcast %ge3A_2358 : i32 to vector<1x384xi32>
    %ge3A_2360 = arith.cmpi sge, %select_n3A_27, %ge3A_2359 : vector<1x384xi32>
    %roll3A_2361 = arith.constant 9 : i32
    %roll3A_2362 = tpu.dynamic_rotate %select_n3A_2055 by %roll3A_2361 dim 1 : vector<1x384xf32>, i32 -> vector<1x384xf32>
    %mul3A_2363 = arith.mulf %select_n3A_2055, %roll3A_2362 : vector<1x384xf32>
    %jit3A_2364 = arith.constant 0.000000e+00 : f32
    %broadcast_in_dim3A_2365 = vector.broadcast %jit3A_2364 : f32 to vector<1x384xf32>
    %select_n3A_2366 = arith.select %ge3A_2360, %mul3A_2363, %broadcast_in_dim3A_2365 : vector<1x384xi1>, vector<1x384xf32>
    %roll3A_2367 = arith.constant 9 : i32
    %roll3A_2368 = tpu.dynamic_rotate %add3A_2049 by %roll3A_2367 dim 1 : vector<1x384xi32>, i32 -> vector<1x384xi32>
    %eq3A_2369 = arith.cmpi eq, %add3A_2049, %roll3A_2368 : vector<1x384xi32>
    %jit3A_2370 = arith.constant 0.000000e+00 : f32
    %broadcast_in_dim3A_2371 = vector.broadcast %jit3A_2370 : f32 to vector<1x384xf32>
    %select_n3A_2372 = arith.select %eq3A_2369, %select_n3A_2366, %broadcast_in_dim3A_2371 : vector<1x384xi1>, vector<1x384xf32>
    %add3A_2373 = arith.addf %add3A_2336, %select_n3A_2372 : vector<1x384xf32>
    %eq3A_2374 = arith.cmpf oeq, %get3A_1, %roll3A_77 : vector<1x384xf32>
    %jit3A_2375 = arith.constant 0.000000e+00 : f32
    %broadcast_in_dim3A_2376 = vector.broadcast %jit3A_2375 : f32 to vector<1x384xf32>
    %select_n3A_2377 = arith.select %eq3A_2374, %select_n3A_2372, %broadcast_in_dim3A_2376 : vector<1x384xi1>, vector<1x384xf32>
    %add3A_2378 = arith.addf %add3A_2341, %select_n3A_2377 : vector<1x384xf32>
    %lt3A_2379 = arith.constant 11 : i32
    %lt3A_2380 = vector.broadcast %lt3A_2379 : i32 to vector<1x384xi32>
    %lt3A_2381 = arith.cmpi slt, %select_n3A_27, %lt3A_2380 : vector<1x384xi32>
    %roll3A_2382 = arith.constant 375 : i32
    %roll3A_2383 = tpu.dynamic_rotate %select_n3A_2055 by %roll3A_2382 dim 1 : vector<1x384xf32>, i32 -> vector<1x384xf32>
    %mul3A_2384 = arith.mulf %select_n3A_2055, %roll3A_2383 : vector<1x384xf32>
    %jit3A_2385 = arith.constant 0.000000e+00 : f32
    %broadcast_in_dim3A_2386 = vector.broadcast %jit3A_2385 : f32 to vector<1x384xf32>
    %select_n3A_2387 = arith.select %lt3A_2381, %mul3A_2384, %broadcast_in_dim3A_2386 : vector<1x384xi1>, vector<1x384xf32>
    %roll3A_2388 = arith.constant 375 : i32
    %roll3A_2389 = tpu.dynamic_rotate %add3A_2049 by %roll3A_2388 dim 1 : vector<1x384xi32>, i32 -> vector<1x384xi32>
    %eq3A_2390 = arith.cmpi eq, %add3A_2049, %roll3A_2389 : vector<1x384xi32>
    %jit3A_2391 = arith.constant 0.000000e+00 : f32
    %broadcast_in_dim3A_2392 = vector.broadcast %jit3A_2391 : f32 to vector<1x384xf32>
    %select_n3A_2393 = arith.select %eq3A_2390, %select_n3A_2387, %broadcast_in_dim3A_2392 : vector<1x384xi1>, vector<1x384xf32>
    %add3A_2394 = arith.addf %add3A_2357, %select_n3A_2393 : vector<1x384xf32>
    %ge3A_2395 = arith.constant 10 : i32
    %ge3A_2396 = vector.broadcast %ge3A_2395 : i32 to vector<1x384xi32>
    %ge3A_2397 = arith.cmpi sge, %select_n3A_27, %ge3A_2396 : vector<1x384xi32>
    %roll3A_2398 = arith.constant 10 : i32
    %roll3A_2399 = tpu.dynamic_rotate %select_n3A_2055 by %roll3A_2398 dim 1 : vector<1x384xf32>, i32 -> vector<1x384xf32>
    %mul3A_2400 = arith.mulf %select_n3A_2055, %roll3A_2399 : vector<1x384xf32>
    %jit3A_2401 = arith.constant 0.000000e+00 : f32
    %broadcast_in_dim3A_2402 = vector.broadcast %jit3A_2401 : f32 to vector<1x384xf32>
    %select_n3A_2403 = arith.select %ge3A_2397, %mul3A_2400, %broadcast_in_dim3A_2402 : vector<1x384xi1>, vector<1x384xf32>
    %roll3A_2404 = arith.constant 10 : i32
    %roll3A_2405 = tpu.dynamic_rotate %add3A_2049 by %roll3A_2404 dim 1 : vector<1x384xi32>, i32 -> vector<1x384xi32>
    %eq3A_2406 = arith.cmpi eq, %add3A_2049, %roll3A_2405 : vector<1x384xi32>
    %jit3A_2407 = arith.constant 0.000000e+00 : f32
    %broadcast_in_dim3A_2408 = vector.broadcast %jit3A_2407 : f32 to vector<1x384xf32>
    %select_n3A_2409 = arith.select %eq3A_2406, %select_n3A_2403, %broadcast_in_dim3A_2408 : vector<1x384xi1>, vector<1x384xf32>
    %add3A_2410 = arith.addf %add3A_2373, %select_n3A_2409 : vector<1x384xf32>
    %eq3A_2411 = arith.cmpf oeq, %get3A_1, %roll3A_79 : vector<1x384xf32>
    %jit3A_2412 = arith.constant 0.000000e+00 : f32
    %broadcast_in_dim3A_2413 = vector.broadcast %jit3A_2412 : f32 to vector<1x384xf32>
    %select_n3A_2414 = arith.select %eq3A_2411, %select_n3A_2409, %broadcast_in_dim3A_2413 : vector<1x384xi1>, vector<1x384xf32>
    %add3A_2415 = arith.addf %add3A_2378, %select_n3A_2414 : vector<1x384xf32>
    %lt3A_2416 = arith.constant 10 : i32
    %lt3A_2417 = vector.broadcast %lt3A_2416 : i32 to vector<1x384xi32>
    %lt3A_2418 = arith.cmpi slt, %select_n3A_27, %lt3A_2417 : vector<1x384xi32>
    %roll3A_2419 = arith.constant 374 : i32
    %roll3A_2420 = tpu.dynamic_rotate %select_n3A_2055 by %roll3A_2419 dim 1 : vector<1x384xf32>, i32 -> vector<1x384xf32>
    %mul3A_2421 = arith.mulf %select_n3A_2055, %roll3A_2420 : vector<1x384xf32>
    %jit3A_2422 = arith.constant 0.000000e+00 : f32
    %broadcast_in_dim3A_2423 = vector.broadcast %jit3A_2422 : f32 to vector<1x384xf32>
    %select_n3A_2424 = arith.select %lt3A_2418, %mul3A_2421, %broadcast_in_dim3A_2423 : vector<1x384xi1>, vector<1x384xf32>
    %roll3A_2425 = arith.constant 374 : i32
    %roll3A_2426 = tpu.dynamic_rotate %add3A_2049 by %roll3A_2425 dim 1 : vector<1x384xi32>, i32 -> vector<1x384xi32>
    %eq3A_2427 = arith.cmpi eq, %add3A_2049, %roll3A_2426 : vector<1x384xi32>
    %jit3A_2428 = arith.constant 0.000000e+00 : f32
    %broadcast_in_dim3A_2429 = vector.broadcast %jit3A_2428 : f32 to vector<1x384xf32>
    %select_n3A_2430 = arith.select %eq3A_2427, %select_n3A_2424, %broadcast_in_dim3A_2429 : vector<1x384xi1>, vector<1x384xf32>
    %add3A_2431 = arith.addf %add3A_2394, %select_n3A_2430 : vector<1x384xf32>
    %ge3A_2432 = arith.constant 11 : i32
    %ge3A_2433 = vector.broadcast %ge3A_2432 : i32 to vector<1x384xi32>
    %ge3A_2434 = arith.cmpi sge, %select_n3A_27, %ge3A_2433 : vector<1x384xi32>
    %roll3A_2435 = arith.constant 11 : i32
    %roll3A_2436 = tpu.dynamic_rotate %select_n3A_2055 by %roll3A_2435 dim 1 : vector<1x384xf32>, i32 -> vector<1x384xf32>
    %mul3A_2437 = arith.mulf %select_n3A_2055, %roll3A_2436 : vector<1x384xf32>
    %jit3A_2438 = arith.constant 0.000000e+00 : f32
    %broadcast_in_dim3A_2439 = vector.broadcast %jit3A_2438 : f32 to vector<1x384xf32>
    %select_n3A_2440 = arith.select %ge3A_2434, %mul3A_2437, %broadcast_in_dim3A_2439 : vector<1x384xi1>, vector<1x384xf32>
    %roll3A_2441 = arith.constant 11 : i32
    %roll3A_2442 = tpu.dynamic_rotate %add3A_2049 by %roll3A_2441 dim 1 : vector<1x384xi32>, i32 -> vector<1x384xi32>
    %eq3A_2443 = arith.cmpi eq, %add3A_2049, %roll3A_2442 : vector<1x384xi32>
    %jit3A_2444 = arith.constant 0.000000e+00 : f32
    %broadcast_in_dim3A_2445 = vector.broadcast %jit3A_2444 : f32 to vector<1x384xf32>
    %select_n3A_2446 = arith.select %eq3A_2443, %select_n3A_2440, %broadcast_in_dim3A_2445 : vector<1x384xi1>, vector<1x384xf32>
    %add3A_2447 = arith.addf %add3A_2410, %select_n3A_2446 : vector<1x384xf32>
    %eq3A_2448 = arith.cmpf oeq, %get3A_1, %roll3A_81 : vector<1x384xf32>
    %jit3A_2449 = arith.constant 0.000000e+00 : f32
    %broadcast_in_dim3A_2450 = vector.broadcast %jit3A_2449 : f32 to vector<1x384xf32>
    %select_n3A_2451 = arith.select %eq3A_2448, %select_n3A_2446, %broadcast_in_dim3A_2450 : vector<1x384xi1>, vector<1x384xf32>
    %add3A_2452 = arith.addf %add3A_2415, %select_n3A_2451 : vector<1x384xf32>
    %lt3A_2453 = arith.constant 9 : i32
    %lt3A_2454 = vector.broadcast %lt3A_2453 : i32 to vector<1x384xi32>
    %lt3A_2455 = arith.cmpi slt, %select_n3A_27, %lt3A_2454 : vector<1x384xi32>
    %roll3A_2456 = arith.constant 373 : i32
    %roll3A_2457 = tpu.dynamic_rotate %select_n3A_2055 by %roll3A_2456 dim 1 : vector<1x384xf32>, i32 -> vector<1x384xf32>
    %mul3A_2458 = arith.mulf %select_n3A_2055, %roll3A_2457 : vector<1x384xf32>
    %jit3A_2459 = arith.constant 0.000000e+00 : f32
    %broadcast_in_dim3A_2460 = vector.broadcast %jit3A_2459 : f32 to vector<1x384xf32>
    %select_n3A_2461 = arith.select %lt3A_2455, %mul3A_2458, %broadcast_in_dim3A_2460 : vector<1x384xi1>, vector<1x384xf32>
    %roll3A_2462 = arith.constant 373 : i32
    %roll3A_2463 = tpu.dynamic_rotate %add3A_2049 by %roll3A_2462 dim 1 : vector<1x384xi32>, i32 -> vector<1x384xi32>
    %eq3A_2464 = arith.cmpi eq, %add3A_2049, %roll3A_2463 : vector<1x384xi32>
    %jit3A_2465 = arith.constant 0.000000e+00 : f32
    %broadcast_in_dim3A_2466 = vector.broadcast %jit3A_2465 : f32 to vector<1x384xf32>
    %select_n3A_2467 = arith.select %eq3A_2464, %select_n3A_2461, %broadcast_in_dim3A_2466 : vector<1x384xi1>, vector<1x384xf32>
    %add3A_2468 = arith.addf %add3A_2431, %select_n3A_2467 : vector<1x384xf32>
    %ge3A_2469 = arith.constant 12 : i32
    %ge3A_2470 = vector.broadcast %ge3A_2469 : i32 to vector<1x384xi32>
    %ge3A_2471 = arith.cmpi sge, %select_n3A_27, %ge3A_2470 : vector<1x384xi32>
    %roll3A_2472 = arith.constant 12 : i32
    %roll3A_2473 = tpu.dynamic_rotate %select_n3A_2055 by %roll3A_2472 dim 1 : vector<1x384xf32>, i32 -> vector<1x384xf32>
    %mul3A_2474 = arith.mulf %select_n3A_2055, %roll3A_2473 : vector<1x384xf32>
    %jit3A_2475 = arith.constant 0.000000e+00 : f32
    %broadcast_in_dim3A_2476 = vector.broadcast %jit3A_2475 : f32 to vector<1x384xf32>
    %select_n3A_2477 = arith.select %ge3A_2471, %mul3A_2474, %broadcast_in_dim3A_2476 : vector<1x384xi1>, vector<1x384xf32>
    %roll3A_2478 = arith.constant 12 : i32
    %roll3A_2479 = tpu.dynamic_rotate %add3A_2049 by %roll3A_2478 dim 1 : vector<1x384xi32>, i32 -> vector<1x384xi32>
    %eq3A_2480 = arith.cmpi eq, %add3A_2049, %roll3A_2479 : vector<1x384xi32>
    %jit3A_2481 = arith.constant 0.000000e+00 : f32
    %broadcast_in_dim3A_2482 = vector.broadcast %jit3A_2481 : f32 to vector<1x384xf32>
    %select_n3A_2483 = arith.select %eq3A_2480, %select_n3A_2477, %broadcast_in_dim3A_2482 : vector<1x384xi1>, vector<1x384xf32>
    %add3A_2484 = arith.addf %add3A_2447, %select_n3A_2483 : vector<1x384xf32>
    %eq3A_2485 = arith.cmpf oeq, %get3A_1, %roll3A_83 : vector<1x384xf32>
    %jit3A_2486 = arith.constant 0.000000e+00 : f32
    %broadcast_in_dim3A_2487 = vector.broadcast %jit3A_2486 : f32 to vector<1x384xf32>
    %select_n3A_2488 = arith.select %eq3A_2485, %select_n3A_2483, %broadcast_in_dim3A_2487 : vector<1x384xi1>, vector<1x384xf32>
    %add3A_2489 = arith.addf %add3A_2452, %select_n3A_2488 : vector<1x384xf32>
    %lt3A_2490 = arith.constant 8 : i32
    %lt3A_2491 = vector.broadcast %lt3A_2490 : i32 to vector<1x384xi32>
    %lt3A_2492 = arith.cmpi slt, %select_n3A_27, %lt3A_2491 : vector<1x384xi32>
    %roll3A_2493 = arith.constant 372 : i32
    %roll3A_2494 = tpu.dynamic_rotate %select_n3A_2055 by %roll3A_2493 dim 1 : vector<1x384xf32>, i32 -> vector<1x384xf32>
    %mul3A_2495 = arith.mulf %select_n3A_2055, %roll3A_2494 : vector<1x384xf32>
    %jit3A_2496 = arith.constant 0.000000e+00 : f32
    %broadcast_in_dim3A_2497 = vector.broadcast %jit3A_2496 : f32 to vector<1x384xf32>
    %select_n3A_2498 = arith.select %lt3A_2492, %mul3A_2495, %broadcast_in_dim3A_2497 : vector<1x384xi1>, vector<1x384xf32>
    %roll3A_2499 = arith.constant 372 : i32
    %roll3A_2500 = tpu.dynamic_rotate %add3A_2049 by %roll3A_2499 dim 1 : vector<1x384xi32>, i32 -> vector<1x384xi32>
    %eq3A_2501 = arith.cmpi eq, %add3A_2049, %roll3A_2500 : vector<1x384xi32>
    %jit3A_2502 = arith.constant 0.000000e+00 : f32
    %broadcast_in_dim3A_2503 = vector.broadcast %jit3A_2502 : f32 to vector<1x384xf32>
    %select_n3A_2504 = arith.select %eq3A_2501, %select_n3A_2498, %broadcast_in_dim3A_2503 : vector<1x384xi1>, vector<1x384xf32>
    %add3A_2505 = arith.addf %add3A_2468, %select_n3A_2504 : vector<1x384xf32>
    %ge3A_2506 = arith.constant 13 : i32
    %ge3A_2507 = vector.broadcast %ge3A_2506 : i32 to vector<1x384xi32>
    %ge3A_2508 = arith.cmpi sge, %select_n3A_27, %ge3A_2507 : vector<1x384xi32>
    %roll3A_2509 = arith.constant 13 : i32
    %roll3A_2510 = tpu.dynamic_rotate %select_n3A_2055 by %roll3A_2509 dim 1 : vector<1x384xf32>, i32 -> vector<1x384xf32>
    %mul3A_2511 = arith.mulf %select_n3A_2055, %roll3A_2510 : vector<1x384xf32>
    %jit3A_2512 = arith.constant 0.000000e+00 : f32
    %broadcast_in_dim3A_2513 = vector.broadcast %jit3A_2512 : f32 to vector<1x384xf32>
    %select_n3A_2514 = arith.select %ge3A_2508, %mul3A_2511, %broadcast_in_dim3A_2513 : vector<1x384xi1>, vector<1x384xf32>
    %roll3A_2515 = arith.constant 13 : i32
    %roll3A_2516 = tpu.dynamic_rotate %add3A_2049 by %roll3A_2515 dim 1 : vector<1x384xi32>, i32 -> vector<1x384xi32>
    %eq3A_2517 = arith.cmpi eq, %add3A_2049, %roll3A_2516 : vector<1x384xi32>
    %jit3A_2518 = arith.constant 0.000000e+00 : f32
    %broadcast_in_dim3A_2519 = vector.broadcast %jit3A_2518 : f32 to vector<1x384xf32>
    %select_n3A_2520 = arith.select %eq3A_2517, %select_n3A_2514, %broadcast_in_dim3A_2519 : vector<1x384xi1>, vector<1x384xf32>
    %add3A_2521 = arith.addf %add3A_2484, %select_n3A_2520 : vector<1x384xf32>
    %eq3A_2522 = arith.cmpf oeq, %get3A_1, %roll3A_85 : vector<1x384xf32>
    %jit3A_2523 = arith.constant 0.000000e+00 : f32
    %broadcast_in_dim3A_2524 = vector.broadcast %jit3A_2523 : f32 to vector<1x384xf32>
    %select_n3A_2525 = arith.select %eq3A_2522, %select_n3A_2520, %broadcast_in_dim3A_2524 : vector<1x384xi1>, vector<1x384xf32>
    %add3A_2526 = arith.addf %add3A_2489, %select_n3A_2525 : vector<1x384xf32>
    %lt3A_2527 = arith.constant 7 : i32
    %lt3A_2528 = vector.broadcast %lt3A_2527 : i32 to vector<1x384xi32>
    %lt3A_2529 = arith.cmpi slt, %select_n3A_27, %lt3A_2528 : vector<1x384xi32>
    %roll3A_2530 = arith.constant 371 : i32
    %roll3A_2531 = tpu.dynamic_rotate %select_n3A_2055 by %roll3A_2530 dim 1 : vector<1x384xf32>, i32 -> vector<1x384xf32>
    %mul3A_2532 = arith.mulf %select_n3A_2055, %roll3A_2531 : vector<1x384xf32>
    %jit3A_2533 = arith.constant 0.000000e+00 : f32
    %broadcast_in_dim3A_2534 = vector.broadcast %jit3A_2533 : f32 to vector<1x384xf32>
    %select_n3A_2535 = arith.select %lt3A_2529, %mul3A_2532, %broadcast_in_dim3A_2534 : vector<1x384xi1>, vector<1x384xf32>
    %roll3A_2536 = arith.constant 371 : i32
    %roll3A_2537 = tpu.dynamic_rotate %add3A_2049 by %roll3A_2536 dim 1 : vector<1x384xi32>, i32 -> vector<1x384xi32>
    %eq3A_2538 = arith.cmpi eq, %add3A_2049, %roll3A_2537 : vector<1x384xi32>
    %jit3A_2539 = arith.constant 0.000000e+00 : f32
    %broadcast_in_dim3A_2540 = vector.broadcast %jit3A_2539 : f32 to vector<1x384xf32>
    %select_n3A_2541 = arith.select %eq3A_2538, %select_n3A_2535, %broadcast_in_dim3A_2540 : vector<1x384xi1>, vector<1x384xf32>
    %add3A_2542 = arith.addf %add3A_2505, %select_n3A_2541 : vector<1x384xf32>
    %ge3A_2543 = arith.constant 14 : i32
    %ge3A_2544 = vector.broadcast %ge3A_2543 : i32 to vector<1x384xi32>
    %ge3A_2545 = arith.cmpi sge, %select_n3A_27, %ge3A_2544 : vector<1x384xi32>
    %roll3A_2546 = arith.constant 14 : i32
    %roll3A_2547 = tpu.dynamic_rotate %select_n3A_2055 by %roll3A_2546 dim 1 : vector<1x384xf32>, i32 -> vector<1x384xf32>
    %mul3A_2548 = arith.mulf %select_n3A_2055, %roll3A_2547 : vector<1x384xf32>
    %jit3A_2549 = arith.constant 0.000000e+00 : f32
    %broadcast_in_dim3A_2550 = vector.broadcast %jit3A_2549 : f32 to vector<1x384xf32>
    %select_n3A_2551 = arith.select %ge3A_2545, %mul3A_2548, %broadcast_in_dim3A_2550 : vector<1x384xi1>, vector<1x384xf32>
    %roll3A_2552 = arith.constant 14 : i32
    %roll3A_2553 = tpu.dynamic_rotate %add3A_2049 by %roll3A_2552 dim 1 : vector<1x384xi32>, i32 -> vector<1x384xi32>
    %eq3A_2554 = arith.cmpi eq, %add3A_2049, %roll3A_2553 : vector<1x384xi32>
    %jit3A_2555 = arith.constant 0.000000e+00 : f32
    %broadcast_in_dim3A_2556 = vector.broadcast %jit3A_2555 : f32 to vector<1x384xf32>
    %select_n3A_2557 = arith.select %eq3A_2554, %select_n3A_2551, %broadcast_in_dim3A_2556 : vector<1x384xi1>, vector<1x384xf32>
    %add3A_2558 = arith.addf %add3A_2521, %select_n3A_2557 : vector<1x384xf32>
    %eq3A_2559 = arith.cmpf oeq, %get3A_1, %roll3A_87 : vector<1x384xf32>
    %jit3A_2560 = arith.constant 0.000000e+00 : f32
    %broadcast_in_dim3A_2561 = vector.broadcast %jit3A_2560 : f32 to vector<1x384xf32>
    %select_n3A_2562 = arith.select %eq3A_2559, %select_n3A_2557, %broadcast_in_dim3A_2561 : vector<1x384xi1>, vector<1x384xf32>
    %add3A_2563 = arith.addf %add3A_2526, %select_n3A_2562 : vector<1x384xf32>
    %lt3A_2564 = arith.constant 6 : i32
    %lt3A_2565 = vector.broadcast %lt3A_2564 : i32 to vector<1x384xi32>
    %lt3A_2566 = arith.cmpi slt, %select_n3A_27, %lt3A_2565 : vector<1x384xi32>
    %roll3A_2567 = arith.constant 370 : i32
    %roll3A_2568 = tpu.dynamic_rotate %select_n3A_2055 by %roll3A_2567 dim 1 : vector<1x384xf32>, i32 -> vector<1x384xf32>
    %mul3A_2569 = arith.mulf %select_n3A_2055, %roll3A_2568 : vector<1x384xf32>
    %jit3A_2570 = arith.constant 0.000000e+00 : f32
    %broadcast_in_dim3A_2571 = vector.broadcast %jit3A_2570 : f32 to vector<1x384xf32>
    %select_n3A_2572 = arith.select %lt3A_2566, %mul3A_2569, %broadcast_in_dim3A_2571 : vector<1x384xi1>, vector<1x384xf32>
    %roll3A_2573 = arith.constant 370 : i32
    %roll3A_2574 = tpu.dynamic_rotate %add3A_2049 by %roll3A_2573 dim 1 : vector<1x384xi32>, i32 -> vector<1x384xi32>
    %eq3A_2575 = arith.cmpi eq, %add3A_2049, %roll3A_2574 : vector<1x384xi32>
    %jit3A_2576 = arith.constant 0.000000e+00 : f32
    %broadcast_in_dim3A_2577 = vector.broadcast %jit3A_2576 : f32 to vector<1x384xf32>
    %select_n3A_2578 = arith.select %eq3A_2575, %select_n3A_2572, %broadcast_in_dim3A_2577 : vector<1x384xi1>, vector<1x384xf32>
    %add3A_2579 = arith.addf %add3A_2542, %select_n3A_2578 : vector<1x384xf32>
    %ge3A_2580 = arith.constant 15 : i32
    %ge3A_2581 = vector.broadcast %ge3A_2580 : i32 to vector<1x384xi32>
    %ge3A_2582 = arith.cmpi sge, %select_n3A_27, %ge3A_2581 : vector<1x384xi32>
    %roll3A_2583 = arith.constant 15 : i32
    %roll3A_2584 = tpu.dynamic_rotate %select_n3A_2055 by %roll3A_2583 dim 1 : vector<1x384xf32>, i32 -> vector<1x384xf32>
    %mul3A_2585 = arith.mulf %select_n3A_2055, %roll3A_2584 : vector<1x384xf32>
    %jit3A_2586 = arith.constant 0.000000e+00 : f32
    %broadcast_in_dim3A_2587 = vector.broadcast %jit3A_2586 : f32 to vector<1x384xf32>
    %select_n3A_2588 = arith.select %ge3A_2582, %mul3A_2585, %broadcast_in_dim3A_2587 : vector<1x384xi1>, vector<1x384xf32>
    %roll3A_2589 = arith.constant 15 : i32
    %roll3A_2590 = tpu.dynamic_rotate %add3A_2049 by %roll3A_2589 dim 1 : vector<1x384xi32>, i32 -> vector<1x384xi32>
    %eq3A_2591 = arith.cmpi eq, %add3A_2049, %roll3A_2590 : vector<1x384xi32>
    %jit3A_2592 = arith.constant 0.000000e+00 : f32
    %broadcast_in_dim3A_2593 = vector.broadcast %jit3A_2592 : f32 to vector<1x384xf32>
    %select_n3A_2594 = arith.select %eq3A_2591, %select_n3A_2588, %broadcast_in_dim3A_2593 : vector<1x384xi1>, vector<1x384xf32>
    %add3A_2595 = arith.addf %add3A_2558, %select_n3A_2594 : vector<1x384xf32>
    %eq3A_2596 = arith.cmpf oeq, %get3A_1, %roll3A_89 : vector<1x384xf32>
    %jit3A_2597 = arith.constant 0.000000e+00 : f32
    %broadcast_in_dim3A_2598 = vector.broadcast %jit3A_2597 : f32 to vector<1x384xf32>
    %select_n3A_2599 = arith.select %eq3A_2596, %select_n3A_2594, %broadcast_in_dim3A_2598 : vector<1x384xi1>, vector<1x384xf32>
    %add3A_2600 = arith.addf %add3A_2563, %select_n3A_2599 : vector<1x384xf32>
    %lt3A_2601 = arith.constant 5 : i32
    %lt3A_2602 = vector.broadcast %lt3A_2601 : i32 to vector<1x384xi32>
    %lt3A_2603 = arith.cmpi slt, %select_n3A_27, %lt3A_2602 : vector<1x384xi32>
    %roll3A_2604 = arith.constant 369 : i32
    %roll3A_2605 = tpu.dynamic_rotate %select_n3A_2055 by %roll3A_2604 dim 1 : vector<1x384xf32>, i32 -> vector<1x384xf32>
    %mul3A_2606 = arith.mulf %select_n3A_2055, %roll3A_2605 : vector<1x384xf32>
    %jit3A_2607 = arith.constant 0.000000e+00 : f32
    %broadcast_in_dim3A_2608 = vector.broadcast %jit3A_2607 : f32 to vector<1x384xf32>
    %select_n3A_2609 = arith.select %lt3A_2603, %mul3A_2606, %broadcast_in_dim3A_2608 : vector<1x384xi1>, vector<1x384xf32>
    %roll3A_2610 = arith.constant 369 : i32
    %roll3A_2611 = tpu.dynamic_rotate %add3A_2049 by %roll3A_2610 dim 1 : vector<1x384xi32>, i32 -> vector<1x384xi32>
    %eq3A_2612 = arith.cmpi eq, %add3A_2049, %roll3A_2611 : vector<1x384xi32>
    %jit3A_2613 = arith.constant 0.000000e+00 : f32
    %broadcast_in_dim3A_2614 = vector.broadcast %jit3A_2613 : f32 to vector<1x384xf32>
    %select_n3A_2615 = arith.select %eq3A_2612, %select_n3A_2609, %broadcast_in_dim3A_2614 : vector<1x384xi1>, vector<1x384xf32>
    %add3A_2616 = arith.addf %add3A_2579, %select_n3A_2615 : vector<1x384xf32>
    %ge3A_2617 = arith.constant 16 : i32
    %ge3A_2618 = vector.broadcast %ge3A_2617 : i32 to vector<1x384xi32>
    %ge3A_2619 = arith.cmpi sge, %select_n3A_27, %ge3A_2618 : vector<1x384xi32>
    %roll3A_2620 = arith.constant 16 : i32
    %roll3A_2621 = tpu.dynamic_rotate %select_n3A_2055 by %roll3A_2620 dim 1 : vector<1x384xf32>, i32 -> vector<1x384xf32>
    %mul3A_2622 = arith.mulf %select_n3A_2055, %roll3A_2621 : vector<1x384xf32>
    %jit3A_2623 = arith.constant 0.000000e+00 : f32
    %broadcast_in_dim3A_2624 = vector.broadcast %jit3A_2623 : f32 to vector<1x384xf32>
    %select_n3A_2625 = arith.select %ge3A_2619, %mul3A_2622, %broadcast_in_dim3A_2624 : vector<1x384xi1>, vector<1x384xf32>
    %roll3A_2626 = arith.constant 16 : i32
    %roll3A_2627 = tpu.dynamic_rotate %add3A_2049 by %roll3A_2626 dim 1 : vector<1x384xi32>, i32 -> vector<1x384xi32>
    %eq3A_2628 = arith.cmpi eq, %add3A_2049, %roll3A_2627 : vector<1x384xi32>
    %jit3A_2629 = arith.constant 0.000000e+00 : f32
    %broadcast_in_dim3A_2630 = vector.broadcast %jit3A_2629 : f32 to vector<1x384xf32>
    %select_n3A_2631 = arith.select %eq3A_2628, %select_n3A_2625, %broadcast_in_dim3A_2630 : vector<1x384xi1>, vector<1x384xf32>
    %add3A_2632 = arith.addf %add3A_2595, %select_n3A_2631 : vector<1x384xf32>
    %eq3A_2633 = arith.cmpf oeq, %get3A_1, %roll3A_91 : vector<1x384xf32>
    %jit3A_2634 = arith.constant 0.000000e+00 : f32
    %broadcast_in_dim3A_2635 = vector.broadcast %jit3A_2634 : f32 to vector<1x384xf32>
    %select_n3A_2636 = arith.select %eq3A_2633, %select_n3A_2631, %broadcast_in_dim3A_2635 : vector<1x384xi1>, vector<1x384xf32>
    %add3A_2637 = arith.addf %add3A_2600, %select_n3A_2636 : vector<1x384xf32>
    %lt3A_2638 = arith.constant 4 : i32
    %lt3A_2639 = vector.broadcast %lt3A_2638 : i32 to vector<1x384xi32>
    %lt3A_2640 = arith.cmpi slt, %select_n3A_27, %lt3A_2639 : vector<1x384xi32>
    %roll3A_2641 = arith.constant 368 : i32
    %roll3A_2642 = tpu.dynamic_rotate %select_n3A_2055 by %roll3A_2641 dim 1 : vector<1x384xf32>, i32 -> vector<1x384xf32>
    %mul3A_2643 = arith.mulf %select_n3A_2055, %roll3A_2642 : vector<1x384xf32>
    %jit3A_2644 = arith.constant 0.000000e+00 : f32
    %broadcast_in_dim3A_2645 = vector.broadcast %jit3A_2644 : f32 to vector<1x384xf32>
    %select_n3A_2646 = arith.select %lt3A_2640, %mul3A_2643, %broadcast_in_dim3A_2645 : vector<1x384xi1>, vector<1x384xf32>
    %roll3A_2647 = arith.constant 368 : i32
    %roll3A_2648 = tpu.dynamic_rotate %add3A_2049 by %roll3A_2647 dim 1 : vector<1x384xi32>, i32 -> vector<1x384xi32>
    %eq3A_2649 = arith.cmpi eq, %add3A_2049, %roll3A_2648 : vector<1x384xi32>
    %jit3A_2650 = arith.constant 0.000000e+00 : f32
    %broadcast_in_dim3A_2651 = vector.broadcast %jit3A_2650 : f32 to vector<1x384xf32>
    %select_n3A_2652 = arith.select %eq3A_2649, %select_n3A_2646, %broadcast_in_dim3A_2651 : vector<1x384xi1>, vector<1x384xf32>
    %add3A_2653 = arith.addf %add3A_2616, %select_n3A_2652 : vector<1x384xf32>
    %ge3A_2654 = arith.constant 17 : i32
    %ge3A_2655 = vector.broadcast %ge3A_2654 : i32 to vector<1x384xi32>
    %ge3A_2656 = arith.cmpi sge, %select_n3A_27, %ge3A_2655 : vector<1x384xi32>
    %roll3A_2657 = arith.constant 17 : i32
    %roll3A_2658 = tpu.dynamic_rotate %select_n3A_2055 by %roll3A_2657 dim 1 : vector<1x384xf32>, i32 -> vector<1x384xf32>
    %mul3A_2659 = arith.mulf %select_n3A_2055, %roll3A_2658 : vector<1x384xf32>
    %jit3A_2660 = arith.constant 0.000000e+00 : f32
    %broadcast_in_dim3A_2661 = vector.broadcast %jit3A_2660 : f32 to vector<1x384xf32>
    %select_n3A_2662 = arith.select %ge3A_2656, %mul3A_2659, %broadcast_in_dim3A_2661 : vector<1x384xi1>, vector<1x384xf32>
    %roll3A_2663 = arith.constant 17 : i32
    %roll3A_2664 = tpu.dynamic_rotate %add3A_2049 by %roll3A_2663 dim 1 : vector<1x384xi32>, i32 -> vector<1x384xi32>
    %eq3A_2665 = arith.cmpi eq, %add3A_2049, %roll3A_2664 : vector<1x384xi32>
    %jit3A_2666 = arith.constant 0.000000e+00 : f32
    %broadcast_in_dim3A_2667 = vector.broadcast %jit3A_2666 : f32 to vector<1x384xf32>
    %select_n3A_2668 = arith.select %eq3A_2665, %select_n3A_2662, %broadcast_in_dim3A_2667 : vector<1x384xi1>, vector<1x384xf32>
    %add3A_2669 = arith.addf %add3A_2632, %select_n3A_2668 : vector<1x384xf32>
    %eq3A_2670 = arith.cmpf oeq, %get3A_1, %roll3A_93 : vector<1x384xf32>
    %jit3A_2671 = arith.constant 0.000000e+00 : f32
    %broadcast_in_dim3A_2672 = vector.broadcast %jit3A_2671 : f32 to vector<1x384xf32>
    %select_n3A_2673 = arith.select %eq3A_2670, %select_n3A_2668, %broadcast_in_dim3A_2672 : vector<1x384xi1>, vector<1x384xf32>
    %add3A_2674 = arith.addf %add3A_2637, %select_n3A_2673 : vector<1x384xf32>
    %lt3A_2675 = arith.constant 3 : i32
    %lt3A_2676 = vector.broadcast %lt3A_2675 : i32 to vector<1x384xi32>
    %lt3A_2677 = arith.cmpi slt, %select_n3A_27, %lt3A_2676 : vector<1x384xi32>
    %roll3A_2678 = arith.constant 367 : i32
    %roll3A_2679 = tpu.dynamic_rotate %select_n3A_2055 by %roll3A_2678 dim 1 : vector<1x384xf32>, i32 -> vector<1x384xf32>
    %mul3A_2680 = arith.mulf %select_n3A_2055, %roll3A_2679 : vector<1x384xf32>
    %jit3A_2681 = arith.constant 0.000000e+00 : f32
    %broadcast_in_dim3A_2682 = vector.broadcast %jit3A_2681 : f32 to vector<1x384xf32>
    %select_n3A_2683 = arith.select %lt3A_2677, %mul3A_2680, %broadcast_in_dim3A_2682 : vector<1x384xi1>, vector<1x384xf32>
    %roll3A_2684 = arith.constant 367 : i32
    %roll3A_2685 = tpu.dynamic_rotate %add3A_2049 by %roll3A_2684 dim 1 : vector<1x384xi32>, i32 -> vector<1x384xi32>
    %eq3A_2686 = arith.cmpi eq, %add3A_2049, %roll3A_2685 : vector<1x384xi32>
    %jit3A_2687 = arith.constant 0.000000e+00 : f32
    %broadcast_in_dim3A_2688 = vector.broadcast %jit3A_2687 : f32 to vector<1x384xf32>
    %select_n3A_2689 = arith.select %eq3A_2686, %select_n3A_2683, %broadcast_in_dim3A_2688 : vector<1x384xi1>, vector<1x384xf32>
    %add3A_2690 = arith.addf %add3A_2653, %select_n3A_2689 : vector<1x384xf32>
    %ge3A_2691 = arith.constant 18 : i32
    %ge3A_2692 = vector.broadcast %ge3A_2691 : i32 to vector<1x384xi32>
    %ge3A_2693 = arith.cmpi sge, %select_n3A_27, %ge3A_2692 : vector<1x384xi32>
    %roll3A_2694 = arith.constant 18 : i32
    %roll3A_2695 = tpu.dynamic_rotate %select_n3A_2055 by %roll3A_2694 dim 1 : vector<1x384xf32>, i32 -> vector<1x384xf32>
    %mul3A_2696 = arith.mulf %select_n3A_2055, %roll3A_2695 : vector<1x384xf32>
    %jit3A_2697 = arith.constant 0.000000e+00 : f32
    %broadcast_in_dim3A_2698 = vector.broadcast %jit3A_2697 : f32 to vector<1x384xf32>
    %select_n3A_2699 = arith.select %ge3A_2693, %mul3A_2696, %broadcast_in_dim3A_2698 : vector<1x384xi1>, vector<1x384xf32>
    %roll3A_2700 = arith.constant 18 : i32
    %roll3A_2701 = tpu.dynamic_rotate %add3A_2049 by %roll3A_2700 dim 1 : vector<1x384xi32>, i32 -> vector<1x384xi32>
    %eq3A_2702 = arith.cmpi eq, %add3A_2049, %roll3A_2701 : vector<1x384xi32>
    %jit3A_2703 = arith.constant 0.000000e+00 : f32
    %broadcast_in_dim3A_2704 = vector.broadcast %jit3A_2703 : f32 to vector<1x384xf32>
    %select_n3A_2705 = arith.select %eq3A_2702, %select_n3A_2699, %broadcast_in_dim3A_2704 : vector<1x384xi1>, vector<1x384xf32>
    %add3A_2706 = arith.addf %add3A_2669, %select_n3A_2705 : vector<1x384xf32>
    %eq3A_2707 = arith.cmpf oeq, %get3A_1, %roll3A_95 : vector<1x384xf32>
    %jit3A_2708 = arith.constant 0.000000e+00 : f32
    %broadcast_in_dim3A_2709 = vector.broadcast %jit3A_2708 : f32 to vector<1x384xf32>
    %select_n3A_2710 = arith.select %eq3A_2707, %select_n3A_2705, %broadcast_in_dim3A_2709 : vector<1x384xi1>, vector<1x384xf32>
    %add3A_2711 = arith.addf %add3A_2674, %select_n3A_2710 : vector<1x384xf32>
    %lt3A_2712 = arith.constant 2 : i32
    %lt3A_2713 = vector.broadcast %lt3A_2712 : i32 to vector<1x384xi32>
    %lt3A_2714 = arith.cmpi slt, %select_n3A_27, %lt3A_2713 : vector<1x384xi32>
    %roll3A_2715 = arith.constant 366 : i32
    %roll3A_2716 = tpu.dynamic_rotate %select_n3A_2055 by %roll3A_2715 dim 1 : vector<1x384xf32>, i32 -> vector<1x384xf32>
    %mul3A_2717 = arith.mulf %select_n3A_2055, %roll3A_2716 : vector<1x384xf32>
    %jit3A_2718 = arith.constant 0.000000e+00 : f32
    %broadcast_in_dim3A_2719 = vector.broadcast %jit3A_2718 : f32 to vector<1x384xf32>
    %select_n3A_2720 = arith.select %lt3A_2714, %mul3A_2717, %broadcast_in_dim3A_2719 : vector<1x384xi1>, vector<1x384xf32>
    %roll3A_2721 = arith.constant 366 : i32
    %roll3A_2722 = tpu.dynamic_rotate %add3A_2049 by %roll3A_2721 dim 1 : vector<1x384xi32>, i32 -> vector<1x384xi32>
    %eq3A_2723 = arith.cmpi eq, %add3A_2049, %roll3A_2722 : vector<1x384xi32>
    %jit3A_2724 = arith.constant 0.000000e+00 : f32
    %broadcast_in_dim3A_2725 = vector.broadcast %jit3A_2724 : f32 to vector<1x384xf32>
    %select_n3A_2726 = arith.select %eq3A_2723, %select_n3A_2720, %broadcast_in_dim3A_2725 : vector<1x384xi1>, vector<1x384xf32>
    %add3A_2727 = arith.addf %add3A_2690, %select_n3A_2726 : vector<1x384xf32>
    %ge3A_2728 = arith.constant 19 : i32
    %ge3A_2729 = vector.broadcast %ge3A_2728 : i32 to vector<1x384xi32>
    %ge3A_2730 = arith.cmpi sge, %select_n3A_27, %ge3A_2729 : vector<1x384xi32>
    %roll3A_2731 = arith.constant 19 : i32
    %roll3A_2732 = tpu.dynamic_rotate %select_n3A_2055 by %roll3A_2731 dim 1 : vector<1x384xf32>, i32 -> vector<1x384xf32>
    %mul3A_2733 = arith.mulf %select_n3A_2055, %roll3A_2732 : vector<1x384xf32>
    %jit3A_2734 = arith.constant 0.000000e+00 : f32
    %broadcast_in_dim3A_2735 = vector.broadcast %jit3A_2734 : f32 to vector<1x384xf32>
    %select_n3A_2736 = arith.select %ge3A_2730, %mul3A_2733, %broadcast_in_dim3A_2735 : vector<1x384xi1>, vector<1x384xf32>
    %roll3A_2737 = arith.constant 19 : i32
    %roll3A_2738 = tpu.dynamic_rotate %add3A_2049 by %roll3A_2737 dim 1 : vector<1x384xi32>, i32 -> vector<1x384xi32>
    %eq3A_2739 = arith.cmpi eq, %add3A_2049, %roll3A_2738 : vector<1x384xi32>
    %jit3A_2740 = arith.constant 0.000000e+00 : f32
    %broadcast_in_dim3A_2741 = vector.broadcast %jit3A_2740 : f32 to vector<1x384xf32>
    %select_n3A_2742 = arith.select %eq3A_2739, %select_n3A_2736, %broadcast_in_dim3A_2741 : vector<1x384xi1>, vector<1x384xf32>
    %add3A_2743 = arith.addf %add3A_2706, %select_n3A_2742 : vector<1x384xf32>
    %eq3A_2744 = arith.cmpf oeq, %get3A_1, %roll3A_97 : vector<1x384xf32>
    %jit3A_2745 = arith.constant 0.000000e+00 : f32
    %broadcast_in_dim3A_2746 = vector.broadcast %jit3A_2745 : f32 to vector<1x384xf32>
    %select_n3A_2747 = arith.select %eq3A_2744, %select_n3A_2742, %broadcast_in_dim3A_2746 : vector<1x384xi1>, vector<1x384xf32>
    %add3A_2748 = arith.addf %add3A_2711, %select_n3A_2747 : vector<1x384xf32>
    %lt3A_2749 = arith.constant 1 : i32
    %lt3A_2750 = vector.broadcast %lt3A_2749 : i32 to vector<1x384xi32>
    %lt3A_2751 = arith.cmpi slt, %select_n3A_27, %lt3A_2750 : vector<1x384xi32>
    %roll3A_2752 = arith.constant 365 : i32
    %roll3A_2753 = tpu.dynamic_rotate %select_n3A_2055 by %roll3A_2752 dim 1 : vector<1x384xf32>, i32 -> vector<1x384xf32>
    %mul3A_2754 = arith.mulf %select_n3A_2055, %roll3A_2753 : vector<1x384xf32>
    %jit3A_2755 = arith.constant 0.000000e+00 : f32
    %broadcast_in_dim3A_2756 = vector.broadcast %jit3A_2755 : f32 to vector<1x384xf32>
    %select_n3A_2757 = arith.select %lt3A_2751, %mul3A_2754, %broadcast_in_dim3A_2756 : vector<1x384xi1>, vector<1x384xf32>
    %roll3A_2758 = arith.constant 365 : i32
    %roll3A_2759 = tpu.dynamic_rotate %add3A_2049 by %roll3A_2758 dim 1 : vector<1x384xi32>, i32 -> vector<1x384xi32>
    %eq3A_2760 = arith.cmpi eq, %add3A_2049, %roll3A_2759 : vector<1x384xi32>
    %jit3A_2761 = arith.constant 0.000000e+00 : f32
    %broadcast_in_dim3A_2762 = vector.broadcast %jit3A_2761 : f32 to vector<1x384xf32>
    %select_n3A_2763 = arith.select %eq3A_2760, %select_n3A_2757, %broadcast_in_dim3A_2762 : vector<1x384xi1>, vector<1x384xf32>
    %add3A_2764 = arith.addf %add3A_2727, %select_n3A_2763 : vector<1x384xf32>
    %eq3A_2765 = arith.constant 0.000000e+00 : f32
    %eq3A_2766 = vector.broadcast %eq3A_2765 : f32 to vector<1x384xf32>
    %eq3A_2767 = arith.cmpf oeq, %add3A_2743, %eq3A_2766 : vector<1x384xf32>
    %jit3A_2768 = arith.constant 1.000000e+00 : f32
    %jit3A_2769 = arith.constant 0.000000e+00 : f32
    %broadcast_in_dim3A_2770 = vector.broadcast %jit3A_2768 : f32 to vector<1x384xf32>
    %broadcast_in_dim3A_2771 = vector.broadcast %jit3A_2769 : f32 to vector<1x384xf32>
    %select_n3A_2772 = arith.select %eq3A_2767, %broadcast_in_dim3A_2770, %broadcast_in_dim3A_2771 : vector<1x384xi1>, vector<1x384xf32>
    %mul3A_2773 = arith.mulf %select_n3A_2055, %select_n3A_2772 : vector<1x384xf32>
    %eq3A_2774 = arith.constant 0.000000e+00 : f32
    %eq3A_2775 = vector.broadcast %eq3A_2774 : f32 to vector<1x384xf32>
    %eq3A_2776 = arith.cmpf oeq, %add3A_2764, %eq3A_2775 : vector<1x384xf32>
    %jit3A_2777 = arith.constant 1.000000e+00 : f32
    %jit3A_2778 = arith.constant 0.000000e+00 : f32
    %broadcast_in_dim3A_2779 = vector.broadcast %jit3A_2777 : f32 to vector<1x384xf32>
    %broadcast_in_dim3A_2780 = vector.broadcast %jit3A_2778 : f32 to vector<1x384xf32>
    %select_n3A_2781 = arith.select %eq3A_2776, %broadcast_in_dim3A_2779, %broadcast_in_dim3A_2780 : vector<1x384xi1>, vector<1x384xf32>
    %mul3A_2782 = arith.mulf %select_n3A_2055, %select_n3A_2781 : vector<1x384xf32>
    %eq3A_2783 = arith.constant 0.000000e+00 : f32
    %eq3A_2784 = vector.broadcast %eq3A_2783 : f32 to vector<1x384xf32>
    %eq3A_2785 = arith.cmpf oeq, %add3A_2748, %eq3A_2784 : vector<1x384xf32>
    %jit3A_2786 = arith.constant 1.000000e+00 : f32
    %jit3A_2787 = arith.constant 0.000000e+00 : f32
    %broadcast_in_dim3A_2788 = vector.broadcast %jit3A_2786 : f32 to vector<1x384xf32>
    %broadcast_in_dim3A_2789 = vector.broadcast %jit3A_2787 : f32 to vector<1x384xf32>
    %select_n3A_2790 = arith.select %eq3A_2785, %broadcast_in_dim3A_2788, %broadcast_in_dim3A_2789 : vector<1x384xi1>, vector<1x384xf32>
    %mul3A_2791 = arith.mulf %select_n3A_2055, %select_n3A_2790 : vector<1x384xf32>
    %concatenate3A_2792 = tpu.concatenate %sub3A_2018, %sub3A_2022, %log3A_2027, %log3A_2032, %mul3A_2773, %mul3A_2782, %mul3A_2791, %get3A_1 in 0 : vector<1x384xf32>, vector<1x384xf32>, vector<1x384xf32>, vector<1x384xf32>, vector<1x384xf32>, vector<1x384xf32>, vector<1x384xf32>, vector<1x384xf32> -> vector<8x384xf32>
    %swap3A_2793 = arith.constant 0 : index
    %swap3A_2794 = arith.constant 0 : index
    %swap3A_2795 = vector.load %arg10[%swap3A_2793, %swap3A_2794] : memref<8x384xf32, #tpu.memory_space<vmem>>, vector<8x384xf32>
    tpu.vector_store %arg10[%swap3A_2793, %swap3A_2794], %concatenate3A_2792 {strides = array<i32>} : memref<8x384xf32, #tpu.memory_space<vmem>>, vector<8x384xf32>,
    %iota3A_2796 = tpu.iota {dimensions = array<i32: 0>} : vector<32x384xi32>
    %min3A_2797 = arith.constant 24 : i32
    %min3A_2798 = vector.broadcast %min3A_2797 : i32 to vector<32x384xi32>
    %min3A_2799 = arith.minsi %iota3A_2796, %min3A_2798 : vector<32x384xi32>
    %broadcast_in_dim3A_2800 = vector.shape_cast %add3A_2049 : vector<1x384xi32> to vector<1x384xi32>
    %broadcast_in_dim3A_2801 = vector.broadcast %broadcast_in_dim3A_2800 : vector<1x384xi32> to vector<32x384xi32>
    %mul3A_2802 = arith.constant 400 : i32
    %mul3A_2803 = vector.broadcast %mul3A_2802 : i32 to vector<32x384xi32>
    %mul3A_2804 = arith.muli %min3A_2799, %mul3A_2803 : vector<32x384xi32>
    %add3A_2805 = arith.addi %broadcast_in_dim3A_2801, %mul3A_2804 : vector<32x384xi32>
    %swap3A_2806 = arith.constant 0 : index
    %swap3A_2807 = arith.constant 0 : index
    %swap3A_2808 = vector.load %arg7[%swap3A_2806, %swap3A_2807] : memref<32x384xi32, #tpu.memory_space<vmem>>, vector<32x384xi32>
    tpu.vector_store %arg7[%swap3A_2806, %swap3A_2807], %add3A_2805 {strides = array<i32>} : memref<32x384xi32, #tpu.memory_space<vmem>>, vector<32x384xi32>,
    return
  }
}

module attributes {stable_mosaic.version = 14 : i64} {
  func.func @_dense_body(%arg0: i32, %arg1: memref<16x5x80x80xf32, #tpu.memory_space<vmem>>, %arg2: memref<16x5x40x40xf32, #tpu.memory_space<vmem>>, %arg3: memref<16x5x20x20xf32, #tpu.memory_space<vmem>>, %arg4: memref<32x384xf32, #tpu.memory_space<vmem>>, %arg5: memref<32x384xf32, #tpu.memory_space<vmem>>, %arg6: memref<32x384xf32, #tpu.memory_space<vmem>>, %arg7: memref<8x384xf32, #tpu.memory_space<vmem>>, %arg8: memref<8x384xf32, #tpu.memory_space<vmem>>, %arg9: memref<8x384xf32, #tpu.memory_space<vmem>>, %arg10: memref<1x1xf32, #tpu.memory_space<vmem>>, %arg11: memref<8x128xf32, #tpu.memory_space<vmem>>) attributes {dimension_semantics = [#tpu.dimension_semantics<arbitrary>], iteration_bounds = array<i64: 3>, scalar_prefetch = 0 : i64, scratch_operands = 1 : i64, tpu.core_type = #tpu.core_type<tc>, window_params = [{transform_indices = @transform_0, window_bounds = array<i64: 16, 5, 80, 80>}, {transform_indices = @transform_1, window_bounds = array<i64: 16, 5, 40, 40>}, {transform_indices = @transform_2, window_bounds = array<i64: 16, 5, 20, 20>}, {pipeline_mode = #tpu.pipeline_mode<synchronous>, transform_indices = @transform_3, window_bounds = array<i64: 32, 384>}, {pipeline_mode = #tpu.pipeline_mode<synchronous>, transform_indices = @transform_4, window_bounds = array<i64: 32, 384>}, {pipeline_mode = #tpu.pipeline_mode<synchronous>, transform_indices = @transform_5, window_bounds = array<i64: 32, 384>}, {pipeline_mode = #tpu.pipeline_mode<synchronous>, transform_indices = @transform_6, window_bounds = array<i64: 8, 384>}, {pipeline_mode = #tpu.pipeline_mode<synchronous>, transform_indices = @transform_7, window_bounds = array<i64: 8, 384>}, {pipeline_mode = #tpu.pipeline_mode<synchronous>, transform_indices = @transform_8, window_bounds = array<i64: 8, 384>}, {pipeline_mode = #tpu.pipeline_mode<synchronous>, transform_indices = @transform_9, window_bounds = array<i64: 1, 1>}]} {
    %eq3A = arith.constant 0 : i32
    %eq3A_0 = arith.cmpi eq, %arg0, %eq3A : i32
    %convert_element_type3A = arith.extui %eq3A_0 : i1 to i32
    %cond3A = arith.constant 0 : i32
    %cond3A_1 = arith.cmpi ne, %convert_element_type3A, %cond3A : i32
    scf.if %cond3A_1 {
      %broadcast_in_dim3A_158 = arith.constant 0.000000e+00 : f32
      %broadcast_in_dim3A_159 = vector.broadcast %broadcast_in_dim3A_158 : f32 to vector<8x128xf32>
      %swap3A_160 = arith.constant 0 : index
      %swap3A_161 = arith.constant 0 : index
      %swap3A_162 = vector.load %arg11[%swap3A_160, %swap3A_161] : memref<8x128xf32, #tpu.memory_space<vmem>>, vector<8x128xf32>
      tpu.vector_store %arg11[%swap3A_160, %swap3A_161], %broadcast_in_dim3A_159 {strides = array<i32>} : memref<8x128xf32, #tpu.memory_space<vmem>>, vector<8x128xf32>,
    } else {
    }
    %broadcast_in_dim3A = arith.constant 0.000000e+00 : f32
    %broadcast_in_dim3A_2 = vector.broadcast %broadcast_in_dim3A : f32 to vector<8x128xf32>
    %iota3A = tpu.iota {dimensions = array<i32: 0>} : vector<8x128xi32>
    %iota3A_3 = tpu.iota {dimensions = array<i32: 1>} : vector<8x128xi32>
    %get3A = arith.constant 0 : index
    %get3A_4 = arith.constant 0 : index
    %get3A_5 = arith.constant 0 : index
    %get3A_6 = arith.constant 0 : index
    %get3A_7 = vector.load %arg1[%get3A, %get3A_4, %get3A_5, %get3A_6] : memref<16x5x80x80xf32, #tpu.memory_space<vmem>>, vector<16x5x80x80xf32>
    %slice3A = vector.extract_strided_slice %get3A_7 {offsets = [0, 0, 0, 0], sizes = [16, 4, 80, 80], strides = [1, 1, 1, 1]} : vector<16x5x80x80xf32> to vector<16x4x80x80xf32>
    %mul3A = arith.mulf %slice3A, %slice3A : vector<16x4x80x80xf32>
    %reduce_sum3A = vector.shape_cast %mul3A : vector<16x4x80x80xf32> to vector<1x16x4x80x80xf32>
    %reduce_sum3A_8 = arith.constant dense<0.000000e+00> : vector<1xf32>
    %reduce_sum3A_9 = vector.multi_reduction <add>, %reduce_sum3A, %reduce_sum3A_8 [1, 2, 3, 4] : vector<1x16x4x80x80xf32> to vector<1xf32>
    %reduce_sum3A_10 = vector.shape_cast %reduce_sum3A_9 : vector<1xf32> to vector<1x1x1x1x1xf32>
    %reduce_sum3A_11 = vector.extract %reduce_sum3A_10[0, 0, 0, 0, 0] : f32 from vector<1x1x1x1x1xf32>
    %slice3A_12 = vector.extract_strided_slice %get3A_7 {offsets = [0, 4, 0, 0], sizes = [16, 1, 80, 80], strides = [1, 1, 1, 1]} : vector<16x5x80x80xf32> to vector<16x1x80x80xf32>
    %max3A = arith.constant 0.000000e+00 : f32
    %max3A_13 = vector.broadcast %max3A : f32 to vector<16x1x80x80xf32>
    %max3A_14 = arith.maximumf %slice3A_12, %max3A_13 : vector<16x1x80x80xf32>
    %abs3A = math.absf %slice3A_12 : vector<16x1x80x80xf32>
    %neg3A = arith.constant 0.000000e+00 : f32
    %neg3A_15 = vector.broadcast %neg3A : f32 to vector<16x1x80x80xf32>
    %neg3A_16 = arith.subf %neg3A_15, %abs3A : vector<16x1x80x80xf32>
    %exp3A = math.exp %neg3A_16 : vector<16x1x80x80xf32>
    %log1p3A = math.log1p %exp3A : vector<16x1x80x80xf32>
    %add3A = arith.addf %max3A_14, %log1p3A : vector<16x1x80x80xf32>
    %reduce_sum3A_17 = vector.shape_cast %add3A : vector<16x1x80x80xf32> to vector<1x16x1x80x80xf32>
    %reduce_sum3A_18 = arith.constant dense<0.000000e+00> : vector<1xf32>
    %reduce_sum3A_19 = vector.multi_reduction <add>, %reduce_sum3A_17, %reduce_sum3A_18 [1, 2, 3, 4] : vector<1x16x1x80x80xf32> to vector<1xf32>
    %reduce_sum3A_20 = vector.shape_cast %reduce_sum3A_19 : vector<1xf32> to vector<1x1x1x1x1xf32>
    %reduce_sum3A_21 = vector.extract %reduce_sum3A_20[0, 0, 0, 0, 0] : f32 from vector<1x1x1x1x1xf32>
    %eq3A_22 = arith.constant 0 : i32
    %eq3A_23 = vector.broadcast %eq3A_22 : i32 to vector<8x128xi32>
    %eq3A_24 = arith.cmpi eq, %iota3A, %eq3A_23 : vector<8x128xi32>
    %eq3A_25 = arith.constant 0 : i32
    %eq3A_26 = vector.broadcast %eq3A_25 : i32 to vector<8x128xi32>
    %eq3A_27 = arith.cmpi eq, %iota3A_3, %eq3A_26 : vector<8x128xi32>
    %and3A = arith.andi %eq3A_24, %eq3A_27 : vector<8x128xi1>
    %jit3A = arith.constant 0.000000e+00 : f32
    %broadcast_in_dim3A_28 = vector.broadcast %reduce_sum3A_11 : f32 to vector<8x128xf32>
    %broadcast_in_dim3A_29 = vector.broadcast %jit3A : f32 to vector<8x128xf32>
    %select_n3A = arith.select %and3A, %broadcast_in_dim3A_28, %broadcast_in_dim3A_29 : vector<8x128xi1>, vector<8x128xf32>
    %add3A_30 = arith.addf %broadcast_in_dim3A_2, %select_n3A : vector<8x128xf32>
    %eq3A_31 = arith.constant 0 : i32
    %eq3A_32 = vector.broadcast %eq3A_31 : i32 to vector<8x128xi32>
    %eq3A_33 = arith.cmpi eq, %iota3A, %eq3A_32 : vector<8x128xi32>
    %eq3A_34 = arith.constant 1 : i32
    %eq3A_35 = vector.broadcast %eq3A_34 : i32 to vector<8x128xi32>
    %eq3A_36 = arith.cmpi eq, %iota3A_3, %eq3A_35 : vector<8x128xi32>
    %and3A_37 = arith.andi %eq3A_33, %eq3A_36 : vector<8x128xi1>
    %jit3A_38 = arith.constant 0.000000e+00 : f32
    %broadcast_in_dim3A_39 = vector.broadcast %reduce_sum3A_21 : f32 to vector<8x128xf32>
    %broadcast_in_dim3A_40 = vector.broadcast %jit3A_38 : f32 to vector<8x128xf32>
    %select_n3A_41 = arith.select %and3A_37, %broadcast_in_dim3A_39, %broadcast_in_dim3A_40 : vector<8x128xi1>, vector<8x128xf32>
    %add3A_42 = arith.addf %add3A_30, %select_n3A_41 : vector<8x128xf32>
    %get3A_43 = arith.constant 0 : index
    %get3A_44 = arith.constant 0 : index
    %get3A_45 = arith.constant 0 : index
    %get3A_46 = arith.constant 0 : index
    %get3A_47 = vector.load %arg2[%get3A_43, %get3A_44, %get3A_45, %get3A_46] : memref<16x5x40x40xf32, #tpu.memory_space<vmem>>, vector<16x5x40x40xf32>
    %slice3A_48 = vector.extract_strided_slice %get3A_47 {offsets = [0, 0, 0, 0], sizes = [16, 4, 40, 40], strides = [1, 1, 1, 1]} : vector<16x5x40x40xf32> to vector<16x4x40x40xf32>
    %mul3A_49 = arith.mulf %slice3A_48, %slice3A_48 : vector<16x4x40x40xf32>
    %reduce_sum3A_50 = vector.shape_cast %mul3A_49 : vector<16x4x40x40xf32> to vector<1x16x4x40x40xf32>
    %reduce_sum3A_51 = arith.constant dense<0.000000e+00> : vector<1xf32>
    %reduce_sum3A_52 = vector.multi_reduction <add>, %reduce_sum3A_50, %reduce_sum3A_51 [1, 2, 3, 4] : vector<1x16x4x40x40xf32> to vector<1xf32>
    %reduce_sum3A_53 = vector.shape_cast %reduce_sum3A_52 : vector<1xf32> to vector<1x1x1x1x1xf32>
    %reduce_sum3A_54 = vector.extract %reduce_sum3A_53[0, 0, 0, 0, 0] : f32 from vector<1x1x1x1x1xf32>
    %slice3A_55 = vector.extract_strided_slice %get3A_47 {offsets = [0, 4, 0, 0], sizes = [16, 1, 40, 40], strides = [1, 1, 1, 1]} : vector<16x5x40x40xf32> to vector<16x1x40x40xf32>
    %max3A_56 = arith.constant 0.000000e+00 : f32
    %max3A_57 = vector.broadcast %max3A_56 : f32 to vector<16x1x40x40xf32>
    %max3A_58 = arith.maximumf %slice3A_55, %max3A_57 : vector<16x1x40x40xf32>
    %abs3A_59 = math.absf %slice3A_55 : vector<16x1x40x40xf32>
    %neg3A_60 = arith.constant 0.000000e+00 : f32
    %neg3A_61 = vector.broadcast %neg3A_60 : f32 to vector<16x1x40x40xf32>
    %neg3A_62 = arith.subf %neg3A_61, %abs3A_59 : vector<16x1x40x40xf32>
    %exp3A_63 = math.exp %neg3A_62 : vector<16x1x40x40xf32>
    %log1p3A_64 = math.log1p %exp3A_63 : vector<16x1x40x40xf32>
    %add3A_65 = arith.addf %max3A_58, %log1p3A_64 : vector<16x1x40x40xf32>
    %reduce_sum3A_66 = vector.shape_cast %add3A_65 : vector<16x1x40x40xf32> to vector<1x16x1x40x40xf32>
    %reduce_sum3A_67 = arith.constant dense<0.000000e+00> : vector<1xf32>
    %reduce_sum3A_68 = vector.multi_reduction <add>, %reduce_sum3A_66, %reduce_sum3A_67 [1, 2, 3, 4] : vector<1x16x1x40x40xf32> to vector<1xf32>
    %reduce_sum3A_69 = vector.shape_cast %reduce_sum3A_68 : vector<1xf32> to vector<1x1x1x1x1xf32>
    %reduce_sum3A_70 = vector.extract %reduce_sum3A_69[0, 0, 0, 0, 0] : f32 from vector<1x1x1x1x1xf32>
    %eq3A_71 = arith.constant 1 : i32
    %eq3A_72 = vector.broadcast %eq3A_71 : i32 to vector<8x128xi32>
    %eq3A_73 = arith.cmpi eq, %iota3A, %eq3A_72 : vector<8x128xi32>
    %eq3A_74 = arith.constant 0 : i32
    %eq3A_75 = vector.broadcast %eq3A_74 : i32 to vector<8x128xi32>
    %eq3A_76 = arith.cmpi eq, %iota3A_3, %eq3A_75 : vector<8x128xi32>
    %and3A_77 = arith.andi %eq3A_73, %eq3A_76 : vector<8x128xi1>
    %jit3A_78 = arith.constant 0.000000e+00 : f32
    %broadcast_in_dim3A_79 = vector.broadcast %reduce_sum3A_54 : f32 to vector<8x128xf32>
    %broadcast_in_dim3A_80 = vector.broadcast %jit3A_78 : f32 to vector<8x128xf32>
    %select_n3A_81 = arith.select %and3A_77, %broadcast_in_dim3A_79, %broadcast_in_dim3A_80 : vector<8x128xi1>, vector<8x128xf32>
    %add3A_82 = arith.addf %add3A_42, %select_n3A_81 : vector<8x128xf32>
    %eq3A_83 = arith.constant 1 : i32
    %eq3A_84 = vector.broadcast %eq3A_83 : i32 to vector<8x128xi32>
    %eq3A_85 = arith.cmpi eq, %iota3A, %eq3A_84 : vector<8x128xi32>
    %eq3A_86 = arith.constant 1 : i32
    %eq3A_87 = vector.broadcast %eq3A_86 : i32 to vector<8x128xi32>
    %eq3A_88 = arith.cmpi eq, %iota3A_3, %eq3A_87 : vector<8x128xi32>
    %and3A_89 = arith.andi %eq3A_85, %eq3A_88 : vector<8x128xi1>
    %jit3A_90 = arith.constant 0.000000e+00 : f32
    %broadcast_in_dim3A_91 = vector.broadcast %reduce_sum3A_70 : f32 to vector<8x128xf32>
    %broadcast_in_dim3A_92 = vector.broadcast %jit3A_90 : f32 to vector<8x128xf32>
    %select_n3A_93 = arith.select %and3A_89, %broadcast_in_dim3A_91, %broadcast_in_dim3A_92 : vector<8x128xi1>, vector<8x128xf32>
    %add3A_94 = arith.addf %add3A_82, %select_n3A_93 : vector<8x128xf32>
    %get3A_95 = arith.constant 0 : index
    %get3A_96 = arith.constant 0 : index
    %get3A_97 = arith.constant 0 : index
    %get3A_98 = arith.constant 0 : index
    %get3A_99 = vector.load %arg3[%get3A_95, %get3A_96, %get3A_97, %get3A_98] : memref<16x5x20x20xf32, #tpu.memory_space<vmem>>, vector<16x5x20x20xf32>
    %slice3A_100 = vector.extract_strided_slice %get3A_99 {offsets = [0, 0, 0, 0], sizes = [16, 4, 20, 20], strides = [1, 1, 1, 1]} : vector<16x5x20x20xf32> to vector<16x4x20x20xf32>
    %mul3A_101 = arith.mulf %slice3A_100, %slice3A_100 : vector<16x4x20x20xf32>
    %reduce_sum3A_102 = vector.shape_cast %mul3A_101 : vector<16x4x20x20xf32> to vector<1x16x4x20x20xf32>
    %reduce_sum3A_103 = arith.constant dense<0.000000e+00> : vector<1xf32>
    %reduce_sum3A_104 = vector.multi_reduction <add>, %reduce_sum3A_102, %reduce_sum3A_103 [1, 2, 3, 4] : vector<1x16x4x20x20xf32> to vector<1xf32>
    %reduce_sum3A_105 = vector.shape_cast %reduce_sum3A_104 : vector<1xf32> to vector<1x1x1x1x1xf32>
    %reduce_sum3A_106 = vector.extract %reduce_sum3A_105[0, 0, 0, 0, 0] : f32 from vector<1x1x1x1x1xf32>
    %slice3A_107 = vector.extract_strided_slice %get3A_99 {offsets = [0, 4, 0, 0], sizes = [16, 1, 20, 20], strides = [1, 1, 1, 1]} : vector<16x5x20x20xf32> to vector<16x1x20x20xf32>
    %max3A_108 = arith.constant 0.000000e+00 : f32
    %max3A_109 = vector.broadcast %max3A_108 : f32 to vector<16x1x20x20xf32>
    %max3A_110 = arith.maximumf %slice3A_107, %max3A_109 : vector<16x1x20x20xf32>
    %abs3A_111 = math.absf %slice3A_107 : vector<16x1x20x20xf32>
    %neg3A_112 = arith.constant 0.000000e+00 : f32
    %neg3A_113 = vector.broadcast %neg3A_112 : f32 to vector<16x1x20x20xf32>
    %neg3A_114 = arith.subf %neg3A_113, %abs3A_111 : vector<16x1x20x20xf32>
    %exp3A_115 = math.exp %neg3A_114 : vector<16x1x20x20xf32>
    %log1p3A_116 = math.log1p %exp3A_115 : vector<16x1x20x20xf32>
    %add3A_117 = arith.addf %max3A_110, %log1p3A_116 : vector<16x1x20x20xf32>
    %reduce_sum3A_118 = vector.shape_cast %add3A_117 : vector<16x1x20x20xf32> to vector<1x16x1x20x20xf32>
    %reduce_sum3A_119 = arith.constant dense<0.000000e+00> : vector<1xf32>
    %reduce_sum3A_120 = vector.multi_reduction <add>, %reduce_sum3A_118, %reduce_sum3A_119 [1, 2, 3, 4] : vector<1x16x1x20x20xf32> to vector<1xf32>
    %reduce_sum3A_121 = vector.shape_cast %reduce_sum3A_120 : vector<1xf32> to vector<1x1x1x1x1xf32>
    %reduce_sum3A_122 = vector.extract %reduce_sum3A_121[0, 0, 0, 0, 0] : f32 from vector<1x1x1x1x1xf32>
    %eq3A_123 = arith.constant 2 : i32
    %eq3A_124 = vector.broadcast %eq3A_123 : i32 to vector<8x128xi32>
    %eq3A_125 = arith.cmpi eq, %iota3A, %eq3A_124 : vector<8x128xi32>
    %eq3A_126 = arith.constant 0 : i32
    %eq3A_127 = vector.broadcast %eq3A_126 : i32 to vector<8x128xi32>
    %eq3A_128 = arith.cmpi eq, %iota3A_3, %eq3A_127 : vector<8x128xi32>
    %and3A_129 = arith.andi %eq3A_125, %eq3A_128 : vector<8x128xi1>
    %jit3A_130 = arith.constant 0.000000e+00 : f32
    %broadcast_in_dim3A_131 = vector.broadcast %reduce_sum3A_106 : f32 to vector<8x128xf32>
    %broadcast_in_dim3A_132 = vector.broadcast %jit3A_130 : f32 to vector<8x128xf32>
    %select_n3A_133 = arith.select %and3A_129, %broadcast_in_dim3A_131, %broadcast_in_dim3A_132 : vector<8x128xi1>, vector<8x128xf32>
    %add3A_134 = arith.addf %add3A_94, %select_n3A_133 : vector<8x128xf32>
    %eq3A_135 = arith.constant 2 : i32
    %eq3A_136 = vector.broadcast %eq3A_135 : i32 to vector<8x128xi32>
    %eq3A_137 = arith.cmpi eq, %iota3A, %eq3A_136 : vector<8x128xi32>
    %eq3A_138 = arith.constant 1 : i32
    %eq3A_139 = vector.broadcast %eq3A_138 : i32 to vector<8x128xi32>
    %eq3A_140 = arith.cmpi eq, %iota3A_3, %eq3A_139 : vector<8x128xi32>
    %and3A_141 = arith.andi %eq3A_137, %eq3A_140 : vector<8x128xi1>
    %jit3A_142 = arith.constant 0.000000e+00 : f32
    %broadcast_in_dim3A_143 = vector.broadcast %reduce_sum3A_122 : f32 to vector<8x128xf32>
    %broadcast_in_dim3A_144 = vector.broadcast %jit3A_142 : f32 to vector<8x128xf32>
    %select_n3A_145 = arith.select %and3A_141, %broadcast_in_dim3A_143, %broadcast_in_dim3A_144 : vector<8x128xi1>, vector<8x128xf32>
    %add3A_146 = arith.addf %add3A_134, %select_n3A_145 : vector<8x128xf32>
    %get3A_147 = arith.constant 0 : index
    %get3A_148 = arith.constant 0 : index
    %get3A_149 = vector.load %arg11[%get3A_147, %get3A_148] : memref<8x128xf32, #tpu.memory_space<vmem>>, vector<8x128xf32>
    %add3A_150 = arith.addf %get3A_149, %add3A_146 : vector<8x128xf32>
    %swap3A = arith.constant 0 : index
    %swap3A_151 = arith.constant 0 : index
    %swap3A_152 = vector.load %arg11[%swap3A, %swap3A_151] : memref<8x128xf32, #tpu.memory_space<vmem>>, vector<8x128xf32>
    tpu.vector_store %arg11[%swap3A, %swap3A_151], %add3A_150 {strides = array<i32>} : memref<8x128xf32, #tpu.memory_space<vmem>>, vector<8x128xf32>,
    %eq3A_153 = arith.constant 2 : i32
    %eq3A_154 = arith.cmpi eq, %arg0, %eq3A_153 : i32
    %convert_element_type3A_155 = arith.extui %eq3A_154 : i1 to i32
    %cond3A_156 = arith.constant 0 : i32
    %cond3A_157 = arith.cmpi ne, %convert_element_type3A_155, %cond3A_156 : i32
    scf.if %cond3A_157 {
      %get3A_158 = arith.constant 0 : index
      %get3A_159 = arith.constant 0 : index
      %get3A_160 = vector.load %arg4[%get3A_158, %get3A_159] : memref<32x384xf32, #tpu.memory_space<vmem>>, vector<32x384xf32>
      %get3A_161 = arith.constant 0 : index
      %get3A_162 = arith.constant 0 : index
      %get3A_163 = vector.load %arg7[%get3A_161, %get3A_162] : memref<8x384xf32, #tpu.memory_space<vmem>>, vector<8x384xf32>
      %slice3A_164 = vector.extract_strided_slice %get3A_163 {offsets = [0, 0], sizes = [4, 384], strides = [1, 1]} : vector<8x384xf32> to vector<4x384xf32>
      %slice3A_165 = vector.extract_strided_slice %get3A_163 {offsets = [4, 0], sizes = [1, 384], strides = [1, 1]} : vector<8x384xf32> to vector<1x384xf32>
      %slice3A_166 = vector.extract_strided_slice %get3A_163 {offsets = [5, 0], sizes = [1, 384], strides = [1, 1]} : vector<8x384xf32> to vector<1x384xf32>
      %slice3A_167 = vector.extract_strided_slice %get3A_163 {offsets = [6, 0], sizes = [1, 384], strides = [1, 1]} : vector<8x384xf32> to vector<1x384xf32>
      %slice3A_168 = vector.extract_strided_slice %get3A_163 {offsets = [7, 0], sizes = [1, 384], strides = [1, 1]} : vector<8x384xf32> to vector<1x384xf32>
      %get3A_169 = arith.constant 0 : index
      %get3A_170 = arith.constant 0 : index
      %get3A_171 = vector.load %arg11[%get3A_169, %get3A_170] : memref<8x128xf32, #tpu.memory_space<vmem>>, vector<1x1xf32>
      %get3A_172 = vector.extract %get3A_171[0, 0] : f32 from vector<1x1xf32>
      %get3A_173 = arith.constant 0 : index
      %get3A_174 = arith.constant 1 : index
      %get3A_175 = vector.load %arg11[%get3A_173, %get3A_174] : memref<8x128xf32, #tpu.memory_space<vmem>>, vector<1x1xf32>
      %get3A_176 = vector.extract %get3A_175[0, 0] : f32 from vector<1x1xf32>
      %reduce_sum3A_177 = vector.shape_cast %slice3A_165 : vector<1x384xf32> to vector<1x1x384xf32>
      %reduce_sum3A_178 = arith.constant dense<0.000000e+00> : vector<1xf32>
      %reduce_sum3A_179 = vector.multi_reduction <add>, %reduce_sum3A_177, %reduce_sum3A_178 [1, 2] : vector<1x1x384xf32> to vector<1xf32>
      %reduce_sum3A_180 = vector.shape_cast %reduce_sum3A_179 : vector<1xf32> to vector<1x1x1xf32>
      %reduce_sum3A_181 = vector.extract %reduce_sum3A_180[0, 0, 0] : f32 from vector<1x1x1xf32>
      %sub3A = arith.constant 3.072000e+05 : f32
      %sub3A_182 = arith.subf %sub3A, %reduce_sum3A_181 : f32
      %slice3A_183 = vector.extract_strided_slice %get3A_160 {offsets = [4, 0], sizes = [1, 384], strides = [1, 1]} : vector<32x384xf32> to vector<1x384xf32>
      %neg3A_184 = arith.constant 0.000000e+00 : f32
      %neg3A_185 = vector.broadcast %neg3A_184 : f32 to vector<1x384xf32>
      %neg3A_186 = arith.subf %neg3A_185, %slice3A_183 : vector<1x384xf32>
      %max3A_187 = arith.constant 0.000000e+00 : f32
      %max3A_188 = vector.broadcast %max3A_187 : f32 to vector<1x384xf32>
      %max3A_189 = arith.maximumf %neg3A_186, %max3A_188 : vector<1x384xf32>
      %abs3A_190 = math.absf %neg3A_186 : vector<1x384xf32>
      %neg3A_191 = arith.constant 0.000000e+00 : f32
      %neg3A_192 = vector.broadcast %neg3A_191 : f32 to vector<1x384xf32>
      %neg3A_193 = arith.subf %neg3A_192, %abs3A_190 : vector<1x384xf32>
      %exp3A_194 = math.exp %neg3A_193 : vector<1x384xf32>
      %log1p3A_195 = math.log1p %exp3A_194 : vector<1x384xf32>
      %add3A_196 = arith.addf %max3A_189, %log1p3A_195 : vector<1x384xf32>
      %mul3A_197 = arith.mulf %add3A_196, %slice3A_165 : vector<1x384xf32>
      %reduce_sum3A_198 = vector.shape_cast %mul3A_197 : vector<1x384xf32> to vector<1x1x384xf32>
      %reduce_sum3A_199 = arith.constant dense<0.000000e+00> : vector<1xf32>
      %reduce_sum3A_200 = vector.multi_reduction <add>, %reduce_sum3A_198, %reduce_sum3A_199 [1, 2] : vector<1x1x384xf32> to vector<1xf32>
      %reduce_sum3A_201 = vector.shape_cast %reduce_sum3A_200 : vector<1xf32> to vector<1x1x1xf32>
      %reduce_sum3A_202 = vector.extract %reduce_sum3A_201[0, 0, 0] : f32 from vector<1x1x1xf32>
      %max3A_203 = arith.constant 0.000000e+00 : f32
      %max3A_204 = vector.broadcast %max3A_203 : f32 to vector<1x384xf32>
      %max3A_205 = arith.maximumf %slice3A_183, %max3A_204 : vector<1x384xf32>
      %abs3A_206 = math.absf %slice3A_183 : vector<1x384xf32>
      %neg3A_207 = arith.constant 0.000000e+00 : f32
      %neg3A_208 = vector.broadcast %neg3A_207 : f32 to vector<1x384xf32>
      %neg3A_209 = arith.subf %neg3A_208, %abs3A_206 : vector<1x384xf32>
      %exp3A_210 = math.exp %neg3A_209 : vector<1x384xf32>
      %log1p3A_211 = math.log1p %exp3A_210 : vector<1x384xf32>
      %add3A_212 = arith.addf %max3A_205, %log1p3A_211 : vector<1x384xf32>
      %mul3A_213 = arith.mulf %add3A_212, %slice3A_165 : vector<1x384xf32>
      %reduce_sum3A_214 = vector.shape_cast %mul3A_213 : vector<1x384xf32> to vector<1x1x384xf32>
      %reduce_sum3A_215 = arith.constant dense<0.000000e+00> : vector<1xf32>
      %reduce_sum3A_216 = vector.multi_reduction <add>, %reduce_sum3A_214, %reduce_sum3A_215 [1, 2] : vector<1x1x384xf32> to vector<1xf32>
      %reduce_sum3A_217 = vector.shape_cast %reduce_sum3A_216 : vector<1xf32> to vector<1x1x1xf32>
      %reduce_sum3A_218 = vector.extract %reduce_sum3A_217[0, 0, 0] : f32 from vector<1x1x1xf32>
      %slice3A_219 = vector.extract_strided_slice %get3A_160 {offsets = [5, 0], sizes = [20, 384], strides = [1, 1]} : vector<32x384xf32> to vector<20x384xf32>
      %iota3A_220 = tpu.iota {dimensions = array<i32: 0>} : vector<20x384xi32>
      %convert_element_type3A_221 = arith.sitofp %iota3A_220 : vector<20x384xi32> to vector<20x384xf32>
      %max3A_222 = arith.constant 0.000000e+00 : f32
      %max3A_223 = vector.broadcast %max3A_222 : f32 to vector<20x384xf32>
      %max3A_224 = arith.maximumf %slice3A_219, %max3A_223 : vector<20x384xf32>
      %abs3A_225 = math.absf %slice3A_219 : vector<20x384xf32>
      %neg3A_226 = arith.constant 0.000000e+00 : f32
      %neg3A_227 = vector.broadcast %neg3A_226 : f32 to vector<20x384xf32>
      %neg3A_228 = arith.subf %neg3A_227, %abs3A_225 : vector<20x384xf32>
      %exp3A_229 = math.exp %neg3A_228 : vector<20x384xf32>
      %log1p3A_230 = math.log1p %exp3A_229 : vector<20x384xf32>
      %add3A_231 = arith.addf %max3A_224, %log1p3A_230 : vector<20x384xf32>
      %mul3A_232 = vector.broadcast %slice3A_165 : vector<1x384xf32> to vector<20x384xf32>
      %mul3A_233 = arith.mulf %add3A_231, %mul3A_232 : vector<20x384xf32>
      %reduce_sum3A_234 = vector.shape_cast %mul3A_233 : vector<20x384xf32> to vector<1x20x384xf32>
      %reduce_sum3A_235 = arith.constant dense<0.000000e+00> : vector<1xf32>
      %reduce_sum3A_236 = vector.multi_reduction <add>, %reduce_sum3A_234, %reduce_sum3A_235 [1, 2] : vector<1x20x384xf32> to vector<1xf32>
      %reduce_sum3A_237 = vector.shape_cast %reduce_sum3A_236 : vector<1xf32> to vector<1x1x1xf32>
      %reduce_sum3A_238 = vector.extract %reduce_sum3A_237[0, 0, 0] : f32 from vector<1x1x1xf32>
      %eq3A_239 = vector.broadcast %slice3A_168 : vector<1x384xf32> to vector<20x384xf32>
      %eq3A_240 = arith.cmpf oeq, %convert_element_type3A_221, %eq3A_239 : vector<20x384xf32>
      %jit3A_241 = arith.constant 0.000000e+00 : f32
      %broadcast_in_dim3A_242 = vector.broadcast %jit3A_241 : f32 to vector<20x384xf32>
      %select_n3A_243 = arith.select %eq3A_240, %slice3A_219, %broadcast_in_dim3A_242 : vector<20x384xi1>, vector<20x384xf32>
      %mul3A_244 = vector.broadcast %slice3A_167 : vector<1x384xf32> to vector<20x384xf32>
      %mul3A_245 = arith.mulf %select_n3A_243, %mul3A_244 : vector<20x384xf32>
      %reduce_sum3A_246 = vector.shape_cast %mul3A_245 : vector<20x384xf32> to vector<1x20x384xf32>
      %reduce_sum3A_247 = arith.constant dense<0.000000e+00> : vector<1xf32>
      %reduce_sum3A_248 = vector.multi_reduction <add>, %reduce_sum3A_246, %reduce_sum3A_247 [1, 2] : vector<1x20x384xf32> to vector<1xf32>
      %reduce_sum3A_249 = vector.shape_cast %reduce_sum3A_248 : vector<1xf32> to vector<1x1x1xf32>
      %reduce_sum3A_250 = vector.extract %reduce_sum3A_249[0, 0, 0] : f32 from vector<1x1x1xf32>
      %sub3A_251 = arith.subf %reduce_sum3A_238, %reduce_sum3A_250 : f32
      %slice3A_252 = vector.extract_strided_slice %get3A_160 {offsets = [0, 0], sizes = [4, 384], strides = [1, 1]} : vector<32x384xf32> to vector<4x384xf32>
      %mul3A_253 = arith.constant -2.000000e+00 : f32
      %mul3A_254 = vector.broadcast %mul3A_253 : f32 to vector<4x384xf32>
      %mul3A_255 = arith.mulf %mul3A_254, %slice3A_252 : vector<4x384xf32>
      %mul3A_256 = arith.mulf %mul3A_255, %slice3A_164 : vector<4x384xf32>
      %mul3A_257 = arith.mulf %slice3A_164, %slice3A_164 : vector<4x384xf32>
      %add3A_258 = arith.addf %mul3A_256, %mul3A_257 : vector<4x384xf32>
      %mul3A_259 = vector.broadcast %slice3A_166 : vector<1x384xf32> to vector<4x384xf32>
      %mul3A_260 = arith.mulf %add3A_258, %mul3A_259 : vector<4x384xf32>
      %reduce_sum3A_261 = vector.shape_cast %mul3A_260 : vector<4x384xf32> to vector<1x4x384xf32>
      %reduce_sum3A_262 = arith.constant dense<0.000000e+00> : vector<1xf32>
      %reduce_sum3A_263 = vector.multi_reduction <add>, %reduce_sum3A_261, %reduce_sum3A_262 [1, 2] : vector<1x4x384xf32> to vector<1xf32>
      %reduce_sum3A_264 = vector.shape_cast %reduce_sum3A_263 : vector<1xf32> to vector<1x1x1xf32>
      %reduce_sum3A_265 = vector.extract %reduce_sum3A_264[0, 0, 0] : f32 from vector<1x1x1xf32>
      %add3A_266 = arith.constant 9.99999997E-7 : f32
      %add3A_267 = arith.addf %reduce_sum3A_181, %add3A_266 : f32
      %div3A = arith.constant 1.000000e+00 : f32
      %div3A_268 = arith.divf %div3A, %add3A_267 : f32
      %add3A_269 = arith.addf %get3A_172, %reduce_sum3A_265 : f32
      %mul3A_270 = arith.constant 5.000000e-02 : f32
      %mul3A_271 = arith.mulf %mul3A_270, %add3A_269 : f32
      %mul3A_272 = arith.mulf %mul3A_271, %div3A_268 : f32
      %mul3A_273 = arith.mulf %reduce_sum3A_202, %div3A_268 : f32
      %sub3A_274 = arith.subf %get3A_176, %reduce_sum3A_218 : f32
      %mul3A_275 = arith.constant 5.000000e-01 : f32
      %mul3A_276 = arith.mulf %mul3A_275, %sub3A_274 : f32
      %add3A_277 = arith.constant 9.99999997E-7 : f32
      %add3A_278 = arith.addf %sub3A_182, %add3A_277 : f32
      %div3A_279 = arith.divf %mul3A_276, %add3A_278 : f32
      %add3A_280 = arith.addf %mul3A_273, %div3A_279 : f32
      %mul3A_281 = arith.constant 1.500000e+00 : f32
      %mul3A_282 = arith.mulf %mul3A_281, %add3A_280 : f32
      %add3A_283 = arith.addf %mul3A_272, %mul3A_282 : f32
      %mul3A_284 = arith.constant 1.500000e-01 : f32
      %mul3A_285 = arith.mulf %mul3A_284, %sub3A_251 : f32
      %mul3A_286 = arith.mulf %mul3A_285, %div3A_268 : f32
      %add3A_287 = arith.addf %add3A_283, %mul3A_286 : f32
      %add3A_288 = arith.constant 0.000000e+00 : f32
      %add3A_289 = arith.addf %add3A_288, %add3A_287 : f32
      %get3A_290 = arith.constant 0 : index
      %get3A_291 = arith.constant 0 : index
      %get3A_292 = vector.load %arg5[%get3A_290, %get3A_291] : memref<32x384xf32, #tpu.memory_space<vmem>>, vector<32x384xf32>
      %get3A_293 = arith.constant 0 : index
      %get3A_294 = arith.constant 0 : index
      %get3A_295 = vector.load %arg8[%get3A_293, %get3A_294] : memref<8x384xf32, #tpu.memory_space<vmem>>, vector<8x384xf32>
      %slice3A_296 = vector.extract_strided_slice %get3A_295 {offsets = [0, 0], sizes = [4, 384], strides = [1, 1]} : vector<8x384xf32> to vector<4x384xf32>
      %slice3A_297 = vector.extract_strided_slice %get3A_295 {offsets = [4, 0], sizes = [1, 384], strides = [1, 1]} : vector<8x384xf32> to vector<1x384xf32>
      %slice3A_298 = vector.extract_strided_slice %get3A_295 {offsets = [5, 0], sizes = [1, 384], strides = [1, 1]} : vector<8x384xf32> to vector<1x384xf32>
      %slice3A_299 = vector.extract_strided_slice %get3A_295 {offsets = [6, 0], sizes = [1, 384], strides = [1, 1]} : vector<8x384xf32> to vector<1x384xf32>
      %slice3A_300 = vector.extract_strided_slice %get3A_295 {offsets = [7, 0], sizes = [1, 384], strides = [1, 1]} : vector<8x384xf32> to vector<1x384xf32>
      %get3A_301 = arith.constant 1 : index
      %get3A_302 = arith.constant 0 : index
      %get3A_303 = vector.load %arg11[%get3A_301, %get3A_302] : memref<8x128xf32, #tpu.memory_space<vmem>>, vector<1x1xf32>
      %get3A_304 = vector.extract %get3A_303[0, 0] : f32 from vector<1x1xf32>
      %get3A_305 = arith.constant 1 : index
      %get3A_306 = arith.constant 1 : index
      %get3A_307 = vector.load %arg11[%get3A_305, %get3A_306] : memref<8x128xf32, #tpu.memory_space<vmem>>, vector<1x1xf32>
      %get3A_308 = vector.extract %get3A_307[0, 0] : f32 from vector<1x1xf32>
      %reduce_sum3A_309 = vector.shape_cast %slice3A_297 : vector<1x384xf32> to vector<1x1x384xf32>
      %reduce_sum3A_310 = arith.constant dense<0.000000e+00> : vector<1xf32>
      %reduce_sum3A_311 = vector.multi_reduction <add>, %reduce_sum3A_309, %reduce_sum3A_310 [1, 2] : vector<1x1x384xf32> to vector<1xf32>
      %reduce_sum3A_312 = vector.shape_cast %reduce_sum3A_311 : vector<1xf32> to vector<1x1x1xf32>
      %reduce_sum3A_313 = vector.extract %reduce_sum3A_312[0, 0, 0] : f32 from vector<1x1x1xf32>
      %sub3A_314 = arith.constant 7.680000e+04 : f32
      %sub3A_315 = arith.subf %sub3A_314, %reduce_sum3A_313 : f32
      %slice3A_316 = vector.extract_strided_slice %get3A_292 {offsets = [4, 0], sizes = [1, 384], strides = [1, 1]} : vector<32x384xf32> to vector<1x384xf32>
      %neg3A_317 = arith.constant 0.000000e+00 : f32
      %neg3A_318 = vector.broadcast %neg3A_317 : f32 to vector<1x384xf32>
      %neg3A_319 = arith.subf %neg3A_318, %slice3A_316 : vector<1x384xf32>
      %max3A_320 = arith.constant 0.000000e+00 : f32
      %max3A_321 = vector.broadcast %max3A_320 : f32 to vector<1x384xf32>
      %max3A_322 = arith.maximumf %neg3A_319, %max3A_321 : vector<1x384xf32>
      %abs3A_323 = math.absf %neg3A_319 : vector<1x384xf32>
      %neg3A_324 = arith.constant 0.000000e+00 : f32
      %neg3A_325 = vector.broadcast %neg3A_324 : f32 to vector<1x384xf32>
      %neg3A_326 = arith.subf %neg3A_325, %abs3A_323 : vector<1x384xf32>
      %exp3A_327 = math.exp %neg3A_326 : vector<1x384xf32>
      %log1p3A_328 = math.log1p %exp3A_327 : vector<1x384xf32>
      %add3A_329 = arith.addf %max3A_322, %log1p3A_328 : vector<1x384xf32>
      %mul3A_330 = arith.mulf %add3A_329, %slice3A_297 : vector<1x384xf32>
      %reduce_sum3A_331 = vector.shape_cast %mul3A_330 : vector<1x384xf32> to vector<1x1x384xf32>
      %reduce_sum3A_332 = arith.constant dense<0.000000e+00> : vector<1xf32>
      %reduce_sum3A_333 = vector.multi_reduction <add>, %reduce_sum3A_331, %reduce_sum3A_332 [1, 2] : vector<1x1x384xf32> to vector<1xf32>
      %reduce_sum3A_334 = vector.shape_cast %reduce_sum3A_333 : vector<1xf32> to vector<1x1x1xf32>
      %reduce_sum3A_335 = vector.extract %reduce_sum3A_334[0, 0, 0] : f32 from vector<1x1x1xf32>
      %max3A_336 = arith.constant 0.000000e+00 : f32
      %max3A_337 = vector.broadcast %max3A_336 : f32 to vector<1x384xf32>
      %max3A_338 = arith.maximumf %slice3A_316, %max3A_337 : vector<1x384xf32>
      %abs3A_339 = math.absf %slice3A_316 : vector<1x384xf32>
      %neg3A_340 = arith.constant 0.000000e+00 : f32
      %neg3A_341 = vector.broadcast %neg3A_340 : f32 to vector<1x384xf32>
      %neg3A_342 = arith.subf %neg3A_341, %abs3A_339 : vector<1x384xf32>
      %exp3A_343 = math.exp %neg3A_342 : vector<1x384xf32>
      %log1p3A_344 = math.log1p %exp3A_343 : vector<1x384xf32>
      %add3A_345 = arith.addf %max3A_338, %log1p3A_344 : vector<1x384xf32>
      %mul3A_346 = arith.mulf %add3A_345, %slice3A_297 : vector<1x384xf32>
      %reduce_sum3A_347 = vector.shape_cast %mul3A_346 : vector<1x384xf32> to vector<1x1x384xf32>
      %reduce_sum3A_348 = arith.constant dense<0.000000e+00> : vector<1xf32>
      %reduce_sum3A_349 = vector.multi_reduction <add>, %reduce_sum3A_347, %reduce_sum3A_348 [1, 2] : vector<1x1x384xf32> to vector<1xf32>
      %reduce_sum3A_350 = vector.shape_cast %reduce_sum3A_349 : vector<1xf32> to vector<1x1x1xf32>
      %reduce_sum3A_351 = vector.extract %reduce_sum3A_350[0, 0, 0] : f32 from vector<1x1x1xf32>
      %slice3A_352 = vector.extract_strided_slice %get3A_292 {offsets = [5, 0], sizes = [20, 384], strides = [1, 1]} : vector<32x384xf32> to vector<20x384xf32>
      %iota3A_353 = tpu.iota {dimensions = array<i32: 0>} : vector<20x384xi32>
      %convert_element_type3A_354 = arith.sitofp %iota3A_353 : vector<20x384xi32> to vector<20x384xf32>
      %max3A_355 = arith.constant 0.000000e+00 : f32
      %max3A_356 = vector.broadcast %max3A_355 : f32 to vector<20x384xf32>
      %max3A_357 = arith.maximumf %slice3A_352, %max3A_356 : vector<20x384xf32>
      %abs3A_358 = math.absf %slice3A_352 : vector<20x384xf32>
      %neg3A_359 = arith.constant 0.000000e+00 : f32
      %neg3A_360 = vector.broadcast %neg3A_359 : f32 to vector<20x384xf32>
      %neg3A_361 = arith.subf %neg3A_360, %abs3A_358 : vector<20x384xf32>
      %exp3A_362 = math.exp %neg3A_361 : vector<20x384xf32>
      %log1p3A_363 = math.log1p %exp3A_362 : vector<20x384xf32>
      %add3A_364 = arith.addf %max3A_357, %log1p3A_363 : vector<20x384xf32>
      %mul3A_365 = vector.broadcast %slice3A_297 : vector<1x384xf32> to vector<20x384xf32>
      %mul3A_366 = arith.mulf %add3A_364, %mul3A_365 : vector<20x384xf32>
      %reduce_sum3A_367 = vector.shape_cast %mul3A_366 : vector<20x384xf32> to vector<1x20x384xf32>
      %reduce_sum3A_368 = arith.constant dense<0.000000e+00> : vector<1xf32>
      %reduce_sum3A_369 = vector.multi_reduction <add>, %reduce_sum3A_367, %reduce_sum3A_368 [1, 2] : vector<1x20x384xf32> to vector<1xf32>
      %reduce_sum3A_370 = vector.shape_cast %reduce_sum3A_369 : vector<1xf32> to vector<1x1x1xf32>
      %reduce_sum3A_371 = vector.extract %reduce_sum3A_370[0, 0, 0] : f32 from vector<1x1x1xf32>
      %eq3A_372 = vector.broadcast %slice3A_300 : vector<1x384xf32> to vector<20x384xf32>
      %eq3A_373 = arith.cmpf oeq, %convert_element_type3A_354, %eq3A_372 : vector<20x384xf32>
      %jit3A_374 = arith.constant 0.000000e+00 : f32
      %broadcast_in_dim3A_375 = vector.broadcast %jit3A_374 : f32 to vector<20x384xf32>
      %select_n3A_376 = arith.select %eq3A_373, %slice3A_352, %broadcast_in_dim3A_375 : vector<20x384xi1>, vector<20x384xf32>
      %mul3A_377 = vector.broadcast %slice3A_299 : vector<1x384xf32> to vector<20x384xf32>
      %mul3A_378 = arith.mulf %select_n3A_376, %mul3A_377 : vector<20x384xf32>
      %reduce_sum3A_379 = vector.shape_cast %mul3A_378 : vector<20x384xf32> to vector<1x20x384xf32>
      %reduce_sum3A_380 = arith.constant dense<0.000000e+00> : vector<1xf32>
      %reduce_sum3A_381 = vector.multi_reduction <add>, %reduce_sum3A_379, %reduce_sum3A_380 [1, 2] : vector<1x20x384xf32> to vector<1xf32>
      %reduce_sum3A_382 = vector.shape_cast %reduce_sum3A_381 : vector<1xf32> to vector<1x1x1xf32>
      %reduce_sum3A_383 = vector.extract %reduce_sum3A_382[0, 0, 0] : f32 from vector<1x1x1xf32>
      %sub3A_384 = arith.subf %reduce_sum3A_371, %reduce_sum3A_383 : f32
      %slice3A_385 = vector.extract_strided_slice %get3A_292 {offsets = [0, 0], sizes = [4, 384], strides = [1, 1]} : vector<32x384xf32> to vector<4x384xf32>
      %mul3A_386 = arith.constant -2.000000e+00 : f32
      %mul3A_387 = vector.broadcast %mul3A_386 : f32 to vector<4x384xf32>
      %mul3A_388 = arith.mulf %mul3A_387, %slice3A_385 : vector<4x384xf32>
      %mul3A_389 = arith.mulf %mul3A_388, %slice3A_296 : vector<4x384xf32>
      %mul3A_390 = arith.mulf %slice3A_296, %slice3A_296 : vector<4x384xf32>
      %add3A_391 = arith.addf %mul3A_389, %mul3A_390 : vector<4x384xf32>
      %mul3A_392 = vector.broadcast %slice3A_298 : vector<1x384xf32> to vector<4x384xf32>
      %mul3A_393 = arith.mulf %add3A_391, %mul3A_392 : vector<4x384xf32>
      %reduce_sum3A_394 = vector.shape_cast %mul3A_393 : vector<4x384xf32> to vector<1x4x384xf32>
      %reduce_sum3A_395 = arith.constant dense<0.000000e+00> : vector<1xf32>
      %reduce_sum3A_396 = vector.multi_reduction <add>, %reduce_sum3A_394, %reduce_sum3A_395 [1, 2] : vector<1x4x384xf32> to vector<1xf32>
      %reduce_sum3A_397 = vector.shape_cast %reduce_sum3A_396 : vector<1xf32> to vector<1x1x1xf32>
      %reduce_sum3A_398 = vector.extract %reduce_sum3A_397[0, 0, 0] : f32 from vector<1x1x1xf32>
      %add3A_399 = arith.constant 9.99999997E-7 : f32
      %add3A_400 = arith.addf %reduce_sum3A_313, %add3A_399 : f32
      %div3A_401 = arith.constant 1.000000e+00 : f32
      %div3A_402 = arith.divf %div3A_401, %add3A_400 : f32
      %add3A_403 = arith.addf %get3A_304, %reduce_sum3A_398 : f32
      %mul3A_404 = arith.constant 5.000000e-02 : f32
      %mul3A_405 = arith.mulf %mul3A_404, %add3A_403 : f32
      %mul3A_406 = arith.mulf %mul3A_405, %div3A_402 : f32
      %mul3A_407 = arith.mulf %reduce_sum3A_335, %div3A_402 : f32
      %sub3A_408 = arith.subf %get3A_308, %reduce_sum3A_351 : f32
      %mul3A_409 = arith.constant 5.000000e-01 : f32
      %mul3A_410 = arith.mulf %mul3A_409, %sub3A_408 : f32
      %add3A_411 = arith.constant 9.99999997E-7 : f32
      %add3A_412 = arith.addf %sub3A_315, %add3A_411 : f32
      %div3A_413 = arith.divf %mul3A_410, %add3A_412 : f32
      %add3A_414 = arith.addf %mul3A_407, %div3A_413 : f32
      %mul3A_415 = arith.constant 1.500000e+00 : f32
      %mul3A_416 = arith.mulf %mul3A_415, %add3A_414 : f32
      %add3A_417 = arith.addf %mul3A_406, %mul3A_416 : f32
      %mul3A_418 = arith.constant 1.500000e-01 : f32
      %mul3A_419 = arith.mulf %mul3A_418, %sub3A_384 : f32
      %mul3A_420 = arith.mulf %mul3A_419, %div3A_402 : f32
      %add3A_421 = arith.addf %add3A_417, %mul3A_420 : f32
      %add3A_422 = arith.addf %add3A_289, %add3A_421 : f32
      %get3A_423 = arith.constant 0 : index
      %get3A_424 = arith.constant 0 : index
      %get3A_425 = vector.load %arg6[%get3A_423, %get3A_424] : memref<32x384xf32, #tpu.memory_space<vmem>>, vector<32x384xf32>
      %get3A_426 = arith.constant 0 : index
      %get3A_427 = arith.constant 0 : index
      %get3A_428 = vector.load %arg9[%get3A_426, %get3A_427] : memref<8x384xf32, #tpu.memory_space<vmem>>, vector<8x384xf32>
      %slice3A_429 = vector.extract_strided_slice %get3A_428 {offsets = [0, 0], sizes = [4, 384], strides = [1, 1]} : vector<8x384xf32> to vector<4x384xf32>
      %slice3A_430 = vector.extract_strided_slice %get3A_428 {offsets = [4, 0], sizes = [1, 384], strides = [1, 1]} : vector<8x384xf32> to vector<1x384xf32>
      %slice3A_431 = vector.extract_strided_slice %get3A_428 {offsets = [5, 0], sizes = [1, 384], strides = [1, 1]} : vector<8x384xf32> to vector<1x384xf32>
      %slice3A_432 = vector.extract_strided_slice %get3A_428 {offsets = [6, 0], sizes = [1, 384], strides = [1, 1]} : vector<8x384xf32> to vector<1x384xf32>
      %slice3A_433 = vector.extract_strided_slice %get3A_428 {offsets = [7, 0], sizes = [1, 384], strides = [1, 1]} : vector<8x384xf32> to vector<1x384xf32>
      %get3A_434 = arith.constant 2 : index
      %get3A_435 = arith.constant 0 : index
      %get3A_436 = vector.load %arg11[%get3A_434, %get3A_435] : memref<8x128xf32, #tpu.memory_space<vmem>>, vector<1x1xf32>
      %get3A_437 = vector.extract %get3A_436[0, 0] : f32 from vector<1x1xf32>
      %get3A_438 = arith.constant 2 : index
      %get3A_439 = arith.constant 1 : index
      %get3A_440 = vector.load %arg11[%get3A_438, %get3A_439] : memref<8x128xf32, #tpu.memory_space<vmem>>, vector<1x1xf32>
      %get3A_441 = vector.extract %get3A_440[0, 0] : f32 from vector<1x1xf32>
      %reduce_sum3A_442 = vector.shape_cast %slice3A_430 : vector<1x384xf32> to vector<1x1x384xf32>
      %reduce_sum3A_443 = arith.constant dense<0.000000e+00> : vector<1xf32>
      %reduce_sum3A_444 = vector.multi_reduction <add>, %reduce_sum3A_442, %reduce_sum3A_443 [1, 2] : vector<1x1x384xf32> to vector<1xf32>
      %reduce_sum3A_445 = vector.shape_cast %reduce_sum3A_444 : vector<1xf32> to vector<1x1x1xf32>
      %reduce_sum3A_446 = vector.extract %reduce_sum3A_445[0, 0, 0] : f32 from vector<1x1x1xf32>
      %sub3A_447 = arith.constant 1.920000e+04 : f32
      %sub3A_448 = arith.subf %sub3A_447, %reduce_sum3A_446 : f32
      %slice3A_449 = vector.extract_strided_slice %get3A_425 {offsets = [4, 0], sizes = [1, 384], strides = [1, 1]} : vector<32x384xf32> to vector<1x384xf32>
      %neg3A_450 = arith.constant 0.000000e+00 : f32
      %neg3A_451 = vector.broadcast %neg3A_450 : f32 to vector<1x384xf32>
      %neg3A_452 = arith.subf %neg3A_451, %slice3A_449 : vector<1x384xf32>
      %max3A_453 = arith.constant 0.000000e+00 : f32
      %max3A_454 = vector.broadcast %max3A_453 : f32 to vector<1x384xf32>
      %max3A_455 = arith.maximumf %neg3A_452, %max3A_454 : vector<1x384xf32>
      %abs3A_456 = math.absf %neg3A_452 : vector<1x384xf32>
      %neg3A_457 = arith.constant 0.000000e+00 : f32
      %neg3A_458 = vector.broadcast %neg3A_457 : f32 to vector<1x384xf32>
      %neg3A_459 = arith.subf %neg3A_458, %abs3A_456 : vector<1x384xf32>
      %exp3A_460 = math.exp %neg3A_459 : vector<1x384xf32>
      %log1p3A_461 = math.log1p %exp3A_460 : vector<1x384xf32>
      %add3A_462 = arith.addf %max3A_455, %log1p3A_461 : vector<1x384xf32>
      %mul3A_463 = arith.mulf %add3A_462, %slice3A_430 : vector<1x384xf32>
      %reduce_sum3A_464 = vector.shape_cast %mul3A_463 : vector<1x384xf32> to vector<1x1x384xf32>
      %reduce_sum3A_465 = arith.constant dense<0.000000e+00> : vector<1xf32>
      %reduce_sum3A_466 = vector.multi_reduction <add>, %reduce_sum3A_464, %reduce_sum3A_465 [1, 2] : vector<1x1x384xf32> to vector<1xf32>
      %reduce_sum3A_467 = vector.shape_cast %reduce_sum3A_466 : vector<1xf32> to vector<1x1x1xf32>
      %reduce_sum3A_468 = vector.extract %reduce_sum3A_467[0, 0, 0] : f32 from vector<1x1x1xf32>
      %max3A_469 = arith.constant 0.000000e+00 : f32
      %max3A_470 = vector.broadcast %max3A_469 : f32 to vector<1x384xf32>
      %max3A_471 = arith.maximumf %slice3A_449, %max3A_470 : vector<1x384xf32>
      %abs3A_472 = math.absf %slice3A_449 : vector<1x384xf32>
      %neg3A_473 = arith.constant 0.000000e+00 : f32
      %neg3A_474 = vector.broadcast %neg3A_473 : f32 to vector<1x384xf32>
      %neg3A_475 = arith.subf %neg3A_474, %abs3A_472 : vector<1x384xf32>
      %exp3A_476 = math.exp %neg3A_475 : vector<1x384xf32>
      %log1p3A_477 = math.log1p %exp3A_476 : vector<1x384xf32>
      %add3A_478 = arith.addf %max3A_471, %log1p3A_477 : vector<1x384xf32>
      %mul3A_479 = arith.mulf %add3A_478, %slice3A_430 : vector<1x384xf32>
      %reduce_sum3A_480 = vector.shape_cast %mul3A_479 : vector<1x384xf32> to vector<1x1x384xf32>
      %reduce_sum3A_481 = arith.constant dense<0.000000e+00> : vector<1xf32>
      %reduce_sum3A_482 = vector.multi_reduction <add>, %reduce_sum3A_480, %reduce_sum3A_481 [1, 2] : vector<1x1x384xf32> to vector<1xf32>
      %reduce_sum3A_483 = vector.shape_cast %reduce_sum3A_482 : vector<1xf32> to vector<1x1x1xf32>
      %reduce_sum3A_484 = vector.extract %reduce_sum3A_483[0, 0, 0] : f32 from vector<1x1x1xf32>
      %slice3A_485 = vector.extract_strided_slice %get3A_425 {offsets = [5, 0], sizes = [20, 384], strides = [1, 1]} : vector<32x384xf32> to vector<20x384xf32>
      %iota3A_486 = tpu.iota {dimensions = array<i32: 0>} : vector<20x384xi32>
      %convert_element_type3A_487 = arith.sitofp %iota3A_486 : vector<20x384xi32> to vector<20x384xf32>
      %max3A_488 = arith.constant 0.000000e+00 : f32
      %max3A_489 = vector.broadcast %max3A_488 : f32 to vector<20x384xf32>
      %max3A_490 = arith.maximumf %slice3A_485, %max3A_489 : vector<20x384xf32>
      %abs3A_491 = math.absf %slice3A_485 : vector<20x384xf32>
      %neg3A_492 = arith.constant 0.000000e+00 : f32
      %neg3A_493 = vector.broadcast %neg3A_492 : f32 to vector<20x384xf32>
      %neg3A_494 = arith.subf %neg3A_493, %abs3A_491 : vector<20x384xf32>
      %exp3A_495 = math.exp %neg3A_494 : vector<20x384xf32>
      %log1p3A_496 = math.log1p %exp3A_495 : vector<20x384xf32>
      %add3A_497 = arith.addf %max3A_490, %log1p3A_496 : vector<20x384xf32>
      %mul3A_498 = vector.broadcast %slice3A_430 : vector<1x384xf32> to vector<20x384xf32>
      %mul3A_499 = arith.mulf %add3A_497, %mul3A_498 : vector<20x384xf32>
      %reduce_sum3A_500 = vector.shape_cast %mul3A_499 : vector<20x384xf32> to vector<1x20x384xf32>
      %reduce_sum3A_501 = arith.constant dense<0.000000e+00> : vector<1xf32>
      %reduce_sum3A_502 = vector.multi_reduction <add>, %reduce_sum3A_500, %reduce_sum3A_501 [1, 2] : vector<1x20x384xf32> to vector<1xf32>
      %reduce_sum3A_503 = vector.shape_cast %reduce_sum3A_502 : vector<1xf32> to vector<1x1x1xf32>
      %reduce_sum3A_504 = vector.extract %reduce_sum3A_503[0, 0, 0] : f32 from vector<1x1x1xf32>
      %eq3A_505 = vector.broadcast %slice3A_433 : vector<1x384xf32> to vector<20x384xf32>
      %eq3A_506 = arith.cmpf oeq, %convert_element_type3A_487, %eq3A_505 : vector<20x384xf32>
      %jit3A_507 = arith.constant 0.000000e+00 : f32
      %broadcast_in_dim3A_508 = vector.broadcast %jit3A_507 : f32 to vector<20x384xf32>
      %select_n3A_509 = arith.select %eq3A_506, %slice3A_485, %broadcast_in_dim3A_508 : vector<20x384xi1>, vector<20x384xf32>
      %mul3A_510 = vector.broadcast %slice3A_432 : vector<1x384xf32> to vector<20x384xf32>
      %mul3A_511 = arith.mulf %select_n3A_509, %mul3A_510 : vector<20x384xf32>
      %reduce_sum3A_512 = vector.shape_cast %mul3A_511 : vector<20x384xf32> to vector<1x20x384xf32>
      %reduce_sum3A_513 = arith.constant dense<0.000000e+00> : vector<1xf32>
      %reduce_sum3A_514 = vector.multi_reduction <add>, %reduce_sum3A_512, %reduce_sum3A_513 [1, 2] : vector<1x20x384xf32> to vector<1xf32>
      %reduce_sum3A_515 = vector.shape_cast %reduce_sum3A_514 : vector<1xf32> to vector<1x1x1xf32>
      %reduce_sum3A_516 = vector.extract %reduce_sum3A_515[0, 0, 0] : f32 from vector<1x1x1xf32>
      %sub3A_517 = arith.subf %reduce_sum3A_504, %reduce_sum3A_516 : f32
      %slice3A_518 = vector.extract_strided_slice %get3A_425 {offsets = [0, 0], sizes = [4, 384], strides = [1, 1]} : vector<32x384xf32> to vector<4x384xf32>
      %mul3A_519 = arith.constant -2.000000e+00 : f32
      %mul3A_520 = vector.broadcast %mul3A_519 : f32 to vector<4x384xf32>
      %mul3A_521 = arith.mulf %mul3A_520, %slice3A_518 : vector<4x384xf32>
      %mul3A_522 = arith.mulf %mul3A_521, %slice3A_429 : vector<4x384xf32>
      %mul3A_523 = arith.mulf %slice3A_429, %slice3A_429 : vector<4x384xf32>
      %add3A_524 = arith.addf %mul3A_522, %mul3A_523 : vector<4x384xf32>
      %mul3A_525 = vector.broadcast %slice3A_431 : vector<1x384xf32> to vector<4x384xf32>
      %mul3A_526 = arith.mulf %add3A_524, %mul3A_525 : vector<4x384xf32>
      %reduce_sum3A_527 = vector.shape_cast %mul3A_526 : vector<4x384xf32> to vector<1x4x384xf32>
      %reduce_sum3A_528 = arith.constant dense<0.000000e+00> : vector<1xf32>
      %reduce_sum3A_529 = vector.multi_reduction <add>, %reduce_sum3A_527, %reduce_sum3A_528 [1, 2] : vector<1x4x384xf32> to vector<1xf32>
      %reduce_sum3A_530 = vector.shape_cast %reduce_sum3A_529 : vector<1xf32> to vector<1x1x1xf32>
      %reduce_sum3A_531 = vector.extract %reduce_sum3A_530[0, 0, 0] : f32 from vector<1x1x1xf32>
      %add3A_532 = arith.constant 9.99999997E-7 : f32
      %add3A_533 = arith.addf %reduce_sum3A_446, %add3A_532 : f32
      %div3A_534 = arith.constant 1.000000e+00 : f32
      %div3A_535 = arith.divf %div3A_534, %add3A_533 : f32
      %add3A_536 = arith.addf %get3A_437, %reduce_sum3A_531 : f32
      %mul3A_537 = arith.constant 5.000000e-02 : f32
      %mul3A_538 = arith.mulf %mul3A_537, %add3A_536 : f32
      %mul3A_539 = arith.mulf %mul3A_538, %div3A_535 : f32
      %mul3A_540 = arith.mulf %reduce_sum3A_468, %div3A_535 : f32
      %sub3A_541 = arith.subf %get3A_441, %reduce_sum3A_484 : f32
      %mul3A_542 = arith.constant 5.000000e-01 : f32
      %mul3A_543 = arith.mulf %mul3A_542, %sub3A_541 : f32
      %add3A_544 = arith.constant 9.99999997E-7 : f32
      %add3A_545 = arith.addf %sub3A_448, %add3A_544 : f32
      %div3A_546 = arith.divf %mul3A_543, %add3A_545 : f32
      %add3A_547 = arith.addf %mul3A_540, %div3A_546 : f32
      %mul3A_548 = arith.constant 1.500000e+00 : f32
      %mul3A_549 = arith.mulf %mul3A_548, %add3A_547 : f32
      %add3A_550 = arith.addf %mul3A_539, %mul3A_549 : f32
      %mul3A_551 = arith.constant 1.500000e-01 : f32
      %mul3A_552 = arith.mulf %mul3A_551, %sub3A_517 : f32
      %mul3A_553 = arith.mulf %mul3A_552, %div3A_535 : f32
      %add3A_554 = arith.addf %add3A_550, %mul3A_553 : f32
      %add3A_555 = arith.addf %add3A_422, %add3A_554 : f32
      %broadcast_in_dim3A_556 = vector.broadcast %add3A_555 : f32 to vector<1x1xf32>
      %swap3A_557 = arith.constant 0 : index
      %swap3A_558 = arith.constant 0 : index
      %swap3A_559 = vector.load %arg10[%swap3A_557, %swap3A_558] : memref<1x1xf32, #tpu.memory_space<vmem>>, vector<1x1xf32>
      tpu.vector_store %arg10[%swap3A_557, %swap3A_558], %broadcast_in_dim3A_556 {strides = array<i32>} : memref<1x1xf32, #tpu.memory_space<vmem>>, vector<1x1xf32>,
    } else {
    }
    return
  }
  func.func @transform_0(%arg0: i32) -> (i32, i32, i32, i32) {
    %mul3A = arith.constant 5 : i32
    %mul3A_0 = arith.muli %mul3A, %arg0 : i32
    %c0_i32 = arith.constant 0 : i32
    %c0_i32_1 = arith.constant 0 : i32
    %c0_i32_2 = arith.constant 0 : i32
    %c0_i32_3 = arith.constant 0 : i32
    return %c0_i32, %mul3A_0, %c0_i32_1, %c0_i32_2 : i32, i32, i32, i32
  }
  func.func @transform_1(%arg0: i32) -> (i32, i32, i32, i32) {
    %mul3A = arith.constant 5 : i32
    %mul3A_0 = arith.muli %mul3A, %arg0 : i32
    %c0_i32 = arith.constant 0 : i32
    %c0_i32_1 = arith.constant 0 : i32
    %c0_i32_2 = arith.constant 0 : i32
    %c0_i32_3 = arith.constant 0 : i32
    return %c0_i32, %mul3A_0, %c0_i32_1, %c0_i32_2 : i32, i32, i32, i32
  }
  func.func @transform_2(%arg0: i32) -> (i32, i32, i32, i32) {
    %mul3A = arith.constant 5 : i32
    %mul3A_0 = arith.muli %mul3A, %arg0 : i32
    %c0_i32 = arith.constant 0 : i32
    %c0_i32_1 = arith.constant 0 : i32
    %c0_i32_2 = arith.constant 0 : i32
    %c0_i32_3 = arith.constant 0 : i32
    return %c0_i32, %mul3A_0, %c0_i32_1, %c0_i32_2 : i32, i32, i32, i32
  }
  func.func @transform_3(%arg0: i32) -> (i32, i32) {
    %c0_i32 = arith.constant 0 : i32
    %c0_i32_0 = arith.constant 0 : i32
    %c0_i32_1 = arith.constant 0 : i32
    return %c0_i32, %c0_i32_0 : i32, i32
  }
  func.func @transform_4(%arg0: i32) -> (i32, i32) {
    %c0_i32 = arith.constant 0 : i32
    %c0_i32_0 = arith.constant 0 : i32
    %c0_i32_1 = arith.constant 0 : i32
    return %c0_i32, %c0_i32_0 : i32, i32
  }
  func.func @transform_5(%arg0: i32) -> (i32, i32) {
    %c0_i32 = arith.constant 0 : i32
    %c0_i32_0 = arith.constant 0 : i32
    %c0_i32_1 = arith.constant 0 : i32
    return %c0_i32, %c0_i32_0 : i32, i32
  }
  func.func @transform_6(%arg0: i32) -> (i32, i32) {
    %c0_i32 = arith.constant 0 : i32
    %c0_i32_0 = arith.constant 0 : i32
    %c0_i32_1 = arith.constant 0 : i32
    return %c0_i32, %c0_i32_0 : i32, i32
  }
  func.func @transform_7(%arg0: i32) -> (i32, i32) {
    %c0_i32 = arith.constant 0 : i32
    %c0_i32_0 = arith.constant 0 : i32
    %c0_i32_1 = arith.constant 0 : i32
    return %c0_i32, %c0_i32_0 : i32, i32
  }
  func.func @transform_8(%arg0: i32) -> (i32, i32) {
    %c0_i32 = arith.constant 0 : i32
    %c0_i32_0 = arith.constant 0 : i32
    %c0_i32_1 = arith.constant 0 : i32
    return %c0_i32, %c0_i32_0 : i32, i32
  }
  func.func @transform_9(%arg0: i32) -> (i32, i32) {
    %c0_i32 = arith.constant 0 : i32
    %c0_i32_0 = arith.constant 0 : i32
    %c0_i32_1 = arith.constant 0 : i32
    return %c0_i32, %c0_i32_0 : i32, i32
  }
}

</mosaic_0001>

<sc_bundles>
// kernel: kernel.5.cloned.1.call-start
scs
__scs_entry_jumppad:
0x0: {  	(pc) =	sbr.rel $0x88, $3  }
0x1: {  	(tag) =	ssettag $0x0;
	lr =	simm.s32 $0x1  }
0x2: {  	[smem:$0x3F9D] =	sst lr;
	_ =	strace $0xD0000000  }
0x3: {  	_ = 	snop  }
0x4: {  	_ = 	snop  }
0x5: {  	_ = 	snop  }
0x6: {  	_ = 	snop  }
0x7: {  	_ = 	snop  }
__scs_overlays_trampoline_lowered:
0x8: {  	[smem:$0x3FAC] =	sst s0  }
0x9: {  	[smem:$0x3FAD] =	sst s1  }
0xa: {  	[smem:$0x3FAE] =	sst s2  }
0xb: {  	[smem:$0x3FAF] =	sst s3  }
0xc: {  	[smem:$0x3FB0] =	sst s4  }
0xd: {  	[smem:$0x3FB1] =	sst s5  }
0xe: {  	[smem:$0x3FB2] =	sst s6  }
0xf: {  	[smem:$0x3FB3] =	sst s7  }
0x10: {  	[smem:$0x3FB4] =	sst s8  }
0x11: {  	[smem:$0x3FB5] =	sst s9;
	s0 =	simm.s32 @!p0 $0x0  }
0x12: {  	s1 =	sld [smem:$0x3F9B];
	s0 =	simm.s32 @p0 $0x1  }
0x13: {  	[smem:$0x3FB6] =	sst s0;
	s0 =	simm.s32 @!p1 $0x0  }
0x14: {  	s2 =	sld [smem:$0x3F9A];
	s0 =	simm.s32 @p1 $0x1  }
0x15: {  	[smem:$0x3FB7] =	sst s0;
	s0 =	simm.s32 @!p2 $0x0  }
0x16: {  	s3 =	sld [smem:$0x3FDB];
	s0 =	simm.s32 @p2 $0x1  }
0x17: {  	s4 =	simm.s32 $0x1BF5;
	[smem:$0x3FB9] =	sst s0  }
0x18: {  	s0 =	sld [smem:$0x3F9C];
	_ =	swait.ge [sflag:s4], $0x0  }
0x19: {  	s7 =	sld [smem:$0x3F9D]  }
0x1a: {  	s8 =	sadd.s32 $0xFFFFE003, lr  }
0x1b: {  	s9 =	sadd.s32 $0xFFFFFEF7, lr;
	s5 =	simm.s32 $0xFFFFFFFF;
	p2 =	slt.u32 s8, $0xFFFFF086  }
0x1c: {  	p1 =	slt.u32 s9, $0xF7A;
	s5 =	simm.s32 @!p2 $0x0  }
0x1d: {  	s5 =	simm.s32 @p1 $0x1;
	p0 =	seq.s32 s7, s2  }
0x1e: {  	s7 =	smul.u32 @!p0 $0xF7A, s2;
	p2 =	seq.s32 @!p0 s5, $0x0  }
0x1f: {  	s9 =	smul.u32 $0xF7A, s1;
	s8 =	simm.s32 @!p0 $0x1BF5;
	p2 =	por !p2, p0  }
0x20: {  	[sflag:s8] =	ssyncset.s32 @!p0 $0xFFFFF086;
	s6 =	sadd.s32 @!p0 s3, s7;
	s7 =	simm.s32 @!p0 $0x108  }
0x21: {  	s3 =	sadd.s32 s3, s9;
	s6 =	sadd.s32 @!p0 $0x88, s6;
	s7 =	simm.s32 @p2 $0x1082  }
0x22: {  	[simem:s7], [sflag:s8] =	dma.local @!p0 [hbm:s6], $0xF7A  }
0x23: {  	s9 =	sor.u32 $0xD0000000, s2;
	s6 =	simm.s32 $0x108;
	_ =	swait.ge @!p0 [sflag:s8], $0x0  }
0x24: {  	s3 =	sadd.s32 $0x88, s3;
	s6 =	simm.s32 @!p1 $0x1082;
	[sflag:s4] =	ssyncset.s32 $0xFFFFF086  }
0x25: {  	[simem:s6], [sflag:s4] =	dma.local [hbm:s3], $0xF7A  }
0x26: {  	[smem:$0x3F9D] =	sst s1;
	(tag) =	ssettag s2;
	_ =	strace s9  }
0x27: {  	s1 =	sld [smem:$0x3FAD]  }
0x28: {  	s2 =	sld [smem:$0x3FAE]  }
0x29: {  	s4 =	sld [smem:$0x3FB0]  }
0x2a: {  	p0 =	seq.s32 s5, $0x0;
	s5 =	sld [smem:$0x3FB1]  }
0x2b: {  	s6 =	sld [smem:$0x3FB2]  }
0x2c: {  	s7 =	sld [smem:$0x3FB3]  }
0x2d: {  	s3 =	simm.s32 $0x108;
	s8 =	sld [smem:$0x3FB4]  }
0x2e: {  	s3 =	simm.s32 @!p0 $0x1082;
	s9 =	sld [smem:$0x3FB5]  }
0x2f: {  	lr =	sadd.s32 s0, s3;
	s0 =	sld [smem:$0x3FAC]  }
0x30: {  	s3 =	sld [smem:$0x3FAF]  }
0x31: {  	[smem:$0x3FB8] =	sst s10  }
0x32: {  	s10 =	sld [smem:$0x3FB6];
	_ =	sdelay $0x3  }
0x33: {  	p0 =	seq.s32 s10, $0x1;
	s10 =	sld [smem:$0x3FB8];
	_ =	sdelay $0x3  }
0x34: {  	[smem:$0x3FB8] =	sst s10  }
0x35: {  	s10 =	sld [smem:$0x3FB7];
	_ =	sdelay $0x3  }
0x36: {  	p1 =	seq.s32 s10, $0x1;
	s10 =	sld [smem:$0x3FB8];
	_ =	sdelay $0x3  }
0x37: {  	[smem:$0x3FB8] =	sst s10  }
0x38: {  	s10 =	sld [smem:$0x3FB9]  }
0x39: {  	_ = 	snop;
	(pc) =	sbr.ind lr, $3  }
0x3a: {  	_ = 	snop  }
0x3b: {  	_ = 	snop  }
0x3c: {  	p2 =	seq.s32 s10, $0x1;
	s10 =	sld [smem:$0x3FB8]  }
0x3d: {  	_ =	shalt  }
0x3e: {  	_ =	shalt  }
0x3f: {  	_ =	shalt  }
0x40: {  	_ =	shalt  }
0x41: {  	_ =	shalt  }
0x42: {  	_ =	shalt  }
0x43: {  	_ =	shalt  }
0x44: {  	_ =	shalt  }
0x45: {  	_ =	shalt  }
0x46: {  	_ =	shalt  }
0x47: {  	_ =	shalt  }
0x48: {  	_ =	shalt  }
0x49: {  	_ =	shalt  }
0x4a: {  	_ =	shalt  }
0x4b: {  	_ =	shalt  }
0x4c: {  	_ =	shalt  }
0x4d: {  	_ =	shalt  }
0x4e: {  	_ =	shalt  }
0x4f: {  	_ =	shalt  }
0x50: {  	_ =	shalt  }
0x51: {  	_ =	shalt  }
0x52: {  	_ =	shalt  }
0x53: {  	_ =	shalt  }
0x54: {  	_ =	shalt  }
0x55: {  	_ =	shalt  }
0x56: {  	_ =	shalt  }
0x57: {  	_ =	shalt  }
0x58: {  	_ =	shalt  }
0x59: {  	_ =	shalt  }
0x5a: {  	_ =	shalt  }
0x5b: {  	_ =	shalt  }
0x5c: {  	_ =	shalt  }
0x5d: {  	_ =	shalt  }
0x5e: {  	_ =	shalt  }
0x5f: {  	_ =	shalt  }
0x60: {  	_ =	shalt  }
0x61: {  	_ =	shalt  }
0x62: {  	_ =	shalt  }
0x63: {  	_ =	shalt  }
0x64: {  	_ =	shalt  }
0x65: {  	_ =	shalt  }
0x66: {  	_ =	shalt  }
0x67: {  	_ =	shalt  }
0x68: {  	_ =	shalt  }
0x69: {  	_ =	shalt  }
0x6a: {  	_ =	shalt  }
0x6b: {  	_ =	shalt  }
0x6c: {  	_ =	shalt  }
0x6d: {  	_ =	shalt  }
0x6e: {  	_ =	shalt  }
0x6f: {  	_ =	shalt  }
0x70: {  	_ =	shalt  }
0x71: {  	_ =	shalt  }
0x72: {  	_ =	shalt  }
0x73: {  	_ =	shalt  }
0x74: {  	_ =	shalt  }
0x75: {  	_ =	shalt  }
0x76: {  	_ =	shalt  }
0x77: {  	_ =	shalt  }
0x78: {  	_ =	shalt  }
0x79: {  	_ =	shalt  }
0x7a: {  	_ =	shalt  }
0x7b: {  	_ =	shalt  }
0x7c: {  	_ =	shalt  }
0x7d: {  	_ =	shalt  }
0x7e: {  	_ =	shalt  }
0x7f: {  	_ =	shalt  }
0x80: {  	_ =	shalt  }
0x81: {  	_ =	shalt  }
0x82: {  	_ =	shalt  }
0x83: {  	_ =	shalt  }
0x84: {  	_ =	shalt  }
0x85: {  	_ =	shalt  }
0x86: {  	_ =	shalt  }
0x87: {  	_ =	shalt  }
.Lfunc_end0:
.L_simem_size_0:
called_computation_lowered:
.L_overlay_start_0:
0x88: {  	s2 =	sld [smem:$0x3FD9]  }
0x89: {  	s3 =	sld [smem:$0x3FFE];
	_ =	sdelay $0x1  }
0x8a: {  	s1 =	srdreg.scid  }
0x8b: {  	s0 =	sand.u32 $0x1, s1  }
0x8c: {  	s16 =	sshll.u32 s0, $0xA;
	s2 =	sadd.s32 s3, s2  }
0x8d: {  	s2 =	sadd.s32 s2, s16  }
0x8e: {  	[smem:$0x3FC4] =	sst s2  }
0x8f: {  	_ = 	snop  }
0x90: {  	(tm) =	ssettm $0x1  }
0x91: {  	s17 =	sld [smem:$0x3FFB];
	_ =	sdelay $0x3  }
0x92: {  	_ =	strace s17  }
0x93: {  	s2 =	sld [smem:$0x3FFC];
	_ =	sdelay $0x3  }
0x94: {  	_ =	strace s2  }
0x95: {  	s2 =	sld [smem:$0x3FFD];
	_ =	sdelay $0x3  }
0x96: {  	_ =	strace s2  }
0x97: {  	_ =	strace $0x8FFFFFFF  }
0x98: {  	s18 =	sld [smem:$0x3FDB];
	_ =	sdelay $0x1  }
0x99: {  	s19 =	simm.s32 $_scs_section_size  }
0x9a: {  	s4 =	simm.s32 $_size__tile_overlayer_lowered;
	s5 =	simm.s32 $_tile_overlayer_lowered  }
0x9b: {  	s22 =	simm.s32 $0x1BFF;
	s21 =	sshll.u32 s5, $0x1;
	s2 =	sadd.s32 s19, s18  }
0x9c: {  	s6 =	simm.s32 $0x0;
	s20 =	sshll.u32 s4, $0x1;
	s4 =	sadd.s32 s21, s2  }
0x9d: {  	[timem:s6], [sflag:s22] =	dma.local [hbm:s4], s20  }
0x9e: {  	_ =	swait.ge [sflag:s22], s20  }
0x9f: {  	s3 =	ssub.s32 $0x0, s20;
	[sflag:s22] =	ssyncset.done $0x0  }
0xa0: {  	[sflag:s22] =	ssyncadd.s32 s3;
	_ =	sdelay $0x1  }
0xa1: {  	s23 =	simm.s32 $0x1B8B  }
0xa2: {  	_ =	swait.ge [sflag:s23], $0x1  }
0xa3: {  	[sflag:s23] =	ssyncset.done $0x0  }
0xa4: {  	s25 =	simm.s32 $0x1B8E;
	s24 =	sld [smem:$0x3FFE];
	[sflag:s23] =	ssyncadd.s32 $0xFFFFFFFF  }
0xa5: {  	s26 =	simm.s32 $execute0_lowered;
	[smem:$0x3FD2] =	sst s25  }
0xa6: {  	s4 =	sshll.u32 s26, $0x1;
	_ =	strace $0x80000046;
	[dreg:$0x1] =	wrdreg $0xFFFFFFFF  }
0xa7: {  	s28 =	simm.s32 $_size_execute0_lowered;
	s2 =	sadd.s32 s2, s4;
	[dreg:$0x0] =	wrdreg $0x0  }
0xa8: {  	s4 =	sshll.u32 s28, $0x1;
	[dreg:$0x2] =	wrdreg s2  }
0xa9: {  	[dreg:$0x3] =	wrdreg s4  }
0xaa: {  	[dreg:$0x4] =	wrdreg $0xC0  }
0xab: {  	_ =	task [dreg:s6], $0x5FFFF  }
0xac: {  	[dreg:$0x1] =	wrdreg $0xFFFFFFFF  }
0xad: {  	[dreg:$0x0] =	wrdreg $0x60  }
0xae: {  	[dreg:$0x2] =	wrdreg s24  }
0xaf: {  	[dreg:$0x3] =	wrdreg $0x9  }
0xb0: {  	_ =	task.clear_ibuf [dreg:s6], $0x4FFFF;
	_ =	strace $0x90000046  }
0xb1: {  	s29 =	simm.s32 $0x9;
	_ =	strace $0x80000048  }
0xb2: {  	_ =	swait.ge [sflag:s29], $0x1  }
0xb3: {  	[sflag:s29] =	ssyncadd.s32 $0xFFFFFFFF  }
0xb4: {  	_ =	strace $0x90000048  }
0xb5: {  	_ =	sfence  }
0xb6: {  	s30 =	sld [smem:$0x0];
	_ =	sdelay $0x2  }
0xb7: {  	s31 =	sshll.u32 s1, $0xD;
	s1 =	sshrl.u32 s1, $0x2  }
0xb8: {  	s3 =	sand.u32 $0x4000, s31;
	s1 =	sadd.s32 s1, s30  }
0xb9: {  	s0 =	sor.u32 s3, s0;
	s1 =	sshll.u32 s1, $0x11  }
0xba: {  	s0 =	sor.u32 s1, s0  }
0xbb: {  	s0 =	sadd.s32 $0x8F2B, s0  }
0xbc: {  	[sflag:s0] =	ssyncadd.remote.s32 $0x1  }
0xbd: {  	_ =	sfence.sel $0xFFFF  }
0xbe: {  	[dreg:$0x0] =	wrdreg $0xFFFFFFFF;
	(pc) =	sbr.abs _section_cstart, $3  }
0xbf: {  	[dreg:$0x1] =	wrdreg $0xFFFFFFFF  }
0xc0: {  	_ =	task.clear_ibuf [dreg:s6], $0x2FFFF;
	_ =	strace $0x9FFFFFFF  }
0xc1: {  	(tm) =	ssettm $0x7FFFFFFF  }
tec
execute0_lowered:
.L_overlay_start_1:
0x0: {  	(tag) =	ssettag $0x1  }
0x1: {  	s1 =	srdreg.scid;
	s0 =	stileid.u32  }
0x2: {  	s19 =	sand.u32 $0x1, s1;
	s3 =	sshll.u32 s0, $0x1  }
0x3: {  	s3 =	sor.u32 s19, s3  }
0x4: {  	p0 =	sgt.u32 s3, $0x18  }
.Ltmp0:
0x5: {  	_ = 	snop;
	(pc) =	sbr.rel @p0 .LBB2_4-.Ltmp0, $4  }
0x6: {  	_ = 	snop  }
0x7: {  	s18 =	rddreg [dreg:$0x0];
	s2 =	simm.s32 $0x0  }
0x8: {  	[smem:$0x7FF] =	sst s2  }
0x9: {  	s1 =	rddreg [dreg:$0x1];
	_ =	strace $0x80000047  }
0xa: {  	s4 =	sshrl.u32 s0, $0x2  }
0xb: {  	s3 =	sshll.u32 s3, $0x7;
	s4 =	smul.u32 $0xC00, s4  }
0xc: {  	s3 =	sand.u32 $0x380, s3  }
0xd: {  	s3 =	sor.u32 s4, s3  }
0xe: {  	s30 =	sadd.s32 $0x1F1C00, s18;
	s6 =	simm.s32 $0x400;
	s13 =	sshrl.u32 s3, $0x3  }
0xf: {  	s5 =	simm.s32 $0x2;
	s4 =	simm.s32 $0x80;
	s3 =	sadd.s32 s30, s13  }
0x10: {  	[tilespmem:s2], [sflag:$0x2] =	stream.strided.gather [hbm4b:s3+s4], $0x180, s6, s4, $0x38;
	[tilespmem:$0x300] =	vst v63  }
0x11: {  	_ =	swait.ge [sflag:s5], $0x180  }
0x12: {  	[sflag:s5] =	ssyncset.done $0x0  }
0x13: {  	s7 =	sadd.s32 $0x107600, s18;
	s8 =	simm.s32 $0x180;
	[sflag:s5] =	ssyncadd.s32 $0xFFFFFE80  }
0x14: {  	[tilespmem:s8], [sflag:$0x1] =	stream.indirect.gather [hbm4b:s7+s4], $0x1, s2, s4, $0xb8;
	[tilespmem:$0x300] =	vst v63  }
0x15: {  	s9 =	simm.s32 $0x200  }
0x16: {  	[tilespmem:s9], [sflag:$0x1] =	stream.indirect.gather [hbm4b:s7+s4], $0x1, s4, s4, $0xb8;
	[tilespmem:$0x300] =	vst v63  }
0x17: {  	s10 =	simm.s32 $0x100;
	s11 =	simm.s32 $0x280;
	s12 =	simm.s32 $0x1  }
0x18: {  	[tilespmem:s11], [sflag:$0x1] =	stream.indirect.gather [hbm4b:s7+s4], $0x1, s10, s4, $0xb8;
	[tilespmem:$0x300] =	vst v63  }
0x19: {  	_ =	swait.ge [sflag:s12], $0x80  }
0x1a: {  	[sflag:s12] =	ssyncset.done $0x0  }
0x1b: {  	[sflag:s12] =	ssyncadd.s32 $0xFFFFFF80  }
0x1c: {  	_ =	swait.ge [sflag:s12], $0x80  }
0x1d: {  	[sflag:s12] =	ssyncset.done $0x0  }
0x1e: {  	[sflag:s12] =	ssyncadd.s32 $0xFFFFFF80  }
0x1f: {  	_ =	swait.ge [sflag:s12], $0x80  }
0x20: {  	s20 =	sadd.s32 s13, s18;
	[sflag:s12] =	ssyncset.done $0x0  }
0x21: {  	s13 =	sadd.s32 $0x1F2E00, s20;
	[sflag:s12] =	ssyncadd.s32 $0xFFFFFF80  }
0x22: {  	[hbm4b:s13+s4] =	stream.strided.scatter [tilespmem:s8], [sflag:$0x2], $0x180, s6, s4, $0x38;
	[tilespmem:$0x300] =	vst v63  }
0x23: {  	_ =	swait.ge [sflag:s5], $0x180  }
0x24: {  	[sflag:s5] =	ssyncset.done $0x0  }
0x25: {  	s14 =	sadd.s32 $0x1F2200, s20;
	[sflag:s5] =	ssyncadd.s32 $0xFFFFFE80  }
0x26: {  	[tilespmem:s2], [sflag:$0x2] =	stream.strided.gather [hbm4b:s14+s4], $0x180, s6, s4, $0x38;
	[tilespmem:$0x300] =	vst v63  }
0x27: {  	_ =	swait.ge [sflag:s5], $0x180  }
0x28: {  	[sflag:s5] =	ssyncset.done $0x0  }
0x29: {  	s15 =	sadd.s32 $0xCCC00, s18;
	[sflag:s5] =	ssyncadd.s32 $0xFFFFFE80  }
0x2a: {  	[tilespmem:s8], [sflag:$0x1] =	stream.indirect.gather [hbm4b:s15+s4], $0x1, s2, s4, $0xb8;
	[tilespmem:$0x300] =	vst v63  }
0x2b: {  	_ = 	snop  }
0x2c: {  	[tilespmem:s9], [sflag:$0x1] =	stream.indirect.gather [hbm4b:s15+s4], $0x1, s4, s4, $0xb8;
	[tilespmem:$0x300] =	vst v63  }
0x2d: {  	_ = 	snop  }
0x2e: {  	[tilespmem:s11], [sflag:$0x1] =	stream.indirect.gather [hbm4b:s15+s4], $0x1, s10, s4, $0xb8;
	[tilespmem:$0x300] =	vst v63  }
0x2f: {  	_ =	swait.ge [sflag:s12], $0x80  }
0x30: {  	[sflag:s12] =	ssyncset.done $0x0  }
0x31: {  	[sflag:s12] =	ssyncadd.s32 $0xFFFFFF80  }
0x32: {  	_ =	swait.ge [sflag:s12], $0x80  }
0x33: {  	[sflag:s12] =	ssyncset.done $0x0  }
0x34: {  	[sflag:s12] =	ssyncadd.s32 $0xFFFFFF80  }
0x35: {  	_ =	swait.ge [sflag:s12], $0x80  }
0x36: {  	[sflag:s12] =	ssyncset.done $0x0  }
0x37: {  	s16 =	sadd.s32 $0x1F3400, s20;
	[sflag:s12] =	ssyncadd.s32 $0xFFFFFF80  }
0x38: {  	[hbm4b:s16+s4] =	stream.strided.scatter [tilespmem:s8], [sflag:$0x2], $0x180, s6, s4, $0x38;
	[tilespmem:$0x300] =	vst v63  }
0x39: {  	_ =	swait.ge [sflag:s5], $0x180  }
0x3a: {  	[sflag:s5] =	ssyncset.done $0x0  }
0x3b: {  	s17 =	sadd.s32 $0x1F2800, s20;
	[sflag:s5] =	ssyncadd.s32 $0xFFFFFE80  }
0x3c: {  	[tilespmem:s2], [sflag:$0x2] =	stream.strided.gather [hbm4b:s17+s4], $0x180, s6, s4, $0x38;
	[tilespmem:$0x300] =	vst v63  }
0x3d: {  	_ =	swait.ge [sflag:s5], $0x180  }
0x3e: {  	[sflag:s5] =	ssyncset.done $0x0  }
0x3f: {  	s18 =	sadd.s32 $0x2800, s18;
	[sflag:s5] =	ssyncadd.s32 $0xFFFFFE80  }
0x40: {  	[tilespmem:s8], [sflag:$0x1] =	stream.indirect.gather [hbm4b:s18+s4], $0x1, s2, s4, $0xb8;
	[tilespmem:$0x300] =	vst v63  }
0x41: {  	_ = 	snop  }
0x42: {  	[tilespmem:s9], [sflag:$0x1] =	stream.indirect.gather [hbm4b:s18+s4], $0x1, s4, s4, $0xb8;
	[tilespmem:$0x300] =	vst v63  }
0x43: {  	_ = 	snop  }
0x44: {  	[tilespmem:s11], [sflag:$0x1] =	stream.indirect.gather [hbm4b:s18+s4], $0x1, s10, s4, $0xb8;
	[tilespmem:$0x300] =	vst v63  }
0x45: {  	_ =	swait.ge [sflag:s12], $0x80  }
0x46: {  	[sflag:s12] =	ssyncset.done $0x0  }
0x47: {  	s19 =	ssub.s32 $0x2, s19;
	[sflag:s12] =	ssyncadd.s32 $0xFFFFFF80  }
0x48: {  	s21 =	sshrl.u32 s19, $0x1;
	_ =	swait.ge [sflag:s12], $0x80  }
0x49: {  	s21 =	ssub.s32 s19, s21;
	[sflag:s12] =	ssyncset.done $0x0  }
0x4a: {  	s31 =	smax.u32 s21, $0x1;
	[sflag:s12] =	ssyncadd.s32 $0xFFFFFF80  }
0x4b: {  	p0 =	sne.s32 s31, $0x1;
	_ =	swait.ge [sflag:s12], $0x80  }
.Ltmp1:
0x4c: {  	[sflag:s12] =	ssyncset.done $0x0;
	(pc) =	sbr.rel @!p0 .LBB2_3-.Ltmp1, $4  }
0x4d: {  	s19 =	sadd.s32 $0x1F3A00, s20;
	[sflag:s12] =	ssyncadd.s32 $0xFFFFFF80  }
0x4e: {  	[hbm4b:s19+s4] =	stream.strided.scatter [tilespmem:s8], [sflag:$0x2], $0x180, s6, s4, $0x38;
	[tilespmem:$0x300] =	vst v63  }
0x4f: {  	_ =	swait.ge [sflag:s5], $0x180  }
0x50: {  	s20 =	sadd.s32 $0xFFFFFFFF, s31;
	[sflag:s5] =	ssyncset.done $0x0  }
.LBB2_2:
0x51: {  	p0 =	sne.s32 s20, $0x1;
	s20 =	sadd.s32 $0xFFFFFFFF, s20;
	[sflag:s5] =	ssyncadd.s32 $0xFFFFFE80  }
0x52: {  	[tilespmem:s2], [sflag:$0x2] =	stream.strided.gather [hbm4b:s3+s4], $0x180, s6, s4, $0x38;
	[tilespmem:$0x300] =	vst v63  }
0x53: {  	_ =	swait.ge [sflag:s5], $0x180  }
0x54: {  	[sflag:s5] =	ssyncset.done $0x0  }
0x55: {  	[sflag:s5] =	ssyncadd.s32 $0xFFFFFE80  }
0x56: {  	[tilespmem:s8], [sflag:$0x1] =	stream.indirect.gather [hbm4b:s7+s4], $0x1, s2, s4, $0xb8;
	[tilespmem:$0x300] =	vst v63  }
0x57: {  	_ = 	snop  }
0x58: {  	[tilespmem:s9], [sflag:$0x1] =	stream.indirect.gather [hbm4b:s7+s4], $0x1, s4, s4, $0xb8;
	[tilespmem:$0x300] =	vst v63  }
0x59: {  	_ = 	snop  }
0x5a: {  	[tilespmem:s11], [sflag:$0x1] =	stream.indirect.gather [hbm4b:s7+s4], $0x1, s10, s4, $0xb8;
	[tilespmem:$0x300] =	vst v63  }
0x5b: {  	_ =	swait.ge [sflag:s12], $0x80  }
0x5c: {  	[sflag:s12] =	ssyncset.done $0x0  }
0x5d: {  	[sflag:s12] =	ssyncadd.s32 $0xFFFFFF80  }
0x5e: {  	_ =	swait.ge [sflag:s12], $0x80  }
0x5f: {  	[sflag:s12] =	ssyncset.done $0x0  }
0x60: {  	[sflag:s12] =	ssyncadd.s32 $0xFFFFFF80  }
0x61: {  	_ =	swait.ge [sflag:s12], $0x80  }
0x62: {  	[sflag:s12] =	ssyncset.done $0x0  }
0x63: {  	[sflag:s12] =	ssyncadd.s32 $0xFFFFFF80  }
0x64: {  	[hbm4b:s13+s4] =	stream.strided.scatter [tilespmem:s8], [sflag:$0x2], $0x180, s6, s4, $0x38;
	[tilespmem:$0x300] =	vst v63  }
0x65: {  	_ =	swait.ge [sflag:s5], $0x180  }
0x66: {  	[sflag:s5] =	ssyncset.done $0x0  }
0x67: {  	[sflag:s5] =	ssyncadd.s32 $0xFFFFFE80  }
0x68: {  	[tilespmem:s2], [sflag:$0x2] =	stream.strided.gather [hbm4b:s14+s4], $0x180, s6, s4, $0x38;
	[tilespmem:$0x300] =	vst v63  }
0x69: {  	_ =	swait.ge [sflag:s5], $0x180  }
0x6a: {  	[sflag:s5] =	ssyncset.done $0x0  }
0x6b: {  	[sflag:s5] =	ssyncadd.s32 $0xFFFFFE80  }
0x6c: {  	[tilespmem:s8], [sflag:$0x1] =	stream.indirect.gather [hbm4b:s15+s4], $0x1, s2, s4, $0xb8;
	[tilespmem:$0x300] =	vst v63  }
0x6d: {  	_ = 	snop  }
0x6e: {  	[tilespmem:s9], [sflag:$0x1] =	stream.indirect.gather [hbm4b:s15+s4], $0x1, s4, s4, $0xb8;
	[tilespmem:$0x300] =	vst v63  }
0x6f: {  	_ = 	snop  }
0x70: {  	[tilespmem:s11], [sflag:$0x1] =	stream.indirect.gather [hbm4b:s15+s4], $0x1, s10, s4, $0xb8;
	[tilespmem:$0x300] =	vst v63  }
0x71: {  	_ =	swait.ge [sflag:s12], $0x80  }
0x72: {  	[sflag:s12] =	ssyncset.done $0x0  }
0x73: {  	[sflag:s12] =	ssyncadd.s32 $0xFFFFFF80  }
0x74: {  	_ =	swait.ge [sflag:s12], $0x80  }
0x75: {  	[sflag:s12] =	ssyncset.done $0x0  }
0x76: {  	[sflag:s12] =	ssyncadd.s32 $0xFFFFFF80  }
0x77: {  	_ =	swait.ge [sflag:s12], $0x80  }
0x78: {  	[sflag:s12] =	ssyncset.done $0x0  }
0x79: {  	[sflag:s12] =	ssyncadd.s32 $0xFFFFFF80  }
0x7a: {  	[hbm4b:s16+s4] =	stream.strided.scatter [tilespmem:s8], [sflag:$0x2], $0x180, s6, s4, $0x38;
	[tilespmem:$0x300] =	vst v63  }
0x7b: {  	_ =	swait.ge [sflag:s5], $0x180  }
0x7c: {  	[sflag:s5] =	ssyncset.done $0x0  }
0x7d: {  	[sflag:s5] =	ssyncadd.s32 $0xFFFFFE80  }
0x7e: {  	[tilespmem:s2], [sflag:$0x2] =	stream.strided.gather [hbm4b:s17+s4], $0x180, s6, s4, $0x38;
	[tilespmem:$0x300] =	vst v63  }
0x7f: {  	_ =	swait.ge [sflag:s5], $0x180  }
0x80: {  	[sflag:s5] =	ssyncset.done $0x0  }
0x81: {  	[sflag:s5] =	ssyncadd.s32 $0xFFFFFE80  }
0x82: {  	[tilespmem:s8], [sflag:$0x1] =	stream.indirect.gather [hbm4b:s18+s4], $0x1, s2, s4, $0xb8;
	[tilespmem:$0x300] =	vst v63  }
0x83: {  	_ = 	snop  }
0x84: {  	[tilespmem:s9], [sflag:$0x1] =	stream.indirect.gather [hbm4b:s18+s4], $0x1, s4, s4, $0xb8;
	[tilespmem:$0x300] =	vst v63  }
0x85: {  	_ = 	snop  }
0x86: {  	[tilespmem:s11], [sflag:$0x1] =	stream.indirect.gather [hbm4b:s18+s4], $0x1, s10, s4, $0xb8;
	[tilespmem:$0x300] =	vst v63  }
0x87: {  	_ =	swait.ge [sflag:s12], $0x80  }
0x88: {  	[sflag:s12] =	ssyncset.done $0x0  }
0x89: {  	[sflag:s12] =	ssyncadd.s32 $0xFFFFFF80  }
0x8a: {  	_ =	swait.ge [sflag:s12], $0x80  }
0x8b: {  	[sflag:s12] =	ssyncset.done $0x0  }
0x8c: {  	[sflag:s12] =	ssyncadd.s32 $0xFFFFFF80  }
0x8d: {  	_ =	swait.ge [sflag:s12], $0x80  }
.Ltmp2:
0x8e: {  	[sflag:s12] =	ssyncset.done $0x0;
	(pc) =	sbr.rel @p0 .LBB2_2-.Ltmp2, $4  }
0x8f: {  	[sflag:s12] =	ssyncadd.s32 $0xFFFFFF80  }
0x90: {  	[hbm4b:s19+s4] =	stream.strided.scatter [tilespmem:s8], [sflag:$0x2], $0x180, s6, s4, $0x38;
	[tilespmem:$0x300] =	vst v63  }
0x91: {  	_ =	swait.ge [sflag:s5], $0x180  }
0x92: {  	[sflag:s5] =	ssyncset.done $0x0  }
.LBB2_3:
0x93: {  	[sflag:s5] =	ssyncadd.s32 $0xFFFFFE80  }
.LBB2_4:
0x94: {  	_ =	sfence.sel $0x180000  }
0x95: {  	[bflag:$0x0] =	sbarrier.arrive $0xFFFF  }
0x96: {  	p0 =	sne.s32 s0, $0x0;
	_ =	strace $0x90000047  }
0x97: {  	s0 =	sadd.s32 @!p0 $0x100000, s1;
	[bflag:$0x2] =	sbarrier.arrive $0xFFFF  }
0x98: {  	[sflag:s0] =	ssyncadd.tile.s32 @!p0 $0x1;
	_ =	shalt  }
.Lfunc_end2:
_tile_overlayer_lowered:
.L_overlay_start_2:
0x99: {  	(tag) =	ssettag $0x2  }
0x9a: {  	s0 =	rddreg [dreg:$0x0];
	s2 =	stileid.u32  }
0x9b: {  	s1 =	rddreg [dreg:$0x1];
	p0 =	sne.s32 s2, $0x0  }
0x9c: {  	s3 =	rddreg [dreg:$0x2];
	[bflag:$0x3] =	sbarrier.arrive $0xFFFF;
	s2 =	simm.s32 @!p0 $0x1C02  }
0x9d: {  	[timem:s3], [sflag:s2] =	dma.local @!p0 [hbm:s0], s1  }
0x9e: {  	s0 =	simm.s32 @!p0 $0x2  }
0x9f: {  	_ =	swait.ge @!p0 [sflag:s0], s1  }
0xa0: {  	s1 =	ssub.s32 @!p0 $0x0, s1;
	[sflag:s0] =	ssyncset.done @!p0 $0x0  }
0xa1: {  	[sflag:s0] =	ssyncadd.s32 @!p0 s1  }
0xa2: {  	[bflag:$0x3] =	sbarrier.arrive $0xFFFF  }
0xa3: {  	_ =	shalt  }

</sc_bundles>
